<compile_context>
chip_gen: v7x
topology: tpu7x:2x2x1
jax: 0.10.2.dev20260603
libtpu: 0.0.44.dev20260713+nightly
codegen_flags: <defaults>
</compile_context>

<pallas_src>
import functools

import jax
import jax.numpy as jnp
from jax import lax
from jax.experimental import pallas as pl
from jax.experimental.pallas import tpu as pltpu
from jax.experimental.pallas import tpu_sc as plsc

_L = 16
_NC = 2
_NS = 16
_B = 128
_K = 20
_D = 10
_G = 9
_BR = 3128

_RPS = 6256
_NPAD = _RPS * _NS
_ZR = 136

_SC_PARAMS = pltpu.CompilerParams(use_tc_tiling_on_sc=False)


def _worker_span(w, nchunks, nworkers):
    q, r = nchunks // nworkers, nchunks % nworkers
    start = w * q + jnp.minimum(w, r)
    cnt = q + jnp.where(w < r, 1, 0).astype(jnp.int32)
    return start, start + cnt


def _zero_acc(zbuf, acc, s):
    zero16 = jnp.zeros((_L,), jnp.float32)

    @pl.loop(0, _ZR)
    def _(i):
        zbuf[i, :] = zero16

    @pl.loop(0, _RPS // _ZR)
    def _(t):
        pltpu.sync_copy(zbuf, acc.at[pl.ds(s * _RPS + t * _ZR, _ZR), :])


def _flush_acc(acc, out_hbm, c, s):
    pltpu.sync_copy(
        acc.at[pl.ds(s * _RPS, _RPS), :],
        out_hbm.at[c, pl.ds(s * _RPS, _RPS), :],
    )


def _sc_count(edge4, n_nodes):
    nchunks = edge4.shape[1]
    mesh = plsc.VectorSubcoreMesh(core_axis_name="c", subcore_axis_name="s")

    @functools.partial(
        pl.kernel,
        out_type=jax.ShapeDtypeStruct((_NC, _NPAD, _L), jnp.float32),
        mesh=mesh,
        compiler_params=_SC_PARAMS,
        scratch_types=[
            pltpu.VMEM((_K, _B), jnp.int32),
            pltpu.VMEM((_B, _L), jnp.float32),
            pltpu.VMEM((_ZR, _L), jnp.float32),
            pltpu.VMEM_SHARED((_NPAD, _L), jnp.float32),
            pltpu.SemaphoreType.DMA((_D,)),
        ],
    )
    def count_k(edge_hbm, out_hbm, didx, ones, zbuf, acc, ssem):
        c = lax.axis_index("c")
        s = lax.axis_index("s")
        one16 = jnp.ones((_L,), jnp.float32)

        @pl.loop(0, _B)
        def _(i):
            ones[i, :] = one16

        _zero_acc(zbuf, acc, s)
        plsc.subcore_barrier()

        w = s * _NC + c
        start, stop = _worker_span(w, nchunks, _NC * _NS)

        @pl.loop(start, stop)
        def _(ci):
            pltpu.sync_copy(edge_hbm.at[1, ci, :, :], didx)

            @pl.loop(0, _K)
            def _(k):
                slot = lax.rem(k, _D)

                @pl.when(k >= _D)
                def _():
                    pltpu.make_async_copy(
                        ones, acc.at[didx.at[0]], ssem.at[slot]
                    ).wait()

                pltpu.async_copy(
                    ones, acc.at[didx.at[k]], ssem.at[slot], add=True
                )

            for sd in range(_D):
                pltpu.make_async_copy(
                    ones, acc.at[didx.at[0]], ssem.at[sd]
                ).wait()

        plsc.subcore_barrier()
        _flush_acc(acc, out_hbm, c, s)

    return count_k(edge4)


def _sc_scatter_pass(table, edge4, n_nodes, feature_split):
    nchunks = edge4.shape[1]
    mesh = plsc.VectorSubcoreMesh(core_axis_name="c", subcore_axis_name="s")

    @functools.partial(
        pl.kernel,
        out_type=jax.ShapeDtypeStruct((_NC, _NPAD, _L), jnp.float32),
        mesh=mesh,
        compiler_params=_SC_PARAMS,
        scratch_types=[
            pltpu.VMEM((_K, _B), jnp.int32),
            pltpu.VMEM((_K, _B), jnp.int32),
            pltpu.VMEM((_D, _B, _L), jnp.float32),
            pltpu.VMEM((_ZR, _L), jnp.float32),
            pltpu.VMEM_SHARED((_NPAD, _L), jnp.float32),
            pltpu.SemaphoreType.DMA((_D,)),
            pltpu.SemaphoreType.DMA((_D,)),
        ],
    )
    def pass_k(table_hbm, edge_hbm, out_hbm, sidx, didx, rows, zbuf, acc, gsem,
               ssem):
        c = lax.axis_index("c")
        s = lax.axis_index("s")

        _zero_acc(zbuf, acc, s)
        plsc.subcore_barrier()

        if feature_split:
            w = s
            start, stop = _worker_span(w, nchunks, _NS)
        else:
            w = s * _NC + c
            start, stop = _worker_span(w, nchunks, _NC * _NS)

        @pl.loop(start, stop)
        def _(ci):
            pltpu.sync_copy(edge_hbm.at[0, ci, :, :], sidx)
            pltpu.sync_copy(edge_hbm.at[1, ci, :, :], didx)
            tbl = table_hbm.at[c] if feature_split else table_hbm

            for k in range(_G):
                pltpu.async_copy(tbl.at[sidx.at[k]], rows.at[k], gsem.at[k])

            @pl.loop(0, _K)
            def _(k):
                slot = lax.rem(k, _D)
                pltpu.make_async_copy(
                    tbl.at[sidx.at[k]], rows.at[slot], gsem.at[slot]
                ).wait()
                pltpu.async_copy(
                    rows.at[slot], acc.at[didx.at[k]], ssem.at[slot], add=True
                )

                @pl.when(k + _G < _K)
                def _():
                    ns = lax.rem(k + _G, _D)

                    @pl.when(k >= _D - _G)
                    def _():
                        pltpu.make_async_copy(
                            rows.at[ns], acc.at[didx.at[k]], ssem.at[ns]
                        ).wait()

                    pltpu.async_copy(
                        tbl.at[sidx.at[k + _G]], rows.at[ns], gsem.at[ns]
                    )

            for sd in range(_D):
                pltpu.make_async_copy(
                    rows.at[sd], acc.at[didx.at[0]], ssem.at[sd]
                ).wait()

        plsc.subcore_barrier()
        _flush_acc(acc, out_hbm, c, s)

    return pass_k(table, edge4)


def _tc_prep(degp_p, xp):
    r = xp.shape[0]

    def body(degp_ref, xp_ref, dinv_ref, g1_ref):
        d = degp_ref[0] + degp_ref[1] + 1.0
        di = lax.rsqrt(d)
        dinv_ref[...] = di
        g1_ref[...] = di * xp_ref[...]

    return pl.pallas_call(
        body,
        grid=(r // _BR,),
        in_specs=[
            pl.BlockSpec((_NC, _BR, 128), lambda j: (0, j, 0)),
            pl.BlockSpec((_BR, 128), lambda j: (j, 0)),
        ],
        out_specs=[
            pl.BlockSpec((_BR, 128), lambda j: (j, 0)),
            pl.BlockSpec((_BR, 128), lambda j: (j, 0)),
        ],
        out_shape=[
            jax.ShapeDtypeStruct((r, 128), jnp.float32),
            jax.ShapeDtypeStruct((r, 128), jnp.float32),
        ],
    )(degp_p, xp)


def _mm(a, w_ref):
    return jax.lax.dot_general(
        a, w_ref[...], (((1,), (0,)), ((), ())),
        preferred_element_type=jnp.float32,
    )


def _tc_layer1(pB_p, g1_p, dinv_p, bd1a, bd1b, b1a, b1b):
    r = g1_p.shape[0]

    def body(p_ref, g1_ref, dinv_ref, wa_ref, wb_ref, ba_ref, bb_ref, t2_ref):
        di = dinv_ref[...]
        sacc = (p_ref[0] + p_ref[1] + g1_ref[...]) * di
        h1a = jnp.maximum(_mm(sacc, wa_ref) + ba_ref[...], 0.0)
        h1b = jnp.maximum(_mm(sacc, wb_ref) + bb_ref[...], 0.0)
        t2_ref[0] = h1a * di
        t2_ref[1] = h1b * di

    return pl.pallas_call(
        body,
        grid=(r // _BR,),
        in_specs=[
            pl.BlockSpec((_NC, _BR, 128), lambda j: (0, j, 0)),
            pl.BlockSpec((_BR, 128), lambda j: (j, 0)),
            pl.BlockSpec((_BR, 128), lambda j: (j, 0)),
            pl.BlockSpec((128, 128), lambda j: (0, 0)),
            pl.BlockSpec((128, 128), lambda j: (0, 0)),
            pl.BlockSpec((1, 128), lambda j: (0, 0)),
            pl.BlockSpec((1, 128), lambda j: (0, 0)),
        ],
        out_specs=[pl.BlockSpec((_NC, _BR, 128), lambda j: (0, j, 0))],
        out_shape=[jax.ShapeDtypeStruct((_NC, r, 128), jnp.float32)],
    )(pB_p, g1_p, dinv_p, bd1a, bd1b, b1a, b1b)[0]


def _tc_layer2(pC_p, t2_p, dinv_p, bd2aa, bd2ba, bd2ab, bd2bb, bd3a, bd3b,
               b2a, b2b):
    r = dinv_p.shape[0]

    def body(p_ref, t2_ref, dinv_ref, waa, wba, wab, wbb, w3a, w3b,
             ba_ref, bb_ref, g3_ref):
        di = dinv_ref[...]
        ua = (p_ref[0] + t2_ref[0]) * di
        ub = (p_ref[1] + t2_ref[1]) * di
        h2a = jnp.maximum(_mm(ua, waa) + _mm(ub, wba) + ba_ref[...], 0.0)
        h2b = jnp.maximum(_mm(ua, wab) + _mm(ub, wbb) + bb_ref[...], 0.0)
        tp = _mm(h2a, w3a) + _mm(h2b, w3b)
        g3_ref[...] = tp * di

    return pl.pallas_call(
        body,
        grid=(r // _BR,),
        in_specs=[
            pl.BlockSpec((_NC, _BR, 128), lambda j: (0, j, 0)),
            pl.BlockSpec((_NC, _BR, 128), lambda j: (0, j, 0)),
            pl.BlockSpec((_BR, 128), lambda j: (j, 0)),
        ] + [pl.BlockSpec((128, 128), lambda j: (0, 0))] * 6 + [
            pl.BlockSpec((1, 128), lambda j: (0, 0)),
            pl.BlockSpec((1, 128), lambda j: (0, 0)),
        ],
        out_specs=[pl.BlockSpec((_BR, 128), lambda j: (j, 0))],
        out_shape=[jax.ShapeDtypeStruct((r, 128), jnp.float32)],
    )(pC_p, t2_p, dinv_p, bd2aa, bd2ba, bd2ab, bd2bb, bd3a, bd3b, b2a, b2b)[0]


def _tc_layer3(pD_p, g3_p, dinv_p, b3row):
    r = dinv_p.shape[0]

    def body(p_ref, g3_ref, dinv_ref, b_ref, out_ref):
        out_ref[...] = (
            (p_ref[0] + p_ref[1] + g3_ref[...]) * dinv_ref[...] + b_ref[...]
        )

    return pl.pallas_call(
        body,
        grid=(r // _BR,),
        in_specs=[
            pl.BlockSpec((_NC, _BR, 128), lambda j: (0, j, 0)),
            pl.BlockSpec((_BR, 128), lambda j: (j, 0)),
            pl.BlockSpec((_BR, 128), lambda j: (j, 0)),
            pl.BlockSpec((1, 128), lambda j: (0, 0)),
        ],
        out_specs=[pl.BlockSpec((_BR, 128), lambda j: (j, 0))],
        out_shape=[jax.ShapeDtypeStruct((r, 128), jnp.float32)],
    )(pD_p, g3_p, dinv_p, b3row)[0]


def _bd(w):
    return jnp.kron(jnp.eye(8, dtype=jnp.float32), w)


def kernel(x, edge_index, W1, b1, W2, b2, W3, b3):
    n, in_dim = x.shape
    e = edge_index.shape[1]
    lat = W3.shape[1]
    r = _NPAD // 8
    edge4 = edge_index.reshape(2, e // (_K * _B), _K, _B)

    xp = jnp.pad(x, ((0, _NPAD - n), (0, _L - in_dim))).reshape(r, 128)
    w1p = jnp.pad(W1, ((0, _L - in_dim), (0, 0)))
    bd1a, bd1b = _bd(w1p[:, :_L]), _bd(w1p[:, _L:])
    b1a, b1b = jnp.tile(b1[:_L], 8)[None], jnp.tile(b1[_L:], 8)[None]
    bd2aa, bd2ab = _bd(W2[:_L, :_L]), _bd(W2[:_L, _L:])
    bd2ba, bd2bb = _bd(W2[_L:, :_L]), _bd(W2[_L:, _L:])
    b2a, b2b = jnp.tile(b2[:_L], 8)[None], jnp.tile(b2[_L:], 8)[None]
    w3p = jnp.pad(W3, ((0, 0), (0, _L - lat)))
    bd3a, bd3b = _bd(w3p[:_L]), _bd(w3p[_L:])
    b3row = jnp.tile(jnp.pad(b3, (0, _L - lat)), 8)[None]

    degp = _sc_count(edge4, n).reshape(_NC, r, 128)
    dinv_p, g1_p = _tc_prep(degp, xp)
    pB = _sc_scatter_pass(
        g1_p.reshape(_NPAD, _L), edge4, n, False).reshape(_NC, r, 128)
    t2_p = _tc_layer1(pB, g1_p, dinv_p, bd1a, bd1b, b1a, b1b)
    pC = _sc_scatter_pass(
        t2_p.reshape(_NC, _NPAD, _L), edge4, n, True).reshape(_NC, r, 128)
    g3_p = _tc_layer2(pC, t2_p, dinv_p, bd2aa, bd2ba, bd2ab, bd2bb,
                      bd3a, bd3b, b2a, b2b)
    pD = _sc_scatter_pass(
        g3_p.reshape(_NPAD, _L), edge4, n, False).reshape(_NC, r, 128)
    outp = _tc_layer3(pD, g3_p, dinv_p, b3row)
    return outp.reshape(_NPAD, _L)[:n, :lat]

# --- scband reference (transcript-rebuilt; emitter-appended) ---
"""Pipeline reference for scband-gnnencoder-18021682774172 (READ-ONLY COPY).

The authoritative reference and input builder live on the scoring server;
editing this copy changes nothing except your own understanding.
"""

import jax, jax.numpy as jnp
import numpy as np

N = 100000
E = 1600000
IN_DIM = 3
HIDDEN = 32
LATENT = 8


def _glorot(key, shape):
    fan_in, fan_out = shape[0], shape[1]
    limit = np.sqrt(6.0 / (fan_in + fan_out))
    return jax.random.uniform(key, shape, minval=-limit, maxval=limit, dtype=jnp.float32)


def setup_inputs(seed: int = 0) -> dict:
    key = jax.random.key(seed)
    ks = jax.random.split(key, 8)
    x = jax.random.normal(ks[0], (N, IN_DIM), dtype=jnp.float32)
    edge_index = jax.random.randint(ks[1], (2, E), 0, N, dtype=jnp.int32)
    W1 = _glorot(ks[2], (IN_DIM, HIDDEN))
    b1 = jnp.zeros((HIDDEN,), dtype=jnp.float32)
    W2 = _glorot(ks[3], (HIDDEN, HIDDEN))
    b2 = jnp.zeros((HIDDEN,), dtype=jnp.float32)
    W3 = _glorot(ks[4], (HIDDEN, LATENT))
    b3 = jnp.zeros((LATENT,), dtype=jnp.float32)
    return {"x": x, "edge_index": edge_index, "W1": W1, "b1": b1, "W2": W2, "b2": b2, "W3": W3, "b3": b3}


def reference(x, edge_index, W1, b1, W2, b2, W3, b3):
    # GCNConv (torch_geometric semantics): add self-loops, symmetric normalization,
    # linear transform, message = norm * (x @ W)[src], scatter-add at dst, + bias.
    src = edge_index[0]
    dst = edge_index[1]
    loop = jnp.arange(N, dtype=src.dtype)
    src = jnp.concatenate([src, loop])
    dst = jnp.concatenate([dst, loop])
    deg = jnp.zeros((N,), dtype=jnp.float32).at[dst].add(1.0)
    deg_inv_sqrt = jnp.where(deg > 0, jax.lax.rsqrt(jnp.maximum(deg, 1e-12)), 0.0)
    norm = deg_inv_sqrt[src] * deg_inv_sqrt[dst]

    def conv(h, W, b):
        hw = h @ W
        msg = hw[src] * norm[:, None]
        out = jnp.zeros((N, W.shape[1]), dtype=jnp.float32).at[dst].add(msg)
        return out + b

    h = jax.nn.relu(conv(x, W1, b1))
    h = jax.nn.relu(conv(h, W2, b2))
    out = conv(h, W3, b3)
    return out

if __name__ == "__main__":
    import jax
    _d = setup_inputs()
    print(jax.jit(kernel)(*tuple(_d.values())))

</pallas_src>

<mosaic_0001>
#map = affine_map<(d0, d1) -> (0, 0, 0, 0)>
#map1 = affine_map<(d0, d1) -> (0, 0, 0)>
module attributes {stable_mosaic.version = 14 : i64} {
  func.func @count_k(%arg0: i32, %arg1: i32, %arg2: memref<2x625x20x128xi32, #tpu.memory_space<hbm>>, %arg3: memref<2x100096x16xf32, #tpu.memory_space<hbm>>, %arg4: memref<20x128xi32, #tpu.memory_space<vmem>>, %arg5: memref<128x16xf32, #tpu.memory_space<vmem>>, %arg6: memref<136x16xf32, #tpu.memory_space<vmem>>, %arg7: memref<100096x16xf32, #tpu.memory_space<vmem_shared>>, %arg8: memref<10x!tpu.dma_semaphore, #tpu.memory_space<semaphore_mem>>) attributes {dimension_semantics = [#tpu.dimension_semantics<core_parallel>, #tpu.dimension_semantics<subcore_parallel>], iteration_bounds = array<i64: 2, 16>, scalar_prefetch = 0 : i64, scratch_operands = 5 : i64, tpu.core_type = #tpu.core_type<sc_vector_subcore>, window_params = [{transform_indices = #map}, {transform_indices = #map1}]} {
    %broadcast_in_dim3A = arith.constant 1.000000e+00 : f32
    %broadcast_in_dim3A_0 = vector.broadcast %broadcast_in_dim3A : f32 to vector<16xf32>
    %scan3A = arith.constant 0 : i32
    %scan3A_1 = arith.constant 128 : i32
    %scan3A_2 = arith.addi %scan3A, %scan3A_1 : i32
    %scan3A_3 = arith.constant 1 : i32
    scf.for %scan3A_46 = %scan3A to %scan3A_2 step %scan3A_3  : i32 {
      %mul3A_47 = arith.constant 1 : i32
      %mul3A_48 = arith.muli %scan3A_46, %mul3A_47 : i32
      %add3A_49 = arith.constant 0 : i32
      %add3A_50 = arith.addi %add3A_49, %mul3A_48 : i32
      %swap3A = arith.index_cast %add3A_50 : i32 to index
      %swap3A_51 = arith.constant 0 : index
      %swap3A_52 = tpu.vector_load %arg5[%swap3A, %swap3A_51] {strides = array<i32>} : memref<128x16xf32, #tpu.memory_space<vmem>>, vector<1x16xf32>,
      %swap3A_53 = vector.shape_cast %swap3A_52 : vector<1x16xf32> to vector<16xf32>
      %swap3A_54 = vector.shape_cast %broadcast_in_dim3A_0 : vector<16xf32> to vector<1x16xf32>
      tpu.vector_store %arg5[%swap3A, %swap3A_51], %swap3A_54 {strides = array<i32>} : memref<128x16xf32, #tpu.memory_space<vmem>>, vector<1x16xf32>,
    }
    %scan3A_4 = arith.constant 128 : i32
    %broadcast_in_dim3A_5 = arith.constant 0.000000e+00 : f32
    %broadcast_in_dim3A_6 = vector.broadcast %broadcast_in_dim3A_5 : f32 to vector<16xf32>
    %scan3A_7 = arith.constant 0 : i32
    %scan3A_8 = arith.constant 136 : i32
    %scan3A_9 = arith.addi %scan3A_7, %scan3A_8 : i32
    %scan3A_10 = arith.constant 1 : i32
    scf.for %scan3A_46 = %scan3A_7 to %scan3A_9 step %scan3A_10  : i32 {
      %mul3A_47 = arith.constant 1 : i32
      %mul3A_48 = arith.muli %scan3A_46, %mul3A_47 : i32
      %add3A_49 = arith.constant 0 : i32
      %add3A_50 = arith.addi %add3A_49, %mul3A_48 : i32
      %swap3A = arith.index_cast %add3A_50 : i32 to index
      %swap3A_51 = arith.constant 0 : index
      %swap3A_52 = tpu.vector_load %arg6[%swap3A, %swap3A_51] {strides = array<i32>} : memref<136x16xf32, #tpu.memory_space<vmem>>, vector<1x16xf32>,
      %swap3A_53 = vector.shape_cast %swap3A_52 : vector<1x16xf32> to vector<16xf32>
      %swap3A_54 = vector.shape_cast %broadcast_in_dim3A_6 : vector<16xf32> to vector<1x16xf32>
      tpu.vector_store %arg6[%swap3A, %swap3A_51], %swap3A_54 {strides = array<i32>} : memref<136x16xf32, #tpu.memory_space<vmem>>, vector<1x16xf32>,
    }
    %scan3A_11 = arith.constant 136 : i32
    %scan3A_12 = arith.constant 0 : i32
    %scan3A_13 = arith.constant 46 : i32
    %scan3A_14 = arith.addi %scan3A_12, %scan3A_13 : i32
    %scan3A_15 = arith.constant 1 : i32
    scf.for %scan3A_46 = %scan3A_12 to %scan3A_14 step %scan3A_15  : i32 {
      %mul3A_47 = arith.constant 1 : i32
      %mul3A_48 = arith.muli %scan3A_46, %mul3A_47 : i32
      %add3A_49 = arith.constant 0 : i32
      %add3A_50 = arith.addi %add3A_49, %mul3A_48 : i32
      %mul3A_51 = arith.constant 6256 : i32
      %mul3A_52 = arith.muli %arg1, %mul3A_51 : i32
      %mul3A_53 = arith.constant 136 : i32
      %mul3A_54 = arith.muli %add3A_50, %mul3A_53 : i32
      %add3A_55 = arith.addi %mul3A_52, %mul3A_54 : i32
      "tpu.region"() ({
        %run_scoped3A = tpu.sem_alloc : memref<!tpu.dma_semaphore, #tpu.memory_space<semaphore_mem>>
        %dma_start3A = arith.constant 0 : i32
        %dma_start3A_56 = tpu.memref_slice %arg7[%add3A_55, %dma_start3A] : memref<100096x16xf32, #tpu.memory_space<vmem_shared>> -> memref<136x16xf32, #tpu.memory_space<vmem_shared>>
        %dma_start3A_57 = arith.constant 0 : i32
        %dma_start3A_58 = tpu.memref_slice %arg7[%add3A_55, %dma_start3A_57] : memref<100096x16xf32, #tpu.memory_space<vmem_shared>> -> memref<136x16xf32, #tpu.memory_space<vmem_shared>>
        tpu.enqueue_dma source(%arg6 : memref<136x16xf32, #tpu.memory_space<vmem>>) target(%dma_start3A_58 : memref<136x16xf32, #tpu.memory_space<vmem_shared>>) target_semaphore(%run_scoped3A : memref<!tpu.dma_semaphore, #tpu.memory_space<semaphore_mem>>)
        %dma_wait3A = arith.constant 0 : i32
        %dma_wait3A_59 = tpu.memref_slice %arg7[%add3A_55, %dma_wait3A] : memref<100096x16xf32, #tpu.memory_space<vmem_shared>> -> memref<136x16xf32, #tpu.memory_space<vmem_shared>>
        %dma_wait3A_60 = arith.constant 0 : i32
        %dma_wait3A_61 = tpu.memref_slice %arg7[%add3A_55, %dma_wait3A_60] : memref<100096x16xf32, #tpu.memory_space<vmem_shared>> -> memref<136x16xf32, #tpu.memory_space<vmem_shared>>
        tpu.wait_dma2 semaphore(%run_scoped3A : memref<!tpu.dma_semaphore, #tpu.memory_space<semaphore_mem>>) src(%arg6 : memref<136x16xf32, #tpu.memory_space<vmem>>) dst(%dma_wait3A_61 : memref<136x16xf32, #tpu.memory_space<vmem_shared>>)
        tpu.yield
      }) : () -> ()
    }
    %scan3A_16 = arith.constant 46 : i32
    %barrier3A = arith.constant 0 : index
    tpu.barrier barrier_id(%barrier3A)
    %mul3A = arith.constant 2 : i32
    %mul3A_17 = arith.muli %arg1, %mul3A : i32
    %add3A = arith.addi %mul3A_17, %arg0 : i32
    %mul3A_18 = arith.constant 19 : i32
    %mul3A_19 = arith.muli %add3A, %mul3A_18 : i32
    %min3A = arith.constant 17 : i32
    %min3A_20 = arith.minsi %add3A, %min3A : i32
    %add3A_21 = arith.addi %mul3A_19, %min3A_20 : i32
    %lt3A = arith.constant 17 : i32
    %lt3A_22 = arith.cmpi slt, %add3A, %lt3A : i32
    %jit3A = arith.constant 1 : i32
    %jit3A_23 = arith.constant 0 : i32
    %select_n3A = arith.select %lt3A_22, %jit3A, %jit3A_23 : i32
    %add3A_24 = arith.constant 19 : i32
    %add3A_25 = arith.addi %add3A_24, %select_n3A : i32
    %add3A_26 = arith.addi %add3A_21, %add3A_25 : i32
    %sub3A = arith.subi %add3A_26, %add3A_21 : i32
    %sub3A_27 = arith.constant 1 : i32
    %sub3A_28 = arith.constant 1 : i32
    %sub3A_29 = arith.subi %sub3A_27, %sub3A_28 : i32
    %add3A_30 = arith.addi %sub3A, %sub3A_29 : i32
    %div3A = arith.constant 1 : i32
    %div3A_31 = arith.divsi %add3A_30, %div3A : i32
    %while3A = arith.constant 1 : i32
    %while3A_32 = arith.constant 0 : i32
    %while3A_33 = arith.subi %div3A_31, %while3A_32 : i32
    %while3A_34 = arith.addi %while3A_32, %while3A_33 : i32
    %while3A_35 = arith.constant 1 : i32
    %while3A_36 = arith.divsi %while3A_33, %while3A_35 : i32
    %while3A_37 = arith.muli %while3A_36, %while3A_35 : i32
    %while3A_38 = arith.addi %while3A_32, %while3A_37 : i32
    %while3A_39 = arith.constant 1 : i32
    scf.for %while3A_46 = %while3A_32 to %while3A_38 step %while3A_39  : i32 {
      %mul3A_47 = arith.muli %while3A_46, %while3A : i32
      %add3A_48 = arith.addi %add3A_21, %mul3A_47 : i32
      %run_scoped3A = arith.constant 1 : i32
      "tpu.region"() ({
        %run_scoped3A_153 = tpu.sem_alloc : memref<!tpu.dma_semaphore, #tpu.memory_space<semaphore_mem>>
        %dma_start3A = arith.constant 0 : i32
        %dma_start3A_154 = arith.constant 0 : i32
        %dma_start3A_155 = tpu.memref_slice %arg2[%run_scoped3A, %add3A_48, %dma_start3A, %dma_start3A_154] : memref<2x625x20x128xi32, #tpu.memory_space<hbm>> -> memref<1x1x20x128xi32, #tpu.memory_space<hbm>>
        %dma_start3A_156 = tpu.memref_squeeze %dma_start3A_155 : memref<1x1x20x128xi32, #tpu.memory_space<hbm>> -> memref<20x128xi32, #tpu.memory_space<hbm>>
        %dma_start3A_157 = arith.constant 0 : i32
        %dma_start3A_158 = arith.constant 0 : i32
        %dma_start3A_159 = tpu.memref_slice %arg2[%run_scoped3A, %add3A_48, %dma_start3A_157, %dma_start3A_158] : memref<2x625x20x128xi32, #tpu.memory_space<hbm>> -> memref<1x1x20x128xi32, #tpu.memory_space<hbm>>
        %dma_start3A_160 = tpu.memref_squeeze %dma_start3A_159 : memref<1x1x20x128xi32, #tpu.memory_space<hbm>> -> memref<20x128xi32, #tpu.memory_space<hbm>>
        tpu.enqueue_dma source(%dma_start3A_160 : memref<20x128xi32, #tpu.memory_space<hbm>>) target(%arg4 : memref<20x128xi32, #tpu.memory_space<vmem>>) target_semaphore(%run_scoped3A_153 : memref<!tpu.dma_semaphore, #tpu.memory_space<semaphore_mem>>)
        %dma_wait3A_161 = arith.constant 0 : i32
        %dma_wait3A_162 = arith.constant 0 : i32
        %dma_wait3A_163 = tpu.memref_slice %arg2[%run_scoped3A, %add3A_48, %dma_wait3A_161, %dma_wait3A_162] : memref<2x625x20x128xi32, #tpu.memory_space<hbm>> -> memref<1x1x20x128xi32, #tpu.memory_space<hbm>>
        %dma_wait3A_164 = tpu.memref_squeeze %dma_wait3A_163 : memref<1x1x20x128xi32, #tpu.memory_space<hbm>> -> memref<20x128xi32, #tpu.memory_space<hbm>>
        %dma_wait3A_165 = arith.constant 0 : i32
        %dma_wait3A_166 = arith.constant 0 : i32
        %dma_wait3A_167 = tpu.memref_slice %arg2[%run_scoped3A, %add3A_48, %dma_wait3A_165, %dma_wait3A_166] : memref<2x625x20x128xi32, #tpu.memory_space<hbm>> -> memref<1x1x20x128xi32, #tpu.memory_space<hbm>>
        %dma_wait3A_168 = tpu.memref_squeeze %dma_wait3A_167 : memref<1x1x20x128xi32, #tpu.memory_space<hbm>> -> memref<20x128xi32, #tpu.memory_space<hbm>>
        tpu.wait_dma2 semaphore(%run_scoped3A_153 : memref<!tpu.dma_semaphore, #tpu.memory_space<semaphore_mem>>) src(%dma_wait3A_168 : memref<20x128xi32, #tpu.memory_space<hbm>>) dst(%arg4 : memref<20x128xi32, #tpu.memory_space<vmem>>)
        tpu.yield
      }) : () -> ()
      %scan3A_49 = arith.constant 0 : i32
      %scan3A_50 = arith.constant 20 : i32
      %scan3A_51 = arith.addi %scan3A_49, %scan3A_50 : i32
      %scan3A_52 = arith.constant 1 : i32
      scf.for %scan3A_153 = %scan3A_49 to %scan3A_51 step %scan3A_52  : i32 {
        %mul3A_154 = arith.constant 1 : i32
        %mul3A_155 = arith.muli %scan3A_153, %mul3A_154 : i32
        %add3A_156 = arith.constant 0 : i32
        %add3A_157 = arith.addi %add3A_156, %mul3A_155 : i32
        %rem3A = arith.constant 10 : i32
        %rem3A_158 = arith.remsi %add3A_157, %rem3A : i32
        %ge3A = arith.constant 10 : i32
        %ge3A_159 = arith.cmpi sge, %add3A_157, %ge3A : i32
        %convert_element_type3A = arith.extui %ge3A_159 : i1 to i32
        %cond3A = arith.constant 0 : i32
        %cond3A_160 = arith.cmpi ne, %convert_element_type3A, %cond3A : i32
        scf.if %cond3A_160 {
          %dma_wait3A_168 = arith.constant 0 : i32
          %dma_wait3A_169 = arith.constant 0 : i32
          %dma_wait3A_170 = tpu.memref_slice %arg4[%dma_wait3A_168, %dma_wait3A_169] : memref<20x128xi32, #tpu.memory_space<vmem>> -> memref<1x128xi32, #tpu.memory_space<vmem>>
          %dma_wait3A_171 = tpu.memref_squeeze %dma_wait3A_170 : memref<1x128xi32, #tpu.memory_space<vmem>> -> memref<128xi32, #tpu.memory_space<vmem>>
          %dma_wait3A_172 = arith.constant 0 : i32
          %dma_wait3A_173 = arith.constant 0 : i32
          %dma_wait3A_174 = tpu.memref_slice %arg7[%dma_wait3A_172, %dma_wait3A_173] : memref<100096x16xf32, #tpu.memory_space<vmem_shared>> -> memref<100096x16xf32, #tpu.memory_space<vmem_shared>>
          %dma_wait3A_175 = tpu.memref_slice %arg8[%rem3A_158] : memref<10x!tpu.dma_semaphore, #tpu.memory_space<semaphore_mem>> -> memref<1x!tpu.dma_semaphore, #tpu.memory_space<semaphore_mem>>
          %dma_wait3A_176 = tpu.memref_squeeze %dma_wait3A_175 : memref<1x!tpu.dma_semaphore, #tpu.memory_space<semaphore_mem>> -> memref<!tpu.dma_semaphore, #tpu.memory_space<semaphore_mem>>
          tpu.wait_indirect_dma semaphore(%dma_wait3A_176 : memref<!tpu.dma_semaphore, #tpu.memory_space<semaphore_mem>>) src(%arg5 : memref<128x16xf32, #tpu.memory_space<vmem>>) dst(%dma_wait3A_174 : memref<100096x16xf32, #tpu.memory_space<vmem_shared>>)
        } else {
        }
        %dma_start3A = arith.constant 0 : i32
        %dma_start3A_161 = tpu.memref_slice %arg4[%add3A_157, %dma_start3A] : memref<20x128xi32, #tpu.memory_space<vmem>> -> memref<1x128xi32, #tpu.memory_space<vmem>>
        %dma_start3A_162 = tpu.memref_squeeze %dma_start3A_161 : memref<1x128xi32, #tpu.memory_space<vmem>> -> memref<128xi32, #tpu.memory_space<vmem>>
        %dma_start3A_163 = arith.constant 0 : i32
        %dma_start3A_164 = arith.constant 0 : i32
        %dma_start3A_165 = tpu.memref_slice %arg7[%dma_start3A_163, %dma_start3A_164] : memref<100096x16xf32, #tpu.memory_space<vmem_shared>> -> memref<100096x16xf32, #tpu.memory_space<vmem_shared>>
        %dma_start3A_166 = tpu.memref_slice %arg8[%rem3A_158] : memref<10x!tpu.dma_semaphore, #tpu.memory_space<semaphore_mem>> -> memref<1x!tpu.dma_semaphore, #tpu.memory_space<semaphore_mem>>
        %dma_start3A_167 = tpu.memref_squeeze %dma_start3A_166 : memref<1x!tpu.dma_semaphore, #tpu.memory_space<semaphore_mem>> -> memref<!tpu.dma_semaphore, #tpu.memory_space<semaphore_mem>>
        tpu.enqueue_indirect_dma source(%arg5 : memref<128x16xf32, #tpu.memory_space<vmem>>) target(%dma_start3A_165 : memref<100096x16xf32, #tpu.memory_space<vmem_shared>>) offsets(%dma_start3A_162 : memref<128xi32, #tpu.memory_space<vmem>>) semaphore(%dma_start3A_167 : memref<!tpu.dma_semaphore, #tpu.memory_space<semaphore_mem>>) {add = true}
      }
      %scan3A_53 = arith.constant 20 : i32
      %dma_wait3A = arith.constant 0 : i32
      %dma_wait3A_54 = arith.constant 0 : i32
      %dma_wait3A_55 = arith.constant 0 : i32
      %dma_wait3A_56 = tpu.memref_slice %arg4[%dma_wait3A, %dma_wait3A_55] : memref<20x128xi32, #tpu.memory_space<vmem>> -> memref<1x128xi32, #tpu.memory_space<vmem>>
      %dma_wait3A_57 = tpu.memref_squeeze %dma_wait3A_56 : memref<1x128xi32, #tpu.memory_space<vmem>> -> memref<128xi32, #tpu.memory_space<vmem>>
      %dma_wait3A_58 = arith.constant 0 : i32
      %dma_wait3A_59 = arith.constant 0 : i32
      %dma_wait3A_60 = tpu.memref_slice %arg7[%dma_wait3A_58, %dma_wait3A_59] : memref<100096x16xf32, #tpu.memory_space<vmem_shared>> -> memref<100096x16xf32, #tpu.memory_space<vmem_shared>>
      %dma_wait3A_61 = tpu.memref_slice %arg8[%dma_wait3A_54] : memref<10x!tpu.dma_semaphore, #tpu.memory_space<semaphore_mem>> -> memref<1x!tpu.dma_semaphore, #tpu.memory_space<semaphore_mem>>
      %dma_wait3A_62 = tpu.memref_squeeze %dma_wait3A_61 : memref<1x!tpu.dma_semaphore, #tpu.memory_space<semaphore_mem>> -> memref<!tpu.dma_semaphore, #tpu.memory_space<semaphore_mem>>
      tpu.wait_indirect_dma semaphore(%dma_wait3A_62 : memref<!tpu.dma_semaphore, #tpu.memory_space<semaphore_mem>>) src(%arg5 : memref<128x16xf32, #tpu.memory_space<vmem>>) dst(%dma_wait3A_60 : memref<100096x16xf32, #tpu.memory_space<vmem_shared>>)
      %dma_wait3A_63 = arith.constant 0 : i32
      %dma_wait3A_64 = arith.constant 1 : i32
      %dma_wait3A_65 = arith.constant 0 : i32
      %dma_wait3A_66 = tpu.memref_slice %arg4[%dma_wait3A_63, %dma_wait3A_65] : memref<20x128xi32, #tpu.memory_space<vmem>> -> memref<1x128xi32, #tpu.memory_space<vmem>>
      %dma_wait3A_67 = tpu.memref_squeeze %dma_wait3A_66 : memref<1x128xi32, #tpu.memory_space<vmem>> -> memref<128xi32, #tpu.memory_space<vmem>>
      %dma_wait3A_68 = arith.constant 0 : i32
      %dma_wait3A_69 = arith.constant 0 : i32
      %dma_wait3A_70 = tpu.memref_slice %arg7[%dma_wait3A_68, %dma_wait3A_69] : memref<100096x16xf32, #tpu.memory_space<vmem_shared>> -> memref<100096x16xf32, #tpu.memory_space<vmem_shared>>
      %dma_wait3A_71 = tpu.memref_slice %arg8[%dma_wait3A_64] : memref<10x!tpu.dma_semaphore, #tpu.memory_space<semaphore_mem>> -> memref<1x!tpu.dma_semaphore, #tpu.memory_space<semaphore_mem>>
      %dma_wait3A_72 = tpu.memref_squeeze %dma_wait3A_71 : memref<1x!tpu.dma_semaphore, #tpu.memory_space<semaphore_mem>> -> memref<!tpu.dma_semaphore, #tpu.memory_space<semaphore_mem>>
      tpu.wait_indirect_dma semaphore(%dma_wait3A_72 : memref<!tpu.dma_semaphore, #tpu.memory_space<semaphore_mem>>) src(%arg5 : memref<128x16xf32, #tpu.memory_space<vmem>>) dst(%dma_wait3A_70 : memref<100096x16xf32, #tpu.memory_space<vmem_shared>>)
      %dma_wait3A_73 = arith.constant 0 : i32
      %dma_wait3A_74 = arith.constant 2 : i32
      %dma_wait3A_75 = arith.constant 0 : i32
      %dma_wait3A_76 = tpu.memref_slice %arg4[%dma_wait3A_73, %dma_wait3A_75] : memref<20x128xi32, #tpu.memory_space<vmem>> -> memref<1x128xi32, #tpu.memory_space<vmem>>
      %dma_wait3A_77 = tpu.memref_squeeze %dma_wait3A_76 : memref<1x128xi32, #tpu.memory_space<vmem>> -> memref<128xi32, #tpu.memory_space<vmem>>
      %dma_wait3A_78 = arith.constant 0 : i32
      %dma_wait3A_79 = arith.constant 0 : i32
      %dma_wait3A_80 = tpu.memref_slice %arg7[%dma_wait3A_78, %dma_wait3A_79] : memref<100096x16xf32, #tpu.memory_space<vmem_shared>> -> memref<100096x16xf32, #tpu.memory_space<vmem_shared>>
      %dma_wait3A_81 = tpu.memref_slice %arg8[%dma_wait3A_74] : memref<10x!tpu.dma_semaphore, #tpu.memory_space<semaphore_mem>> -> memref<1x!tpu.dma_semaphore, #tpu.memory_space<semaphore_mem>>
      %dma_wait3A_82 = tpu.memref_squeeze %dma_wait3A_81 : memref<1x!tpu.dma_semaphore, #tpu.memory_space<semaphore_mem>> -> memref<!tpu.dma_semaphore, #tpu.memory_space<semaphore_mem>>
      tpu.wait_indirect_dma semaphore(%dma_wait3A_82 : memref<!tpu.dma_semaphore, #tpu.memory_space<semaphore_mem>>) src(%arg5 : memref<128x16xf32, #tpu.memory_space<vmem>>) dst(%dma_wait3A_80 : memref<100096x16xf32, #tpu.memory_space<vmem_shared>>)
      %dma_wait3A_83 = arith.constant 0 : i32
      %dma_wait3A_84 = arith.constant 3 : i32
      %dma_wait3A_85 = arith.constant 0 : i32
      %dma_wait3A_86 = tpu.memref_slice %arg4[%dma_wait3A_83, %dma_wait3A_85] : memref<20x128xi32, #tpu.memory_space<vmem>> -> memref<1x128xi32, #tpu.memory_space<vmem>>
      %dma_wait3A_87 = tpu.memref_squeeze %dma_wait3A_86 : memref<1x128xi32, #tpu.memory_space<vmem>> -> memref<128xi32, #tpu.memory_space<vmem>>
      %dma_wait3A_88 = arith.constant 0 : i32
      %dma_wait3A_89 = arith.constant 0 : i32
      %dma_wait3A_90 = tpu.memref_slice %arg7[%dma_wait3A_88, %dma_wait3A_89] : memref<100096x16xf32, #tpu.memory_space<vmem_shared>> -> memref<100096x16xf32, #tpu.memory_space<vmem_shared>>
      %dma_wait3A_91 = tpu.memref_slice %arg8[%dma_wait3A_84] : memref<10x!tpu.dma_semaphore, #tpu.memory_space<semaphore_mem>> -> memref<1x!tpu.dma_semaphore, #tpu.memory_space<semaphore_mem>>
      %dma_wait3A_92 = tpu.memref_squeeze %dma_wait3A_91 : memref<1x!tpu.dma_semaphore, #tpu.memory_space<semaphore_mem>> -> memref<!tpu.dma_semaphore, #tpu.memory_space<semaphore_mem>>
      tpu.wait_indirect_dma semaphore(%dma_wait3A_92 : memref<!tpu.dma_semaphore, #tpu.memory_space<semaphore_mem>>) src(%arg5 : memref<128x16xf32, #tpu.memory_space<vmem>>) dst(%dma_wait3A_90 : memref<100096x16xf32, #tpu.memory_space<vmem_shared>>)
      %dma_wait3A_93 = arith.constant 0 : i32
      %dma_wait3A_94 = arith.constant 4 : i32
      %dma_wait3A_95 = arith.constant 0 : i32
      %dma_wait3A_96 = tpu.memref_slice %arg4[%dma_wait3A_93, %dma_wait3A_95] : memref<20x128xi32, #tpu.memory_space<vmem>> -> memref<1x128xi32, #tpu.memory_space<vmem>>
      %dma_wait3A_97 = tpu.memref_squeeze %dma_wait3A_96 : memref<1x128xi32, #tpu.memory_space<vmem>> -> memref<128xi32, #tpu.memory_space<vmem>>
      %dma_wait3A_98 = arith.constant 0 : i32
      %dma_wait3A_99 = arith.constant 0 : i32
      %dma_wait3A_100 = tpu.memref_slice %arg7[%dma_wait3A_98, %dma_wait3A_99] : memref<100096x16xf32, #tpu.memory_space<vmem_shared>> -> memref<100096x16xf32, #tpu.memory_space<vmem_shared>>
      %dma_wait3A_101 = tpu.memref_slice %arg8[%dma_wait3A_94] : memref<10x!tpu.dma_semaphore, #tpu.memory_space<semaphore_mem>> -> memref<1x!tpu.dma_semaphore, #tpu.memory_space<semaphore_mem>>
      %dma_wait3A_102 = tpu.memref_squeeze %dma_wait3A_101 : memref<1x!tpu.dma_semaphore, #tpu.memory_space<semaphore_mem>> -> memref<!tpu.dma_semaphore, #tpu.memory_space<semaphore_mem>>
      tpu.wait_indirect_dma semaphore(%dma_wait3A_102 : memref<!tpu.dma_semaphore, #tpu.memory_space<semaphore_mem>>) src(%arg5 : memref<128x16xf32, #tpu.memory_space<vmem>>) dst(%dma_wait3A_100 : memref<100096x16xf32, #tpu.memory_space<vmem_shared>>)
      %dma_wait3A_103 = arith.constant 0 : i32
      %dma_wait3A_104 = arith.constant 5 : i32
      %dma_wait3A_105 = arith.constant 0 : i32
      %dma_wait3A_106 = tpu.memref_slice %arg4[%dma_wait3A_103, %dma_wait3A_105] : memref<20x128xi32, #tpu.memory_space<vmem>> -> memref<1x128xi32, #tpu.memory_space<vmem>>
      %dma_wait3A_107 = tpu.memref_squeeze %dma_wait3A_106 : memref<1x128xi32, #tpu.memory_space<vmem>> -> memref<128xi32, #tpu.memory_space<vmem>>
      %dma_wait3A_108 = arith.constant 0 : i32
      %dma_wait3A_109 = arith.constant 0 : i32
      %dma_wait3A_110 = tpu.memref_slice %arg7[%dma_wait3A_108, %dma_wait3A_109] : memref<100096x16xf32, #tpu.memory_space<vmem_shared>> -> memref<100096x16xf32, #tpu.memory_space<vmem_shared>>
      %dma_wait3A_111 = tpu.memref_slice %arg8[%dma_wait3A_104] : memref<10x!tpu.dma_semaphore, #tpu.memory_space<semaphore_mem>> -> memref<1x!tpu.dma_semaphore, #tpu.memory_space<semaphore_mem>>
      %dma_wait3A_112 = tpu.memref_squeeze %dma_wait3A_111 : memref<1x!tpu.dma_semaphore, #tpu.memory_space<semaphore_mem>> -> memref<!tpu.dma_semaphore, #tpu.memory_space<semaphore_mem>>
      tpu.wait_indirect_dma semaphore(%dma_wait3A_112 : memref<!tpu.dma_semaphore, #tpu.memory_space<semaphore_mem>>) src(%arg5 : memref<128x16xf32, #tpu.memory_space<vmem>>) dst(%dma_wait3A_110 : memref<100096x16xf32, #tpu.memory_space<vmem_shared>>)
      %dma_wait3A_113 = arith.constant 0 : i32
      %dma_wait3A_114 = arith.constant 6 : i32
      %dma_wait3A_115 = arith.constant 0 : i32
      %dma_wait3A_116 = tpu.memref_slice %arg4[%dma_wait3A_113, %dma_wait3A_115] : memref<20x128xi32, #tpu.memory_space<vmem>> -> memref<1x128xi32, #tpu.memory_space<vmem>>
      %dma_wait3A_117 = tpu.memref_squeeze %dma_wait3A_116 : memref<1x128xi32, #tpu.memory_space<vmem>> -> memref<128xi32, #tpu.memory_space<vmem>>
      %dma_wait3A_118 = arith.constant 0 : i32
      %dma_wait3A_119 = arith.constant 0 : i32
      %dma_wait3A_120 = tpu.memref_slice %arg7[%dma_wait3A_118, %dma_wait3A_119] : memref<100096x16xf32, #tpu.memory_space<vmem_shared>> -> memref<100096x16xf32, #tpu.memory_space<vmem_shared>>
      %dma_wait3A_121 = tpu.memref_slice %arg8[%dma_wait3A_114] : memref<10x!tpu.dma_semaphore, #tpu.memory_space<semaphore_mem>> -> memref<1x!tpu.dma_semaphore, #tpu.memory_space<semaphore_mem>>
      %dma_wait3A_122 = tpu.memref_squeeze %dma_wait3A_121 : memref<1x!tpu.dma_semaphore, #tpu.memory_space<semaphore_mem>> -> memref<!tpu.dma_semaphore, #tpu.memory_space<semaphore_mem>>
      tpu.wait_indirect_dma semaphore(%dma_wait3A_122 : memref<!tpu.dma_semaphore, #tpu.memory_space<semaphore_mem>>) src(%arg5 : memref<128x16xf32, #tpu.memory_space<vmem>>) dst(%dma_wait3A_120 : memref<100096x16xf32, #tpu.memory_space<vmem_shared>>)
      %dma_wait3A_123 = arith.constant 0 : i32
      %dma_wait3A_124 = arith.constant 7 : i32
      %dma_wait3A_125 = arith.constant 0 : i32
      %dma_wait3A_126 = tpu.memref_slice %arg4[%dma_wait3A_123, %dma_wait3A_125] : memref<20x128xi32, #tpu.memory_space<vmem>> -> memref<1x128xi32, #tpu.memory_space<vmem>>
      %dma_wait3A_127 = tpu.memref_squeeze %dma_wait3A_126 : memref<1x128xi32, #tpu.memory_space<vmem>> -> memref<128xi32, #tpu.memory_space<vmem>>
      %dma_wait3A_128 = arith.constant 0 : i32
      %dma_wait3A_129 = arith.constant 0 : i32
      %dma_wait3A_130 = tpu.memref_slice %arg7[%dma_wait3A_128, %dma_wait3A_129] : memref<100096x16xf32, #tpu.memory_space<vmem_shared>> -> memref<100096x16xf32, #tpu.memory_space<vmem_shared>>
      %dma_wait3A_131 = tpu.memref_slice %arg8[%dma_wait3A_124] : memref<10x!tpu.dma_semaphore, #tpu.memory_space<semaphore_mem>> -> memref<1x!tpu.dma_semaphore, #tpu.memory_space<semaphore_mem>>
      %dma_wait3A_132 = tpu.memref_squeeze %dma_wait3A_131 : memref<1x!tpu.dma_semaphore, #tpu.memory_space<semaphore_mem>> -> memref<!tpu.dma_semaphore, #tpu.memory_space<semaphore_mem>>
      tpu.wait_indirect_dma semaphore(%dma_wait3A_132 : memref<!tpu.dma_semaphore, #tpu.memory_space<semaphore_mem>>) src(%arg5 : memref<128x16xf32, #tpu.memory_space<vmem>>) dst(%dma_wait3A_130 : memref<100096x16xf32, #tpu.memory_space<vmem_shared>>)
      %dma_wait3A_133 = arith.constant 0 : i32
      %dma_wait3A_134 = arith.constant 8 : i32
      %dma_wait3A_135 = arith.constant 0 : i32
      %dma_wait3A_136 = tpu.memref_slice %arg4[%dma_wait3A_133, %dma_wait3A_135] : memref<20x128xi32, #tpu.memory_space<vmem>> -> memref<1x128xi32, #tpu.memory_space<vmem>>
      %dma_wait3A_137 = tpu.memref_squeeze %dma_wait3A_136 : memref<1x128xi32, #tpu.memory_space<vmem>> -> memref<128xi32, #tpu.memory_space<vmem>>
      %dma_wait3A_138 = arith.constant 0 : i32
      %dma_wait3A_139 = arith.constant 0 : i32
      %dma_wait3A_140 = tpu.memref_slice %arg7[%dma_wait3A_138, %dma_wait3A_139] : memref<100096x16xf32, #tpu.memory_space<vmem_shared>> -> memref<100096x16xf32, #tpu.memory_space<vmem_shared>>
      %dma_wait3A_141 = tpu.memref_slice %arg8[%dma_wait3A_134] : memref<10x!tpu.dma_semaphore, #tpu.memory_space<semaphore_mem>> -> memref<1x!tpu.dma_semaphore, #tpu.memory_space<semaphore_mem>>
      %dma_wait3A_142 = tpu.memref_squeeze %dma_wait3A_141 : memref<1x!tpu.dma_semaphore, #tpu.memory_space<semaphore_mem>> -> memref<!tpu.dma_semaphore, #tpu.memory_space<semaphore_mem>>
      tpu.wait_indirect_dma semaphore(%dma_wait3A_142 : memref<!tpu.dma_semaphore, #tpu.memory_space<semaphore_mem>>) src(%arg5 : memref<128x16xf32, #tpu.memory_space<vmem>>) dst(%dma_wait3A_140 : memref<100096x16xf32, #tpu.memory_space<vmem_shared>>)
      %dma_wait3A_143 = arith.constant 0 : i32
      %dma_wait3A_144 = arith.constant 9 : i32
      %dma_wait3A_145 = arith.constant 0 : i32
      %dma_wait3A_146 = tpu.memref_slice %arg4[%dma_wait3A_143, %dma_wait3A_145] : memref<20x128xi32, #tpu.memory_space<vmem>> -> memref<1x128xi32, #tpu.memory_space<vmem>>
      %dma_wait3A_147 = tpu.memref_squeeze %dma_wait3A_146 : memref<1x128xi32, #tpu.memory_space<vmem>> -> memref<128xi32, #tpu.memory_space<vmem>>
      %dma_wait3A_148 = arith.constant 0 : i32
      %dma_wait3A_149 = arith.constant 0 : i32
      %dma_wait3A_150 = tpu.memref_slice %arg7[%dma_wait3A_148, %dma_wait3A_149] : memref<100096x16xf32, #tpu.memory_space<vmem_shared>> -> memref<100096x16xf32, #tpu.memory_space<vmem_shared>>
      %dma_wait3A_151 = tpu.memref_slice %arg8[%dma_wait3A_144] : memref<10x!tpu.dma_semaphore, #tpu.memory_space<semaphore_mem>> -> memref<1x!tpu.dma_semaphore, #tpu.memory_space<semaphore_mem>>
      %dma_wait3A_152 = tpu.memref_squeeze %dma_wait3A_151 : memref<1x!tpu.dma_semaphore, #tpu.memory_space<semaphore_mem>> -> memref<!tpu.dma_semaphore, #tpu.memory_space<semaphore_mem>>
      tpu.wait_indirect_dma semaphore(%dma_wait3A_152 : memref<!tpu.dma_semaphore, #tpu.memory_space<semaphore_mem>>) src(%arg5 : memref<128x16xf32, #tpu.memory_space<vmem>>) dst(%dma_wait3A_150 : memref<100096x16xf32, #tpu.memory_space<vmem_shared>>)
    }
    %while3A_40 = arith.constant 1 : i32
    scf.for %while3A_46 = %while3A_38 to %while3A_34 step %while3A_40  : i32 {
      %mul3A_47 = arith.muli %while3A_46, %while3A : i32
      %add3A_48 = arith.addi %add3A_21, %mul3A_47 : i32
      %run_scoped3A = arith.constant 1 : i32
      "tpu.region"() ({
        %run_scoped3A_153 = tpu.sem_alloc : memref<!tpu.dma_semaphore, #tpu.memory_space<semaphore_mem>>
        %dma_start3A = arith.constant 0 : i32
        %dma_start3A_154 = arith.constant 0 : i32
        %dma_start3A_155 = tpu.memref_slice %arg2[%run_scoped3A, %add3A_48, %dma_start3A, %dma_start3A_154] : memref<2x625x20x128xi32, #tpu.memory_space<hbm>> -> memref<1x1x20x128xi32, #tpu.memory_space<hbm>>
        %dma_start3A_156 = tpu.memref_squeeze %dma_start3A_155 : memref<1x1x20x128xi32, #tpu.memory_space<hbm>> -> memref<20x128xi32, #tpu.memory_space<hbm>>
        %dma_start3A_157 = arith.constant 0 : i32
        %dma_start3A_158 = arith.constant 0 : i32
        %dma_start3A_159 = tpu.memref_slice %arg2[%run_scoped3A, %add3A_48, %dma_start3A_157, %dma_start3A_158] : memref<2x625x20x128xi32, #tpu.memory_space<hbm>> -> memref<1x1x20x128xi32, #tpu.memory_space<hbm>>
        %dma_start3A_160 = tpu.memref_squeeze %dma_start3A_159 : memref<1x1x20x128xi32, #tpu.memory_space<hbm>> -> memref<20x128xi32, #tpu.memory_space<hbm>>
        tpu.enqueue_dma source(%dma_start3A_160 : memref<20x128xi32, #tpu.memory_space<hbm>>) target(%arg4 : memref<20x128xi32, #tpu.memory_space<vmem>>) target_semaphore(%run_scoped3A_153 : memref<!tpu.dma_semaphore, #tpu.memory_space<semaphore_mem>>)
        %dma_wait3A_161 = arith.constant 0 : i32
        %dma_wait3A_162 = arith.constant 0 : i32
        %dma_wait3A_163 = tpu.memref_slice %arg2[%run_scoped3A, %add3A_48, %dma_wait3A_161, %dma_wait3A_162] : memref<2x625x20x128xi32, #tpu.memory_space<hbm>> -> memref<1x1x20x128xi32, #tpu.memory_space<hbm>>
        %dma_wait3A_164 = tpu.memref_squeeze %dma_wait3A_163 : memref<1x1x20x128xi32, #tpu.memory_space<hbm>> -> memref<20x128xi32, #tpu.memory_space<hbm>>
        %dma_wait3A_165 = arith.constant 0 : i32
        %dma_wait3A_166 = arith.constant 0 : i32
        %dma_wait3A_167 = tpu.memref_slice %arg2[%run_scoped3A, %add3A_48, %dma_wait3A_165, %dma_wait3A_166] : memref<2x625x20x128xi32, #tpu.memory_space<hbm>> -> memref<1x1x20x128xi32, #tpu.memory_space<hbm>>
        %dma_wait3A_168 = tpu.memref_squeeze %dma_wait3A_167 : memref<1x1x20x128xi32, #tpu.memory_space<hbm>> -> memref<20x128xi32, #tpu.memory_space<hbm>>
        tpu.wait_dma2 semaphore(%run_scoped3A_153 : memref<!tpu.dma_semaphore, #tpu.memory_space<semaphore_mem>>) src(%dma_wait3A_168 : memref<20x128xi32, #tpu.memory_space<hbm>>) dst(%arg4 : memref<20x128xi32, #tpu.memory_space<vmem>>)
        tpu.yield
      }) : () -> ()
      %scan3A_49 = arith.constant 0 : i32
      %scan3A_50 = arith.constant 20 : i32
      %scan3A_51 = arith.addi %scan3A_49, %scan3A_50 : i32
      %scan3A_52 = arith.constant 1 : i32
      scf.for %scan3A_153 = %scan3A_49 to %scan3A_51 step %scan3A_52  : i32 {
        %mul3A_154 = arith.constant 1 : i32
        %mul3A_155 = arith.muli %scan3A_153, %mul3A_154 : i32
        %add3A_156 = arith.constant 0 : i32
        %add3A_157 = arith.addi %add3A_156, %mul3A_155 : i32
        %rem3A = arith.constant 10 : i32
        %rem3A_158 = arith.remsi %add3A_157, %rem3A : i32
        %ge3A = arith.constant 10 : i32
        %ge3A_159 = arith.cmpi sge, %add3A_157, %ge3A : i32
        %convert_element_type3A = arith.extui %ge3A_159 : i1 to i32
        %cond3A = arith.constant 0 : i32
        %cond3A_160 = arith.cmpi ne, %convert_element_type3A, %cond3A : i32
        scf.if %cond3A_160 {
          %dma_wait3A_168 = arith.constant 0 : i32
          %dma_wait3A_169 = arith.constant 0 : i32
          %dma_wait3A_170 = tpu.memref_slice %arg4[%dma_wait3A_168, %dma_wait3A_169] : memref<20x128xi32, #tpu.memory_space<vmem>> -> memref<1x128xi32, #tpu.memory_space<vmem>>
          %dma_wait3A_171 = tpu.memref_squeeze %dma_wait3A_170 : memref<1x128xi32, #tpu.memory_space<vmem>> -> memref<128xi32, #tpu.memory_space<vmem>>
          %dma_wait3A_172 = arith.constant 0 : i32
          %dma_wait3A_173 = arith.constant 0 : i32
          %dma_wait3A_174 = tpu.memref_slice %arg7[%dma_wait3A_172, %dma_wait3A_173] : memref<100096x16xf32, #tpu.memory_space<vmem_shared>> -> memref<100096x16xf32, #tpu.memory_space<vmem_shared>>
          %dma_wait3A_175 = tpu.memref_slice %arg8[%rem3A_158] : memref<10x!tpu.dma_semaphore, #tpu.memory_space<semaphore_mem>> -> memref<1x!tpu.dma_semaphore, #tpu.memory_space<semaphore_mem>>
          %dma_wait3A_176 = tpu.memref_squeeze %dma_wait3A_175 : memref<1x!tpu.dma_semaphore, #tpu.memory_space<semaphore_mem>> -> memref<!tpu.dma_semaphore, #tpu.memory_space<semaphore_mem>>
          tpu.wait_indirect_dma semaphore(%dma_wait3A_176 : memref<!tpu.dma_semaphore, #tpu.memory_space<semaphore_mem>>) src(%arg5 : memref<128x16xf32, #tpu.memory_space<vmem>>) dst(%dma_wait3A_174 : memref<100096x16xf32, #tpu.memory_space<vmem_shared>>)
        } else {
        }
        %dma_start3A = arith.constant 0 : i32
        %dma_start3A_161 = tpu.memref_slice %arg4[%add3A_157, %dma_start3A] : memref<20x128xi32, #tpu.memory_space<vmem>> -> memref<1x128xi32, #tpu.memory_space<vmem>>
        %dma_start3A_162 = tpu.memref_squeeze %dma_start3A_161 : memref<1x128xi32, #tpu.memory_space<vmem>> -> memref<128xi32, #tpu.memory_space<vmem>>
        %dma_start3A_163 = arith.constant 0 : i32
        %dma_start3A_164 = arith.constant 0 : i32
        %dma_start3A_165 = tpu.memref_slice %arg7[%dma_start3A_163, %dma_start3A_164] : memref<100096x16xf32, #tpu.memory_space<vmem_shared>> -> memref<100096x16xf32, #tpu.memory_space<vmem_shared>>
        %dma_start3A_166 = tpu.memref_slice %arg8[%rem3A_158] : memref<10x!tpu.dma_semaphore, #tpu.memory_space<semaphore_mem>> -> memref<1x!tpu.dma_semaphore, #tpu.memory_space<semaphore_mem>>
        %dma_start3A_167 = tpu.memref_squeeze %dma_start3A_166 : memref<1x!tpu.dma_semaphore, #tpu.memory_space<semaphore_mem>> -> memref<!tpu.dma_semaphore, #tpu.memory_space<semaphore_mem>>
        tpu.enqueue_indirect_dma source(%arg5 : memref<128x16xf32, #tpu.memory_space<vmem>>) target(%dma_start3A_165 : memref<100096x16xf32, #tpu.memory_space<vmem_shared>>) offsets(%dma_start3A_162 : memref<128xi32, #tpu.memory_space<vmem>>) semaphore(%dma_start3A_167 : memref<!tpu.dma_semaphore, #tpu.memory_space<semaphore_mem>>) {add = true}
      }
      %scan3A_53 = arith.constant 20 : i32
      %dma_wait3A = arith.constant 0 : i32
      %dma_wait3A_54 = arith.constant 0 : i32
      %dma_wait3A_55 = arith.constant 0 : i32
      %dma_wait3A_56 = tpu.memref_slice %arg4[%dma_wait3A, %dma_wait3A_55] : memref<20x128xi32, #tpu.memory_space<vmem>> -> memref<1x128xi32, #tpu.memory_space<vmem>>
      %dma_wait3A_57 = tpu.memref_squeeze %dma_wait3A_56 : memref<1x128xi32, #tpu.memory_space<vmem>> -> memref<128xi32, #tpu.memory_space<vmem>>
      %dma_wait3A_58 = arith.constant 0 : i32
      %dma_wait3A_59 = arith.constant 0 : i32
      %dma_wait3A_60 = tpu.memref_slice %arg7[%dma_wait3A_58, %dma_wait3A_59] : memref<100096x16xf32, #tpu.memory_space<vmem_shared>> -> memref<100096x16xf32, #tpu.memory_space<vmem_shared>>
      %dma_wait3A_61 = tpu.memref_slice %arg8[%dma_wait3A_54] : memref<10x!tpu.dma_semaphore, #tpu.memory_space<semaphore_mem>> -> memref<1x!tpu.dma_semaphore, #tpu.memory_space<semaphore_mem>>
      %dma_wait3A_62 = tpu.memref_squeeze %dma_wait3A_61 : memref<1x!tpu.dma_semaphore, #tpu.memory_space<semaphore_mem>> -> memref<!tpu.dma_semaphore, #tpu.memory_space<semaphore_mem>>
      tpu.wait_indirect_dma semaphore(%dma_wait3A_62 : memref<!tpu.dma_semaphore, #tpu.memory_space<semaphore_mem>>) src(%arg5 : memref<128x16xf32, #tpu.memory_space<vmem>>) dst(%dma_wait3A_60 : memref<100096x16xf32, #tpu.memory_space<vmem_shared>>)
      %dma_wait3A_63 = arith.constant 0 : i32
      %dma_wait3A_64 = arith.constant 1 : i32
      %dma_wait3A_65 = arith.constant 0 : i32
      %dma_wait3A_66 = tpu.memref_slice %arg4[%dma_wait3A_63, %dma_wait3A_65] : memref<20x128xi32, #tpu.memory_space<vmem>> -> memref<1x128xi32, #tpu.memory_space<vmem>>
      %dma_wait3A_67 = tpu.memref_squeeze %dma_wait3A_66 : memref<1x128xi32, #tpu.memory_space<vmem>> -> memref<128xi32, #tpu.memory_space<vmem>>
      %dma_wait3A_68 = arith.constant 0 : i32
      %dma_wait3A_69 = arith.constant 0 : i32
      %dma_wait3A_70 = tpu.memref_slice %arg7[%dma_wait3A_68, %dma_wait3A_69] : memref<100096x16xf32, #tpu.memory_space<vmem_shared>> -> memref<100096x16xf32, #tpu.memory_space<vmem_shared>>
      %dma_wait3A_71 = tpu.memref_slice %arg8[%dma_wait3A_64] : memref<10x!tpu.dma_semaphore, #tpu.memory_space<semaphore_mem>> -> memref<1x!tpu.dma_semaphore, #tpu.memory_space<semaphore_mem>>
      %dma_wait3A_72 = tpu.memref_squeeze %dma_wait3A_71 : memref<1x!tpu.dma_semaphore, #tpu.memory_space<semaphore_mem>> -> memref<!tpu.dma_semaphore, #tpu.memory_space<semaphore_mem>>
      tpu.wait_indirect_dma semaphore(%dma_wait3A_72 : memref<!tpu.dma_semaphore, #tpu.memory_space<semaphore_mem>>) src(%arg5 : memref<128x16xf32, #tpu.memory_space<vmem>>) dst(%dma_wait3A_70 : memref<100096x16xf32, #tpu.memory_space<vmem_shared>>)
      %dma_wait3A_73 = arith.constant 0 : i32
      %dma_wait3A_74 = arith.constant 2 : i32
      %dma_wait3A_75 = arith.constant 0 : i32
      %dma_wait3A_76 = tpu.memref_slice %arg4[%dma_wait3A_73, %dma_wait3A_75] : memref<20x128xi32, #tpu.memory_space<vmem>> -> memref<1x128xi32, #tpu.memory_space<vmem>>
      %dma_wait3A_77 = tpu.memref_squeeze %dma_wait3A_76 : memref<1x128xi32, #tpu.memory_space<vmem>> -> memref<128xi32, #tpu.memory_space<vmem>>
      %dma_wait3A_78 = arith.constant 0 : i32
      %dma_wait3A_79 = arith.constant 0 : i32
      %dma_wait3A_80 = tpu.memref_slice %arg7[%dma_wait3A_78, %dma_wait3A_79] : memref<100096x16xf32, #tpu.memory_space<vmem_shared>> -> memref<100096x16xf32, #tpu.memory_space<vmem_shared>>
      %dma_wait3A_81 = tpu.memref_slice %arg8[%dma_wait3A_74] : memref<10x!tpu.dma_semaphore, #tpu.memory_space<semaphore_mem>> -> memref<1x!tpu.dma_semaphore, #tpu.memory_space<semaphore_mem>>
      %dma_wait3A_82 = tpu.memref_squeeze %dma_wait3A_81 : memref<1x!tpu.dma_semaphore, #tpu.memory_space<semaphore_mem>> -> memref<!tpu.dma_semaphore, #tpu.memory_space<semaphore_mem>>
      tpu.wait_indirect_dma semaphore(%dma_wait3A_82 : memref<!tpu.dma_semaphore, #tpu.memory_space<semaphore_mem>>) src(%arg5 : memref<128x16xf32, #tpu.memory_space<vmem>>) dst(%dma_wait3A_80 : memref<100096x16xf32, #tpu.memory_space<vmem_shared>>)
      %dma_wait3A_83 = arith.constant 0 : i32
      %dma_wait3A_84 = arith.constant 3 : i32
      %dma_wait3A_85 = arith.constant 0 : i32
      %dma_wait3A_86 = tpu.memref_slice %arg4[%dma_wait3A_83, %dma_wait3A_85] : memref<20x128xi32, #tpu.memory_space<vmem>> -> memref<1x128xi32, #tpu.memory_space<vmem>>
      %dma_wait3A_87 = tpu.memref_squeeze %dma_wait3A_86 : memref<1x128xi32, #tpu.memory_space<vmem>> -> memref<128xi32, #tpu.memory_space<vmem>>
      %dma_wait3A_88 = arith.constant 0 : i32
      %dma_wait3A_89 = arith.constant 0 : i32
      %dma_wait3A_90 = tpu.memref_slice %arg7[%dma_wait3A_88, %dma_wait3A_89] : memref<100096x16xf32, #tpu.memory_space<vmem_shared>> -> memref<100096x16xf32, #tpu.memory_space<vmem_shared>>
      %dma_wait3A_91 = tpu.memref_slice %arg8[%dma_wait3A_84] : memref<10x!tpu.dma_semaphore, #tpu.memory_space<semaphore_mem>> -> memref<1x!tpu.dma_semaphore, #tpu.memory_space<semaphore_mem>>
      %dma_wait3A_92 = tpu.memref_squeeze %dma_wait3A_91 : memref<1x!tpu.dma_semaphore, #tpu.memory_space<semaphore_mem>> -> memref<!tpu.dma_semaphore, #tpu.memory_space<semaphore_mem>>
      tpu.wait_indirect_dma semaphore(%dma_wait3A_92 : memref<!tpu.dma_semaphore, #tpu.memory_space<semaphore_mem>>) src(%arg5 : memref<128x16xf32, #tpu.memory_space<vmem>>) dst(%dma_wait3A_90 : memref<100096x16xf32, #tpu.memory_space<vmem_shared>>)
      %dma_wait3A_93 = arith.constant 0 : i32
      %dma_wait3A_94 = arith.constant 4 : i32
      %dma_wait3A_95 = arith.constant 0 : i32
      %dma_wait3A_96 = tpu.memref_slice %arg4[%dma_wait3A_93, %dma_wait3A_95] : memref<20x128xi32, #tpu.memory_space<vmem>> -> memref<1x128xi32, #tpu.memory_space<vmem>>
      %dma_wait3A_97 = tpu.memref_squeeze %dma_wait3A_96 : memref<1x128xi32, #tpu.memory_space<vmem>> -> memref<128xi32, #tpu.memory_space<vmem>>
      %dma_wait3A_98 = arith.constant 0 : i32
      %dma_wait3A_99 = arith.constant 0 : i32
      %dma_wait3A_100 = tpu.memref_slice %arg7[%dma_wait3A_98, %dma_wait3A_99] : memref<100096x16xf32, #tpu.memory_space<vmem_shared>> -> memref<100096x16xf32, #tpu.memory_space<vmem_shared>>
      %dma_wait3A_101 = tpu.memref_slice %arg8[%dma_wait3A_94] : memref<10x!tpu.dma_semaphore, #tpu.memory_space<semaphore_mem>> -> memref<1x!tpu.dma_semaphore, #tpu.memory_space<semaphore_mem>>
      %dma_wait3A_102 = tpu.memref_squeeze %dma_wait3A_101 : memref<1x!tpu.dma_semaphore, #tpu.memory_space<semaphore_mem>> -> memref<!tpu.dma_semaphore, #tpu.memory_space<semaphore_mem>>
      tpu.wait_indirect_dma semaphore(%dma_wait3A_102 : memref<!tpu.dma_semaphore, #tpu.memory_space<semaphore_mem>>) src(%arg5 : memref<128x16xf32, #tpu.memory_space<vmem>>) dst(%dma_wait3A_100 : memref<100096x16xf32, #tpu.memory_space<vmem_shared>>)
      %dma_wait3A_103 = arith.constant 0 : i32
      %dma_wait3A_104 = arith.constant 5 : i32
      %dma_wait3A_105 = arith.constant 0 : i32
      %dma_wait3A_106 = tpu.memref_slice %arg4[%dma_wait3A_103, %dma_wait3A_105] : memref<20x128xi32, #tpu.memory_space<vmem>> -> memref<1x128xi32, #tpu.memory_space<vmem>>
      %dma_wait3A_107 = tpu.memref_squeeze %dma_wait3A_106 : memref<1x128xi32, #tpu.memory_space<vmem>> -> memref<128xi32, #tpu.memory_space<vmem>>
      %dma_wait3A_108 = arith.constant 0 : i32
      %dma_wait3A_109 = arith.constant 0 : i32
      %dma_wait3A_110 = tpu.memref_slice %arg7[%dma_wait3A_108, %dma_wait3A_109] : memref<100096x16xf32, #tpu.memory_space<vmem_shared>> -> memref<100096x16xf32, #tpu.memory_space<vmem_shared>>
      %dma_wait3A_111 = tpu.memref_slice %arg8[%dma_wait3A_104] : memref<10x!tpu.dma_semaphore, #tpu.memory_space<semaphore_mem>> -> memref<1x!tpu.dma_semaphore, #tpu.memory_space<semaphore_mem>>
      %dma_wait3A_112 = tpu.memref_squeeze %dma_wait3A_111 : memref<1x!tpu.dma_semaphore, #tpu.memory_space<semaphore_mem>> -> memref<!tpu.dma_semaphore, #tpu.memory_space<semaphore_mem>>
      tpu.wait_indirect_dma semaphore(%dma_wait3A_112 : memref<!tpu.dma_semaphore, #tpu.memory_space<semaphore_mem>>) src(%arg5 : memref<128x16xf32, #tpu.memory_space<vmem>>) dst(%dma_wait3A_110 : memref<100096x16xf32, #tpu.memory_space<vmem_shared>>)
      %dma_wait3A_113 = arith.constant 0 : i32
      %dma_wait3A_114 = arith.constant 6 : i32
      %dma_wait3A_115 = arith.constant 0 : i32
      %dma_wait3A_116 = tpu.memref_slice %arg4[%dma_wait3A_113, %dma_wait3A_115] : memref<20x128xi32, #tpu.memory_space<vmem>> -> memref<1x128xi32, #tpu.memory_space<vmem>>
      %dma_wait3A_117 = tpu.memref_squeeze %dma_wait3A_116 : memref<1x128xi32, #tpu.memory_space<vmem>> -> memref<128xi32, #tpu.memory_space<vmem>>
      %dma_wait3A_118 = arith.constant 0 : i32
      %dma_wait3A_119 = arith.constant 0 : i32
      %dma_wait3A_120 = tpu.memref_slice %arg7[%dma_wait3A_118, %dma_wait3A_119] : memref<100096x16xf32, #tpu.memory_space<vmem_shared>> -> memref<100096x16xf32, #tpu.memory_space<vmem_shared>>
      %dma_wait3A_121 = tpu.memref_slice %arg8[%dma_wait3A_114] : memref<10x!tpu.dma_semaphore, #tpu.memory_space<semaphore_mem>> -> memref<1x!tpu.dma_semaphore, #tpu.memory_space<semaphore_mem>>
      %dma_wait3A_122 = tpu.memref_squeeze %dma_wait3A_121 : memref<1x!tpu.dma_semaphore, #tpu.memory_space<semaphore_mem>> -> memref<!tpu.dma_semaphore, #tpu.memory_space<semaphore_mem>>
      tpu.wait_indirect_dma semaphore(%dma_wait3A_122 : memref<!tpu.dma_semaphore, #tpu.memory_space<semaphore_mem>>) src(%arg5 : memref<128x16xf32, #tpu.memory_space<vmem>>) dst(%dma_wait3A_120 : memref<100096x16xf32, #tpu.memory_space<vmem_shared>>)
      %dma_wait3A_123 = arith.constant 0 : i32
      %dma_wait3A_124 = arith.constant 7 : i32
      %dma_wait3A_125 = arith.constant 0 : i32
      %dma_wait3A_126 = tpu.memref_slice %arg4[%dma_wait3A_123, %dma_wait3A_125] : memref<20x128xi32, #tpu.memory_space<vmem>> -> memref<1x128xi32, #tpu.memory_space<vmem>>
      %dma_wait3A_127 = tpu.memref_squeeze %dma_wait3A_126 : memref<1x128xi32, #tpu.memory_space<vmem>> -> memref<128xi32, #tpu.memory_space<vmem>>
      %dma_wait3A_128 = arith.constant 0 : i32
      %dma_wait3A_129 = arith.constant 0 : i32
      %dma_wait3A_130 = tpu.memref_slice %arg7[%dma_wait3A_128, %dma_wait3A_129] : memref<100096x16xf32, #tpu.memory_space<vmem_shared>> -> memref<100096x16xf32, #tpu.memory_space<vmem_shared>>
      %dma_wait3A_131 = tpu.memref_slice %arg8[%dma_wait3A_124] : memref<10x!tpu.dma_semaphore, #tpu.memory_space<semaphore_mem>> -> memref<1x!tpu.dma_semaphore, #tpu.memory_space<semaphore_mem>>
      %dma_wait3A_132 = tpu.memref_squeeze %dma_wait3A_131 : memref<1x!tpu.dma_semaphore, #tpu.memory_space<semaphore_mem>> -> memref<!tpu.dma_semaphore, #tpu.memory_space<semaphore_mem>>
      tpu.wait_indirect_dma semaphore(%dma_wait3A_132 : memref<!tpu.dma_semaphore, #tpu.memory_space<semaphore_mem>>) src(%arg5 : memref<128x16xf32, #tpu.memory_space<vmem>>) dst(%dma_wait3A_130 : memref<100096x16xf32, #tpu.memory_space<vmem_shared>>)
      %dma_wait3A_133 = arith.constant 0 : i32
      %dma_wait3A_134 = arith.constant 8 : i32
      %dma_wait3A_135 = arith.constant 0 : i32
      %dma_wait3A_136 = tpu.memref_slice %arg4[%dma_wait3A_133, %dma_wait3A_135] : memref<20x128xi32, #tpu.memory_space<vmem>> -> memref<1x128xi32, #tpu.memory_space<vmem>>
      %dma_wait3A_137 = tpu.memref_squeeze %dma_wait3A_136 : memref<1x128xi32, #tpu.memory_space<vmem>> -> memref<128xi32, #tpu.memory_space<vmem>>
      %dma_wait3A_138 = arith.constant 0 : i32
      %dma_wait3A_139 = arith.constant 0 : i32
      %dma_wait3A_140 = tpu.memref_slice %arg7[%dma_wait3A_138, %dma_wait3A_139] : memref<100096x16xf32, #tpu.memory_space<vmem_shared>> -> memref<100096x16xf32, #tpu.memory_space<vmem_shared>>
      %dma_wait3A_141 = tpu.memref_slice %arg8[%dma_wait3A_134] : memref<10x!tpu.dma_semaphore, #tpu.memory_space<semaphore_mem>> -> memref<1x!tpu.dma_semaphore, #tpu.memory_space<semaphore_mem>>
      %dma_wait3A_142 = tpu.memref_squeeze %dma_wait3A_141 : memref<1x!tpu.dma_semaphore, #tpu.memory_space<semaphore_mem>> -> memref<!tpu.dma_semaphore, #tpu.memory_space<semaphore_mem>>
      tpu.wait_indirect_dma semaphore(%dma_wait3A_142 : memref<!tpu.dma_semaphore, #tpu.memory_space<semaphore_mem>>) src(%arg5 : memref<128x16xf32, #tpu.memory_space<vmem>>) dst(%dma_wait3A_140 : memref<100096x16xf32, #tpu.memory_space<vmem_shared>>)
      %dma_wait3A_143 = arith.constant 0 : i32
      %dma_wait3A_144 = arith.constant 9 : i32
      %dma_wait3A_145 = arith.constant 0 : i32
      %dma_wait3A_146 = tpu.memref_slice %arg4[%dma_wait3A_143, %dma_wait3A_145] : memref<20x128xi32, #tpu.memory_space<vmem>> -> memref<1x128xi32, #tpu.memory_space<vmem>>
      %dma_wait3A_147 = tpu.memref_squeeze %dma_wait3A_146 : memref<1x128xi32, #tpu.memory_space<vmem>> -> memref<128xi32, #tpu.memory_space<vmem>>
      %dma_wait3A_148 = arith.constant 0 : i32
      %dma_wait3A_149 = arith.constant 0 : i32
      %dma_wait3A_150 = tpu.memref_slice %arg7[%dma_wait3A_148, %dma_wait3A_149] : memref<100096x16xf32, #tpu.memory_space<vmem_shared>> -> memref<100096x16xf32, #tpu.memory_space<vmem_shared>>
      %dma_wait3A_151 = tpu.memref_slice %arg8[%dma_wait3A_144] : memref<10x!tpu.dma_semaphore, #tpu.memory_space<semaphore_mem>> -> memref<1x!tpu.dma_semaphore, #tpu.memory_space<semaphore_mem>>
      %dma_wait3A_152 = tpu.memref_squeeze %dma_wait3A_151 : memref<1x!tpu.dma_semaphore, #tpu.memory_space<semaphore_mem>> -> memref<!tpu.dma_semaphore, #tpu.memory_space<semaphore_mem>>
      tpu.wait_indirect_dma semaphore(%dma_wait3A_152 : memref<!tpu.dma_semaphore, #tpu.memory_space<semaphore_mem>>) src(%arg5 : memref<128x16xf32, #tpu.memory_space<vmem>>) dst(%dma_wait3A_150 : memref<100096x16xf32, #tpu.memory_space<vmem_shared>>)
    }
    %barrier3A_41 = arith.constant 0 : index
    tpu.barrier barrier_id(%barrier3A_41)
    %mul3A_42 = arith.constant 6256 : i32
    %mul3A_43 = arith.muli %arg1, %mul3A_42 : i32
    %mul3A_44 = arith.constant 6256 : i32
    %mul3A_45 = arith.muli %arg1, %mul3A_44 : i32
    "tpu.region"() ({
      %run_scoped3A = tpu.sem_alloc : memref<!tpu.dma_semaphore, #tpu.memory_space<semaphore_mem>>
      %dma_start3A = arith.constant 0 : i32
      %dma_start3A_46 = tpu.memref_slice %arg3[%arg0, %mul3A_45, %dma_start3A] : memref<2x100096x16xf32, #tpu.memory_space<hbm>> -> memref<1x6256x16xf32, #tpu.memory_space<hbm>>
      %dma_start3A_47 = tpu.memref_squeeze %dma_start3A_46 : memref<1x6256x16xf32, #tpu.memory_space<hbm>> -> memref<6256x16xf32, #tpu.memory_space<hbm>>
      %dma_start3A_48 = arith.constant 0 : i32
      %dma_start3A_49 = tpu.memref_slice %arg7[%mul3A_43, %dma_start3A_48] : memref<100096x16xf32, #tpu.memory_space<vmem_shared>> -> memref<6256x16xf32, #tpu.memory_space<vmem_shared>>
      tpu.enqueue_dma source(%dma_start3A_49 : memref<6256x16xf32, #tpu.memory_space<vmem_shared>>) target(%dma_start3A_47 : memref<6256x16xf32, #tpu.memory_space<hbm>>) target_semaphore(%run_scoped3A : memref<!tpu.dma_semaphore, #tpu.memory_space<semaphore_mem>>)
      %dma_wait3A = arith.constant 0 : i32
      %dma_wait3A_50 = tpu.memref_slice %arg3[%arg0, %mul3A_45, %dma_wait3A] : memref<2x100096x16xf32, #tpu.memory_space<hbm>> -> memref<1x6256x16xf32, #tpu.memory_space<hbm>>
      %dma_wait3A_51 = tpu.memref_squeeze %dma_wait3A_50 : memref<1x6256x16xf32, #tpu.memory_space<hbm>> -> memref<6256x16xf32, #tpu.memory_space<hbm>>
      %dma_wait3A_52 = arith.constant 0 : i32
      %dma_wait3A_53 = tpu.memref_slice %arg7[%mul3A_43, %dma_wait3A_52] : memref<100096x16xf32, #tpu.memory_space<vmem_shared>> -> memref<6256x16xf32, #tpu.memory_space<vmem_shared>>
      tpu.wait_dma2 semaphore(%run_scoped3A : memref<!tpu.dma_semaphore, #tpu.memory_space<semaphore_mem>>) src(%dma_wait3A_53 : memref<6256x16xf32, #tpu.memory_space<vmem_shared>>) dst(%dma_wait3A_51 : memref<6256x16xf32, #tpu.memory_space<hbm>>)
      tpu.yield
    }) : () -> ()
    return
  }
}

#map = affine_map<(d0, d1) -> (0, 0)>
#map1 = affine_map<(d0, d1) -> (0, 0, 0, 0)>
#map2 = affine_map<(d0, d1) -> (0, 0, 0)>
module attributes {stable_mosaic.version = 14 : i64} {
  func.func @pass_k(%arg0: i32, %arg1: i32, %arg2: memref<100096x16xf32, #tpu.memory_space<hbm>>, %arg3: memref<2x625x20x128xi32, #tpu.memory_space<hbm>>, %arg4: memref<2x100096x16xf32, #tpu.memory_space<hbm>>, %arg5: memref<20x128xi32, #tpu.memory_space<vmem>>, %arg6: memref<20x128xi32, #tpu.memory_space<vmem>>, %arg7: memref<10x128x16xf32, #tpu.memory_space<vmem>>, %arg8: memref<136x16xf32, #tpu.memory_space<vmem>>, %arg9: memref<100096x16xf32, #tpu.memory_space<vmem_shared>>, %arg10: memref<10x!tpu.dma_semaphore, #tpu.memory_space<semaphore_mem>>, %arg11: memref<10x!tpu.dma_semaphore, #tpu.memory_space<semaphore_mem>>) attributes {dimension_semantics = [#tpu.dimension_semantics<core_parallel>, #tpu.dimension_semantics<subcore_parallel>], iteration_bounds = array<i64: 2, 16>, scalar_prefetch = 0 : i64, scratch_operands = 7 : i64, tpu.core_type = #tpu.core_type<sc_vector_subcore>, window_params = [{transform_indices = #map}, {transform_indices = #map1}, {transform_indices = #map2}]} {
    %broadcast_in_dim3A = arith.constant 0.000000e+00 : f32
    %broadcast_in_dim3A_0 = vector.broadcast %broadcast_in_dim3A : f32 to vector<16xf32>
    %scan3A = arith.constant 0 : i32
    %scan3A_1 = arith.constant 136 : i32
    %scan3A_2 = arith.addi %scan3A, %scan3A_1 : i32
    %scan3A_3 = arith.constant 1 : i32
    scf.for %scan3A_39 = %scan3A to %scan3A_2 step %scan3A_3  : i32 {
      %mul3A_40 = arith.constant 1 : i32
      %mul3A_41 = arith.muli %scan3A_39, %mul3A_40 : i32
      %add3A_42 = arith.constant 0 : i32
      %add3A_43 = arith.addi %add3A_42, %mul3A_41 : i32
      %swap3A = arith.index_cast %add3A_43 : i32 to index
      %swap3A_44 = arith.constant 0 : index
      %swap3A_45 = tpu.vector_load %arg8[%swap3A, %swap3A_44] {strides = array<i32>} : memref<136x16xf32, #tpu.memory_space<vmem>>, vector<1x16xf32>,
      %swap3A_46 = vector.shape_cast %swap3A_45 : vector<1x16xf32> to vector<16xf32>
      %swap3A_47 = vector.shape_cast %broadcast_in_dim3A_0 : vector<16xf32> to vector<1x16xf32>
      tpu.vector_store %arg8[%swap3A, %swap3A_44], %swap3A_47 {strides = array<i32>} : memref<136x16xf32, #tpu.memory_space<vmem>>, vector<1x16xf32>,
    }
    %scan3A_4 = arith.constant 136 : i32
    %scan3A_5 = arith.constant 0 : i32
    %scan3A_6 = arith.constant 46 : i32
    %scan3A_7 = arith.addi %scan3A_5, %scan3A_6 : i32
    %scan3A_8 = arith.constant 1 : i32
    scf.for %scan3A_39 = %scan3A_5 to %scan3A_7 step %scan3A_8  : i32 {
      %mul3A_40 = arith.constant 1 : i32
      %mul3A_41 = arith.muli %scan3A_39, %mul3A_40 : i32
      %add3A_42 = arith.constant 0 : i32
      %add3A_43 = arith.addi %add3A_42, %mul3A_41 : i32
      %mul3A_44 = arith.constant 6256 : i32
      %mul3A_45 = arith.muli %arg1, %mul3A_44 : i32
      %mul3A_46 = arith.constant 136 : i32
      %mul3A_47 = arith.muli %add3A_43, %mul3A_46 : i32
      %add3A_48 = arith.addi %mul3A_45, %mul3A_47 : i32
      "tpu.region"() ({
        %run_scoped3A = tpu.sem_alloc : memref<!tpu.dma_semaphore, #tpu.memory_space<semaphore_mem>>
        %dma_start3A = arith.constant 0 : i32
        %dma_start3A_49 = tpu.memref_slice %arg9[%add3A_48, %dma_start3A] : memref<100096x16xf32, #tpu.memory_space<vmem_shared>> -> memref<136x16xf32, #tpu.memory_space<vmem_shared>>
        %dma_start3A_50 = arith.constant 0 : i32
        %dma_start3A_51 = tpu.memref_slice %arg9[%add3A_48, %dma_start3A_50] : memref<100096x16xf32, #tpu.memory_space<vmem_shared>> -> memref<136x16xf32, #tpu.memory_space<vmem_shared>>
        tpu.enqueue_dma source(%arg8 : memref<136x16xf32, #tpu.memory_space<vmem>>) target(%dma_start3A_51 : memref<136x16xf32, #tpu.memory_space<vmem_shared>>) target_semaphore(%run_scoped3A : memref<!tpu.dma_semaphore, #tpu.memory_space<semaphore_mem>>)
        %dma_wait3A = arith.constant 0 : i32
        %dma_wait3A_52 = tpu.memref_slice %arg9[%add3A_48, %dma_wait3A] : memref<100096x16xf32, #tpu.memory_space<vmem_shared>> -> memref<136x16xf32, #tpu.memory_space<vmem_shared>>
        %dma_wait3A_53 = arith.constant 0 : i32
        %dma_wait3A_54 = tpu.memref_slice %arg9[%add3A_48, %dma_wait3A_53] : memref<100096x16xf32, #tpu.memory_space<vmem_shared>> -> memref<136x16xf32, #tpu.memory_space<vmem_shared>>
        tpu.wait_dma2 semaphore(%run_scoped3A : memref<!tpu.dma_semaphore, #tpu.memory_space<semaphore_mem>>) src(%arg8 : memref<136x16xf32, #tpu.memory_space<vmem>>) dst(%dma_wait3A_54 : memref<136x16xf32, #tpu.memory_space<vmem_shared>>)
        tpu.yield
      }) : () -> ()
    }
    %scan3A_9 = arith.constant 46 : i32
    %barrier3A = arith.constant 0 : index
    tpu.barrier barrier_id(%barrier3A)
    %mul3A = arith.constant 2 : i32
    %mul3A_10 = arith.muli %arg1, %mul3A : i32
    %add3A = arith.addi %mul3A_10, %arg0 : i32
    %mul3A_11 = arith.constant 19 : i32
    %mul3A_12 = arith.muli %add3A, %mul3A_11 : i32
    %min3A = arith.constant 17 : i32
    %min3A_13 = arith.minsi %add3A, %min3A : i32
    %add3A_14 = arith.addi %mul3A_12, %min3A_13 : i32
    %lt3A = arith.constant 17 : i32
    %lt3A_15 = arith.cmpi slt, %add3A, %lt3A : i32
    %jit3A = arith.constant 1 : i32
    %jit3A_16 = arith.constant 0 : i32
    %select_n3A = arith.select %lt3A_15, %jit3A, %jit3A_16 : i32
    %add3A_17 = arith.constant 19 : i32
    %add3A_18 = arith.addi %add3A_17, %select_n3A : i32
    %add3A_19 = arith.addi %add3A_14, %add3A_18 : i32
    %sub3A = arith.subi %add3A_19, %add3A_14 : i32
    %sub3A_20 = arith.constant 1 : i32
    %sub3A_21 = arith.constant 1 : i32
    %sub3A_22 = arith.subi %sub3A_20, %sub3A_21 : i32
    %add3A_23 = arith.addi %sub3A, %sub3A_22 : i32
    %div3A = arith.constant 1 : i32
    %div3A_24 = arith.divsi %add3A_23, %div3A : i32
    %while3A = arith.constant 1 : i32
    %while3A_25 = arith.constant 0 : i32
    %while3A_26 = arith.subi %div3A_24, %while3A_25 : i32
    %while3A_27 = arith.addi %while3A_25, %while3A_26 : i32
    %while3A_28 = arith.constant 1 : i32
    %while3A_29 = arith.divsi %while3A_26, %while3A_28 : i32
    %while3A_30 = arith.muli %while3A_29, %while3A_28 : i32
    %while3A_31 = arith.addi %while3A_25, %while3A_30 : i32
    %while3A_32 = arith.constant 1 : i32
    scf.for %while3A_39 = %while3A_25 to %while3A_31 step %while3A_32  : i32 {
      %mul3A_40 = arith.muli %while3A_39, %while3A : i32
      %add3A_41 = arith.addi %add3A_14, %mul3A_40 : i32
      %run_scoped3A = arith.constant 0 : i32
      "tpu.region"() ({
        %run_scoped3A_331 = tpu.sem_alloc : memref<!tpu.dma_semaphore, #tpu.memory_space<semaphore_mem>>
        %dma_start3A_332 = arith.constant 0 : i32
        %dma_start3A_333 = arith.constant 0 : i32
        %dma_start3A_334 = tpu.memref_slice %arg3[%run_scoped3A, %add3A_41, %dma_start3A_332, %dma_start3A_333] : memref<2x625x20x128xi32, #tpu.memory_space<hbm>> -> memref<1x1x20x128xi32, #tpu.memory_space<hbm>>
        %dma_start3A_335 = tpu.memref_squeeze %dma_start3A_334 : memref<1x1x20x128xi32, #tpu.memory_space<hbm>> -> memref<20x128xi32, #tpu.memory_space<hbm>>
        %dma_start3A_336 = arith.constant 0 : i32
        %dma_start3A_337 = arith.constant 0 : i32
        %dma_start3A_338 = tpu.memref_slice %arg3[%run_scoped3A, %add3A_41, %dma_start3A_336, %dma_start3A_337] : memref<2x625x20x128xi32, #tpu.memory_space<hbm>> -> memref<1x1x20x128xi32, #tpu.memory_space<hbm>>
        %dma_start3A_339 = tpu.memref_squeeze %dma_start3A_338 : memref<1x1x20x128xi32, #tpu.memory_space<hbm>> -> memref<20x128xi32, #tpu.memory_space<hbm>>
        tpu.enqueue_dma source(%dma_start3A_339 : memref<20x128xi32, #tpu.memory_space<hbm>>) target(%arg5 : memref<20x128xi32, #tpu.memory_space<vmem>>) target_semaphore(%run_scoped3A_331 : memref<!tpu.dma_semaphore, #tpu.memory_space<semaphore_mem>>)
        %dma_wait3A_340 = arith.constant 0 : i32
        %dma_wait3A_341 = arith.constant 0 : i32
        %dma_wait3A_342 = tpu.memref_slice %arg3[%run_scoped3A, %add3A_41, %dma_wait3A_340, %dma_wait3A_341] : memref<2x625x20x128xi32, #tpu.memory_space<hbm>> -> memref<1x1x20x128xi32, #tpu.memory_space<hbm>>
        %dma_wait3A_343 = tpu.memref_squeeze %dma_wait3A_342 : memref<1x1x20x128xi32, #tpu.memory_space<hbm>> -> memref<20x128xi32, #tpu.memory_space<hbm>>
        %dma_wait3A_344 = arith.constant 0 : i32
        %dma_wait3A_345 = arith.constant 0 : i32
        %dma_wait3A_346 = tpu.memref_slice %arg3[%run_scoped3A, %add3A_41, %dma_wait3A_344, %dma_wait3A_345] : memref<2x625x20x128xi32, #tpu.memory_space<hbm>> -> memref<1x1x20x128xi32, #tpu.memory_space<hbm>>
        %dma_wait3A_347 = tpu.memref_squeeze %dma_wait3A_346 : memref<1x1x20x128xi32, #tpu.memory_space<hbm>> -> memref<20x128xi32, #tpu.memory_space<hbm>>
        tpu.wait_dma2 semaphore(%run_scoped3A_331 : memref<!tpu.dma_semaphore, #tpu.memory_space<semaphore_mem>>) src(%dma_wait3A_347 : memref<20x128xi32, #tpu.memory_space<hbm>>) dst(%arg5 : memref<20x128xi32, #tpu.memory_space<vmem>>)
        tpu.yield
      }) : () -> ()
      %run_scoped3A_42 = arith.constant 1 : i32
      "tpu.region"() ({
        %run_scoped3A_331 = tpu.sem_alloc : memref<!tpu.dma_semaphore, #tpu.memory_space<semaphore_mem>>
        %dma_start3A_332 = arith.constant 0 : i32
        %dma_start3A_333 = arith.constant 0 : i32
        %dma_start3A_334 = tpu.memref_slice %arg3[%run_scoped3A_42, %add3A_41, %dma_start3A_332, %dma_start3A_333] : memref<2x625x20x128xi32, #tpu.memory_space<hbm>> -> memref<1x1x20x128xi32, #tpu.memory_space<hbm>>
        %dma_start3A_335 = tpu.memref_squeeze %dma_start3A_334 : memref<1x1x20x128xi32, #tpu.memory_space<hbm>> -> memref<20x128xi32, #tpu.memory_space<hbm>>
        %dma_start3A_336 = arith.constant 0 : i32
        %dma_start3A_337 = arith.constant 0 : i32
        %dma_start3A_338 = tpu.memref_slice %arg3[%run_scoped3A_42, %add3A_41, %dma_start3A_336, %dma_start3A_337] : memref<2x625x20x128xi32, #tpu.memory_space<hbm>> -> memref<1x1x20x128xi32, #tpu.memory_space<hbm>>
        %dma_start3A_339 = tpu.memref_squeeze %dma_start3A_338 : memref<1x1x20x128xi32, #tpu.memory_space<hbm>> -> memref<20x128xi32, #tpu.memory_space<hbm>>
        tpu.enqueue_dma source(%dma_start3A_339 : memref<20x128xi32, #tpu.memory_space<hbm>>) target(%arg6 : memref<20x128xi32, #tpu.memory_space<vmem>>) target_semaphore(%run_scoped3A_331 : memref<!tpu.dma_semaphore, #tpu.memory_space<semaphore_mem>>)
        %dma_wait3A_340 = arith.constant 0 : i32
        %dma_wait3A_341 = arith.constant 0 : i32
        %dma_wait3A_342 = tpu.memref_slice %arg3[%run_scoped3A_42, %add3A_41, %dma_wait3A_340, %dma_wait3A_341] : memref<2x625x20x128xi32, #tpu.memory_space<hbm>> -> memref<1x1x20x128xi32, #tpu.memory_space<hbm>>
        %dma_wait3A_343 = tpu.memref_squeeze %dma_wait3A_342 : memref<1x1x20x128xi32, #tpu.memory_space<hbm>> -> memref<20x128xi32, #tpu.memory_space<hbm>>
        %dma_wait3A_344 = arith.constant 0 : i32
        %dma_wait3A_345 = arith.constant 0 : i32
        %dma_wait3A_346 = tpu.memref_slice %arg3[%run_scoped3A_42, %add3A_41, %dma_wait3A_344, %dma_wait3A_345] : memref<2x625x20x128xi32, #tpu.memory_space<hbm>> -> memref<1x1x20x128xi32, #tpu.memory_space<hbm>>
        %dma_wait3A_347 = tpu.memref_squeeze %dma_wait3A_346 : memref<1x1x20x128xi32, #tpu.memory_space<hbm>> -> memref<20x128xi32, #tpu.memory_space<hbm>>
        tpu.wait_dma2 semaphore(%run_scoped3A_331 : memref<!tpu.dma_semaphore, #tpu.memory_space<semaphore_mem>>) src(%dma_wait3A_347 : memref<20x128xi32, #tpu.memory_space<hbm>>) dst(%arg6 : memref<20x128xi32, #tpu.memory_space<vmem>>)
        tpu.yield
      }) : () -> ()
      %dma_start3A = arith.constant 0 : i32
      %dma_start3A_43 = arith.constant 0 : i32
      %dma_start3A_44 = arith.constant 0 : i32
      %dma_start3A_45 = arith.constant 0 : i32
      %dma_start3A_46 = arith.constant 0 : i32
      %dma_start3A_47 = tpu.memref_slice %arg7[%dma_start3A_43, %dma_start3A_45, %dma_start3A_46] : memref<10x128x16xf32, #tpu.memory_space<vmem>> -> memref<1x128x16xf32, #tpu.memory_space<vmem>>
      %dma_start3A_48 = tpu.memref_squeeze %dma_start3A_47 : memref<1x128x16xf32, #tpu.memory_space<vmem>> -> memref<128x16xf32, #tpu.memory_space<vmem>>
      %dma_start3A_49 = arith.constant 0 : i32
      %dma_start3A_50 = tpu.memref_slice %arg5[%dma_start3A, %dma_start3A_49] : memref<20x128xi32, #tpu.memory_space<vmem>> -> memref<1x128xi32, #tpu.memory_space<vmem>>
      %dma_start3A_51 = tpu.memref_squeeze %dma_start3A_50 : memref<1x128xi32, #tpu.memory_space<vmem>> -> memref<128xi32, #tpu.memory_space<vmem>>
      %dma_start3A_52 = arith.constant 0 : i32
      %dma_start3A_53 = arith.constant 0 : i32
      %dma_start3A_54 = tpu.memref_slice %arg2[%dma_start3A_52, %dma_start3A_53] : memref<100096x16xf32, #tpu.memory_space<hbm>> -> memref<100096x16xf32, #tpu.memory_space<hbm>>
      %dma_start3A_55 = tpu.memref_slice %arg10[%dma_start3A_44] : memref<10x!tpu.dma_semaphore, #tpu.memory_space<semaphore_mem>> -> memref<1x!tpu.dma_semaphore, #tpu.memory_space<semaphore_mem>>
      %dma_start3A_56 = tpu.memref_squeeze %dma_start3A_55 : memref<1x!tpu.dma_semaphore, #tpu.memory_space<semaphore_mem>> -> memref<!tpu.dma_semaphore, #tpu.memory_space<semaphore_mem>>
      tpu.enqueue_indirect_dma source(%dma_start3A_54 : memref<100096x16xf32, #tpu.memory_space<hbm>>) target(%dma_start3A_48 : memref<128x16xf32, #tpu.memory_space<vmem>>) offsets(%dma_start3A_51 : memref<128xi32, #tpu.memory_space<vmem>>) semaphore(%dma_start3A_56 : memref<!tpu.dma_semaphore, #tpu.memory_space<semaphore_mem>>)
      %dma_start3A_57 = arith.constant 1 : i32
      %dma_start3A_58 = arith.constant 1 : i32
      %dma_start3A_59 = arith.constant 1 : i32
      %dma_start3A_60 = arith.constant 0 : i32
      %dma_start3A_61 = arith.constant 0 : i32
      %dma_start3A_62 = tpu.memref_slice %arg7[%dma_start3A_58, %dma_start3A_60, %dma_start3A_61] : memref<10x128x16xf32, #tpu.memory_space<vmem>> -> memref<1x128x16xf32, #tpu.memory_space<vmem>>
      %dma_start3A_63 = tpu.memref_squeeze %dma_start3A_62 : memref<1x128x16xf32, #tpu.memory_space<vmem>> -> memref<128x16xf32, #tpu.memory_space<vmem>>
      %dma_start3A_64 = arith.constant 0 : i32
      %dma_start3A_65 = tpu.memref_slice %arg5[%dma_start3A_57, %dma_start3A_64] : memref<20x128xi32, #tpu.memory_space<vmem>> -> memref<1x128xi32, #tpu.memory_space<vmem>>
      %dma_start3A_66 = tpu.memref_squeeze %dma_start3A_65 : memref<1x128xi32, #tpu.memory_space<vmem>> -> memref<128xi32, #tpu.memory_space<vmem>>
      %dma_start3A_67 = arith.constant 0 : i32
      %dma_start3A_68 = arith.constant 0 : i32
      %dma_start3A_69 = tpu.memref_slice %arg2[%dma_start3A_67, %dma_start3A_68] : memref<100096x16xf32, #tpu.memory_space<hbm>> -> memref<100096x16xf32, #tpu.memory_space<hbm>>
      %dma_start3A_70 = tpu.memref_slice %arg10[%dma_start3A_59] : memref<10x!tpu.dma_semaphore, #tpu.memory_space<semaphore_mem>> -> memref<1x!tpu.dma_semaphore, #tpu.memory_space<semaphore_mem>>
      %dma_start3A_71 = tpu.memref_squeeze %dma_start3A_70 : memref<1x!tpu.dma_semaphore, #tpu.memory_space<semaphore_mem>> -> memref<!tpu.dma_semaphore, #tpu.memory_space<semaphore_mem>>
      tpu.enqueue_indirect_dma source(%dma_start3A_69 : memref<100096x16xf32, #tpu.memory_space<hbm>>) target(%dma_start3A_63 : memref<128x16xf32, #tpu.memory_space<vmem>>) offsets(%dma_start3A_66 : memref<128xi32, #tpu.memory_space<vmem>>) semaphore(%dma_start3A_71 : memref<!tpu.dma_semaphore, #tpu.memory_space<semaphore_mem>>)
      %dma_start3A_72 = arith.constant 2 : i32
      %dma_start3A_73 = arith.constant 2 : i32
      %dma_start3A_74 = arith.constant 2 : i32
      %dma_start3A_75 = arith.constant 0 : i32
      %dma_start3A_76 = arith.constant 0 : i32
      %dma_start3A_77 = tpu.memref_slice %arg7[%dma_start3A_73, %dma_start3A_75, %dma_start3A_76] : memref<10x128x16xf32, #tpu.memory_space<vmem>> -> memref<1x128x16xf32, #tpu.memory_space<vmem>>
      %dma_start3A_78 = tpu.memref_squeeze %dma_start3A_77 : memref<1x128x16xf32, #tpu.memory_space<vmem>> -> memref<128x16xf32, #tpu.memory_space<vmem>>
      %dma_start3A_79 = arith.constant 0 : i32
      %dma_start3A_80 = tpu.memref_slice %arg5[%dma_start3A_72, %dma_start3A_79] : memref<20x128xi32, #tpu.memory_space<vmem>> -> memref<1x128xi32, #tpu.memory_space<vmem>>
      %dma_start3A_81 = tpu.memref_squeeze %dma_start3A_80 : memref<1x128xi32, #tpu.memory_space<vmem>> -> memref<128xi32, #tpu.memory_space<vmem>>
      %dma_start3A_82 = arith.constant 0 : i32
      %dma_start3A_83 = arith.constant 0 : i32
      %dma_start3A_84 = tpu.memref_slice %arg2[%dma_start3A_82, %dma_start3A_83] : memref<100096x16xf32, #tpu.memory_space<hbm>> -> memref<100096x16xf32, #tpu.memory_space<hbm>>
      %dma_start3A_85 = tpu.memref_slice %arg10[%dma_start3A_74] : memref<10x!tpu.dma_semaphore, #tpu.memory_space<semaphore_mem>> -> memref<1x!tpu.dma_semaphore, #tpu.memory_space<semaphore_mem>>
      %dma_start3A_86 = tpu.memref_squeeze %dma_start3A_85 : memref<1x!tpu.dma_semaphore, #tpu.memory_space<semaphore_mem>> -> memref<!tpu.dma_semaphore, #tpu.memory_space<semaphore_mem>>
      tpu.enqueue_indirect_dma source(%dma_start3A_84 : memref<100096x16xf32, #tpu.memory_space<hbm>>) target(%dma_start3A_78 : memref<128x16xf32, #tpu.memory_space<vmem>>) offsets(%dma_start3A_81 : memref<128xi32, #tpu.memory_space<vmem>>) semaphore(%dma_start3A_86 : memref<!tpu.dma_semaphore, #tpu.memory_space<semaphore_mem>>)
      %dma_start3A_87 = arith.constant 3 : i32
      %dma_start3A_88 = arith.constant 3 : i32
      %dma_start3A_89 = arith.constant 3 : i32
      %dma_start3A_90 = arith.constant 0 : i32
      %dma_start3A_91 = arith.constant 0 : i32
      %dma_start3A_92 = tpu.memref_slice %arg7[%dma_start3A_88, %dma_start3A_90, %dma_start3A_91] : memref<10x128x16xf32, #tpu.memory_space<vmem>> -> memref<1x128x16xf32, #tpu.memory_space<vmem>>
      %dma_start3A_93 = tpu.memref_squeeze %dma_start3A_92 : memref<1x128x16xf32, #tpu.memory_space<vmem>> -> memref<128x16xf32, #tpu.memory_space<vmem>>
      %dma_start3A_94 = arith.constant 0 : i32
      %dma_start3A_95 = tpu.memref_slice %arg5[%dma_start3A_87, %dma_start3A_94] : memref<20x128xi32, #tpu.memory_space<vmem>> -> memref<1x128xi32, #tpu.memory_space<vmem>>
      %dma_start3A_96 = tpu.memref_squeeze %dma_start3A_95 : memref<1x128xi32, #tpu.memory_space<vmem>> -> memref<128xi32, #tpu.memory_space<vmem>>
      %dma_start3A_97 = arith.constant 0 : i32
      %dma_start3A_98 = arith.constant 0 : i32
      %dma_start3A_99 = tpu.memref_slice %arg2[%dma_start3A_97, %dma_start3A_98] : memref<100096x16xf32, #tpu.memory_space<hbm>> -> memref<100096x16xf32, #tpu.memory_space<hbm>>
      %dma_start3A_100 = tpu.memref_slice %arg10[%dma_start3A_89] : memref<10x!tpu.dma_semaphore, #tpu.memory_space<semaphore_mem>> -> memref<1x!tpu.dma_semaphore, #tpu.memory_space<semaphore_mem>>
      %dma_start3A_101 = tpu.memref_squeeze %dma_start3A_100 : memref<1x!tpu.dma_semaphore, #tpu.memory_space<semaphore_mem>> -> memref<!tpu.dma_semaphore, #tpu.memory_space<semaphore_mem>>
      tpu.enqueue_indirect_dma source(%dma_start3A_99 : memref<100096x16xf32, #tpu.memory_space<hbm>>) target(%dma_start3A_93 : memref<128x16xf32, #tpu.memory_space<vmem>>) offsets(%dma_start3A_96 : memref<128xi32, #tpu.memory_space<vmem>>) semaphore(%dma_start3A_101 : memref<!tpu.dma_semaphore, #tpu.memory_space<semaphore_mem>>)
      %dma_start3A_102 = arith.constant 4 : i32
      %dma_start3A_103 = arith.constant 4 : i32
      %dma_start3A_104 = arith.constant 4 : i32
      %dma_start3A_105 = arith.constant 0 : i32
      %dma_start3A_106 = arith.constant 0 : i32
      %dma_start3A_107 = tpu.memref_slice %arg7[%dma_start3A_103, %dma_start3A_105, %dma_start3A_106] : memref<10x128x16xf32, #tpu.memory_space<vmem>> -> memref<1x128x16xf32, #tpu.memory_space<vmem>>
      %dma_start3A_108 = tpu.memref_squeeze %dma_start3A_107 : memref<1x128x16xf32, #tpu.memory_space<vmem>> -> memref<128x16xf32, #tpu.memory_space<vmem>>
      %dma_start3A_109 = arith.constant 0 : i32
      %dma_start3A_110 = tpu.memref_slice %arg5[%dma_start3A_102, %dma_start3A_109] : memref<20x128xi32, #tpu.memory_space<vmem>> -> memref<1x128xi32, #tpu.memory_space<vmem>>
      %dma_start3A_111 = tpu.memref_squeeze %dma_start3A_110 : memref<1x128xi32, #tpu.memory_space<vmem>> -> memref<128xi32, #tpu.memory_space<vmem>>
      %dma_start3A_112 = arith.constant 0 : i32
      %dma_start3A_113 = arith.constant 0 : i32
      %dma_start3A_114 = tpu.memref_slice %arg2[%dma_start3A_112, %dma_start3A_113] : memref<100096x16xf32, #tpu.memory_space<hbm>> -> memref<100096x16xf32, #tpu.memory_space<hbm>>
      %dma_start3A_115 = tpu.memref_slice %arg10[%dma_start3A_104] : memref<10x!tpu.dma_semaphore, #tpu.memory_space<semaphore_mem>> -> memref<1x!tpu.dma_semaphore, #tpu.memory_space<semaphore_mem>>
      %dma_start3A_116 = tpu.memref_squeeze %dma_start3A_115 : memref<1x!tpu.dma_semaphore, #tpu.memory_space<semaphore_mem>> -> memref<!tpu.dma_semaphore, #tpu.memory_space<semaphore_mem>>
      tpu.enqueue_indirect_dma source(%dma_start3A_114 : memref<100096x16xf32, #tpu.memory_space<hbm>>) target(%dma_start3A_108 : memref<128x16xf32, #tpu.memory_space<vmem>>) offsets(%dma_start3A_111 : memref<128xi32, #tpu.memory_space<vmem>>) semaphore(%dma_start3A_116 : memref<!tpu.dma_semaphore, #tpu.memory_space<semaphore_mem>>)
      %dma_start3A_117 = arith.constant 5 : i32
      %dma_start3A_118 = arith.constant 5 : i32
      %dma_start3A_119 = arith.constant 5 : i32
      %dma_start3A_120 = arith.constant 0 : i32
      %dma_start3A_121 = arith.constant 0 : i32
      %dma_start3A_122 = tpu.memref_slice %arg7[%dma_start3A_118, %dma_start3A_120, %dma_start3A_121] : memref<10x128x16xf32, #tpu.memory_space<vmem>> -> memref<1x128x16xf32, #tpu.memory_space<vmem>>
      %dma_start3A_123 = tpu.memref_squeeze %dma_start3A_122 : memref<1x128x16xf32, #tpu.memory_space<vmem>> -> memref<128x16xf32, #tpu.memory_space<vmem>>
      %dma_start3A_124 = arith.constant 0 : i32
      %dma_start3A_125 = tpu.memref_slice %arg5[%dma_start3A_117, %dma_start3A_124] : memref<20x128xi32, #tpu.memory_space<vmem>> -> memref<1x128xi32, #tpu.memory_space<vmem>>
      %dma_start3A_126 = tpu.memref_squeeze %dma_start3A_125 : memref<1x128xi32, #tpu.memory_space<vmem>> -> memref<128xi32, #tpu.memory_space<vmem>>
      %dma_start3A_127 = arith.constant 0 : i32
      %dma_start3A_128 = arith.constant 0 : i32
      %dma_start3A_129 = tpu.memref_slice %arg2[%dma_start3A_127, %dma_start3A_128] : memref<100096x16xf32, #tpu.memory_space<hbm>> -> memref<100096x16xf32, #tpu.memory_space<hbm>>
      %dma_start3A_130 = tpu.memref_slice %arg10[%dma_start3A_119] : memref<10x!tpu.dma_semaphore, #tpu.memory_space<semaphore_mem>> -> memref<1x!tpu.dma_semaphore, #tpu.memory_space<semaphore_mem>>
      %dma_start3A_131 = tpu.memref_squeeze %dma_start3A_130 : memref<1x!tpu.dma_semaphore, #tpu.memory_space<semaphore_mem>> -> memref<!tpu.dma_semaphore, #tpu.memory_space<semaphore_mem>>
      tpu.enqueue_indirect_dma source(%dma_start3A_129 : memref<100096x16xf32, #tpu.memory_space<hbm>>) target(%dma_start3A_123 : memref<128x16xf32, #tpu.memory_space<vmem>>) offsets(%dma_start3A_126 : memref<128xi32, #tpu.memory_space<vmem>>) semaphore(%dma_start3A_131 : memref<!tpu.dma_semaphore, #tpu.memory_space<semaphore_mem>>)
      %dma_start3A_132 = arith.constant 6 : i32
      %dma_start3A_133 = arith.constant 6 : i32
      %dma_start3A_134 = arith.constant 6 : i32
      %dma_start3A_135 = arith.constant 0 : i32
      %dma_start3A_136 = arith.constant 0 : i32
      %dma_start3A_137 = tpu.memref_slice %arg7[%dma_start3A_133, %dma_start3A_135, %dma_start3A_136] : memref<10x128x16xf32, #tpu.memory_space<vmem>> -> memref<1x128x16xf32, #tpu.memory_space<vmem>>
      %dma_start3A_138 = tpu.memref_squeeze %dma_start3A_137 : memref<1x128x16xf32, #tpu.memory_space<vmem>> -> memref<128x16xf32, #tpu.memory_space<vmem>>
      %dma_start3A_139 = arith.constant 0 : i32
      %dma_start3A_140 = tpu.memref_slice %arg5[%dma_start3A_132, %dma_start3A_139] : memref<20x128xi32, #tpu.memory_space<vmem>> -> memref<1x128xi32, #tpu.memory_space<vmem>>
      %dma_start3A_141 = tpu.memref_squeeze %dma_start3A_140 : memref<1x128xi32, #tpu.memory_space<vmem>> -> memref<128xi32, #tpu.memory_space<vmem>>
      %dma_start3A_142 = arith.constant 0 : i32
      %dma_start3A_143 = arith.constant 0 : i32
      %dma_start3A_144 = tpu.memref_slice %arg2[%dma_start3A_142, %dma_start3A_143] : memref<100096x16xf32, #tpu.memory_space<hbm>> -> memref<100096x16xf32, #tpu.memory_space<hbm>>
      %dma_start3A_145 = tpu.memref_slice %arg10[%dma_start3A_134] : memref<10x!tpu.dma_semaphore, #tpu.memory_space<semaphore_mem>> -> memref<1x!tpu.dma_semaphore, #tpu.memory_space<semaphore_mem>>
      %dma_start3A_146 = tpu.memref_squeeze %dma_start3A_145 : memref<1x!tpu.dma_semaphore, #tpu.memory_space<semaphore_mem>> -> memref<!tpu.dma_semaphore, #tpu.memory_space<semaphore_mem>>
      tpu.enqueue_indirect_dma source(%dma_start3A_144 : memref<100096x16xf32, #tpu.memory_space<hbm>>) target(%dma_start3A_138 : memref<128x16xf32, #tpu.memory_space<vmem>>) offsets(%dma_start3A_141 : memref<128xi32, #tpu.memory_space<vmem>>) semaphore(%dma_start3A_146 : memref<!tpu.dma_semaphore, #tpu.memory_space<semaphore_mem>>)
      %dma_start3A_147 = arith.constant 7 : i32
      %dma_start3A_148 = arith.constant 7 : i32
      %dma_start3A_149 = arith.constant 7 : i32
      %dma_start3A_150 = arith.constant 0 : i32
      %dma_start3A_151 = arith.constant 0 : i32
      %dma_start3A_152 = tpu.memref_slice %arg7[%dma_start3A_148, %dma_start3A_150, %dma_start3A_151] : memref<10x128x16xf32, #tpu.memory_space<vmem>> -> memref<1x128x16xf32, #tpu.memory_space<vmem>>
      %dma_start3A_153 = tpu.memref_squeeze %dma_start3A_152 : memref<1x128x16xf32, #tpu.memory_space<vmem>> -> memref<128x16xf32, #tpu.memory_space<vmem>>
      %dma_start3A_154 = arith.constant 0 : i32
      %dma_start3A_155 = tpu.memref_slice %arg5[%dma_start3A_147, %dma_start3A_154] : memref<20x128xi32, #tpu.memory_space<vmem>> -> memref<1x128xi32, #tpu.memory_space<vmem>>
      %dma_start3A_156 = tpu.memref_squeeze %dma_start3A_155 : memref<1x128xi32, #tpu.memory_space<vmem>> -> memref<128xi32, #tpu.memory_space<vmem>>
      %dma_start3A_157 = arith.constant 0 : i32
      %dma_start3A_158 = arith.constant 0 : i32
      %dma_start3A_159 = tpu.memref_slice %arg2[%dma_start3A_157, %dma_start3A_158] : memref<100096x16xf32, #tpu.memory_space<hbm>> -> memref<100096x16xf32, #tpu.memory_space<hbm>>
      %dma_start3A_160 = tpu.memref_slice %arg10[%dma_start3A_149] : memref<10x!tpu.dma_semaphore, #tpu.memory_space<semaphore_mem>> -> memref<1x!tpu.dma_semaphore, #tpu.memory_space<semaphore_mem>>
      %dma_start3A_161 = tpu.memref_squeeze %dma_start3A_160 : memref<1x!tpu.dma_semaphore, #tpu.memory_space<semaphore_mem>> -> memref<!tpu.dma_semaphore, #tpu.memory_space<semaphore_mem>>
      tpu.enqueue_indirect_dma source(%dma_start3A_159 : memref<100096x16xf32, #tpu.memory_space<hbm>>) target(%dma_start3A_153 : memref<128x16xf32, #tpu.memory_space<vmem>>) offsets(%dma_start3A_156 : memref<128xi32, #tpu.memory_space<vmem>>) semaphore(%dma_start3A_161 : memref<!tpu.dma_semaphore, #tpu.memory_space<semaphore_mem>>)
      %dma_start3A_162 = arith.constant 8 : i32
      %dma_start3A_163 = arith.constant 8 : i32
      %dma_start3A_164 = arith.constant 8 : i32
      %dma_start3A_165 = arith.constant 0 : i32
      %dma_start3A_166 = arith.constant 0 : i32
      %dma_start3A_167 = tpu.memref_slice %arg7[%dma_start3A_163, %dma_start3A_165, %dma_start3A_166] : memref<10x128x16xf32, #tpu.memory_space<vmem>> -> memref<1x128x16xf32, #tpu.memory_space<vmem>>
      %dma_start3A_168 = tpu.memref_squeeze %dma_start3A_167 : memref<1x128x16xf32, #tpu.memory_space<vmem>> -> memref<128x16xf32, #tpu.memory_space<vmem>>
      %dma_start3A_169 = arith.constant 0 : i32
      %dma_start3A_170 = tpu.memref_slice %arg5[%dma_start3A_162, %dma_start3A_169] : memref<20x128xi32, #tpu.memory_space<vmem>> -> memref<1x128xi32, #tpu.memory_space<vmem>>
      %dma_start3A_171 = tpu.memref_squeeze %dma_start3A_170 : memref<1x128xi32, #tpu.memory_space<vmem>> -> memref<128xi32, #tpu.memory_space<vmem>>
      %dma_start3A_172 = arith.constant 0 : i32
      %dma_start3A_173 = arith.constant 0 : i32
      %dma_start3A_174 = tpu.memref_slice %arg2[%dma_start3A_172, %dma_start3A_173] : memref<100096x16xf32, #tpu.memory_space<hbm>> -> memref<100096x16xf32, #tpu.memory_space<hbm>>
      %dma_start3A_175 = tpu.memref_slice %arg10[%dma_start3A_164] : memref<10x!tpu.dma_semaphore, #tpu.memory_space<semaphore_mem>> -> memref<1x!tpu.dma_semaphore, #tpu.memory_space<semaphore_mem>>
      %dma_start3A_176 = tpu.memref_squeeze %dma_start3A_175 : memref<1x!tpu.dma_semaphore, #tpu.memory_space<semaphore_mem>> -> memref<!tpu.dma_semaphore, #tpu.memory_space<semaphore_mem>>
      tpu.enqueue_indirect_dma source(%dma_start3A_174 : memref<100096x16xf32, #tpu.memory_space<hbm>>) target(%dma_start3A_168 : memref<128x16xf32, #tpu.memory_space<vmem>>) offsets(%dma_start3A_171 : memref<128xi32, #tpu.memory_space<vmem>>) semaphore(%dma_start3A_176 : memref<!tpu.dma_semaphore, #tpu.memory_space<semaphore_mem>>)
      %scan3A_177 = arith.constant 0 : i32
      %scan3A_178 = arith.constant 20 : i32
      %scan3A_179 = arith.addi %scan3A_177, %scan3A_178 : i32
      %scan3A_180 = arith.constant 1 : i32
      scf.for %scan3A_331 = %scan3A_177 to %scan3A_179 step %scan3A_180  : i32 {
        %mul3A_332 = arith.constant 1 : i32
        %mul3A_333 = arith.muli %scan3A_331, %mul3A_332 : i32
        %add3A_334 = arith.constant 0 : i32
        %add3A_335 = arith.addi %add3A_334, %mul3A_333 : i32
        %rem3A = arith.constant 10 : i32
        %rem3A_336 = arith.remsi %add3A_335, %rem3A : i32
        %dma_wait3A_337 = arith.constant 0 : i32
        %dma_wait3A_338 = arith.constant 0 : i32
        %dma_wait3A_339 = tpu.memref_slice %arg7[%rem3A_336, %dma_wait3A_337, %dma_wait3A_338] : memref<10x128x16xf32, #tpu.memory_space<vmem>> -> memref<1x128x16xf32, #tpu.memory_space<vmem>>
        %dma_wait3A_340 = tpu.memref_squeeze %dma_wait3A_339 : memref<1x128x16xf32, #tpu.memory_space<vmem>> -> memref<128x16xf32, #tpu.memory_space<vmem>>
        %dma_wait3A_341 = arith.constant 0 : i32
        %dma_wait3A_342 = tpu.memref_slice %arg5[%add3A_335, %dma_wait3A_341] : memref<20x128xi32, #tpu.memory_space<vmem>> -> memref<1x128xi32, #tpu.memory_space<vmem>>
        %dma_wait3A_343 = tpu.memref_squeeze %dma_wait3A_342 : memref<1x128xi32, #tpu.memory_space<vmem>> -> memref<128xi32, #tpu.memory_space<vmem>>
        %dma_wait3A_344 = arith.constant 0 : i32
        %dma_wait3A_345 = arith.constant 0 : i32
        %dma_wait3A_346 = tpu.memref_slice %arg2[%dma_wait3A_344, %dma_wait3A_345] : memref<100096x16xf32, #tpu.memory_space<hbm>> -> memref<100096x16xf32, #tpu.memory_space<hbm>>
        %dma_wait3A_347 = tpu.memref_slice %arg10[%rem3A_336] : memref<10x!tpu.dma_semaphore, #tpu.memory_space<semaphore_mem>> -> memref<1x!tpu.dma_semaphore, #tpu.memory_space<semaphore_mem>>
        %dma_wait3A_348 = tpu.memref_squeeze %dma_wait3A_347 : memref<1x!tpu.dma_semaphore, #tpu.memory_space<semaphore_mem>> -> memref<!tpu.dma_semaphore, #tpu.memory_space<semaphore_mem>>
        tpu.wait_indirect_dma semaphore(%dma_wait3A_348 : memref<!tpu.dma_semaphore, #tpu.memory_space<semaphore_mem>>) src(%dma_wait3A_346 : memref<100096x16xf32, #tpu.memory_space<hbm>>) dst(%dma_wait3A_340 : memref<128x16xf32, #tpu.memory_space<vmem>>)
        %dma_start3A_349 = arith.constant 0 : i32
        %dma_start3A_350 = arith.constant 0 : i32
        %dma_start3A_351 = tpu.memref_slice %arg7[%rem3A_336, %dma_start3A_349, %dma_start3A_350] : memref<10x128x16xf32, #tpu.memory_space<vmem>> -> memref<1x128x16xf32, #tpu.memory_space<vmem>>
        %dma_start3A_352 = tpu.memref_squeeze %dma_start3A_351 : memref<1x128x16xf32, #tpu.memory_space<vmem>> -> memref<128x16xf32, #tpu.memory_space<vmem>>
        %dma_start3A_353 = arith.constant 0 : i32
        %dma_start3A_354 = tpu.memref_slice %arg6[%add3A_335, %dma_start3A_353] : memref<20x128xi32, #tpu.memory_space<vmem>> -> memref<1x128xi32, #tpu.memory_space<vmem>>
        %dma_start3A_355 = tpu.memref_squeeze %dma_start3A_354 : memref<1x128xi32, #tpu.memory_space<vmem>> -> memref<128xi32, #tpu.memory_space<vmem>>
        %dma_start3A_356 = arith.constant 0 : i32
        %dma_start3A_357 = arith.constant 0 : i32
        %dma_start3A_358 = tpu.memref_slice %arg9[%dma_start3A_356, %dma_start3A_357] : memref<100096x16xf32, #tpu.memory_space<vmem_shared>> -> memref<100096x16xf32, #tpu.memory_space<vmem_shared>>
        %dma_start3A_359 = tpu.memref_slice %arg11[%rem3A_336] : memref<10x!tpu.dma_semaphore, #tpu.memory_space<semaphore_mem>> -> memref<1x!tpu.dma_semaphore, #tpu.memory_space<semaphore_mem>>
        %dma_start3A_360 = tpu.memref_squeeze %dma_start3A_359 : memref<1x!tpu.dma_semaphore, #tpu.memory_space<semaphore_mem>> -> memref<!tpu.dma_semaphore, #tpu.memory_space<semaphore_mem>>
        tpu.enqueue_indirect_dma source(%dma_start3A_352 : memref<128x16xf32, #tpu.memory_space<vmem>>) target(%dma_start3A_358 : memref<100096x16xf32, #tpu.memory_space<vmem_shared>>) offsets(%dma_start3A_355 : memref<128xi32, #tpu.memory_space<vmem>>) semaphore(%dma_start3A_360 : memref<!tpu.dma_semaphore, #tpu.memory_space<semaphore_mem>>) {add = true}
        %add3A_361 = arith.constant 9 : i32
        %add3A_362 = arith.addi %add3A_335, %add3A_361 : i32
        %lt3A_363 = arith.constant 20 : i32
        %lt3A_364 = arith.cmpi slt, %add3A_362, %lt3A_363 : i32
        %convert_element_type3A = arith.extui %lt3A_364 : i1 to i32
        %cond3A = arith.constant 0 : i32
        %cond3A_365 = arith.cmpi ne, %convert_element_type3A, %cond3A : i32
        scf.if %cond3A_365 {
          %add3A_366 = arith.constant 9 : i32
          %add3A_367 = arith.addi %add3A_335, %add3A_366 : i32
          %rem3A_368 = arith.constant 10 : i32
          %rem3A_369 = arith.remsi %add3A_367, %rem3A_368 : i32
          %ge3A = arith.constant 1 : i32
          %ge3A_370 = arith.cmpi sge, %add3A_335, %ge3A : i32
          %convert_element_type3A_371 = arith.extui %ge3A_370 : i1 to i32
          %cond3A_372 = arith.constant 0 : i32
          %cond3A_373 = arith.cmpi ne, %convert_element_type3A_371, %cond3A_372 : i32
          scf.if %cond3A_373 {
            %dma_wait3A_388 = arith.constant 0 : i32
            %dma_wait3A_389 = arith.constant 0 : i32
            %dma_wait3A_390 = tpu.memref_slice %arg7[%rem3A_369, %dma_wait3A_388, %dma_wait3A_389] : memref<10x128x16xf32, #tpu.memory_space<vmem>> -> memref<1x128x16xf32, #tpu.memory_space<vmem>>
            %dma_wait3A_391 = tpu.memref_squeeze %dma_wait3A_390 : memref<1x128x16xf32, #tpu.memory_space<vmem>> -> memref<128x16xf32, #tpu.memory_space<vmem>>
            %dma_wait3A_392 = arith.constant 0 : i32
            %dma_wait3A_393 = tpu.memref_slice %arg6[%add3A_335, %dma_wait3A_392] : memref<20x128xi32, #tpu.memory_space<vmem>> -> memref<1x128xi32, #tpu.memory_space<vmem>>
            %dma_wait3A_394 = tpu.memref_squeeze %dma_wait3A_393 : memref<1x128xi32, #tpu.memory_space<vmem>> -> memref<128xi32, #tpu.memory_space<vmem>>
            %dma_wait3A_395 = arith.constant 0 : i32
            %dma_wait3A_396 = arith.constant 0 : i32
            %dma_wait3A_397 = tpu.memref_slice %arg9[%dma_wait3A_395, %dma_wait3A_396] : memref<100096x16xf32, #tpu.memory_space<vmem_shared>> -> memref<100096x16xf32, #tpu.memory_space<vmem_shared>>
            %dma_wait3A_398 = tpu.memref_slice %arg11[%rem3A_369] : memref<10x!tpu.dma_semaphore, #tpu.memory_space<semaphore_mem>> -> memref<1x!tpu.dma_semaphore, #tpu.memory_space<semaphore_mem>>
            %dma_wait3A_399 = tpu.memref_squeeze %dma_wait3A_398 : memref<1x!tpu.dma_semaphore, #tpu.memory_space<semaphore_mem>> -> memref<!tpu.dma_semaphore, #tpu.memory_space<semaphore_mem>>
            tpu.wait_indirect_dma semaphore(%dma_wait3A_399 : memref<!tpu.dma_semaphore, #tpu.memory_space<semaphore_mem>>) src(%dma_wait3A_391 : memref<128x16xf32, #tpu.memory_space<vmem>>) dst(%dma_wait3A_397 : memref<100096x16xf32, #tpu.memory_space<vmem_shared>>)
          } else {
          }
          %add3A_374 = arith.constant 9 : i32
          %add3A_375 = arith.addi %add3A_335, %add3A_374 : i32
          %dma_start3A_376 = arith.constant 0 : i32
          %dma_start3A_377 = arith.constant 0 : i32
          %dma_start3A_378 = tpu.memref_slice %arg7[%rem3A_369, %dma_start3A_376, %dma_start3A_377] : memref<10x128x16xf32, #tpu.memory_space<vmem>> -> memref<1x128x16xf32, #tpu.memory_space<vmem>>
          %dma_start3A_379 = tpu.memref_squeeze %dma_start3A_378 : memref<1x128x16xf32, #tpu.memory_space<vmem>> -> memref<128x16xf32, #tpu.memory_space<vmem>>
          %dma_start3A_380 = arith.constant 0 : i32
          %dma_start3A_381 = tpu.memref_slice %arg5[%add3A_375, %dma_start3A_380] : memref<20x128xi32, #tpu.memory_space<vmem>> -> memref<1x128xi32, #tpu.memory_space<vmem>>
          %dma_start3A_382 = tpu.memref_squeeze %dma_start3A_381 : memref<1x128xi32, #tpu.memory_space<vmem>> -> memref<128xi32, #tpu.memory_space<vmem>>
          %dma_start3A_383 = arith.constant 0 : i32
          %dma_start3A_384 = arith.constant 0 : i32
          %dma_start3A_385 = tpu.memref_slice %arg2[%dma_start3A_383, %dma_start3A_384] : memref<100096x16xf32, #tpu.memory_space<hbm>> -> memref<100096x16xf32, #tpu.memory_space<hbm>>
          %dma_start3A_386 = tpu.memref_slice %arg10[%rem3A_369] : memref<10x!tpu.dma_semaphore, #tpu.memory_space<semaphore_mem>> -> memref<1x!tpu.dma_semaphore, #tpu.memory_space<semaphore_mem>>
          %dma_start3A_387 = tpu.memref_squeeze %dma_start3A_386 : memref<1x!tpu.dma_semaphore, #tpu.memory_space<semaphore_mem>> -> memref<!tpu.dma_semaphore, #tpu.memory_space<semaphore_mem>>
          tpu.enqueue_indirect_dma source(%dma_start3A_385 : memref<100096x16xf32, #tpu.memory_space<hbm>>) target(%dma_start3A_379 : memref<128x16xf32, #tpu.memory_space<vmem>>) offsets(%dma_start3A_382 : memref<128xi32, #tpu.memory_space<vmem>>) semaphore(%dma_start3A_387 : memref<!tpu.dma_semaphore, #tpu.memory_space<semaphore_mem>>)
        } else {
        }
      }
      %scan3A_181 = arith.constant 20 : i32
      %dma_wait3A = arith.constant 0 : i32
      %dma_wait3A_182 = arith.constant 0 : i32
      %dma_wait3A_183 = arith.constant 0 : i32
      %dma_wait3A_184 = arith.constant 0 : i32
      %dma_wait3A_185 = arith.constant 0 : i32
      %dma_wait3A_186 = tpu.memref_slice %arg7[%dma_wait3A, %dma_wait3A_184, %dma_wait3A_185] : memref<10x128x16xf32, #tpu.memory_space<vmem>> -> memref<1x128x16xf32, #tpu.memory_space<vmem>>
      %dma_wait3A_187 = tpu.memref_squeeze %dma_wait3A_186 : memref<1x128x16xf32, #tpu.memory_space<vmem>> -> memref<128x16xf32, #tpu.memory_space<vmem>>
      %dma_wait3A_188 = arith.constant 0 : i32
      %dma_wait3A_189 = tpu.memref_slice %arg6[%dma_wait3A_182, %dma_wait3A_188] : memref<20x128xi32, #tpu.memory_space<vmem>> -> memref<1x128xi32, #tpu.memory_space<vmem>>
      %dma_wait3A_190 = tpu.memref_squeeze %dma_wait3A_189 : memref<1x128xi32, #tpu.memory_space<vmem>> -> memref<128xi32, #tpu.memory_space<vmem>>
      %dma_wait3A_191 = arith.constant 0 : i32
      %dma_wait3A_192 = arith.constant 0 : i32
      %dma_wait3A_193 = tpu.memref_slice %arg9[%dma_wait3A_191, %dma_wait3A_192] : memref<100096x16xf32, #tpu.memory_space<vmem_shared>> -> memref<100096x16xf32, #tpu.memory_space<vmem_shared>>
      %dma_wait3A_194 = tpu.memref_slice %arg11[%dma_wait3A_183] : memref<10x!tpu.dma_semaphore, #tpu.memory_space<semaphore_mem>> -> memref<1x!tpu.dma_semaphore, #tpu.memory_space<semaphore_mem>>
      %dma_wait3A_195 = tpu.memref_squeeze %dma_wait3A_194 : memref<1x!tpu.dma_semaphore, #tpu.memory_space<semaphore_mem>> -> memref<!tpu.dma_semaphore, #tpu.memory_space<semaphore_mem>>
      tpu.wait_indirect_dma semaphore(%dma_wait3A_195 : memref<!tpu.dma_semaphore, #tpu.memory_space<semaphore_mem>>) src(%dma_wait3A_187 : memref<128x16xf32, #tpu.memory_space<vmem>>) dst(%dma_wait3A_193 : memref<100096x16xf32, #tpu.memory_space<vmem_shared>>)
      %dma_wait3A_196 = arith.constant 1 : i32
      %dma_wait3A_197 = arith.constant 0 : i32
      %dma_wait3A_198 = arith.constant 1 : i32
      %dma_wait3A_199 = arith.constant 0 : i32
      %dma_wait3A_200 = arith.constant 0 : i32
      %dma_wait3A_201 = tpu.memref_slice %arg7[%dma_wait3A_196, %dma_wait3A_199, %dma_wait3A_200] : memref<10x128x16xf32, #tpu.memory_space<vmem>> -> memref<1x128x16xf32, #tpu.memory_space<vmem>>
      %dma_wait3A_202 = tpu.memref_squeeze %dma_wait3A_201 : memref<1x128x16xf32, #tpu.memory_space<vmem>> -> memref<128x16xf32, #tpu.memory_space<vmem>>
      %dma_wait3A_203 = arith.constant 0 : i32
      %dma_wait3A_204 = tpu.memref_slice %arg6[%dma_wait3A_197, %dma_wait3A_203] : memref<20x128xi32, #tpu.memory_space<vmem>> -> memref<1x128xi32, #tpu.memory_space<vmem>>
      %dma_wait3A_205 = tpu.memref_squeeze %dma_wait3A_204 : memref<1x128xi32, #tpu.memory_space<vmem>> -> memref<128xi32, #tpu.memory_space<vmem>>
      %dma_wait3A_206 = arith.constant 0 : i32
      %dma_wait3A_207 = arith.constant 0 : i32
      %dma_wait3A_208 = tpu.memref_slice %arg9[%dma_wait3A_206, %dma_wait3A_207] : memref<100096x16xf32, #tpu.memory_space<vmem_shared>> -> memref<100096x16xf32, #tpu.memory_space<vmem_shared>>
      %dma_wait3A_209 = tpu.memref_slice %arg11[%dma_wait3A_198] : memref<10x!tpu.dma_semaphore, #tpu.memory_space<semaphore_mem>> -> memref<1x!tpu.dma_semaphore, #tpu.memory_space<semaphore_mem>>
      %dma_wait3A_210 = tpu.memref_squeeze %dma_wait3A_209 : memref<1x!tpu.dma_semaphore, #tpu.memory_space<semaphore_mem>> -> memref<!tpu.dma_semaphore, #tpu.memory_space<semaphore_mem>>
      tpu.wait_indirect_dma semaphore(%dma_wait3A_210 : memref<!tpu.dma_semaphore, #tpu.memory_space<semaphore_mem>>) src(%dma_wait3A_202 : memref<128x16xf32, #tpu.memory_space<vmem>>) dst(%dma_wait3A_208 : memref<100096x16xf32, #tpu.memory_space<vmem_shared>>)
      %dma_wait3A_211 = arith.constant 2 : i32
      %dma_wait3A_212 = arith.constant 0 : i32
      %dma_wait3A_213 = arith.constant 2 : i32
      %dma_wait3A_214 = arith.constant 0 : i32
      %dma_wait3A_215 = arith.constant 0 : i32
      %dma_wait3A_216 = tpu.memref_slice %arg7[%dma_wait3A_211, %dma_wait3A_214, %dma_wait3A_215] : memref<10x128x16xf32, #tpu.memory_space<vmem>> -> memref<1x128x16xf32, #tpu.memory_space<vmem>>
      %dma_wait3A_217 = tpu.memref_squeeze %dma_wait3A_216 : memref<1x128x16xf32, #tpu.memory_space<vmem>> -> memref<128x16xf32, #tpu.memory_space<vmem>>
      %dma_wait3A_218 = arith.constant 0 : i32
      %dma_wait3A_219 = tpu.memref_slice %arg6[%dma_wait3A_212, %dma_wait3A_218] : memref<20x128xi32, #tpu.memory_space<vmem>> -> memref<1x128xi32, #tpu.memory_space<vmem>>
      %dma_wait3A_220 = tpu.memref_squeeze %dma_wait3A_219 : memref<1x128xi32, #tpu.memory_space<vmem>> -> memref<128xi32, #tpu.memory_space<vmem>>
      %dma_wait3A_221 = arith.constant 0 : i32
      %dma_wait3A_222 = arith.constant 0 : i32
      %dma_wait3A_223 = tpu.memref_slice %arg9[%dma_wait3A_221, %dma_wait3A_222] : memref<100096x16xf32, #tpu.memory_space<vmem_shared>> -> memref<100096x16xf32, #tpu.memory_space<vmem_shared>>
      %dma_wait3A_224 = tpu.memref_slice %arg11[%dma_wait3A_213] : memref<10x!tpu.dma_semaphore, #tpu.memory_space<semaphore_mem>> -> memref<1x!tpu.dma_semaphore, #tpu.memory_space<semaphore_mem>>
      %dma_wait3A_225 = tpu.memref_squeeze %dma_wait3A_224 : memref<1x!tpu.dma_semaphore, #tpu.memory_space<semaphore_mem>> -> memref<!tpu.dma_semaphore, #tpu.memory_space<semaphore_mem>>
      tpu.wait_indirect_dma semaphore(%dma_wait3A_225 : memref<!tpu.dma_semaphore, #tpu.memory_space<semaphore_mem>>) src(%dma_wait3A_217 : memref<128x16xf32, #tpu.memory_space<vmem>>) dst(%dma_wait3A_223 : memref<100096x16xf32, #tpu.memory_space<vmem_shared>>)
      %dma_wait3A_226 = arith.constant 3 : i32
      %dma_wait3A_227 = arith.constant 0 : i32
      %dma_wait3A_228 = arith.constant 3 : i32
      %dma_wait3A_229 = arith.constant 0 : i32
      %dma_wait3A_230 = arith.constant 0 : i32
      %dma_wait3A_231 = tpu.memref_slice %arg7[%dma_wait3A_226, %dma_wait3A_229, %dma_wait3A_230] : memref<10x128x16xf32, #tpu.memory_space<vmem>> -> memref<1x128x16xf32, #tpu.memory_space<vmem>>
      %dma_wait3A_232 = tpu.memref_squeeze %dma_wait3A_231 : memref<1x128x16xf32, #tpu.memory_space<vmem>> -> memref<128x16xf32, #tpu.memory_space<vmem>>
      %dma_wait3A_233 = arith.constant 0 : i32
      %dma_wait3A_234 = tpu.memref_slice %arg6[%dma_wait3A_227, %dma_wait3A_233] : memref<20x128xi32, #tpu.memory_space<vmem>> -> memref<1x128xi32, #tpu.memory_space<vmem>>
      %dma_wait3A_235 = tpu.memref_squeeze %dma_wait3A_234 : memref<1x128xi32, #tpu.memory_space<vmem>> -> memref<128xi32, #tpu.memory_space<vmem>>
      %dma_wait3A_236 = arith.constant 0 : i32
      %dma_wait3A_237 = arith.constant 0 : i32
      %dma_wait3A_238 = tpu.memref_slice %arg9[%dma_wait3A_236, %dma_wait3A_237] : memref<100096x16xf32, #tpu.memory_space<vmem_shared>> -> memref<100096x16xf32, #tpu.memory_space<vmem_shared>>
      %dma_wait3A_239 = tpu.memref_slice %arg11[%dma_wait3A_228] : memref<10x!tpu.dma_semaphore, #tpu.memory_space<semaphore_mem>> -> memref<1x!tpu.dma_semaphore, #tpu.memory_space<semaphore_mem>>
      %dma_wait3A_240 = tpu.memref_squeeze %dma_wait3A_239 : memref<1x!tpu.dma_semaphore, #tpu.memory_space<semaphore_mem>> -> memref<!tpu.dma_semaphore, #tpu.memory_space<semaphore_mem>>
      tpu.wait_indirect_dma semaphore(%dma_wait3A_240 : memref<!tpu.dma_semaphore, #tpu.memory_space<semaphore_mem>>) src(%dma_wait3A_232 : memref<128x16xf32, #tpu.memory_space<vmem>>) dst(%dma_wait3A_238 : memref<100096x16xf32, #tpu.memory_space<vmem_shared>>)
      %dma_wait3A_241 = arith.constant 4 : i32
      %dma_wait3A_242 = arith.constant 0 : i32
      %dma_wait3A_243 = arith.constant 4 : i32
      %dma_wait3A_244 = arith.constant 0 : i32
      %dma_wait3A_245 = arith.constant 0 : i32
      %dma_wait3A_246 = tpu.memref_slice %arg7[%dma_wait3A_241, %dma_wait3A_244, %dma_wait3A_245] : memref<10x128x16xf32, #tpu.memory_space<vmem>> -> memref<1x128x16xf32, #tpu.memory_space<vmem>>
      %dma_wait3A_247 = tpu.memref_squeeze %dma_wait3A_246 : memref<1x128x16xf32, #tpu.memory_space<vmem>> -> memref<128x16xf32, #tpu.memory_space<vmem>>
      %dma_wait3A_248 = arith.constant 0 : i32
      %dma_wait3A_249 = tpu.memref_slice %arg6[%dma_wait3A_242, %dma_wait3A_248] : memref<20x128xi32, #tpu.memory_space<vmem>> -> memref<1x128xi32, #tpu.memory_space<vmem>>
      %dma_wait3A_250 = tpu.memref_squeeze %dma_wait3A_249 : memref<1x128xi32, #tpu.memory_space<vmem>> -> memref<128xi32, #tpu.memory_space<vmem>>
      %dma_wait3A_251 = arith.constant 0 : i32
      %dma_wait3A_252 = arith.constant 0 : i32
      %dma_wait3A_253 = tpu.memref_slice %arg9[%dma_wait3A_251, %dma_wait3A_252] : memref<100096x16xf32, #tpu.memory_space<vmem_shared>> -> memref<100096x16xf32, #tpu.memory_space<vmem_shared>>
      %dma_wait3A_254 = tpu.memref_slice %arg11[%dma_wait3A_243] : memref<10x!tpu.dma_semaphore, #tpu.memory_space<semaphore_mem>> -> memref<1x!tpu.dma_semaphore, #tpu.memory_space<semaphore_mem>>
      %dma_wait3A_255 = tpu.memref_squeeze %dma_wait3A_254 : memref<1x!tpu.dma_semaphore, #tpu.memory_space<semaphore_mem>> -> memref<!tpu.dma_semaphore, #tpu.memory_space<semaphore_mem>>
      tpu.wait_indirect_dma semaphore(%dma_wait3A_255 : memref<!tpu.dma_semaphore, #tpu.memory_space<semaphore_mem>>) src(%dma_wait3A_247 : memref<128x16xf32, #tpu.memory_space<vmem>>) dst(%dma_wait3A_253 : memref<100096x16xf32, #tpu.memory_space<vmem_shared>>)
      %dma_wait3A_256 = arith.constant 5 : i32
      %dma_wait3A_257 = arith.constant 0 : i32
      %dma_wait3A_258 = arith.constant 5 : i32
      %dma_wait3A_259 = arith.constant 0 : i32
      %dma_wait3A_260 = arith.constant 0 : i32
      %dma_wait3A_261 = tpu.memref_slice %arg7[%dma_wait3A_256, %dma_wait3A_259, %dma_wait3A_260] : memref<10x128x16xf32, #tpu.memory_space<vmem>> -> memref<1x128x16xf32, #tpu.memory_space<vmem>>
      %dma_wait3A_262 = tpu.memref_squeeze %dma_wait3A_261 : memref<1x128x16xf32, #tpu.memory_space<vmem>> -> memref<128x16xf32, #tpu.memory_space<vmem>>
      %dma_wait3A_263 = arith.constant 0 : i32
      %dma_wait3A_264 = tpu.memref_slice %arg6[%dma_wait3A_257, %dma_wait3A_263] : memref<20x128xi32, #tpu.memory_space<vmem>> -> memref<1x128xi32, #tpu.memory_space<vmem>>
      %dma_wait3A_265 = tpu.memref_squeeze %dma_wait3A_264 : memref<1x128xi32, #tpu.memory_space<vmem>> -> memref<128xi32, #tpu.memory_space<vmem>>
      %dma_wait3A_266 = arith.constant 0 : i32
      %dma_wait3A_267 = arith.constant 0 : i32
      %dma_wait3A_268 = tpu.memref_slice %arg9[%dma_wait3A_266, %dma_wait3A_267] : memref<100096x16xf32, #tpu.memory_space<vmem_shared>> -> memref<100096x16xf32, #tpu.memory_space<vmem_shared>>
      %dma_wait3A_269 = tpu.memref_slice %arg11[%dma_wait3A_258] : memref<10x!tpu.dma_semaphore, #tpu.memory_space<semaphore_mem>> -> memref<1x!tpu.dma_semaphore, #tpu.memory_space<semaphore_mem>>
      %dma_wait3A_270 = tpu.memref_squeeze %dma_wait3A_269 : memref<1x!tpu.dma_semaphore, #tpu.memory_space<semaphore_mem>> -> memref<!tpu.dma_semaphore, #tpu.memory_space<semaphore_mem>>
      tpu.wait_indirect_dma semaphore(%dma_wait3A_270 : memref<!tpu.dma_semaphore, #tpu.memory_space<semaphore_mem>>) src(%dma_wait3A_262 : memref<128x16xf32, #tpu.memory_space<vmem>>) dst(%dma_wait3A_268 : memref<100096x16xf32, #tpu.memory_space<vmem_shared>>)
      %dma_wait3A_271 = arith.constant 6 : i32
      %dma_wait3A_272 = arith.constant 0 : i32
      %dma_wait3A_273 = arith.constant 6 : i32
      %dma_wait3A_274 = arith.constant 0 : i32
      %dma_wait3A_275 = arith.constant 0 : i32
      %dma_wait3A_276 = tpu.memref_slice %arg7[%dma_wait3A_271, %dma_wait3A_274, %dma_wait3A_275] : memref<10x128x16xf32, #tpu.memory_space<vmem>> -> memref<1x128x16xf32, #tpu.memory_space<vmem>>
      %dma_wait3A_277 = tpu.memref_squeeze %dma_wait3A_276 : memref<1x128x16xf32, #tpu.memory_space<vmem>> -> memref<128x16xf32, #tpu.memory_space<vmem>>
      %dma_wait3A_278 = arith.constant 0 : i32
      %dma_wait3A_279 = tpu.memref_slice %arg6[%dma_wait3A_272, %dma_wait3A_278] : memref<20x128xi32, #tpu.memory_space<vmem>> -> memref<1x128xi32, #tpu.memory_space<vmem>>
      %dma_wait3A_280 = tpu.memref_squeeze %dma_wait3A_279 : memref<1x128xi32, #tpu.memory_space<vmem>> -> memref<128xi32, #tpu.memory_space<vmem>>
      %dma_wait3A_281 = arith.constant 0 : i32
      %dma_wait3A_282 = arith.constant 0 : i32
      %dma_wait3A_283 = tpu.memref_slice %arg9[%dma_wait3A_281, %dma_wait3A_282] : memref<100096x16xf32, #tpu.memory_space<vmem_shared>> -> memref<100096x16xf32, #tpu.memory_space<vmem_shared>>
      %dma_wait3A_284 = tpu.memref_slice %arg11[%dma_wait3A_273] : memref<10x!tpu.dma_semaphore, #tpu.memory_space<semaphore_mem>> -> memref<1x!tpu.dma_semaphore, #tpu.memory_space<semaphore_mem>>
      %dma_wait3A_285 = tpu.memref_squeeze %dma_wait3A_284 : memref<1x!tpu.dma_semaphore, #tpu.memory_space<semaphore_mem>> -> memref<!tpu.dma_semaphore, #tpu.memory_space<semaphore_mem>>
      tpu.wait_indirect_dma semaphore(%dma_wait3A_285 : memref<!tpu.dma_semaphore, #tpu.memory_space<semaphore_mem>>) src(%dma_wait3A_277 : memref<128x16xf32, #tpu.memory_space<vmem>>) dst(%dma_wait3A_283 : memref<100096x16xf32, #tpu.memory_space<vmem_shared>>)
      %dma_wait3A_286 = arith.constant 7 : i32
      %dma_wait3A_287 = arith.constant 0 : i32
      %dma_wait3A_288 = arith.constant 7 : i32
      %dma_wait3A_289 = arith.constant 0 : i32
      %dma_wait3A_290 = arith.constant 0 : i32
      %dma_wait3A_291 = tpu.memref_slice %arg7[%dma_wait3A_286, %dma_wait3A_289, %dma_wait3A_290] : memref<10x128x16xf32, #tpu.memory_space<vmem>> -> memref<1x128x16xf32, #tpu.memory_space<vmem>>
      %dma_wait3A_292 = tpu.memref_squeeze %dma_wait3A_291 : memref<1x128x16xf32, #tpu.memory_space<vmem>> -> memref<128x16xf32, #tpu.memory_space<vmem>>
      %dma_wait3A_293 = arith.constant 0 : i32
      %dma_wait3A_294 = tpu.memref_slice %arg6[%dma_wait3A_287, %dma_wait3A_293] : memref<20x128xi32, #tpu.memory_space<vmem>> -> memref<1x128xi32, #tpu.memory_space<vmem>>
      %dma_wait3A_295 = tpu.memref_squeeze %dma_wait3A_294 : memref<1x128xi32, #tpu.memory_space<vmem>> -> memref<128xi32, #tpu.memory_space<vmem>>
      %dma_wait3A_296 = arith.constant 0 : i32
      %dma_wait3A_297 = arith.constant 0 : i32
      %dma_wait3A_298 = tpu.memref_slice %arg9[%dma_wait3A_296, %dma_wait3A_297] : memref<100096x16xf32, #tpu.memory_space<vmem_shared>> -> memref<100096x16xf32, #tpu.memory_space<vmem_shared>>
      %dma_wait3A_299 = tpu.memref_slice %arg11[%dma_wait3A_288] : memref<10x!tpu.dma_semaphore, #tpu.memory_space<semaphore_mem>> -> memref<1x!tpu.dma_semaphore, #tpu.memory_space<semaphore_mem>>
      %dma_wait3A_300 = tpu.memref_squeeze %dma_wait3A_299 : memref<1x!tpu.dma_semaphore, #tpu.memory_space<semaphore_mem>> -> memref<!tpu.dma_semaphore, #tpu.memory_space<semaphore_mem>>
      tpu.wait_indirect_dma semaphore(%dma_wait3A_300 : memref<!tpu.dma_semaphore, #tpu.memory_space<semaphore_mem>>) src(%dma_wait3A_292 : memref<128x16xf32, #tpu.memory_space<vmem>>) dst(%dma_wait3A_298 : memref<100096x16xf32, #tpu.memory_space<vmem_shared>>)
      %dma_wait3A_301 = arith.constant 8 : i32
      %dma_wait3A_302 = arith.constant 0 : i32
      %dma_wait3A_303 = arith.constant 8 : i32
      %dma_wait3A_304 = arith.constant 0 : i32
      %dma_wait3A_305 = arith.constant 0 : i32
      %dma_wait3A_306 = tpu.memref_slice %arg7[%dma_wait3A_301, %dma_wait3A_304, %dma_wait3A_305] : memref<10x128x16xf32, #tpu.memory_space<vmem>> -> memref<1x128x16xf32, #tpu.memory_space<vmem>>
      %dma_wait3A_307 = tpu.memref_squeeze %dma_wait3A_306 : memref<1x128x16xf32, #tpu.memory_space<vmem>> -> memref<128x16xf32, #tpu.memory_space<vmem>>
      %dma_wait3A_308 = arith.constant 0 : i32
      %dma_wait3A_309 = tpu.memref_slice %arg6[%dma_wait3A_302, %dma_wait3A_308] : memref<20x128xi32, #tpu.memory_space<vmem>> -> memref<1x128xi32, #tpu.memory_space<vmem>>
      %dma_wait3A_310 = tpu.memref_squeeze %dma_wait3A_309 : memref<1x128xi32, #tpu.memory_space<vmem>> -> memref<128xi32, #tpu.memory_space<vmem>>
      %dma_wait3A_311 = arith.constant 0 : i32
      %dma_wait3A_312 = arith.constant 0 : i32
      %dma_wait3A_313 = tpu.memref_slice %arg9[%dma_wait3A_311, %dma_wait3A_312] : memref<100096x16xf32, #tpu.memory_space<vmem_shared>> -> memref<100096x16xf32, #tpu.memory_space<vmem_shared>>
      %dma_wait3A_314 = tpu.memref_slice %arg11[%dma_wait3A_303] : memref<10x!tpu.dma_semaphore, #tpu.memory_space<semaphore_mem>> -> memref<1x!tpu.dma_semaphore, #tpu.memory_space<semaphore_mem>>
      %dma_wait3A_315 = tpu.memref_squeeze %dma_wait3A_314 : memref<1x!tpu.dma_semaphore, #tpu.memory_space<semaphore_mem>> -> memref<!tpu.dma_semaphore, #tpu.memory_space<semaphore_mem>>
      tpu.wait_indirect_dma semaphore(%dma_wait3A_315 : memref<!tpu.dma_semaphore, #tpu.memory_space<semaphore_mem>>) src(%dma_wait3A_307 : memref<128x16xf32, #tpu.memory_space<vmem>>) dst(%dma_wait3A_313 : memref<100096x16xf32, #tpu.memory_space<vmem_shared>>)
      %dma_wait3A_316 = arith.constant 9 : i32
      %dma_wait3A_317 = arith.constant 0 : i32
      %dma_wait3A_318 = arith.constant 9 : i32
      %dma_wait3A_319 = arith.constant 0 : i32
      %dma_wait3A_320 = arith.constant 0 : i32
      %dma_wait3A_321 = tpu.memref_slice %arg7[%dma_wait3A_316, %dma_wait3A_319, %dma_wait3A_320] : memref<10x128x16xf32, #tpu.memory_space<vmem>> -> memref<1x128x16xf32, #tpu.memory_space<vmem>>
      %dma_wait3A_322 = tpu.memref_squeeze %dma_wait3A_321 : memref<1x128x16xf32, #tpu.memory_space<vmem>> -> memref<128x16xf32, #tpu.memory_space<vmem>>
      %dma_wait3A_323 = arith.constant 0 : i32
      %dma_wait3A_324 = tpu.memref_slice %arg6[%dma_wait3A_317, %dma_wait3A_323] : memref<20x128xi32, #tpu.memory_space<vmem>> -> memref<1x128xi32, #tpu.memory_space<vmem>>
      %dma_wait3A_325 = tpu.memref_squeeze %dma_wait3A_324 : memref<1x128xi32, #tpu.memory_space<vmem>> -> memref<128xi32, #tpu.memory_space<vmem>>
      %dma_wait3A_326 = arith.constant 0 : i32
      %dma_wait3A_327 = arith.constant 0 : i32
      %dma_wait3A_328 = tpu.memref_slice %arg9[%dma_wait3A_326, %dma_wait3A_327] : memref<100096x16xf32, #tpu.memory_space<vmem_shared>> -> memref<100096x16xf32, #tpu.memory_space<vmem_shared>>
      %dma_wait3A_329 = tpu.memref_slice %arg11[%dma_wait3A_318] : memref<10x!tpu.dma_semaphore, #tpu.memory_space<semaphore_mem>> -> memref<1x!tpu.dma_semaphore, #tpu.memory_space<semaphore_mem>>
      %dma_wait3A_330 = tpu.memref_squeeze %dma_wait3A_329 : memref<1x!tpu.dma_semaphore, #tpu.memory_space<semaphore_mem>> -> memref<!tpu.dma_semaphore, #tpu.memory_space<semaphore_mem>>
      tpu.wait_indirect_dma semaphore(%dma_wait3A_330 : memref<!tpu.dma_semaphore, #tpu.memory_space<semaphore_mem>>) src(%dma_wait3A_322 : memref<128x16xf32, #tpu.memory_space<vmem>>) dst(%dma_wait3A_328 : memref<100096x16xf32, #tpu.memory_space<vmem_shared>>)
    }
    %while3A_33 = arith.constant 1 : i32
    scf.for %while3A_39 = %while3A_31 to %while3A_27 step %while3A_33  : i32 {
      %mul3A_40 = arith.muli %while3A_39, %while3A : i32
      %add3A_41 = arith.addi %add3A_14, %mul3A_40 : i32
      %run_scoped3A = arith.constant 0 : i32
      "tpu.region"() ({
        %run_scoped3A_331 = tpu.sem_alloc : memref<!tpu.dma_semaphore, #tpu.memory_space<semaphore_mem>>
        %dma_start3A_332 = arith.constant 0 : i32
        %dma_start3A_333 = arith.constant 0 : i32
        %dma_start3A_334 = tpu.memref_slice %arg3[%run_scoped3A, %add3A_41, %dma_start3A_332, %dma_start3A_333] : memref<2x625x20x128xi32, #tpu.memory_space<hbm>> -> memref<1x1x20x128xi32, #tpu.memory_space<hbm>>
        %dma_start3A_335 = tpu.memref_squeeze %dma_start3A_334 : memref<1x1x20x128xi32, #tpu.memory_space<hbm>> -> memref<20x128xi32, #tpu.memory_space<hbm>>
        %dma_start3A_336 = arith.constant 0 : i32
        %dma_start3A_337 = arith.constant 0 : i32
        %dma_start3A_338 = tpu.memref_slice %arg3[%run_scoped3A, %add3A_41, %dma_start3A_336, %dma_start3A_337] : memref<2x625x20x128xi32, #tpu.memory_space<hbm>> -> memref<1x1x20x128xi32, #tpu.memory_space<hbm>>
        %dma_start3A_339 = tpu.memref_squeeze %dma_start3A_338 : memref<1x1x20x128xi32, #tpu.memory_space<hbm>> -> memref<20x128xi32, #tpu.memory_space<hbm>>
        tpu.enqueue_dma source(%dma_start3A_339 : memref<20x128xi32, #tpu.memory_space<hbm>>) target(%arg5 : memref<20x128xi32, #tpu.memory_space<vmem>>) target_semaphore(%run_scoped3A_331 : memref<!tpu.dma_semaphore, #tpu.memory_space<semaphore_mem>>)
        %dma_wait3A_340 = arith.constant 0 : i32
        %dma_wait3A_341 = arith.constant 0 : i32
        %dma_wait3A_342 = tpu.memref_slice %arg3[%run_scoped3A, %add3A_41, %dma_wait3A_340, %dma_wait3A_341] : memref<2x625x20x128xi32, #tpu.memory_space<hbm>> -> memref<1x1x20x128xi32, #tpu.memory_space<hbm>>
        %dma_wait3A_343 = tpu.memref_squeeze %dma_wait3A_342 : memref<1x1x20x128xi32, #tpu.memory_space<hbm>> -> memref<20x128xi32, #tpu.memory_space<hbm>>
        %dma_wait3A_344 = arith.constant 0 : i32
        %dma_wait3A_345 = arith.constant 0 : i32
        %dma_wait3A_346 = tpu.memref_slice %arg3[%run_scoped3A, %add3A_41, %dma_wait3A_344, %dma_wait3A_345] : memref<2x625x20x128xi32, #tpu.memory_space<hbm>> -> memref<1x1x20x128xi32, #tpu.memory_space<hbm>>
        %dma_wait3A_347 = tpu.memref_squeeze %dma_wait3A_346 : memref<1x1x20x128xi32, #tpu.memory_space<hbm>> -> memref<20x128xi32, #tpu.memory_space<hbm>>
        tpu.wait_dma2 semaphore(%run_scoped3A_331 : memref<!tpu.dma_semaphore, #tpu.memory_space<semaphore_mem>>) src(%dma_wait3A_347 : memref<20x128xi32, #tpu.memory_space<hbm>>) dst(%arg5 : memref<20x128xi32, #tpu.memory_space<vmem>>)
        tpu.yield
      }) : () -> ()
      %run_scoped3A_42 = arith.constant 1 : i32
      "tpu.region"() ({
        %run_scoped3A_331 = tpu.sem_alloc : memref<!tpu.dma_semaphore, #tpu.memory_space<semaphore_mem>>
        %dma_start3A_332 = arith.constant 0 : i32
        %dma_start3A_333 = arith.constant 0 : i32
        %dma_start3A_334 = tpu.memref_slice %arg3[%run_scoped3A_42, %add3A_41, %dma_start3A_332, %dma_start3A_333] : memref<2x625x20x128xi32, #tpu.memory_space<hbm>> -> memref<1x1x20x128xi32, #tpu.memory_space<hbm>>
        %dma_start3A_335 = tpu.memref_squeeze %dma_start3A_334 : memref<1x1x20x128xi32, #tpu.memory_space<hbm>> -> memref<20x128xi32, #tpu.memory_space<hbm>>
        %dma_start3A_336 = arith.constant 0 : i32
        %dma_start3A_337 = arith.constant 0 : i32
        %dma_start3A_338 = tpu.memref_slice %arg3[%run_scoped3A_42, %add3A_41, %dma_start3A_336, %dma_start3A_337] : memref<2x625x20x128xi32, #tpu.memory_space<hbm>> -> memref<1x1x20x128xi32, #tpu.memory_space<hbm>>
        %dma_start3A_339 = tpu.memref_squeeze %dma_start3A_338 : memref<1x1x20x128xi32, #tpu.memory_space<hbm>> -> memref<20x128xi32, #tpu.memory_space<hbm>>
        tpu.enqueue_dma source(%dma_start3A_339 : memref<20x128xi32, #tpu.memory_space<hbm>>) target(%arg6 : memref<20x128xi32, #tpu.memory_space<vmem>>) target_semaphore(%run_scoped3A_331 : memref<!tpu.dma_semaphore, #tpu.memory_space<semaphore_mem>>)
        %dma_wait3A_340 = arith.constant 0 : i32
        %dma_wait3A_341 = arith.constant 0 : i32
        %dma_wait3A_342 = tpu.memref_slice %arg3[%run_scoped3A_42, %add3A_41, %dma_wait3A_340, %dma_wait3A_341] : memref<2x625x20x128xi32, #tpu.memory_space<hbm>> -> memref<1x1x20x128xi32, #tpu.memory_space<hbm>>
        %dma_wait3A_343 = tpu.memref_squeeze %dma_wait3A_342 : memref<1x1x20x128xi32, #tpu.memory_space<hbm>> -> memref<20x128xi32, #tpu.memory_space<hbm>>
        %dma_wait3A_344 = arith.constant 0 : i32
        %dma_wait3A_345 = arith.constant 0 : i32
        %dma_wait3A_346 = tpu.memref_slice %arg3[%run_scoped3A_42, %add3A_41, %dma_wait3A_344, %dma_wait3A_345] : memref<2x625x20x128xi32, #tpu.memory_space<hbm>> -> memref<1x1x20x128xi32, #tpu.memory_space<hbm>>
        %dma_wait3A_347 = tpu.memref_squeeze %dma_wait3A_346 : memref<1x1x20x128xi32, #tpu.memory_space<hbm>> -> memref<20x128xi32, #tpu.memory_space<hbm>>
        tpu.wait_dma2 semaphore(%run_scoped3A_331 : memref<!tpu.dma_semaphore, #tpu.memory_space<semaphore_mem>>) src(%dma_wait3A_347 : memref<20x128xi32, #tpu.memory_space<hbm>>) dst(%arg6 : memref<20x128xi32, #tpu.memory_space<vmem>>)
        tpu.yield
      }) : () -> ()
      %dma_start3A = arith.constant 0 : i32
      %dma_start3A_43 = arith.constant 0 : i32
      %dma_start3A_44 = arith.constant 0 : i32
      %dma_start3A_45 = arith.constant 0 : i32
      %dma_start3A_46 = arith.constant 0 : i32
      %dma_start3A_47 = tpu.memref_slice %arg7[%dma_start3A_43, %dma_start3A_45, %dma_start3A_46] : memref<10x128x16xf32, #tpu.memory_space<vmem>> -> memref<1x128x16xf32, #tpu.memory_space<vmem>>
      %dma_start3A_48 = tpu.memref_squeeze %dma_start3A_47 : memref<1x128x16xf32, #tpu.memory_space<vmem>> -> memref<128x16xf32, #tpu.memory_space<vmem>>
      %dma_start3A_49 = arith.constant 0 : i32
      %dma_start3A_50 = tpu.memref_slice %arg5[%dma_start3A, %dma_start3A_49] : memref<20x128xi32, #tpu.memory_space<vmem>> -> memref<1x128xi32, #tpu.memory_space<vmem>>
      %dma_start3A_51 = tpu.memref_squeeze %dma_start3A_50 : memref<1x128xi32, #tpu.memory_space<vmem>> -> memref<128xi32, #tpu.memory_space<vmem>>
      %dma_start3A_52 = arith.constant 0 : i32
      %dma_start3A_53 = arith.constant 0 : i32
      %dma_start3A_54 = tpu.memref_slice %arg2[%dma_start3A_52, %dma_start3A_53] : memref<100096x16xf32, #tpu.memory_space<hbm>> -> memref<100096x16xf32, #tpu.memory_space<hbm>>
      %dma_start3A_55 = tpu.memref_slice %arg10[%dma_start3A_44] : memref<10x!tpu.dma_semaphore, #tpu.memory_space<semaphore_mem>> -> memref<1x!tpu.dma_semaphore, #tpu.memory_space<semaphore_mem>>
      %dma_start3A_56 = tpu.memref_squeeze %dma_start3A_55 : memref<1x!tpu.dma_semaphore, #tpu.memory_space<semaphore_mem>> -> memref<!tpu.dma_semaphore, #tpu.memory_space<semaphore_mem>>
      tpu.enqueue_indirect_dma source(%dma_start3A_54 : memref<100096x16xf32, #tpu.memory_space<hbm>>) target(%dma_start3A_48 : memref<128x16xf32, #tpu.memory_space<vmem>>) offsets(%dma_start3A_51 : memref<128xi32, #tpu.memory_space<vmem>>) semaphore(%dma_start3A_56 : memref<!tpu.dma_semaphore, #tpu.memory_space<semaphore_mem>>)
      %dma_start3A_57 = arith.constant 1 : i32
      %dma_start3A_58 = arith.constant 1 : i32
      %dma_start3A_59 = arith.constant 1 : i32
      %dma_start3A_60 = arith.constant 0 : i32
      %dma_start3A_61 = arith.constant 0 : i32
      %dma_start3A_62 = tpu.memref_slice %arg7[%dma_start3A_58, %dma_start3A_60, %dma_start3A_61] : memref<10x128x16xf32, #tpu.memory_space<vmem>> -> memref<1x128x16xf32, #tpu.memory_space<vmem>>
      %dma_start3A_63 = tpu.memref_squeeze %dma_start3A_62 : memref<1x128x16xf32, #tpu.memory_space<vmem>> -> memref<128x16xf32, #tpu.memory_space<vmem>>
      %dma_start3A_64 = arith.constant 0 : i32
      %dma_start3A_65 = tpu.memref_slice %arg5[%dma_start3A_57, %dma_start3A_64] : memref<20x128xi32, #tpu.memory_space<vmem>> -> memref<1x128xi32, #tpu.memory_space<vmem>>
      %dma_start3A_66 = tpu.memref_squeeze %dma_start3A_65 : memref<1x128xi32, #tpu.memory_space<vmem>> -> memref<128xi32, #tpu.memory_space<vmem>>
      %dma_start3A_67 = arith.constant 0 : i32
      %dma_start3A_68 = arith.constant 0 : i32
      %dma_start3A_69 = tpu.memref_slice %arg2[%dma_start3A_67, %dma_start3A_68] : memref<100096x16xf32, #tpu.memory_space<hbm>> -> memref<100096x16xf32, #tpu.memory_space<hbm>>
      %dma_start3A_70 = tpu.memref_slice %arg10[%dma_start3A_59] : memref<10x!tpu.dma_semaphore, #tpu.memory_space<semaphore_mem>> -> memref<1x!tpu.dma_semaphore, #tpu.memory_space<semaphore_mem>>
      %dma_start3A_71 = tpu.memref_squeeze %dma_start3A_70 : memref<1x!tpu.dma_semaphore, #tpu.memory_space<semaphore_mem>> -> memref<!tpu.dma_semaphore, #tpu.memory_space<semaphore_mem>>
      tpu.enqueue_indirect_dma source(%dma_start3A_69 : memref<100096x16xf32, #tpu.memory_space<hbm>>) target(%dma_start3A_63 : memref<128x16xf32, #tpu.memory_space<vmem>>) offsets(%dma_start3A_66 : memref<128xi32, #tpu.memory_space<vmem>>) semaphore(%dma_start3A_71 : memref<!tpu.dma_semaphore, #tpu.memory_space<semaphore_mem>>)
      %dma_start3A_72 = arith.constant 2 : i32
      %dma_start3A_73 = arith.constant 2 : i32
      %dma_start3A_74 = arith.constant 2 : i32
      %dma_start3A_75 = arith.constant 0 : i32
      %dma_start3A_76 = arith.constant 0 : i32
      %dma_start3A_77 = tpu.memref_slice %arg7[%dma_start3A_73, %dma_start3A_75, %dma_start3A_76] : memref<10x128x16xf32, #tpu.memory_space<vmem>> -> memref<1x128x16xf32, #tpu.memory_space<vmem>>
      %dma_start3A_78 = tpu.memref_squeeze %dma_start3A_77 : memref<1x128x16xf32, #tpu.memory_space<vmem>> -> memref<128x16xf32, #tpu.memory_space<vmem>>
      %dma_start3A_79 = arith.constant 0 : i32
      %dma_start3A_80 = tpu.memref_slice %arg5[%dma_start3A_72, %dma_start3A_79] : memref<20x128xi32, #tpu.memory_space<vmem>> -> memref<1x128xi32, #tpu.memory_space<vmem>>
      %dma_start3A_81 = tpu.memref_squeeze %dma_start3A_80 : memref<1x128xi32, #tpu.memory_space<vmem>> -> memref<128xi32, #tpu.memory_space<vmem>>
      %dma_start3A_82 = arith.constant 0 : i32
      %dma_start3A_83 = arith.constant 0 : i32
      %dma_start3A_84 = tpu.memref_slice %arg2[%dma_start3A_82, %dma_start3A_83] : memref<100096x16xf32, #tpu.memory_space<hbm>> -> memref<100096x16xf32, #tpu.memory_space<hbm>>
      %dma_start3A_85 = tpu.memref_slice %arg10[%dma_start3A_74] : memref<10x!tpu.dma_semaphore, #tpu.memory_space<semaphore_mem>> -> memref<1x!tpu.dma_semaphore, #tpu.memory_space<semaphore_mem>>
      %dma_start3A_86 = tpu.memref_squeeze %dma_start3A_85 : memref<1x!tpu.dma_semaphore, #tpu.memory_space<semaphore_mem>> -> memref<!tpu.dma_semaphore, #tpu.memory_space<semaphore_mem>>
      tpu.enqueue_indirect_dma source(%dma_start3A_84 : memref<100096x16xf32, #tpu.memory_space<hbm>>) target(%dma_start3A_78 : memref<128x16xf32, #tpu.memory_space<vmem>>) offsets(%dma_start3A_81 : memref<128xi32, #tpu.memory_space<vmem>>) semaphore(%dma_start3A_86 : memref<!tpu.dma_semaphore, #tpu.memory_space<semaphore_mem>>)
      %dma_start3A_87 = arith.constant 3 : i32
      %dma_start3A_88 = arith.constant 3 : i32
      %dma_start3A_89 = arith.constant 3 : i32
      %dma_start3A_90 = arith.constant 0 : i32
      %dma_start3A_91 = arith.constant 0 : i32
      %dma_start3A_92 = tpu.memref_slice %arg7[%dma_start3A_88, %dma_start3A_90, %dma_start3A_91] : memref<10x128x16xf32, #tpu.memory_space<vmem>> -> memref<1x128x16xf32, #tpu.memory_space<vmem>>
      %dma_start3A_93 = tpu.memref_squeeze %dma_start3A_92 : memref<1x128x16xf32, #tpu.memory_space<vmem>> -> memref<128x16xf32, #tpu.memory_space<vmem>>
      %dma_start3A_94 = arith.constant 0 : i32
      %dma_start3A_95 = tpu.memref_slice %arg5[%dma_start3A_87, %dma_start3A_94] : memref<20x128xi32, #tpu.memory_space<vmem>> -> memref<1x128xi32, #tpu.memory_space<vmem>>
      %dma_start3A_96 = tpu.memref_squeeze %dma_start3A_95 : memref<1x128xi32, #tpu.memory_space<vmem>> -> memref<128xi32, #tpu.memory_space<vmem>>
      %dma_start3A_97 = arith.constant 0 : i32
      %dma_start3A_98 = arith.constant 0 : i32
      %dma_start3A_99 = tpu.memref_slice %arg2[%dma_start3A_97, %dma_start3A_98] : memref<100096x16xf32, #tpu.memory_space<hbm>> -> memref<100096x16xf32, #tpu.memory_space<hbm>>
      %dma_start3A_100 = tpu.memref_slice %arg10[%dma_start3A_89] : memref<10x!tpu.dma_semaphore, #tpu.memory_space<semaphore_mem>> -> memref<1x!tpu.dma_semaphore, #tpu.memory_space<semaphore_mem>>
      %dma_start3A_101 = tpu.memref_squeeze %dma_start3A_100 : memref<1x!tpu.dma_semaphore, #tpu.memory_space<semaphore_mem>> -> memref<!tpu.dma_semaphore, #tpu.memory_space<semaphore_mem>>
      tpu.enqueue_indirect_dma source(%dma_start3A_99 : memref<100096x16xf32, #tpu.memory_space<hbm>>) target(%dma_start3A_93 : memref<128x16xf32, #tpu.memory_space<vmem>>) offsets(%dma_start3A_96 : memref<128xi32, #tpu.memory_space<vmem>>) semaphore(%dma_start3A_101 : memref<!tpu.dma_semaphore, #tpu.memory_space<semaphore_mem>>)
      %dma_start3A_102 = arith.constant 4 : i32
      %dma_start3A_103 = arith.constant 4 : i32
      %dma_start3A_104 = arith.constant 4 : i32
      %dma_start3A_105 = arith.constant 0 : i32
      %dma_start3A_106 = arith.constant 0 : i32
      %dma_start3A_107 = tpu.memref_slice %arg7[%dma_start3A_103, %dma_start3A_105, %dma_start3A_106] : memref<10x128x16xf32, #tpu.memory_space<vmem>> -> memref<1x128x16xf32, #tpu.memory_space<vmem>>
      %dma_start3A_108 = tpu.memref_squeeze %dma_start3A_107 : memref<1x128x16xf32, #tpu.memory_space<vmem>> -> memref<128x16xf32, #tpu.memory_space<vmem>>
      %dma_start3A_109 = arith.constant 0 : i32
      %dma_start3A_110 = tpu.memref_slice %arg5[%dma_start3A_102, %dma_start3A_109] : memref<20x128xi32, #tpu.memory_space<vmem>> -> memref<1x128xi32, #tpu.memory_space<vmem>>
      %dma_start3A_111 = tpu.memref_squeeze %dma_start3A_110 : memref<1x128xi32, #tpu.memory_space<vmem>> -> memref<128xi32, #tpu.memory_space<vmem>>
      %dma_start3A_112 = arith.constant 0 : i32
      %dma_start3A_113 = arith.constant 0 : i32
      %dma_start3A_114 = tpu.memref_slice %arg2[%dma_start3A_112, %dma_start3A_113] : memref<100096x16xf32, #tpu.memory_space<hbm>> -> memref<100096x16xf32, #tpu.memory_space<hbm>>
      %dma_start3A_115 = tpu.memref_slice %arg10[%dma_start3A_104] : memref<10x!tpu.dma_semaphore, #tpu.memory_space<semaphore_mem>> -> memref<1x!tpu.dma_semaphore, #tpu.memory_space<semaphore_mem>>
      %dma_start3A_116 = tpu.memref_squeeze %dma_start3A_115 : memref<1x!tpu.dma_semaphore, #tpu.memory_space<semaphore_mem>> -> memref<!tpu.dma_semaphore, #tpu.memory_space<semaphore_mem>>
      tpu.enqueue_indirect_dma source(%dma_start3A_114 : memref<100096x16xf32, #tpu.memory_space<hbm>>) target(%dma_start3A_108 : memref<128x16xf32, #tpu.memory_space<vmem>>) offsets(%dma_start3A_111 : memref<128xi32, #tpu.memory_space<vmem>>) semaphore(%dma_start3A_116 : memref<!tpu.dma_semaphore, #tpu.memory_space<semaphore_mem>>)
      %dma_start3A_117 = arith.constant 5 : i32
      %dma_start3A_118 = arith.constant 5 : i32
      %dma_start3A_119 = arith.constant 5 : i32
      %dma_start3A_120 = arith.constant 0 : i32
      %dma_start3A_121 = arith.constant 0 : i32
      %dma_start3A_122 = tpu.memref_slice %arg7[%dma_start3A_118, %dma_start3A_120, %dma_start3A_121] : memref<10x128x16xf32, #tpu.memory_space<vmem>> -> memref<1x128x16xf32, #tpu.memory_space<vmem>>
      %dma_start3A_123 = tpu.memref_squeeze %dma_start3A_122 : memref<1x128x16xf32, #tpu.memory_space<vmem>> -> memref<128x16xf32, #tpu.memory_space<vmem>>
      %dma_start3A_124 = arith.constant 0 : i32
      %dma_start3A_125 = tpu.memref_slice %arg5[%dma_start3A_117, %dma_start3A_124] : memref<20x128xi32, #tpu.memory_space<vmem>> -> memref<1x128xi32, #tpu.memory_space<vmem>>
      %dma_start3A_126 = tpu.memref_squeeze %dma_start3A_125 : memref<1x128xi32, #tpu.memory_space<vmem>> -> memref<128xi32, #tpu.memory_space<vmem>>
      %dma_start3A_127 = arith.constant 0 : i32
      %dma_start3A_128 = arith.constant 0 : i32
      %dma_start3A_129 = tpu.memref_slice %arg2[%dma_start3A_127, %dma_start3A_128] : memref<100096x16xf32, #tpu.memory_space<hbm>> -> memref<100096x16xf32, #tpu.memory_space<hbm>>
      %dma_start3A_130 = tpu.memref_slice %arg10[%dma_start3A_119] : memref<10x!tpu.dma_semaphore, #tpu.memory_space<semaphore_mem>> -> memref<1x!tpu.dma_semaphore, #tpu.memory_space<semaphore_mem>>
      %dma_start3A_131 = tpu.memref_squeeze %dma_start3A_130 : memref<1x!tpu.dma_semaphore, #tpu.memory_space<semaphore_mem>> -> memref<!tpu.dma_semaphore, #tpu.memory_space<semaphore_mem>>
      tpu.enqueue_indirect_dma source(%dma_start3A_129 : memref<100096x16xf32, #tpu.memory_space<hbm>>) target(%dma_start3A_123 : memref<128x16xf32, #tpu.memory_space<vmem>>) offsets(%dma_start3A_126 : memref<128xi32, #tpu.memory_space<vmem>>) semaphore(%dma_start3A_131 : memref<!tpu.dma_semaphore, #tpu.memory_space<semaphore_mem>>)
      %dma_start3A_132 = arith.constant 6 : i32
      %dma_start3A_133 = arith.constant 6 : i32
      %dma_start3A_134 = arith.constant 6 : i32
      %dma_start3A_135 = arith.constant 0 : i32
      %dma_start3A_136 = arith.constant 0 : i32
      %dma_start3A_137 = tpu.memref_slice %arg7[%dma_start3A_133, %dma_start3A_135, %dma_start3A_136] : memref<10x128x16xf32, #tpu.memory_space<vmem>> -> memref<1x128x16xf32, #tpu.memory_space<vmem>>
      %dma_start3A_138 = tpu.memref_squeeze %dma_start3A_137 : memref<1x128x16xf32, #tpu.memory_space<vmem>> -> memref<128x16xf32, #tpu.memory_space<vmem>>
      %dma_start3A_139 = arith.constant 0 : i32
      %dma_start3A_140 = tpu.memref_slice %arg5[%dma_start3A_132, %dma_start3A_139] : memref<20x128xi32, #tpu.memory_space<vmem>> -> memref<1x128xi32, #tpu.memory_space<vmem>>
      %dma_start3A_141 = tpu.memref_squeeze %dma_start3A_140 : memref<1x128xi32, #tpu.memory_space<vmem>> -> memref<128xi32, #tpu.memory_space<vmem>>
      %dma_start3A_142 = arith.constant 0 : i32
      %dma_start3A_143 = arith.constant 0 : i32
      %dma_start3A_144 = tpu.memref_slice %arg2[%dma_start3A_142, %dma_start3A_143] : memref<100096x16xf32, #tpu.memory_space<hbm>> -> memref<100096x16xf32, #tpu.memory_space<hbm>>
      %dma_start3A_145 = tpu.memref_slice %arg10[%dma_start3A_134] : memref<10x!tpu.dma_semaphore, #tpu.memory_space<semaphore_mem>> -> memref<1x!tpu.dma_semaphore, #tpu.memory_space<semaphore_mem>>
      %dma_start3A_146 = tpu.memref_squeeze %dma_start3A_145 : memref<1x!tpu.dma_semaphore, #tpu.memory_space<semaphore_mem>> -> memref<!tpu.dma_semaphore, #tpu.memory_space<semaphore_mem>>
      tpu.enqueue_indirect_dma source(%dma_start3A_144 : memref<100096x16xf32, #tpu.memory_space<hbm>>) target(%dma_start3A_138 : memref<128x16xf32, #tpu.memory_space<vmem>>) offsets(%dma_start3A_141 : memref<128xi32, #tpu.memory_space<vmem>>) semaphore(%dma_start3A_146 : memref<!tpu.dma_semaphore, #tpu.memory_space<semaphore_mem>>)
      %dma_start3A_147 = arith.constant 7 : i32
      %dma_start3A_148 = arith.constant 7 : i32
      %dma_start3A_149 = arith.constant 7 : i32
      %dma_start3A_150 = arith.constant 0 : i32
      %dma_start3A_151 = arith.constant 0 : i32
      %dma_start3A_152 = tpu.memref_slice %arg7[%dma_start3A_148, %dma_start3A_150, %dma_start3A_151] : memref<10x128x16xf32, #tpu.memory_space<vmem>> -> memref<1x128x16xf32, #tpu.memory_space<vmem>>
      %dma_start3A_153 = tpu.memref_squeeze %dma_start3A_152 : memref<1x128x16xf32, #tpu.memory_space<vmem>> -> memref<128x16xf32, #tpu.memory_space<vmem>>
      %dma_start3A_154 = arith.constant 0 : i32
      %dma_start3A_155 = tpu.memref_slice %arg5[%dma_start3A_147, %dma_start3A_154] : memref<20x128xi32, #tpu.memory_space<vmem>> -> memref<1x128xi32, #tpu.memory_space<vmem>>
      %dma_start3A_156 = tpu.memref_squeeze %dma_start3A_155 : memref<1x128xi32, #tpu.memory_space<vmem>> -> memref<128xi32, #tpu.memory_space<vmem>>
      %dma_start3A_157 = arith.constant 0 : i32
      %dma_start3A_158 = arith.constant 0 : i32
      %dma_start3A_159 = tpu.memref_slice %arg2[%dma_start3A_157, %dma_start3A_158] : memref<100096x16xf32, #tpu.memory_space<hbm>> -> memref<100096x16xf32, #tpu.memory_space<hbm>>
      %dma_start3A_160 = tpu.memref_slice %arg10[%dma_start3A_149] : memref<10x!tpu.dma_semaphore, #tpu.memory_space<semaphore_mem>> -> memref<1x!tpu.dma_semaphore, #tpu.memory_space<semaphore_mem>>
      %dma_start3A_161 = tpu.memref_squeeze %dma_start3A_160 : memref<1x!tpu.dma_semaphore, #tpu.memory_space<semaphore_mem>> -> memref<!tpu.dma_semaphore, #tpu.memory_space<semaphore_mem>>
      tpu.enqueue_indirect_dma source(%dma_start3A_159 : memref<100096x16xf32, #tpu.memory_space<hbm>>) target(%dma_start3A_153 : memref<128x16xf32, #tpu.memory_space<vmem>>) offsets(%dma_start3A_156 : memref<128xi32, #tpu.memory_space<vmem>>) semaphore(%dma_start3A_161 : memref<!tpu.dma_semaphore, #tpu.memory_space<semaphore_mem>>)
      %dma_start3A_162 = arith.constant 8 : i32
      %dma_start3A_163 = arith.constant 8 : i32
      %dma_start3A_164 = arith.constant 8 : i32
      %dma_start3A_165 = arith.constant 0 : i32
      %dma_start3A_166 = arith.constant 0 : i32
      %dma_start3A_167 = tpu.memref_slice %arg7[%dma_start3A_163, %dma_start3A_165, %dma_start3A_166] : memref<10x128x16xf32, #tpu.memory_space<vmem>> -> memref<1x128x16xf32, #tpu.memory_space<vmem>>
      %dma_start3A_168 = tpu.memref_squeeze %dma_start3A_167 : memref<1x128x16xf32, #tpu.memory_space<vmem>> -> memref<128x16xf32, #tpu.memory_space<vmem>>
      %dma_start3A_169 = arith.constant 0 : i32
      %dma_start3A_170 = tpu.memref_slice %arg5[%dma_start3A_162, %dma_start3A_169] : memref<20x128xi32, #tpu.memory_space<vmem>> -> memref<1x128xi32, #tpu.memory_space<vmem>>
      %dma_start3A_171 = tpu.memref_squeeze %dma_start3A_170 : memref<1x128xi32, #tpu.memory_space<vmem>> -> memref<128xi32, #tpu.memory_space<vmem>>
      %dma_start3A_172 = arith.constant 0 : i32
      %dma_start3A_173 = arith.constant 0 : i32
      %dma_start3A_174 = tpu.memref_slice %arg2[%dma_start3A_172, %dma_start3A_173] : memref<100096x16xf32, #tpu.memory_space<hbm>> -> memref<100096x16xf32, #tpu.memory_space<hbm>>
      %dma_start3A_175 = tpu.memref_slice %arg10[%dma_start3A_164] : memref<10x!tpu.dma_semaphore, #tpu.memory_space<semaphore_mem>> -> memref<1x!tpu.dma_semaphore, #tpu.memory_space<semaphore_mem>>
      %dma_start3A_176 = tpu.memref_squeeze %dma_start3A_175 : memref<1x!tpu.dma_semaphore, #tpu.memory_space<semaphore_mem>> -> memref<!tpu.dma_semaphore, #tpu.memory_space<semaphore_mem>>
      tpu.enqueue_indirect_dma source(%dma_start3A_174 : memref<100096x16xf32, #tpu.memory_space<hbm>>) target(%dma_start3A_168 : memref<128x16xf32, #tpu.memory_space<vmem>>) offsets(%dma_start3A_171 : memref<128xi32, #tpu.memory_space<vmem>>) semaphore(%dma_start3A_176 : memref<!tpu.dma_semaphore, #tpu.memory_space<semaphore_mem>>)
      %scan3A_177 = arith.constant 0 : i32
      %scan3A_178 = arith.constant 20 : i32
      %scan3A_179 = arith.addi %scan3A_177, %scan3A_178 : i32
      %scan3A_180 = arith.constant 1 : i32
      scf.for %scan3A_331 = %scan3A_177 to %scan3A_179 step %scan3A_180  : i32 {
        %mul3A_332 = arith.constant 1 : i32
        %mul3A_333 = arith.muli %scan3A_331, %mul3A_332 : i32
        %add3A_334 = arith.constant 0 : i32
        %add3A_335 = arith.addi %add3A_334, %mul3A_333 : i32
        %rem3A = arith.constant 10 : i32
        %rem3A_336 = arith.remsi %add3A_335, %rem3A : i32
        %dma_wait3A_337 = arith.constant 0 : i32
        %dma_wait3A_338 = arith.constant 0 : i32
        %dma_wait3A_339 = tpu.memref_slice %arg7[%rem3A_336, %dma_wait3A_337, %dma_wait3A_338] : memref<10x128x16xf32, #tpu.memory_space<vmem>> -> memref<1x128x16xf32, #tpu.memory_space<vmem>>
        %dma_wait3A_340 = tpu.memref_squeeze %dma_wait3A_339 : memref<1x128x16xf32, #tpu.memory_space<vmem>> -> memref<128x16xf32, #tpu.memory_space<vmem>>
        %dma_wait3A_341 = arith.constant 0 : i32
        %dma_wait3A_342 = tpu.memref_slice %arg5[%add3A_335, %dma_wait3A_341] : memref<20x128xi32, #tpu.memory_space<vmem>> -> memref<1x128xi32, #tpu.memory_space<vmem>>
        %dma_wait3A_343 = tpu.memref_squeeze %dma_wait3A_342 : memref<1x128xi32, #tpu.memory_space<vmem>> -> memref<128xi32, #tpu.memory_space<vmem>>
        %dma_wait3A_344 = arith.constant 0 : i32
        %dma_wait3A_345 = arith.constant 0 : i32
        %dma_wait3A_346 = tpu.memref_slice %arg2[%dma_wait3A_344, %dma_wait3A_345] : memref<100096x16xf32, #tpu.memory_space<hbm>> -> memref<100096x16xf32, #tpu.memory_space<hbm>>
        %dma_wait3A_347 = tpu.memref_slice %arg10[%rem3A_336] : memref<10x!tpu.dma_semaphore, #tpu.memory_space<semaphore_mem>> -> memref<1x!tpu.dma_semaphore, #tpu.memory_space<semaphore_mem>>
        %dma_wait3A_348 = tpu.memref_squeeze %dma_wait3A_347 : memref<1x!tpu.dma_semaphore, #tpu.memory_space<semaphore_mem>> -> memref<!tpu.dma_semaphore, #tpu.memory_space<semaphore_mem>>
        tpu.wait_indirect_dma semaphore(%dma_wait3A_348 : memref<!tpu.dma_semaphore, #tpu.memory_space<semaphore_mem>>) src(%dma_wait3A_346 : memref<100096x16xf32, #tpu.memory_space<hbm>>) dst(%dma_wait3A_340 : memref<128x16xf32, #tpu.memory_space<vmem>>)
        %dma_start3A_349 = arith.constant 0 : i32
        %dma_start3A_350 = arith.constant 0 : i32
        %dma_start3A_351 = tpu.memref_slice %arg7[%rem3A_336, %dma_start3A_349, %dma_start3A_350] : memref<10x128x16xf32, #tpu.memory_space<vmem>> -> memref<1x128x16xf32, #tpu.memory_space<vmem>>
        %dma_start3A_352 = tpu.memref_squeeze %dma_start3A_351 : memref<1x128x16xf32, #tpu.memory_space<vmem>> -> memref<128x16xf32, #tpu.memory_space<vmem>>
        %dma_start3A_353 = arith.constant 0 : i32
        %dma_start3A_354 = tpu.memref_slice %arg6[%add3A_335, %dma_start3A_353] : memref<20x128xi32, #tpu.memory_space<vmem>> -> memref<1x128xi32, #tpu.memory_space<vmem>>
        %dma_start3A_355 = tpu.memref_squeeze %dma_start3A_354 : memref<1x128xi32, #tpu.memory_space<vmem>> -> memref<128xi32, #tpu.memory_space<vmem>>
        %dma_start3A_356 = arith.constant 0 : i32
        %dma_start3A_357 = arith.constant 0 : i32
        %dma_start3A_358 = tpu.memref_slice %arg9[%dma_start3A_356, %dma_start3A_357] : memref<100096x16xf32, #tpu.memory_space<vmem_shared>> -> memref<100096x16xf32, #tpu.memory_space<vmem_shared>>
        %dma_start3A_359 = tpu.memref_slice %arg11[%rem3A_336] : memref<10x!tpu.dma_semaphore, #tpu.memory_space<semaphore_mem>> -> memref<1x!tpu.dma_semaphore, #tpu.memory_space<semaphore_mem>>
        %dma_start3A_360 = tpu.memref_squeeze %dma_start3A_359 : memref<1x!tpu.dma_semaphore, #tpu.memory_space<semaphore_mem>> -> memref<!tpu.dma_semaphore, #tpu.memory_space<semaphore_mem>>
        tpu.enqueue_indirect_dma source(%dma_start3A_352 : memref<128x16xf32, #tpu.memory_space<vmem>>) target(%dma_start3A_358 : memref<100096x16xf32, #tpu.memory_space<vmem_shared>>) offsets(%dma_start3A_355 : memref<128xi32, #tpu.memory_space<vmem>>) semaphore(%dma_start3A_360 : memref<!tpu.dma_semaphore, #tpu.memory_space<semaphore_mem>>) {add = true}
        %add3A_361 = arith.constant 9 : i32
        %add3A_362 = arith.addi %add3A_335, %add3A_361 : i32
        %lt3A_363 = arith.constant 20 : i32
        %lt3A_364 = arith.cmpi slt, %add3A_362, %lt3A_363 : i32
        %convert_element_type3A = arith.extui %lt3A_364 : i1 to i32
        %cond3A = arith.constant 0 : i32
        %cond3A_365 = arith.cmpi ne, %convert_element_type3A, %cond3A : i32
        scf.if %cond3A_365 {
          %add3A_366 = arith.constant 9 : i32
          %add3A_367 = arith.addi %add3A_335, %add3A_366 : i32
          %rem3A_368 = arith.constant 10 : i32
          %rem3A_369 = arith.remsi %add3A_367, %rem3A_368 : i32
          %ge3A = arith.constant 1 : i32
          %ge3A_370 = arith.cmpi sge, %add3A_335, %ge3A : i32
          %convert_element_type3A_371 = arith.extui %ge3A_370 : i1 to i32
          %cond3A_372 = arith.constant 0 : i32
          %cond3A_373 = arith.cmpi ne, %convert_element_type3A_371, %cond3A_372 : i32
          scf.if %cond3A_373 {
            %dma_wait3A_388 = arith.constant 0 : i32
            %dma_wait3A_389 = arith.constant 0 : i32
            %dma_wait3A_390 = tpu.memref_slice %arg7[%rem3A_369, %dma_wait3A_388, %dma_wait3A_389] : memref<10x128x16xf32, #tpu.memory_space<vmem>> -> memref<1x128x16xf32, #tpu.memory_space<vmem>>
            %dma_wait3A_391 = tpu.memref_squeeze %dma_wait3A_390 : memref<1x128x16xf32, #tpu.memory_space<vmem>> -> memref<128x16xf32, #tpu.memory_space<vmem>>
            %dma_wait3A_392 = arith.constant 0 : i32
            %dma_wait3A_393 = tpu.memref_slice %arg6[%add3A_335, %dma_wait3A_392] : memref<20x128xi32, #tpu.memory_space<vmem>> -> memref<1x128xi32, #tpu.memory_space<vmem>>
            %dma_wait3A_394 = tpu.memref_squeeze %dma_wait3A_393 : memref<1x128xi32, #tpu.memory_space<vmem>> -> memref<128xi32, #tpu.memory_space<vmem>>
            %dma_wait3A_395 = arith.constant 0 : i32
            %dma_wait3A_396 = arith.constant 0 : i32
            %dma_wait3A_397 = tpu.memref_slice %arg9[%dma_wait3A_395, %dma_wait3A_396] : memref<100096x16xf32, #tpu.memory_space<vmem_shared>> -> memref<100096x16xf32, #tpu.memory_space<vmem_shared>>
            %dma_wait3A_398 = tpu.memref_slice %arg11[%rem3A_369] : memref<10x!tpu.dma_semaphore, #tpu.memory_space<semaphore_mem>> -> memref<1x!tpu.dma_semaphore, #tpu.memory_space<semaphore_mem>>
            %dma_wait3A_399 = tpu.memref_squeeze %dma_wait3A_398 : memref<1x!tpu.dma_semaphore, #tpu.memory_space<semaphore_mem>> -> memref<!tpu.dma_semaphore, #tpu.memory_space<semaphore_mem>>
            tpu.wait_indirect_dma semaphore(%dma_wait3A_399 : memref<!tpu.dma_semaphore, #tpu.memory_space<semaphore_mem>>) src(%dma_wait3A_391 : memref<128x16xf32, #tpu.memory_space<vmem>>) dst(%dma_wait3A_397 : memref<100096x16xf32, #tpu.memory_space<vmem_shared>>)
          } else {
          }
          %add3A_374 = arith.constant 9 : i32
          %add3A_375 = arith.addi %add3A_335, %add3A_374 : i32
          %dma_start3A_376 = arith.constant 0 : i32
          %dma_start3A_377 = arith.constant 0 : i32
          %dma_start3A_378 = tpu.memref_slice %arg7[%rem3A_369, %dma_start3A_376, %dma_start3A_377] : memref<10x128x16xf32, #tpu.memory_space<vmem>> -> memref<1x128x16xf32, #tpu.memory_space<vmem>>
          %dma_start3A_379 = tpu.memref_squeeze %dma_start3A_378 : memref<1x128x16xf32, #tpu.memory_space<vmem>> -> memref<128x16xf32, #tpu.memory_space<vmem>>
          %dma_start3A_380 = arith.constant 0 : i32
          %dma_start3A_381 = tpu.memref_slice %arg5[%add3A_375, %dma_start3A_380] : memref<20x128xi32, #tpu.memory_space<vmem>> -> memref<1x128xi32, #tpu.memory_space<vmem>>
          %dma_start3A_382 = tpu.memref_squeeze %dma_start3A_381 : memref<1x128xi32, #tpu.memory_space<vmem>> -> memref<128xi32, #tpu.memory_space<vmem>>
          %dma_start3A_383 = arith.constant 0 : i32
          %dma_start3A_384 = arith.constant 0 : i32
          %dma_start3A_385 = tpu.memref_slice %arg2[%dma_start3A_383, %dma_start3A_384] : memref<100096x16xf32, #tpu.memory_space<hbm>> -> memref<100096x16xf32, #tpu.memory_space<hbm>>
          %dma_start3A_386 = tpu.memref_slice %arg10[%rem3A_369] : memref<10x!tpu.dma_semaphore, #tpu.memory_space<semaphore_mem>> -> memref<1x!tpu.dma_semaphore, #tpu.memory_space<semaphore_mem>>
          %dma_start3A_387 = tpu.memref_squeeze %dma_start3A_386 : memref<1x!tpu.dma_semaphore, #tpu.memory_space<semaphore_mem>> -> memref<!tpu.dma_semaphore, #tpu.memory_space<semaphore_mem>>
          tpu.enqueue_indirect_dma source(%dma_start3A_385 : memref<100096x16xf32, #tpu.memory_space<hbm>>) target(%dma_start3A_379 : memref<128x16xf32, #tpu.memory_space<vmem>>) offsets(%dma_start3A_382 : memref<128xi32, #tpu.memory_space<vmem>>) semaphore(%dma_start3A_387 : memref<!tpu.dma_semaphore, #tpu.memory_space<semaphore_mem>>)
        } else {
        }
      }
      %scan3A_181 = arith.constant 20 : i32
      %dma_wait3A = arith.constant 0 : i32
      %dma_wait3A_182 = arith.constant 0 : i32
      %dma_wait3A_183 = arith.constant 0 : i32
      %dma_wait3A_184 = arith.constant 0 : i32
      %dma_wait3A_185 = arith.constant 0 : i32
      %dma_wait3A_186 = tpu.memref_slice %arg7[%dma_wait3A, %dma_wait3A_184, %dma_wait3A_185] : memref<10x128x16xf32, #tpu.memory_space<vmem>> -> memref<1x128x16xf32, #tpu.memory_space<vmem>>
      %dma_wait3A_187 = tpu.memref_squeeze %dma_wait3A_186 : memref<1x128x16xf32, #tpu.memory_space<vmem>> -> memref<128x16xf32, #tpu.memory_space<vmem>>
      %dma_wait3A_188 = arith.constant 0 : i32
      %dma_wait3A_189 = tpu.memref_slice %arg6[%dma_wait3A_182, %dma_wait3A_188] : memref<20x128xi32, #tpu.memory_space<vmem>> -> memref<1x128xi32, #tpu.memory_space<vmem>>
      %dma_wait3A_190 = tpu.memref_squeeze %dma_wait3A_189 : memref<1x128xi32, #tpu.memory_space<vmem>> -> memref<128xi32, #tpu.memory_space<vmem>>
      %dma_wait3A_191 = arith.constant 0 : i32
      %dma_wait3A_192 = arith.constant 0 : i32
      %dma_wait3A_193 = tpu.memref_slice %arg9[%dma_wait3A_191, %dma_wait3A_192] : memref<100096x16xf32, #tpu.memory_space<vmem_shared>> -> memref<100096x16xf32, #tpu.memory_space<vmem_shared>>
      %dma_wait3A_194 = tpu.memref_slice %arg11[%dma_wait3A_183] : memref<10x!tpu.dma_semaphore, #tpu.memory_space<semaphore_mem>> -> memref<1x!tpu.dma_semaphore, #tpu.memory_space<semaphore_mem>>
      %dma_wait3A_195 = tpu.memref_squeeze %dma_wait3A_194 : memref<1x!tpu.dma_semaphore, #tpu.memory_space<semaphore_mem>> -> memref<!tpu.dma_semaphore, #tpu.memory_space<semaphore_mem>>
      tpu.wait_indirect_dma semaphore(%dma_wait3A_195 : memref<!tpu.dma_semaphore, #tpu.memory_space<semaphore_mem>>) src(%dma_wait3A_187 : memref<128x16xf32, #tpu.memory_space<vmem>>) dst(%dma_wait3A_193 : memref<100096x16xf32, #tpu.memory_space<vmem_shared>>)
      %dma_wait3A_196 = arith.constant 1 : i32
      %dma_wait3A_197 = arith.constant 0 : i32
      %dma_wait3A_198 = arith.constant 1 : i32
      %dma_wait3A_199 = arith.constant 0 : i32
      %dma_wait3A_200 = arith.constant 0 : i32
      %dma_wait3A_201 = tpu.memref_slice %arg7[%dma_wait3A_196, %dma_wait3A_199, %dma_wait3A_200] : memref<10x128x16xf32, #tpu.memory_space<vmem>> -> memref<1x128x16xf32, #tpu.memory_space<vmem>>
      %dma_wait3A_202 = tpu.memref_squeeze %dma_wait3A_201 : memref<1x128x16xf32, #tpu.memory_space<vmem>> -> memref<128x16xf32, #tpu.memory_space<vmem>>
      %dma_wait3A_203 = arith.constant 0 : i32
      %dma_wait3A_204 = tpu.memref_slice %arg6[%dma_wait3A_197, %dma_wait3A_203] : memref<20x128xi32, #tpu.memory_space<vmem>> -> memref<1x128xi32, #tpu.memory_space<vmem>>
      %dma_wait3A_205 = tpu.memref_squeeze %dma_wait3A_204 : memref<1x128xi32, #tpu.memory_space<vmem>> -> memref<128xi32, #tpu.memory_space<vmem>>
      %dma_wait3A_206 = arith.constant 0 : i32
      %dma_wait3A_207 = arith.constant 0 : i32
      %dma_wait3A_208 = tpu.memref_slice %arg9[%dma_wait3A_206, %dma_wait3A_207] : memref<100096x16xf32, #tpu.memory_space<vmem_shared>> -> memref<100096x16xf32, #tpu.memory_space<vmem_shared>>
      %dma_wait3A_209 = tpu.memref_slice %arg11[%dma_wait3A_198] : memref<10x!tpu.dma_semaphore, #tpu.memory_space<semaphore_mem>> -> memref<1x!tpu.dma_semaphore, #tpu.memory_space<semaphore_mem>>
      %dma_wait3A_210 = tpu.memref_squeeze %dma_wait3A_209 : memref<1x!tpu.dma_semaphore, #tpu.memory_space<semaphore_mem>> -> memref<!tpu.dma_semaphore, #tpu.memory_space<semaphore_mem>>
      tpu.wait_indirect_dma semaphore(%dma_wait3A_210 : memref<!tpu.dma_semaphore, #tpu.memory_space<semaphore_mem>>) src(%dma_wait3A_202 : memref<128x16xf32, #tpu.memory_space<vmem>>) dst(%dma_wait3A_208 : memref<100096x16xf32, #tpu.memory_space<vmem_shared>>)
      %dma_wait3A_211 = arith.constant 2 : i32
      %dma_wait3A_212 = arith.constant 0 : i32
      %dma_wait3A_213 = arith.constant 2 : i32
      %dma_wait3A_214 = arith.constant 0 : i32
      %dma_wait3A_215 = arith.constant 0 : i32
      %dma_wait3A_216 = tpu.memref_slice %arg7[%dma_wait3A_211, %dma_wait3A_214, %dma_wait3A_215] : memref<10x128x16xf32, #tpu.memory_space<vmem>> -> memref<1x128x16xf32, #tpu.memory_space<vmem>>
      %dma_wait3A_217 = tpu.memref_squeeze %dma_wait3A_216 : memref<1x128x16xf32, #tpu.memory_space<vmem>> -> memref<128x16xf32, #tpu.memory_space<vmem>>
      %dma_wait3A_218 = arith.constant 0 : i32
      %dma_wait3A_219 = tpu.memref_slice %arg6[%dma_wait3A_212, %dma_wait3A_218] : memref<20x128xi32, #tpu.memory_space<vmem>> -> memref<1x128xi32, #tpu.memory_space<vmem>>
      %dma_wait3A_220 = tpu.memref_squeeze %dma_wait3A_219 : memref<1x128xi32, #tpu.memory_space<vmem>> -> memref<128xi32, #tpu.memory_space<vmem>>
      %dma_wait3A_221 = arith.constant 0 : i32
      %dma_wait3A_222 = arith.constant 0 : i32
      %dma_wait3A_223 = tpu.memref_slice %arg9[%dma_wait3A_221, %dma_wait3A_222] : memref<100096x16xf32, #tpu.memory_space<vmem_shared>> -> memref<100096x16xf32, #tpu.memory_space<vmem_shared>>
      %dma_wait3A_224 = tpu.memref_slice %arg11[%dma_wait3A_213] : memref<10x!tpu.dma_semaphore, #tpu.memory_space<semaphore_mem>> -> memref<1x!tpu.dma_semaphore, #tpu.memory_space<semaphore_mem>>
      %dma_wait3A_225 = tpu.memref_squeeze %dma_wait3A_224 : memref<1x!tpu.dma_semaphore, #tpu.memory_space<semaphore_mem>> -> memref<!tpu.dma_semaphore, #tpu.memory_space<semaphore_mem>>
      tpu.wait_indirect_dma semaphore(%dma_wait3A_225 : memref<!tpu.dma_semaphore, #tpu.memory_space<semaphore_mem>>) src(%dma_wait3A_217 : memref<128x16xf32, #tpu.memory_space<vmem>>) dst(%dma_wait3A_223 : memref<100096x16xf32, #tpu.memory_space<vmem_shared>>)
      %dma_wait3A_226 = arith.constant 3 : i32
      %dma_wait3A_227 = arith.constant 0 : i32
      %dma_wait3A_228 = arith.constant 3 : i32
      %dma_wait3A_229 = arith.constant 0 : i32
      %dma_wait3A_230 = arith.constant 0 : i32
      %dma_wait3A_231 = tpu.memref_slice %arg7[%dma_wait3A_226, %dma_wait3A_229, %dma_wait3A_230] : memref<10x128x16xf32, #tpu.memory_space<vmem>> -> memref<1x128x16xf32, #tpu.memory_space<vmem>>
      %dma_wait3A_232 = tpu.memref_squeeze %dma_wait3A_231 : memref<1x128x16xf32, #tpu.memory_space<vmem>> -> memref<128x16xf32, #tpu.memory_space<vmem>>
      %dma_wait3A_233 = arith.constant 0 : i32
      %dma_wait3A_234 = tpu.memref_slice %arg6[%dma_wait3A_227, %dma_wait3A_233] : memref<20x128xi32, #tpu.memory_space<vmem>> -> memref<1x128xi32, #tpu.memory_space<vmem>>
      %dma_wait3A_235 = tpu.memref_squeeze %dma_wait3A_234 : memref<1x128xi32, #tpu.memory_space<vmem>> -> memref<128xi32, #tpu.memory_space<vmem>>
      %dma_wait3A_236 = arith.constant 0 : i32
      %dma_wait3A_237 = arith.constant 0 : i32
      %dma_wait3A_238 = tpu.memref_slice %arg9[%dma_wait3A_236, %dma_wait3A_237] : memref<100096x16xf32, #tpu.memory_space<vmem_shared>> -> memref<100096x16xf32, #tpu.memory_space<vmem_shared>>
      %dma_wait3A_239 = tpu.memref_slice %arg11[%dma_wait3A_228] : memref<10x!tpu.dma_semaphore, #tpu.memory_space<semaphore_mem>> -> memref<1x!tpu.dma_semaphore, #tpu.memory_space<semaphore_mem>>
      %dma_wait3A_240 = tpu.memref_squeeze %dma_wait3A_239 : memref<1x!tpu.dma_semaphore, #tpu.memory_space<semaphore_mem>> -> memref<!tpu.dma_semaphore, #tpu.memory_space<semaphore_mem>>
      tpu.wait_indirect_dma semaphore(%dma_wait3A_240 : memref<!tpu.dma_semaphore, #tpu.memory_space<semaphore_mem>>) src(%dma_wait3A_232 : memref<128x16xf32, #tpu.memory_space<vmem>>) dst(%dma_wait3A_238 : memref<100096x16xf32, #tpu.memory_space<vmem_shared>>)
      %dma_wait3A_241 = arith.constant 4 : i32
      %dma_wait3A_242 = arith.constant 0 : i32
      %dma_wait3A_243 = arith.constant 4 : i32
      %dma_wait3A_244 = arith.constant 0 : i32
      %dma_wait3A_245 = arith.constant 0 : i32
      %dma_wait3A_246 = tpu.memref_slice %arg7[%dma_wait3A_241, %dma_wait3A_244, %dma_wait3A_245] : memref<10x128x16xf32, #tpu.memory_space<vmem>> -> memref<1x128x16xf32, #tpu.memory_space<vmem>>
      %dma_wait3A_247 = tpu.memref_squeeze %dma_wait3A_246 : memref<1x128x16xf32, #tpu.memory_space<vmem>> -> memref<128x16xf32, #tpu.memory_space<vmem>>
      %dma_wait3A_248 = arith.constant 0 : i32
      %dma_wait3A_249 = tpu.memref_slice %arg6[%dma_wait3A_242, %dma_wait3A_248] : memref<20x128xi32, #tpu.memory_space<vmem>> -> memref<1x128xi32, #tpu.memory_space<vmem>>
      %dma_wait3A_250 = tpu.memref_squeeze %dma_wait3A_249 : memref<1x128xi32, #tpu.memory_space<vmem>> -> memref<128xi32, #tpu.memory_space<vmem>>
      %dma_wait3A_251 = arith.constant 0 : i32
      %dma_wait3A_252 = arith.constant 0 : i32
      %dma_wait3A_253 = tpu.memref_slice %arg9[%dma_wait3A_251, %dma_wait3A_252] : memref<100096x16xf32, #tpu.memory_space<vmem_shared>> -> memref<100096x16xf32, #tpu.memory_space<vmem_shared>>
      %dma_wait3A_254 = tpu.memref_slice %arg11[%dma_wait3A_243] : memref<10x!tpu.dma_semaphore, #tpu.memory_space<semaphore_mem>> -> memref<1x!tpu.dma_semaphore, #tpu.memory_space<semaphore_mem>>
      %dma_wait3A_255 = tpu.memref_squeeze %dma_wait3A_254 : memref<1x!tpu.dma_semaphore, #tpu.memory_space<semaphore_mem>> -> memref<!tpu.dma_semaphore, #tpu.memory_space<semaphore_mem>>
      tpu.wait_indirect_dma semaphore(%dma_wait3A_255 : memref<!tpu.dma_semaphore, #tpu.memory_space<semaphore_mem>>) src(%dma_wait3A_247 : memref<128x16xf32, #tpu.memory_space<vmem>>) dst(%dma_wait3A_253 : memref<100096x16xf32, #tpu.memory_space<vmem_shared>>)
      %dma_wait3A_256 = arith.constant 5 : i32
      %dma_wait3A_257 = arith.constant 0 : i32
      %dma_wait3A_258 = arith.constant 5 : i32
      %dma_wait3A_259 = arith.constant 0 : i32
      %dma_wait3A_260 = arith.constant 0 : i32
      %dma_wait3A_261 = tpu.memref_slice %arg7[%dma_wait3A_256, %dma_wait3A_259, %dma_wait3A_260] : memref<10x128x16xf32, #tpu.memory_space<vmem>> -> memref<1x128x16xf32, #tpu.memory_space<vmem>>
      %dma_wait3A_262 = tpu.memref_squeeze %dma_wait3A_261 : memref<1x128x16xf32, #tpu.memory_space<vmem>> -> memref<128x16xf32, #tpu.memory_space<vmem>>
      %dma_wait3A_263 = arith.constant 0 : i32
      %dma_wait3A_264 = tpu.memref_slice %arg6[%dma_wait3A_257, %dma_wait3A_263] : memref<20x128xi32, #tpu.memory_space<vmem>> -> memref<1x128xi32, #tpu.memory_space<vmem>>
      %dma_wait3A_265 = tpu.memref_squeeze %dma_wait3A_264 : memref<1x128xi32, #tpu.memory_space<vmem>> -> memref<128xi32, #tpu.memory_space<vmem>>
      %dma_wait3A_266 = arith.constant 0 : i32
      %dma_wait3A_267 = arith.constant 0 : i32
      %dma_wait3A_268 = tpu.memref_slice %arg9[%dma_wait3A_266, %dma_wait3A_267] : memref<100096x16xf32, #tpu.memory_space<vmem_shared>> -> memref<100096x16xf32, #tpu.memory_space<vmem_shared>>
      %dma_wait3A_269 = tpu.memref_slice %arg11[%dma_wait3A_258] : memref<10x!tpu.dma_semaphore, #tpu.memory_space<semaphore_mem>> -> memref<1x!tpu.dma_semaphore, #tpu.memory_space<semaphore_mem>>
      %dma_wait3A_270 = tpu.memref_squeeze %dma_wait3A_269 : memref<1x!tpu.dma_semaphore, #tpu.memory_space<semaphore_mem>> -> memref<!tpu.dma_semaphore, #tpu.memory_space<semaphore_mem>>
      tpu.wait_indirect_dma semaphore(%dma_wait3A_270 : memref<!tpu.dma_semaphore, #tpu.memory_space<semaphore_mem>>) src(%dma_wait3A_262 : memref<128x16xf32, #tpu.memory_space<vmem>>) dst(%dma_wait3A_268 : memref<100096x16xf32, #tpu.memory_space<vmem_shared>>)
      %dma_wait3A_271 = arith.constant 6 : i32
      %dma_wait3A_272 = arith.constant 0 : i32
      %dma_wait3A_273 = arith.constant 6 : i32
      %dma_wait3A_274 = arith.constant 0 : i32
      %dma_wait3A_275 = arith.constant 0 : i32
      %dma_wait3A_276 = tpu.memref_slice %arg7[%dma_wait3A_271, %dma_wait3A_274, %dma_wait3A_275] : memref<10x128x16xf32, #tpu.memory_space<vmem>> -> memref<1x128x16xf32, #tpu.memory_space<vmem>>
      %dma_wait3A_277 = tpu.memref_squeeze %dma_wait3A_276 : memref<1x128x16xf32, #tpu.memory_space<vmem>> -> memref<128x16xf32, #tpu.memory_space<vmem>>
      %dma_wait3A_278 = arith.constant 0 : i32
      %dma_wait3A_279 = tpu.memref_slice %arg6[%dma_wait3A_272, %dma_wait3A_278] : memref<20x128xi32, #tpu.memory_space<vmem>> -> memref<1x128xi32, #tpu.memory_space<vmem>>
      %dma_wait3A_280 = tpu.memref_squeeze %dma_wait3A_279 : memref<1x128xi32, #tpu.memory_space<vmem>> -> memref<128xi32, #tpu.memory_space<vmem>>
      %dma_wait3A_281 = arith.constant 0 : i32
      %dma_wait3A_282 = arith.constant 0 : i32
      %dma_wait3A_283 = tpu.memref_slice %arg9[%dma_wait3A_281, %dma_wait3A_282] : memref<100096x16xf32, #tpu.memory_space<vmem_shared>> -> memref<100096x16xf32, #tpu.memory_space<vmem_shared>>
      %dma_wait3A_284 = tpu.memref_slice %arg11[%dma_wait3A_273] : memref<10x!tpu.dma_semaphore, #tpu.memory_space<semaphore_mem>> -> memref<1x!tpu.dma_semaphore, #tpu.memory_space<semaphore_mem>>
      %dma_wait3A_285 = tpu.memref_squeeze %dma_wait3A_284 : memref<1x!tpu.dma_semaphore, #tpu.memory_space<semaphore_mem>> -> memref<!tpu.dma_semaphore, #tpu.memory_space<semaphore_mem>>
      tpu.wait_indirect_dma semaphore(%dma_wait3A_285 : memref<!tpu.dma_semaphore, #tpu.memory_space<semaphore_mem>>) src(%dma_wait3A_277 : memref<128x16xf32, #tpu.memory_space<vmem>>) dst(%dma_wait3A_283 : memref<100096x16xf32, #tpu.memory_space<vmem_shared>>)
      %dma_wait3A_286 = arith.constant 7 : i32
      %dma_wait3A_287 = arith.constant 0 : i32
      %dma_wait3A_288 = arith.constant 7 : i32
      %dma_wait3A_289 = arith.constant 0 : i32
      %dma_wait3A_290 = arith.constant 0 : i32
      %dma_wait3A_291 = tpu.memref_slice %arg7[%dma_wait3A_286, %dma_wait3A_289, %dma_wait3A_290] : memref<10x128x16xf32, #tpu.memory_space<vmem>> -> memref<1x128x16xf32, #tpu.memory_space<vmem>>
      %dma_wait3A_292 = tpu.memref_squeeze %dma_wait3A_291 : memref<1x128x16xf32, #tpu.memory_space<vmem>> -> memref<128x16xf32, #tpu.memory_space<vmem>>
      %dma_wait3A_293 = arith.constant 0 : i32
      %dma_wait3A_294 = tpu.memref_slice %arg6[%dma_wait3A_287, %dma_wait3A_293] : memref<20x128xi32, #tpu.memory_space<vmem>> -> memref<1x128xi32, #tpu.memory_space<vmem>>
      %dma_wait3A_295 = tpu.memref_squeeze %dma_wait3A_294 : memref<1x128xi32, #tpu.memory_space<vmem>> -> memref<128xi32, #tpu.memory_space<vmem>>
      %dma_wait3A_296 = arith.constant 0 : i32
      %dma_wait3A_297 = arith.constant 0 : i32
      %dma_wait3A_298 = tpu.memref_slice %arg9[%dma_wait3A_296, %dma_wait3A_297] : memref<100096x16xf32, #tpu.memory_space<vmem_shared>> -> memref<100096x16xf32, #tpu.memory_space<vmem_shared>>
      %dma_wait3A_299 = tpu.memref_slice %arg11[%dma_wait3A_288] : memref<10x!tpu.dma_semaphore, #tpu.memory_space<semaphore_mem>> -> memref<1x!tpu.dma_semaphore, #tpu.memory_space<semaphore_mem>>
      %dma_wait3A_300 = tpu.memref_squeeze %dma_wait3A_299 : memref<1x!tpu.dma_semaphore, #tpu.memory_space<semaphore_mem>> -> memref<!tpu.dma_semaphore, #tpu.memory_space<semaphore_mem>>
      tpu.wait_indirect_dma semaphore(%dma_wait3A_300 : memref<!tpu.dma_semaphore, #tpu.memory_space<semaphore_mem>>) src(%dma_wait3A_292 : memref<128x16xf32, #tpu.memory_space<vmem>>) dst(%dma_wait3A_298 : memref<100096x16xf32, #tpu.memory_space<vmem_shared>>)
      %dma_wait3A_301 = arith.constant 8 : i32
      %dma_wait3A_302 = arith.constant 0 : i32
      %dma_wait3A_303 = arith.constant 8 : i32
      %dma_wait3A_304 = arith.constant 0 : i32
      %dma_wait3A_305 = arith.constant 0 : i32
      %dma_wait3A_306 = tpu.memref_slice %arg7[%dma_wait3A_301, %dma_wait3A_304, %dma_wait3A_305] : memref<10x128x16xf32, #tpu.memory_space<vmem>> -> memref<1x128x16xf32, #tpu.memory_space<vmem>>
      %dma_wait3A_307 = tpu.memref_squeeze %dma_wait3A_306 : memref<1x128x16xf32, #tpu.memory_space<vmem>> -> memref<128x16xf32, #tpu.memory_space<vmem>>
      %dma_wait3A_308 = arith.constant 0 : i32
      %dma_wait3A_309 = tpu.memref_slice %arg6[%dma_wait3A_302, %dma_wait3A_308] : memref<20x128xi32, #tpu.memory_space<vmem>> -> memref<1x128xi32, #tpu.memory_space<vmem>>
      %dma_wait3A_310 = tpu.memref_squeeze %dma_wait3A_309 : memref<1x128xi32, #tpu.memory_space<vmem>> -> memref<128xi32, #tpu.memory_space<vmem>>
      %dma_wait3A_311 = arith.constant 0 : i32
      %dma_wait3A_312 = arith.constant 0 : i32
      %dma_wait3A_313 = tpu.memref_slice %arg9[%dma_wait3A_311, %dma_wait3A_312] : memref<100096x16xf32, #tpu.memory_space<vmem_shared>> -> memref<100096x16xf32, #tpu.memory_space<vmem_shared>>
      %dma_wait3A_314 = tpu.memref_slice %arg11[%dma_wait3A_303] : memref<10x!tpu.dma_semaphore, #tpu.memory_space<semaphore_mem>> -> memref<1x!tpu.dma_semaphore, #tpu.memory_space<semaphore_mem>>
      %dma_wait3A_315 = tpu.memref_squeeze %dma_wait3A_314 : memref<1x!tpu.dma_semaphore, #tpu.memory_space<semaphore_mem>> -> memref<!tpu.dma_semaphore, #tpu.memory_space<semaphore_mem>>
      tpu.wait_indirect_dma semaphore(%dma_wait3A_315 : memref<!tpu.dma_semaphore, #tpu.memory_space<semaphore_mem>>) src(%dma_wait3A_307 : memref<128x16xf32, #tpu.memory_space<vmem>>) dst(%dma_wait3A_313 : memref<100096x16xf32, #tpu.memory_space<vmem_shared>>)
      %dma_wait3A_316 = arith.constant 9 : i32
      %dma_wait3A_317 = arith.constant 0 : i32
      %dma_wait3A_318 = arith.constant 9 : i32
      %dma_wait3A_319 = arith.constant 0 : i32
      %dma_wait3A_320 = arith.constant 0 : i32
      %dma_wait3A_321 = tpu.memref_slice %arg7[%dma_wait3A_316, %dma_wait3A_319, %dma_wait3A_320] : memref<10x128x16xf32, #tpu.memory_space<vmem>> -> memref<1x128x16xf32, #tpu.memory_space<vmem>>
      %dma_wait3A_322 = tpu.memref_squeeze %dma_wait3A_321 : memref<1x128x16xf32, #tpu.memory_space<vmem>> -> memref<128x16xf32, #tpu.memory_space<vmem>>
      %dma_wait3A_323 = arith.constant 0 : i32
      %dma_wait3A_324 = tpu.memref_slice %arg6[%dma_wait3A_317, %dma_wait3A_323] : memref<20x128xi32, #tpu.memory_space<vmem>> -> memref<1x128xi32, #tpu.memory_space<vmem>>
      %dma_wait3A_325 = tpu.memref_squeeze %dma_wait3A_324 : memref<1x128xi32, #tpu.memory_space<vmem>> -> memref<128xi32, #tpu.memory_space<vmem>>
      %dma_wait3A_326 = arith.constant 0 : i32
      %dma_wait3A_327 = arith.constant 0 : i32
      %dma_wait3A_328 = tpu.memref_slice %arg9[%dma_wait3A_326, %dma_wait3A_327] : memref<100096x16xf32, #tpu.memory_space<vmem_shared>> -> memref<100096x16xf32, #tpu.memory_space<vmem_shared>>
      %dma_wait3A_329 = tpu.memref_slice %arg11[%dma_wait3A_318] : memref<10x!tpu.dma_semaphore, #tpu.memory_space<semaphore_mem>> -> memref<1x!tpu.dma_semaphore, #tpu.memory_space<semaphore_mem>>
      %dma_wait3A_330 = tpu.memref_squeeze %dma_wait3A_329 : memref<1x!tpu.dma_semaphore, #tpu.memory_space<semaphore_mem>> -> memref<!tpu.dma_semaphore, #tpu.memory_space<semaphore_mem>>
      tpu.wait_indirect_dma semaphore(%dma_wait3A_330 : memref<!tpu.dma_semaphore, #tpu.memory_space<semaphore_mem>>) src(%dma_wait3A_322 : memref<128x16xf32, #tpu.memory_space<vmem>>) dst(%dma_wait3A_328 : memref<100096x16xf32, #tpu.memory_space<vmem_shared>>)
    }
    %barrier3A_34 = arith.constant 0 : index
    tpu.barrier barrier_id(%barrier3A_34)
    %mul3A_35 = arith.constant 6256 : i32
    %mul3A_36 = arith.muli %arg1, %mul3A_35 : i32
    %mul3A_37 = arith.constant 6256 : i32
    %mul3A_38 = arith.muli %arg1, %mul3A_37 : i32
    "tpu.region"() ({
      %run_scoped3A = tpu.sem_alloc : memref<!tpu.dma_semaphore, #tpu.memory_space<semaphore_mem>>
      %dma_start3A = arith.constant 0 : i32
      %dma_start3A_39 = tpu.memref_slice %arg4[%arg0, %mul3A_38, %dma_start3A] : memref<2x100096x16xf32, #tpu.memory_space<hbm>> -> memref<1x6256x16xf32, #tpu.memory_space<hbm>>
      %dma_start3A_40 = tpu.memref_squeeze %dma_start3A_39 : memref<1x6256x16xf32, #tpu.memory_space<hbm>> -> memref<6256x16xf32, #tpu.memory_space<hbm>>
      %dma_start3A_41 = arith.constant 0 : i32
      %dma_start3A_42 = tpu.memref_slice %arg9[%mul3A_36, %dma_start3A_41] : memref<100096x16xf32, #tpu.memory_space<vmem_shared>> -> memref<6256x16xf32, #tpu.memory_space<vmem_shared>>
      tpu.enqueue_dma source(%dma_start3A_42 : memref<6256x16xf32, #tpu.memory_space<vmem_shared>>) target(%dma_start3A_40 : memref<6256x16xf32, #tpu.memory_space<hbm>>) target_semaphore(%run_scoped3A : memref<!tpu.dma_semaphore, #tpu.memory_space<semaphore_mem>>)
      %dma_wait3A = arith.constant 0 : i32
      %dma_wait3A_43 = tpu.memref_slice %arg4[%arg0, %mul3A_38, %dma_wait3A] : memref<2x100096x16xf32, #tpu.memory_space<hbm>> -> memref<1x6256x16xf32, #tpu.memory_space<hbm>>
      %dma_wait3A_44 = tpu.memref_squeeze %dma_wait3A_43 : memref<1x6256x16xf32, #tpu.memory_space<hbm>> -> memref<6256x16xf32, #tpu.memory_space<hbm>>
      %dma_wait3A_45 = arith.constant 0 : i32
      %dma_wait3A_46 = tpu.memref_slice %arg9[%mul3A_36, %dma_wait3A_45] : memref<100096x16xf32, #tpu.memory_space<vmem_shared>> -> memref<6256x16xf32, #tpu.memory_space<vmem_shared>>
      tpu.wait_dma2 semaphore(%run_scoped3A : memref<!tpu.dma_semaphore, #tpu.memory_space<semaphore_mem>>) src(%dma_wait3A_46 : memref<6256x16xf32, #tpu.memory_space<vmem_shared>>) dst(%dma_wait3A_44 : memref<6256x16xf32, #tpu.memory_space<hbm>>)
      tpu.yield
    }) : () -> ()
    return
  }
}

#map = affine_map<(d0, d1) -> (0, 0, 0)>
#map1 = affine_map<(d0, d1) -> (0, 0, 0, 0)>
module attributes {stable_mosaic.version = 14 : i64} {
  func.func @pass_k(%arg0: i32, %arg1: i32, %arg2: memref<2x100096x16xf32, #tpu.memory_space<hbm>>, %arg3: memref<2x625x20x128xi32, #tpu.memory_space<hbm>>, %arg4: memref<2x100096x16xf32, #tpu.memory_space<hbm>>, %arg5: memref<20x128xi32, #tpu.memory_space<vmem>>, %arg6: memref<20x128xi32, #tpu.memory_space<vmem>>, %arg7: memref<10x128x16xf32, #tpu.memory_space<vmem>>, %arg8: memref<136x16xf32, #tpu.memory_space<vmem>>, %arg9: memref<100096x16xf32, #tpu.memory_space<vmem_shared>>, %arg10: memref<10x!tpu.dma_semaphore, #tpu.memory_space<semaphore_mem>>, %arg11: memref<10x!tpu.dma_semaphore, #tpu.memory_space<semaphore_mem>>) attributes {dimension_semantics = [#tpu.dimension_semantics<core_parallel>, #tpu.dimension_semantics<subcore_parallel>], iteration_bounds = array<i64: 2, 16>, scalar_prefetch = 0 : i64, scratch_operands = 7 : i64, tpu.core_type = #tpu.core_type<sc_vector_subcore>, window_params = [{transform_indices = #map}, {transform_indices = #map1}, {transform_indices = #map}]} {
    %broadcast_in_dim3A = arith.constant 0.000000e+00 : f32
    %broadcast_in_dim3A_0 = vector.broadcast %broadcast_in_dim3A : f32 to vector<16xf32>
    %scan3A = arith.constant 0 : i32
    %scan3A_1 = arith.constant 136 : i32
    %scan3A_2 = arith.addi %scan3A, %scan3A_1 : i32
    %scan3A_3 = arith.constant 1 : i32
    scf.for %scan3A_36 = %scan3A to %scan3A_2 step %scan3A_3  : i32 {
      %mul3A_37 = arith.constant 1 : i32
      %mul3A_38 = arith.muli %scan3A_36, %mul3A_37 : i32
      %add3A_39 = arith.constant 0 : i32
      %add3A_40 = arith.addi %add3A_39, %mul3A_38 : i32
      %swap3A = arith.index_cast %add3A_40 : i32 to index
      %swap3A_41 = arith.constant 0 : index
      %swap3A_42 = tpu.vector_load %arg8[%swap3A, %swap3A_41] {strides = array<i32>} : memref<136x16xf32, #tpu.memory_space<vmem>>, vector<1x16xf32>,
      %swap3A_43 = vector.shape_cast %swap3A_42 : vector<1x16xf32> to vector<16xf32>
      %swap3A_44 = vector.shape_cast %broadcast_in_dim3A_0 : vector<16xf32> to vector<1x16xf32>
      tpu.vector_store %arg8[%swap3A, %swap3A_41], %swap3A_44 {strides = array<i32>} : memref<136x16xf32, #tpu.memory_space<vmem>>, vector<1x16xf32>,
    }
    %scan3A_4 = arith.constant 136 : i32
    %scan3A_5 = arith.constant 0 : i32
    %scan3A_6 = arith.constant 46 : i32
    %scan3A_7 = arith.addi %scan3A_5, %scan3A_6 : i32
    %scan3A_8 = arith.constant 1 : i32
    scf.for %scan3A_36 = %scan3A_5 to %scan3A_7 step %scan3A_8  : i32 {
      %mul3A_37 = arith.constant 1 : i32
      %mul3A_38 = arith.muli %scan3A_36, %mul3A_37 : i32
      %add3A_39 = arith.constant 0 : i32
      %add3A_40 = arith.addi %add3A_39, %mul3A_38 : i32
      %mul3A_41 = arith.constant 6256 : i32
      %mul3A_42 = arith.muli %arg1, %mul3A_41 : i32
      %mul3A_43 = arith.constant 136 : i32
      %mul3A_44 = arith.muli %add3A_40, %mul3A_43 : i32
      %add3A_45 = arith.addi %mul3A_42, %mul3A_44 : i32
      "tpu.region"() ({
        %run_scoped3A = tpu.sem_alloc : memref<!tpu.dma_semaphore, #tpu.memory_space<semaphore_mem>>
        %dma_start3A = arith.constant 0 : i32
        %dma_start3A_46 = tpu.memref_slice %arg9[%add3A_45, %dma_start3A] : memref<100096x16xf32, #tpu.memory_space<vmem_shared>> -> memref<136x16xf32, #tpu.memory_space<vmem_shared>>
        %dma_start3A_47 = arith.constant 0 : i32
        %dma_start3A_48 = tpu.memref_slice %arg9[%add3A_45, %dma_start3A_47] : memref<100096x16xf32, #tpu.memory_space<vmem_shared>> -> memref<136x16xf32, #tpu.memory_space<vmem_shared>>
        tpu.enqueue_dma source(%arg8 : memref<136x16xf32, #tpu.memory_space<vmem>>) target(%dma_start3A_48 : memref<136x16xf32, #tpu.memory_space<vmem_shared>>) target_semaphore(%run_scoped3A : memref<!tpu.dma_semaphore, #tpu.memory_space<semaphore_mem>>)
        %dma_wait3A = arith.constant 0 : i32
        %dma_wait3A_49 = tpu.memref_slice %arg9[%add3A_45, %dma_wait3A] : memref<100096x16xf32, #tpu.memory_space<vmem_shared>> -> memref<136x16xf32, #tpu.memory_space<vmem_shared>>
        %dma_wait3A_50 = arith.constant 0 : i32
        %dma_wait3A_51 = tpu.memref_slice %arg9[%add3A_45, %dma_wait3A_50] : memref<100096x16xf32, #tpu.memory_space<vmem_shared>> -> memref<136x16xf32, #tpu.memory_space<vmem_shared>>
        tpu.wait_dma2 semaphore(%run_scoped3A : memref<!tpu.dma_semaphore, #tpu.memory_space<semaphore_mem>>) src(%arg8 : memref<136x16xf32, #tpu.memory_space<vmem>>) dst(%dma_wait3A_51 : memref<136x16xf32, #tpu.memory_space<vmem_shared>>)
        tpu.yield
      }) : () -> ()
    }
    %scan3A_9 = arith.constant 46 : i32
    %barrier3A = arith.constant 0 : index
    tpu.barrier barrier_id(%barrier3A)
    %mul3A = arith.constant 39 : i32
    %mul3A_10 = arith.muli %arg1, %mul3A : i32
    %min3A = arith.constant 1 : i32
    %min3A_11 = arith.minsi %arg1, %min3A : i32
    %add3A = arith.addi %mul3A_10, %min3A_11 : i32
    %lt3A = arith.constant 1 : i32
    %lt3A_12 = arith.cmpi slt, %arg1, %lt3A : i32
    %jit3A = arith.constant 1 : i32
    %jit3A_13 = arith.constant 0 : i32
    %select_n3A = arith.select %lt3A_12, %jit3A, %jit3A_13 : i32
    %add3A_14 = arith.constant 39 : i32
    %add3A_15 = arith.addi %add3A_14, %select_n3A : i32
    %add3A_16 = arith.addi %add3A, %add3A_15 : i32
    %sub3A = arith.subi %add3A_16, %add3A : i32
    %sub3A_17 = arith.constant 1 : i32
    %sub3A_18 = arith.constant 1 : i32
    %sub3A_19 = arith.subi %sub3A_17, %sub3A_18 : i32
    %add3A_20 = arith.addi %sub3A, %sub3A_19 : i32
    %div3A = arith.constant 1 : i32
    %div3A_21 = arith.divsi %add3A_20, %div3A : i32
    %while3A = arith.constant 1 : i32
    %while3A_22 = arith.constant 0 : i32
    %while3A_23 = arith.subi %div3A_21, %while3A_22 : i32
    %while3A_24 = arith.addi %while3A_22, %while3A_23 : i32
    %while3A_25 = arith.constant 1 : i32
    %while3A_26 = arith.divsi %while3A_23, %while3A_25 : i32
    %while3A_27 = arith.muli %while3A_26, %while3A_25 : i32
    %while3A_28 = arith.addi %while3A_22, %while3A_27 : i32
    %while3A_29 = arith.constant 1 : i32
    scf.for %while3A_36 = %while3A_22 to %while3A_28 step %while3A_29  : i32 {
      %mul3A_37 = arith.muli %while3A_36, %while3A : i32
      %add3A_38 = arith.addi %add3A, %mul3A_37 : i32
      %run_scoped3A = arith.constant 0 : i32
      "tpu.region"() ({
        %run_scoped3A_364 = tpu.sem_alloc : memref<!tpu.dma_semaphore, #tpu.memory_space<semaphore_mem>>
        %dma_start3A_365 = arith.constant 0 : i32
        %dma_start3A_366 = arith.constant 0 : i32
        %dma_start3A_367 = tpu.memref_slice %arg3[%run_scoped3A, %add3A_38, %dma_start3A_365, %dma_start3A_366] : memref<2x625x20x128xi32, #tpu.memory_space<hbm>> -> memref<1x1x20x128xi32, #tpu.memory_space<hbm>>
        %dma_start3A_368 = tpu.memref_squeeze %dma_start3A_367 : memref<1x1x20x128xi32, #tpu.memory_space<hbm>> -> memref<20x128xi32, #tpu.memory_space<hbm>>
        %dma_start3A_369 = arith.constant 0 : i32
        %dma_start3A_370 = arith.constant 0 : i32
        %dma_start3A_371 = tpu.memref_slice %arg3[%run_scoped3A, %add3A_38, %dma_start3A_369, %dma_start3A_370] : memref<2x625x20x128xi32, #tpu.memory_space<hbm>> -> memref<1x1x20x128xi32, #tpu.memory_space<hbm>>
        %dma_start3A_372 = tpu.memref_squeeze %dma_start3A_371 : memref<1x1x20x128xi32, #tpu.memory_space<hbm>> -> memref<20x128xi32, #tpu.memory_space<hbm>>
        tpu.enqueue_dma source(%dma_start3A_372 : memref<20x128xi32, #tpu.memory_space<hbm>>) target(%arg5 : memref<20x128xi32, #tpu.memory_space<vmem>>) target_semaphore(%run_scoped3A_364 : memref<!tpu.dma_semaphore, #tpu.memory_space<semaphore_mem>>)
        %dma_wait3A_373 = arith.constant 0 : i32
        %dma_wait3A_374 = arith.constant 0 : i32
        %dma_wait3A_375 = tpu.memref_slice %arg3[%run_scoped3A, %add3A_38, %dma_wait3A_373, %dma_wait3A_374] : memref<2x625x20x128xi32, #tpu.memory_space<hbm>> -> memref<1x1x20x128xi32, #tpu.memory_space<hbm>>
        %dma_wait3A_376 = tpu.memref_squeeze %dma_wait3A_375 : memref<1x1x20x128xi32, #tpu.memory_space<hbm>> -> memref<20x128xi32, #tpu.memory_space<hbm>>
        %dma_wait3A_377 = arith.constant 0 : i32
        %dma_wait3A_378 = arith.constant 0 : i32
        %dma_wait3A_379 = tpu.memref_slice %arg3[%run_scoped3A, %add3A_38, %dma_wait3A_377, %dma_wait3A_378] : memref<2x625x20x128xi32, #tpu.memory_space<hbm>> -> memref<1x1x20x128xi32, #tpu.memory_space<hbm>>
        %dma_wait3A_380 = tpu.memref_squeeze %dma_wait3A_379 : memref<1x1x20x128xi32, #tpu.memory_space<hbm>> -> memref<20x128xi32, #tpu.memory_space<hbm>>
        tpu.wait_dma2 semaphore(%run_scoped3A_364 : memref<!tpu.dma_semaphore, #tpu.memory_space<semaphore_mem>>) src(%dma_wait3A_380 : memref<20x128xi32, #tpu.memory_space<hbm>>) dst(%arg5 : memref<20x128xi32, #tpu.memory_space<vmem>>)
        tpu.yield
      }) : () -> ()
      %run_scoped3A_39 = arith.constant 1 : i32
      "tpu.region"() ({
        %run_scoped3A_364 = tpu.sem_alloc : memref<!tpu.dma_semaphore, #tpu.memory_space<semaphore_mem>>
        %dma_start3A_365 = arith.constant 0 : i32
        %dma_start3A_366 = arith.constant 0 : i32
        %dma_start3A_367 = tpu.memref_slice %arg3[%run_scoped3A_39, %add3A_38, %dma_start3A_365, %dma_start3A_366] : memref<2x625x20x128xi32, #tpu.memory_space<hbm>> -> memref<1x1x20x128xi32, #tpu.memory_space<hbm>>
        %dma_start3A_368 = tpu.memref_squeeze %dma_start3A_367 : memref<1x1x20x128xi32, #tpu.memory_space<hbm>> -> memref<20x128xi32, #tpu.memory_space<hbm>>
        %dma_start3A_369 = arith.constant 0 : i32
        %dma_start3A_370 = arith.constant 0 : i32
        %dma_start3A_371 = tpu.memref_slice %arg3[%run_scoped3A_39, %add3A_38, %dma_start3A_369, %dma_start3A_370] : memref<2x625x20x128xi32, #tpu.memory_space<hbm>> -> memref<1x1x20x128xi32, #tpu.memory_space<hbm>>
        %dma_start3A_372 = tpu.memref_squeeze %dma_start3A_371 : memref<1x1x20x128xi32, #tpu.memory_space<hbm>> -> memref<20x128xi32, #tpu.memory_space<hbm>>
        tpu.enqueue_dma source(%dma_start3A_372 : memref<20x128xi32, #tpu.memory_space<hbm>>) target(%arg6 : memref<20x128xi32, #tpu.memory_space<vmem>>) target_semaphore(%run_scoped3A_364 : memref<!tpu.dma_semaphore, #tpu.memory_space<semaphore_mem>>)
        %dma_wait3A_373 = arith.constant 0 : i32
        %dma_wait3A_374 = arith.constant 0 : i32
        %dma_wait3A_375 = tpu.memref_slice %arg3[%run_scoped3A_39, %add3A_38, %dma_wait3A_373, %dma_wait3A_374] : memref<2x625x20x128xi32, #tpu.memory_space<hbm>> -> memref<1x1x20x128xi32, #tpu.memory_space<hbm>>
        %dma_wait3A_376 = tpu.memref_squeeze %dma_wait3A_375 : memref<1x1x20x128xi32, #tpu.memory_space<hbm>> -> memref<20x128xi32, #tpu.memory_space<hbm>>
        %dma_wait3A_377 = arith.constant 0 : i32
        %dma_wait3A_378 = arith.constant 0 : i32
        %dma_wait3A_379 = tpu.memref_slice %arg3[%run_scoped3A_39, %add3A_38, %dma_wait3A_377, %dma_wait3A_378] : memref<2x625x20x128xi32, #tpu.memory_space<hbm>> -> memref<1x1x20x128xi32, #tpu.memory_space<hbm>>
        %dma_wait3A_380 = tpu.memref_squeeze %dma_wait3A_379 : memref<1x1x20x128xi32, #tpu.memory_space<hbm>> -> memref<20x128xi32, #tpu.memory_space<hbm>>
        tpu.wait_dma2 semaphore(%run_scoped3A_364 : memref<!tpu.dma_semaphore, #tpu.memory_space<semaphore_mem>>) src(%dma_wait3A_380 : memref<20x128xi32, #tpu.memory_space<hbm>>) dst(%arg6 : memref<20x128xi32, #tpu.memory_space<vmem>>)
        tpu.yield
      }) : () -> ()
      %dma_start3A = arith.constant 0 : i32
      %dma_start3A_40 = arith.constant 0 : i32
      %dma_start3A_41 = arith.constant 0 : i32
      %dma_start3A_42 = arith.constant 0 : i32
      %dma_start3A_43 = arith.constant 0 : i32
      %dma_start3A_44 = tpu.memref_slice %arg7[%dma_start3A_40, %dma_start3A_42, %dma_start3A_43] : memref<10x128x16xf32, #tpu.memory_space<vmem>> -> memref<1x128x16xf32, #tpu.memory_space<vmem>>
      %dma_start3A_45 = tpu.memref_squeeze %dma_start3A_44 : memref<1x128x16xf32, #tpu.memory_space<vmem>> -> memref<128x16xf32, #tpu.memory_space<vmem>>
      %dma_start3A_46 = arith.constant 0 : i32
      %dma_start3A_47 = tpu.memref_slice %arg5[%dma_start3A, %dma_start3A_46] : memref<20x128xi32, #tpu.memory_space<vmem>> -> memref<1x128xi32, #tpu.memory_space<vmem>>
      %dma_start3A_48 = tpu.memref_squeeze %dma_start3A_47 : memref<1x128xi32, #tpu.memory_space<vmem>> -> memref<128xi32, #tpu.memory_space<vmem>>
      %dma_start3A_49 = arith.constant 0 : i32
      %dma_start3A_50 = arith.constant 0 : i32
      %dma_start3A_51 = tpu.memref_slice %arg2[%arg0, %dma_start3A_49, %dma_start3A_50] : memref<2x100096x16xf32, #tpu.memory_space<hbm>> -> memref<1x100096x16xf32, #tpu.memory_space<hbm>>
      %dma_start3A_52 = tpu.memref_squeeze %dma_start3A_51 : memref<1x100096x16xf32, #tpu.memory_space<hbm>> -> memref<100096x16xf32, #tpu.memory_space<hbm>>
      %dma_start3A_53 = arith.constant 0 : i32
      %dma_start3A_54 = arith.constant 0 : i32
      %dma_start3A_55 = tpu.memref_slice %dma_start3A_52[%dma_start3A_53, %dma_start3A_54] : memref<100096x16xf32, #tpu.memory_space<hbm>> -> memref<100096x16xf32, #tpu.memory_space<hbm>>
      %dma_start3A_56 = tpu.memref_slice %arg10[%dma_start3A_41] : memref<10x!tpu.dma_semaphore, #tpu.memory_space<semaphore_mem>> -> memref<1x!tpu.dma_semaphore, #tpu.memory_space<semaphore_mem>>
      %dma_start3A_57 = tpu.memref_squeeze %dma_start3A_56 : memref<1x!tpu.dma_semaphore, #tpu.memory_space<semaphore_mem>> -> memref<!tpu.dma_semaphore, #tpu.memory_space<semaphore_mem>>
      tpu.enqueue_indirect_dma source(%dma_start3A_55 : memref<100096x16xf32, #tpu.memory_space<hbm>>) target(%dma_start3A_45 : memref<128x16xf32, #tpu.memory_space<vmem>>) offsets(%dma_start3A_48 : memref<128xi32, #tpu.memory_space<vmem>>) semaphore(%dma_start3A_57 : memref<!tpu.dma_semaphore, #tpu.memory_space<semaphore_mem>>)
      %dma_start3A_58 = arith.constant 1 : i32
      %dma_start3A_59 = arith.constant 1 : i32
      %dma_start3A_60 = arith.constant 1 : i32
      %dma_start3A_61 = arith.constant 0 : i32
      %dma_start3A_62 = arith.constant 0 : i32
      %dma_start3A_63 = tpu.memref_slice %arg7[%dma_start3A_59, %dma_start3A_61, %dma_start3A_62] : memref<10x128x16xf32, #tpu.memory_space<vmem>> -> memref<1x128x16xf32, #tpu.memory_space<vmem>>
      %dma_start3A_64 = tpu.memref_squeeze %dma_start3A_63 : memref<1x128x16xf32, #tpu.memory_space<vmem>> -> memref<128x16xf32, #tpu.memory_space<vmem>>
      %dma_start3A_65 = arith.constant 0 : i32
      %dma_start3A_66 = tpu.memref_slice %arg5[%dma_start3A_58, %dma_start3A_65] : memref<20x128xi32, #tpu.memory_space<vmem>> -> memref<1x128xi32, #tpu.memory_space<vmem>>
      %dma_start3A_67 = tpu.memref_squeeze %dma_start3A_66 : memref<1x128xi32, #tpu.memory_space<vmem>> -> memref<128xi32, #tpu.memory_space<vmem>>
      %dma_start3A_68 = arith.constant 0 : i32
      %dma_start3A_69 = arith.constant 0 : i32
      %dma_start3A_70 = tpu.memref_slice %arg2[%arg0, %dma_start3A_68, %dma_start3A_69] : memref<2x100096x16xf32, #tpu.memory_space<hbm>> -> memref<1x100096x16xf32, #tpu.memory_space<hbm>>
      %dma_start3A_71 = tpu.memref_squeeze %dma_start3A_70 : memref<1x100096x16xf32, #tpu.memory_space<hbm>> -> memref<100096x16xf32, #tpu.memory_space<hbm>>
      %dma_start3A_72 = arith.constant 0 : i32
      %dma_start3A_73 = arith.constant 0 : i32
      %dma_start3A_74 = tpu.memref_slice %dma_start3A_71[%dma_start3A_72, %dma_start3A_73] : memref<100096x16xf32, #tpu.memory_space<hbm>> -> memref<100096x16xf32, #tpu.memory_space<hbm>>
      %dma_start3A_75 = tpu.memref_slice %arg10[%dma_start3A_60] : memref<10x!tpu.dma_semaphore, #tpu.memory_space<semaphore_mem>> -> memref<1x!tpu.dma_semaphore, #tpu.memory_space<semaphore_mem>>
      %dma_start3A_76 = tpu.memref_squeeze %dma_start3A_75 : memref<1x!tpu.dma_semaphore, #tpu.memory_space<semaphore_mem>> -> memref<!tpu.dma_semaphore, #tpu.memory_space<semaphore_mem>>
      tpu.enqueue_indirect_dma source(%dma_start3A_74 : memref<100096x16xf32, #tpu.memory_space<hbm>>) target(%dma_start3A_64 : memref<128x16xf32, #tpu.memory_space<vmem>>) offsets(%dma_start3A_67 : memref<128xi32, #tpu.memory_space<vmem>>) semaphore(%dma_start3A_76 : memref<!tpu.dma_semaphore, #tpu.memory_space<semaphore_mem>>)
      %dma_start3A_77 = arith.constant 2 : i32
      %dma_start3A_78 = arith.constant 2 : i32
      %dma_start3A_79 = arith.constant 2 : i32
      %dma_start3A_80 = arith.constant 0 : i32
      %dma_start3A_81 = arith.constant 0 : i32
      %dma_start3A_82 = tpu.memref_slice %arg7[%dma_start3A_78, %dma_start3A_80, %dma_start3A_81] : memref<10x128x16xf32, #tpu.memory_space<vmem>> -> memref<1x128x16xf32, #tpu.memory_space<vmem>>
      %dma_start3A_83 = tpu.memref_squeeze %dma_start3A_82 : memref<1x128x16xf32, #tpu.memory_space<vmem>> -> memref<128x16xf32, #tpu.memory_space<vmem>>
      %dma_start3A_84 = arith.constant 0 : i32
      %dma_start3A_85 = tpu.memref_slice %arg5[%dma_start3A_77, %dma_start3A_84] : memref<20x128xi32, #tpu.memory_space<vmem>> -> memref<1x128xi32, #tpu.memory_space<vmem>>
      %dma_start3A_86 = tpu.memref_squeeze %dma_start3A_85 : memref<1x128xi32, #tpu.memory_space<vmem>> -> memref<128xi32, #tpu.memory_space<vmem>>
      %dma_start3A_87 = arith.constant 0 : i32
      %dma_start3A_88 = arith.constant 0 : i32
      %dma_start3A_89 = tpu.memref_slice %arg2[%arg0, %dma_start3A_87, %dma_start3A_88] : memref<2x100096x16xf32, #tpu.memory_space<hbm>> -> memref<1x100096x16xf32, #tpu.memory_space<hbm>>
      %dma_start3A_90 = tpu.memref_squeeze %dma_start3A_89 : memref<1x100096x16xf32, #tpu.memory_space<hbm>> -> memref<100096x16xf32, #tpu.memory_space<hbm>>
      %dma_start3A_91 = arith.constant 0 : i32
      %dma_start3A_92 = arith.constant 0 : i32
      %dma_start3A_93 = tpu.memref_slice %dma_start3A_90[%dma_start3A_91, %dma_start3A_92] : memref<100096x16xf32, #tpu.memory_space<hbm>> -> memref<100096x16xf32, #tpu.memory_space<hbm>>
      %dma_start3A_94 = tpu.memref_slice %arg10[%dma_start3A_79] : memref<10x!tpu.dma_semaphore, #tpu.memory_space<semaphore_mem>> -> memref<1x!tpu.dma_semaphore, #tpu.memory_space<semaphore_mem>>
      %dma_start3A_95 = tpu.memref_squeeze %dma_start3A_94 : memref<1x!tpu.dma_semaphore, #tpu.memory_space<semaphore_mem>> -> memref<!tpu.dma_semaphore, #tpu.memory_space<semaphore_mem>>
      tpu.enqueue_indirect_dma source(%dma_start3A_93 : memref<100096x16xf32, #tpu.memory_space<hbm>>) target(%dma_start3A_83 : memref<128x16xf32, #tpu.memory_space<vmem>>) offsets(%dma_start3A_86 : memref<128xi32, #tpu.memory_space<vmem>>) semaphore(%dma_start3A_95 : memref<!tpu.dma_semaphore, #tpu.memory_space<semaphore_mem>>)
      %dma_start3A_96 = arith.constant 3 : i32
      %dma_start3A_97 = arith.constant 3 : i32
      %dma_start3A_98 = arith.constant 3 : i32
      %dma_start3A_99 = arith.constant 0 : i32
      %dma_start3A_100 = arith.constant 0 : i32
      %dma_start3A_101 = tpu.memref_slice %arg7[%dma_start3A_97, %dma_start3A_99, %dma_start3A_100] : memref<10x128x16xf32, #tpu.memory_space<vmem>> -> memref<1x128x16xf32, #tpu.memory_space<vmem>>
      %dma_start3A_102 = tpu.memref_squeeze %dma_start3A_101 : memref<1x128x16xf32, #tpu.memory_space<vmem>> -> memref<128x16xf32, #tpu.memory_space<vmem>>
      %dma_start3A_103 = arith.constant 0 : i32
      %dma_start3A_104 = tpu.memref_slice %arg5[%dma_start3A_96, %dma_start3A_103] : memref<20x128xi32, #tpu.memory_space<vmem>> -> memref<1x128xi32, #tpu.memory_space<vmem>>
      %dma_start3A_105 = tpu.memref_squeeze %dma_start3A_104 : memref<1x128xi32, #tpu.memory_space<vmem>> -> memref<128xi32, #tpu.memory_space<vmem>>
      %dma_start3A_106 = arith.constant 0 : i32
      %dma_start3A_107 = arith.constant 0 : i32
      %dma_start3A_108 = tpu.memref_slice %arg2[%arg0, %dma_start3A_106, %dma_start3A_107] : memref<2x100096x16xf32, #tpu.memory_space<hbm>> -> memref<1x100096x16xf32, #tpu.memory_space<hbm>>
      %dma_start3A_109 = tpu.memref_squeeze %dma_start3A_108 : memref<1x100096x16xf32, #tpu.memory_space<hbm>> -> memref<100096x16xf32, #tpu.memory_space<hbm>>
      %dma_start3A_110 = arith.constant 0 : i32
      %dma_start3A_111 = arith.constant 0 : i32
      %dma_start3A_112 = tpu.memref_slice %dma_start3A_109[%dma_start3A_110, %dma_start3A_111] : memref<100096x16xf32, #tpu.memory_space<hbm>> -> memref<100096x16xf32, #tpu.memory_space<hbm>>
      %dma_start3A_113 = tpu.memref_slice %arg10[%dma_start3A_98] : memref<10x!tpu.dma_semaphore, #tpu.memory_space<semaphore_mem>> -> memref<1x!tpu.dma_semaphore, #tpu.memory_space<semaphore_mem>>
      %dma_start3A_114 = tpu.memref_squeeze %dma_start3A_113 : memref<1x!tpu.dma_semaphore, #tpu.memory_space<semaphore_mem>> -> memref<!tpu.dma_semaphore, #tpu.memory_space<semaphore_mem>>
      tpu.enqueue_indirect_dma source(%dma_start3A_112 : memref<100096x16xf32, #tpu.memory_space<hbm>>) target(%dma_start3A_102 : memref<128x16xf32, #tpu.memory_space<vmem>>) offsets(%dma_start3A_105 : memref<128xi32, #tpu.memory_space<vmem>>) semaphore(%dma_start3A_114 : memref<!tpu.dma_semaphore, #tpu.memory_space<semaphore_mem>>)
      %dma_start3A_115 = arith.constant 4 : i32
      %dma_start3A_116 = arith.constant 4 : i32
      %dma_start3A_117 = arith.constant 4 : i32
      %dma_start3A_118 = arith.constant 0 : i32
      %dma_start3A_119 = arith.constant 0 : i32
      %dma_start3A_120 = tpu.memref_slice %arg7[%dma_start3A_116, %dma_start3A_118, %dma_start3A_119] : memref<10x128x16xf32, #tpu.memory_space<vmem>> -> memref<1x128x16xf32, #tpu.memory_space<vmem>>
      %dma_start3A_121 = tpu.memref_squeeze %dma_start3A_120 : memref<1x128x16xf32, #tpu.memory_space<vmem>> -> memref<128x16xf32, #tpu.memory_space<vmem>>
      %dma_start3A_122 = arith.constant 0 : i32
      %dma_start3A_123 = tpu.memref_slice %arg5[%dma_start3A_115, %dma_start3A_122] : memref<20x128xi32, #tpu.memory_space<vmem>> -> memref<1x128xi32, #tpu.memory_space<vmem>>
      %dma_start3A_124 = tpu.memref_squeeze %dma_start3A_123 : memref<1x128xi32, #tpu.memory_space<vmem>> -> memref<128xi32, #tpu.memory_space<vmem>>
      %dma_start3A_125 = arith.constant 0 : i32
      %dma_start3A_126 = arith.constant 0 : i32
      %dma_start3A_127 = tpu.memref_slice %arg2[%arg0, %dma_start3A_125, %dma_start3A_126] : memref<2x100096x16xf32, #tpu.memory_space<hbm>> -> memref<1x100096x16xf32, #tpu.memory_space<hbm>>
      %dma_start3A_128 = tpu.memref_squeeze %dma_start3A_127 : memref<1x100096x16xf32, #tpu.memory_space<hbm>> -> memref<100096x16xf32, #tpu.memory_space<hbm>>
      %dma_start3A_129 = arith.constant 0 : i32
      %dma_start3A_130 = arith.constant 0 : i32
      %dma_start3A_131 = tpu.memref_slice %dma_start3A_128[%dma_start3A_129, %dma_start3A_130] : memref<100096x16xf32, #tpu.memory_space<hbm>> -> memref<100096x16xf32, #tpu.memory_space<hbm>>
      %dma_start3A_132 = tpu.memref_slice %arg10[%dma_start3A_117] : memref<10x!tpu.dma_semaphore, #tpu.memory_space<semaphore_mem>> -> memref<1x!tpu.dma_semaphore, #tpu.memory_space<semaphore_mem>>
      %dma_start3A_133 = tpu.memref_squeeze %dma_start3A_132 : memref<1x!tpu.dma_semaphore, #tpu.memory_space<semaphore_mem>> -> memref<!tpu.dma_semaphore, #tpu.memory_space<semaphore_mem>>
      tpu.enqueue_indirect_dma source(%dma_start3A_131 : memref<100096x16xf32, #tpu.memory_space<hbm>>) target(%dma_start3A_121 : memref<128x16xf32, #tpu.memory_space<vmem>>) offsets(%dma_start3A_124 : memref<128xi32, #tpu.memory_space<vmem>>) semaphore(%dma_start3A_133 : memref<!tpu.dma_semaphore, #tpu.memory_space<semaphore_mem>>)
      %dma_start3A_134 = arith.constant 5 : i32
      %dma_start3A_135 = arith.constant 5 : i32
      %dma_start3A_136 = arith.constant 5 : i32
      %dma_start3A_137 = arith.constant 0 : i32
      %dma_start3A_138 = arith.constant 0 : i32
      %dma_start3A_139 = tpu.memref_slice %arg7[%dma_start3A_135, %dma_start3A_137, %dma_start3A_138] : memref<10x128x16xf32, #tpu.memory_space<vmem>> -> memref<1x128x16xf32, #tpu.memory_space<vmem>>
      %dma_start3A_140 = tpu.memref_squeeze %dma_start3A_139 : memref<1x128x16xf32, #tpu.memory_space<vmem>> -> memref<128x16xf32, #tpu.memory_space<vmem>>
      %dma_start3A_141 = arith.constant 0 : i32
      %dma_start3A_142 = tpu.memref_slice %arg5[%dma_start3A_134, %dma_start3A_141] : memref<20x128xi32, #tpu.memory_space<vmem>> -> memref<1x128xi32, #tpu.memory_space<vmem>>
      %dma_start3A_143 = tpu.memref_squeeze %dma_start3A_142 : memref<1x128xi32, #tpu.memory_space<vmem>> -> memref<128xi32, #tpu.memory_space<vmem>>
      %dma_start3A_144 = arith.constant 0 : i32
      %dma_start3A_145 = arith.constant 0 : i32
      %dma_start3A_146 = tpu.memref_slice %arg2[%arg0, %dma_start3A_144, %dma_start3A_145] : memref<2x100096x16xf32, #tpu.memory_space<hbm>> -> memref<1x100096x16xf32, #tpu.memory_space<hbm>>
      %dma_start3A_147 = tpu.memref_squeeze %dma_start3A_146 : memref<1x100096x16xf32, #tpu.memory_space<hbm>> -> memref<100096x16xf32, #tpu.memory_space<hbm>>
      %dma_start3A_148 = arith.constant 0 : i32
      %dma_start3A_149 = arith.constant 0 : i32
      %dma_start3A_150 = tpu.memref_slice %dma_start3A_147[%dma_start3A_148, %dma_start3A_149] : memref<100096x16xf32, #tpu.memory_space<hbm>> -> memref<100096x16xf32, #tpu.memory_space<hbm>>
      %dma_start3A_151 = tpu.memref_slice %arg10[%dma_start3A_136] : memref<10x!tpu.dma_semaphore, #tpu.memory_space<semaphore_mem>> -> memref<1x!tpu.dma_semaphore, #tpu.memory_space<semaphore_mem>>
      %dma_start3A_152 = tpu.memref_squeeze %dma_start3A_151 : memref<1x!tpu.dma_semaphore, #tpu.memory_space<semaphore_mem>> -> memref<!tpu.dma_semaphore, #tpu.memory_space<semaphore_mem>>
      tpu.enqueue_indirect_dma source(%dma_start3A_150 : memref<100096x16xf32, #tpu.memory_space<hbm>>) target(%dma_start3A_140 : memref<128x16xf32, #tpu.memory_space<vmem>>) offsets(%dma_start3A_143 : memref<128xi32, #tpu.memory_space<vmem>>) semaphore(%dma_start3A_152 : memref<!tpu.dma_semaphore, #tpu.memory_space<semaphore_mem>>)
      %dma_start3A_153 = arith.constant 6 : i32
      %dma_start3A_154 = arith.constant 6 : i32
      %dma_start3A_155 = arith.constant 6 : i32
      %dma_start3A_156 = arith.constant 0 : i32
      %dma_start3A_157 = arith.constant 0 : i32
      %dma_start3A_158 = tpu.memref_slice %arg7[%dma_start3A_154, %dma_start3A_156, %dma_start3A_157] : memref<10x128x16xf32, #tpu.memory_space<vmem>> -> memref<1x128x16xf32, #tpu.memory_space<vmem>>
      %dma_start3A_159 = tpu.memref_squeeze %dma_start3A_158 : memref<1x128x16xf32, #tpu.memory_space<vmem>> -> memref<128x16xf32, #tpu.memory_space<vmem>>
      %dma_start3A_160 = arith.constant 0 : i32
      %dma_start3A_161 = tpu.memref_slice %arg5[%dma_start3A_153, %dma_start3A_160] : memref<20x128xi32, #tpu.memory_space<vmem>> -> memref<1x128xi32, #tpu.memory_space<vmem>>
      %dma_start3A_162 = tpu.memref_squeeze %dma_start3A_161 : memref<1x128xi32, #tpu.memory_space<vmem>> -> memref<128xi32, #tpu.memory_space<vmem>>
      %dma_start3A_163 = arith.constant 0 : i32
      %dma_start3A_164 = arith.constant 0 : i32
      %dma_start3A_165 = tpu.memref_slice %arg2[%arg0, %dma_start3A_163, %dma_start3A_164] : memref<2x100096x16xf32, #tpu.memory_space<hbm>> -> memref<1x100096x16xf32, #tpu.memory_space<hbm>>
      %dma_start3A_166 = tpu.memref_squeeze %dma_start3A_165 : memref<1x100096x16xf32, #tpu.memory_space<hbm>> -> memref<100096x16xf32, #tpu.memory_space<hbm>>
      %dma_start3A_167 = arith.constant 0 : i32
      %dma_start3A_168 = arith.constant 0 : i32
      %dma_start3A_169 = tpu.memref_slice %dma_start3A_166[%dma_start3A_167, %dma_start3A_168] : memref<100096x16xf32, #tpu.memory_space<hbm>> -> memref<100096x16xf32, #tpu.memory_space<hbm>>
      %dma_start3A_170 = tpu.memref_slice %arg10[%dma_start3A_155] : memref<10x!tpu.dma_semaphore, #tpu.memory_space<semaphore_mem>> -> memref<1x!tpu.dma_semaphore, #tpu.memory_space<semaphore_mem>>
      %dma_start3A_171 = tpu.memref_squeeze %dma_start3A_170 : memref<1x!tpu.dma_semaphore, #tpu.memory_space<semaphore_mem>> -> memref<!tpu.dma_semaphore, #tpu.memory_space<semaphore_mem>>
      tpu.enqueue_indirect_dma source(%dma_start3A_169 : memref<100096x16xf32, #tpu.memory_space<hbm>>) target(%dma_start3A_159 : memref<128x16xf32, #tpu.memory_space<vmem>>) offsets(%dma_start3A_162 : memref<128xi32, #tpu.memory_space<vmem>>) semaphore(%dma_start3A_171 : memref<!tpu.dma_semaphore, #tpu.memory_space<semaphore_mem>>)
      %dma_start3A_172 = arith.constant 7 : i32
      %dma_start3A_173 = arith.constant 7 : i32
      %dma_start3A_174 = arith.constant 7 : i32
      %dma_start3A_175 = arith.constant 0 : i32
      %dma_start3A_176 = arith.constant 0 : i32
      %dma_start3A_177 = tpu.memref_slice %arg7[%dma_start3A_173, %dma_start3A_175, %dma_start3A_176] : memref<10x128x16xf32, #tpu.memory_space<vmem>> -> memref<1x128x16xf32, #tpu.memory_space<vmem>>
      %dma_start3A_178 = tpu.memref_squeeze %dma_start3A_177 : memref<1x128x16xf32, #tpu.memory_space<vmem>> -> memref<128x16xf32, #tpu.memory_space<vmem>>
      %dma_start3A_179 = arith.constant 0 : i32
      %dma_start3A_180 = tpu.memref_slice %arg5[%dma_start3A_172, %dma_start3A_179] : memref<20x128xi32, #tpu.memory_space<vmem>> -> memref<1x128xi32, #tpu.memory_space<vmem>>
      %dma_start3A_181 = tpu.memref_squeeze %dma_start3A_180 : memref<1x128xi32, #tpu.memory_space<vmem>> -> memref<128xi32, #tpu.memory_space<vmem>>
      %dma_start3A_182 = arith.constant 0 : i32
      %dma_start3A_183 = arith.constant 0 : i32
      %dma_start3A_184 = tpu.memref_slice %arg2[%arg0, %dma_start3A_182, %dma_start3A_183] : memref<2x100096x16xf32, #tpu.memory_space<hbm>> -> memref<1x100096x16xf32, #tpu.memory_space<hbm>>
      %dma_start3A_185 = tpu.memref_squeeze %dma_start3A_184 : memref<1x100096x16xf32, #tpu.memory_space<hbm>> -> memref<100096x16xf32, #tpu.memory_space<hbm>>
      %dma_start3A_186 = arith.constant 0 : i32
      %dma_start3A_187 = arith.constant 0 : i32
      %dma_start3A_188 = tpu.memref_slice %dma_start3A_185[%dma_start3A_186, %dma_start3A_187] : memref<100096x16xf32, #tpu.memory_space<hbm>> -> memref<100096x16xf32, #tpu.memory_space<hbm>>
      %dma_start3A_189 = tpu.memref_slice %arg10[%dma_start3A_174] : memref<10x!tpu.dma_semaphore, #tpu.memory_space<semaphore_mem>> -> memref<1x!tpu.dma_semaphore, #tpu.memory_space<semaphore_mem>>
      %dma_start3A_190 = tpu.memref_squeeze %dma_start3A_189 : memref<1x!tpu.dma_semaphore, #tpu.memory_space<semaphore_mem>> -> memref<!tpu.dma_semaphore, #tpu.memory_space<semaphore_mem>>
      tpu.enqueue_indirect_dma source(%dma_start3A_188 : memref<100096x16xf32, #tpu.memory_space<hbm>>) target(%dma_start3A_178 : memref<128x16xf32, #tpu.memory_space<vmem>>) offsets(%dma_start3A_181 : memref<128xi32, #tpu.memory_space<vmem>>) semaphore(%dma_start3A_190 : memref<!tpu.dma_semaphore, #tpu.memory_space<semaphore_mem>>)
      %dma_start3A_191 = arith.constant 8 : i32
      %dma_start3A_192 = arith.constant 8 : i32
      %dma_start3A_193 = arith.constant 8 : i32
      %dma_start3A_194 = arith.constant 0 : i32
      %dma_start3A_195 = arith.constant 0 : i32
      %dma_start3A_196 = tpu.memref_slice %arg7[%dma_start3A_192, %dma_start3A_194, %dma_start3A_195] : memref<10x128x16xf32, #tpu.memory_space<vmem>> -> memref<1x128x16xf32, #tpu.memory_space<vmem>>
      %dma_start3A_197 = tpu.memref_squeeze %dma_start3A_196 : memref<1x128x16xf32, #tpu.memory_space<vmem>> -> memref<128x16xf32, #tpu.memory_space<vmem>>
      %dma_start3A_198 = arith.constant 0 : i32
      %dma_start3A_199 = tpu.memref_slice %arg5[%dma_start3A_191, %dma_start3A_198] : memref<20x128xi32, #tpu.memory_space<vmem>> -> memref<1x128xi32, #tpu.memory_space<vmem>>
      %dma_start3A_200 = tpu.memref_squeeze %dma_start3A_199 : memref<1x128xi32, #tpu.memory_space<vmem>> -> memref<128xi32, #tpu.memory_space<vmem>>
      %dma_start3A_201 = arith.constant 0 : i32
      %dma_start3A_202 = arith.constant 0 : i32
      %dma_start3A_203 = tpu.memref_slice %arg2[%arg0, %dma_start3A_201, %dma_start3A_202] : memref<2x100096x16xf32, #tpu.memory_space<hbm>> -> memref<1x100096x16xf32, #tpu.memory_space<hbm>>
      %dma_start3A_204 = tpu.memref_squeeze %dma_start3A_203 : memref<1x100096x16xf32, #tpu.memory_space<hbm>> -> memref<100096x16xf32, #tpu.memory_space<hbm>>
      %dma_start3A_205 = arith.constant 0 : i32
      %dma_start3A_206 = arith.constant 0 : i32
      %dma_start3A_207 = tpu.memref_slice %dma_start3A_204[%dma_start3A_205, %dma_start3A_206] : memref<100096x16xf32, #tpu.memory_space<hbm>> -> memref<100096x16xf32, #tpu.memory_space<hbm>>
      %dma_start3A_208 = tpu.memref_slice %arg10[%dma_start3A_193] : memref<10x!tpu.dma_semaphore, #tpu.memory_space<semaphore_mem>> -> memref<1x!tpu.dma_semaphore, #tpu.memory_space<semaphore_mem>>
      %dma_start3A_209 = tpu.memref_squeeze %dma_start3A_208 : memref<1x!tpu.dma_semaphore, #tpu.memory_space<semaphore_mem>> -> memref<!tpu.dma_semaphore, #tpu.memory_space<semaphore_mem>>
      tpu.enqueue_indirect_dma source(%dma_start3A_207 : memref<100096x16xf32, #tpu.memory_space<hbm>>) target(%dma_start3A_197 : memref<128x16xf32, #tpu.memory_space<vmem>>) offsets(%dma_start3A_200 : memref<128xi32, #tpu.memory_space<vmem>>) semaphore(%dma_start3A_209 : memref<!tpu.dma_semaphore, #tpu.memory_space<semaphore_mem>>)
      %scan3A_210 = arith.constant 0 : i32
      %scan3A_211 = arith.constant 20 : i32
      %scan3A_212 = arith.addi %scan3A_210, %scan3A_211 : i32
      %scan3A_213 = arith.constant 1 : i32
      scf.for %scan3A_364 = %scan3A_210 to %scan3A_212 step %scan3A_213  : i32 {
        %mul3A_365 = arith.constant 1 : i32
        %mul3A_366 = arith.muli %scan3A_364, %mul3A_365 : i32
        %add3A_367 = arith.constant 0 : i32
        %add3A_368 = arith.addi %add3A_367, %mul3A_366 : i32
        %rem3A = arith.constant 10 : i32
        %rem3A_369 = arith.remsi %add3A_368, %rem3A : i32
        %dma_wait3A_370 = arith.constant 0 : i32
        %dma_wait3A_371 = arith.constant 0 : i32
        %dma_wait3A_372 = tpu.memref_slice %arg7[%rem3A_369, %dma_wait3A_370, %dma_wait3A_371] : memref<10x128x16xf32, #tpu.memory_space<vmem>> -> memref<1x128x16xf32, #tpu.memory_space<vmem>>
        %dma_wait3A_373 = tpu.memref_squeeze %dma_wait3A_372 : memref<1x128x16xf32, #tpu.memory_space<vmem>> -> memref<128x16xf32, #tpu.memory_space<vmem>>
        %dma_wait3A_374 = arith.constant 0 : i32
        %dma_wait3A_375 = tpu.memref_slice %arg5[%add3A_368, %dma_wait3A_374] : memref<20x128xi32, #tpu.memory_space<vmem>> -> memref<1x128xi32, #tpu.memory_space<vmem>>
        %dma_wait3A_376 = tpu.memref_squeeze %dma_wait3A_375 : memref<1x128xi32, #tpu.memory_space<vmem>> -> memref<128xi32, #tpu.memory_space<vmem>>
        %dma_wait3A_377 = arith.constant 0 : i32
        %dma_wait3A_378 = arith.constant 0 : i32
        %dma_wait3A_379 = tpu.memref_slice %arg2[%arg0, %dma_wait3A_377, %dma_wait3A_378] : memref<2x100096x16xf32, #tpu.memory_space<hbm>> -> memref<1x100096x16xf32, #tpu.memory_space<hbm>>
        %dma_wait3A_380 = tpu.memref_squeeze %dma_wait3A_379 : memref<1x100096x16xf32, #tpu.memory_space<hbm>> -> memref<100096x16xf32, #tpu.memory_space<hbm>>
        %dma_wait3A_381 = arith.constant 0 : i32
        %dma_wait3A_382 = arith.constant 0 : i32
        %dma_wait3A_383 = tpu.memref_slice %dma_wait3A_380[%dma_wait3A_381, %dma_wait3A_382] : memref<100096x16xf32, #tpu.memory_space<hbm>> -> memref<100096x16xf32, #tpu.memory_space<hbm>>
        %dma_wait3A_384 = tpu.memref_slice %arg10[%rem3A_369] : memref<10x!tpu.dma_semaphore, #tpu.memory_space<semaphore_mem>> -> memref<1x!tpu.dma_semaphore, #tpu.memory_space<semaphore_mem>>
        %dma_wait3A_385 = tpu.memref_squeeze %dma_wait3A_384 : memref<1x!tpu.dma_semaphore, #tpu.memory_space<semaphore_mem>> -> memref<!tpu.dma_semaphore, #tpu.memory_space<semaphore_mem>>
        tpu.wait_indirect_dma semaphore(%dma_wait3A_385 : memref<!tpu.dma_semaphore, #tpu.memory_space<semaphore_mem>>) src(%dma_wait3A_383 : memref<100096x16xf32, #tpu.memory_space<hbm>>) dst(%dma_wait3A_373 : memref<128x16xf32, #tpu.memory_space<vmem>>)
        %dma_start3A_386 = arith.constant 0 : i32
        %dma_start3A_387 = arith.constant 0 : i32
        %dma_start3A_388 = tpu.memref_slice %arg7[%rem3A_369, %dma_start3A_386, %dma_start3A_387] : memref<10x128x16xf32, #tpu.memory_space<vmem>> -> memref<1x128x16xf32, #tpu.memory_space<vmem>>
        %dma_start3A_389 = tpu.memref_squeeze %dma_start3A_388 : memref<1x128x16xf32, #tpu.memory_space<vmem>> -> memref<128x16xf32, #tpu.memory_space<vmem>>
        %dma_start3A_390 = arith.constant 0 : i32
        %dma_start3A_391 = tpu.memref_slice %arg6[%add3A_368, %dma_start3A_390] : memref<20x128xi32, #tpu.memory_space<vmem>> -> memref<1x128xi32, #tpu.memory_space<vmem>>
        %dma_start3A_392 = tpu.memref_squeeze %dma_start3A_391 : memref<1x128xi32, #tpu.memory_space<vmem>> -> memref<128xi32, #tpu.memory_space<vmem>>
        %dma_start3A_393 = arith.constant 0 : i32
        %dma_start3A_394 = arith.constant 0 : i32
        %dma_start3A_395 = tpu.memref_slice %arg9[%dma_start3A_393, %dma_start3A_394] : memref<100096x16xf32, #tpu.memory_space<vmem_shared>> -> memref<100096x16xf32, #tpu.memory_space<vmem_shared>>
        %dma_start3A_396 = tpu.memref_slice %arg11[%rem3A_369] : memref<10x!tpu.dma_semaphore, #tpu.memory_space<semaphore_mem>> -> memref<1x!tpu.dma_semaphore, #tpu.memory_space<semaphore_mem>>
        %dma_start3A_397 = tpu.memref_squeeze %dma_start3A_396 : memref<1x!tpu.dma_semaphore, #tpu.memory_space<semaphore_mem>> -> memref<!tpu.dma_semaphore, #tpu.memory_space<semaphore_mem>>
        tpu.enqueue_indirect_dma source(%dma_start3A_389 : memref<128x16xf32, #tpu.memory_space<vmem>>) target(%dma_start3A_395 : memref<100096x16xf32, #tpu.memory_space<vmem_shared>>) offsets(%dma_start3A_392 : memref<128xi32, #tpu.memory_space<vmem>>) semaphore(%dma_start3A_397 : memref<!tpu.dma_semaphore, #tpu.memory_space<semaphore_mem>>) {add = true}
        %add3A_398 = arith.constant 9 : i32
        %add3A_399 = arith.addi %add3A_368, %add3A_398 : i32
        %lt3A_400 = arith.constant 20 : i32
        %lt3A_401 = arith.cmpi slt, %add3A_399, %lt3A_400 : i32
        %convert_element_type3A = arith.extui %lt3A_401 : i1 to i32
        %cond3A = arith.constant 0 : i32
        %cond3A_402 = arith.cmpi ne, %convert_element_type3A, %cond3A : i32
        scf.if %cond3A_402 {
          %add3A_403 = arith.constant 9 : i32
          %add3A_404 = arith.addi %add3A_368, %add3A_403 : i32
          %rem3A_405 = arith.constant 10 : i32
          %rem3A_406 = arith.remsi %add3A_404, %rem3A_405 : i32
          %ge3A = arith.constant 1 : i32
          %ge3A_407 = arith.cmpi sge, %add3A_368, %ge3A : i32
          %convert_element_type3A_408 = arith.extui %ge3A_407 : i1 to i32
          %cond3A_409 = arith.constant 0 : i32
          %cond3A_410 = arith.cmpi ne, %convert_element_type3A_408, %cond3A_409 : i32
          scf.if %cond3A_410 {
            %dma_wait3A_429 = arith.constant 0 : i32
            %dma_wait3A_430 = arith.constant 0 : i32
            %dma_wait3A_431 = tpu.memref_slice %arg7[%rem3A_406, %dma_wait3A_429, %dma_wait3A_430] : memref<10x128x16xf32, #tpu.memory_space<vmem>> -> memref<1x128x16xf32, #tpu.memory_space<vmem>>
            %dma_wait3A_432 = tpu.memref_squeeze %dma_wait3A_431 : memref<1x128x16xf32, #tpu.memory_space<vmem>> -> memref<128x16xf32, #tpu.memory_space<vmem>>
            %dma_wait3A_433 = arith.constant 0 : i32
            %dma_wait3A_434 = tpu.memref_slice %arg6[%add3A_368, %dma_wait3A_433] : memref<20x128xi32, #tpu.memory_space<vmem>> -> memref<1x128xi32, #tpu.memory_space<vmem>>
            %dma_wait3A_435 = tpu.memref_squeeze %dma_wait3A_434 : memref<1x128xi32, #tpu.memory_space<vmem>> -> memref<128xi32, #tpu.memory_space<vmem>>
            %dma_wait3A_436 = arith.constant 0 : i32
            %dma_wait3A_437 = arith.constant 0 : i32
            %dma_wait3A_438 = tpu.memref_slice %arg9[%dma_wait3A_436, %dma_wait3A_437] : memref<100096x16xf32, #tpu.memory_space<vmem_shared>> -> memref<100096x16xf32, #tpu.memory_space<vmem_shared>>
            %dma_wait3A_439 = tpu.memref_slice %arg11[%rem3A_406] : memref<10x!tpu.dma_semaphore, #tpu.memory_space<semaphore_mem>> -> memref<1x!tpu.dma_semaphore, #tpu.memory_space<semaphore_mem>>
            %dma_wait3A_440 = tpu.memref_squeeze %dma_wait3A_439 : memref<1x!tpu.dma_semaphore, #tpu.memory_space<semaphore_mem>> -> memref<!tpu.dma_semaphore, #tpu.memory_space<semaphore_mem>>
            tpu.wait_indirect_dma semaphore(%dma_wait3A_440 : memref<!tpu.dma_semaphore, #tpu.memory_space<semaphore_mem>>) src(%dma_wait3A_432 : memref<128x16xf32, #tpu.memory_space<vmem>>) dst(%dma_wait3A_438 : memref<100096x16xf32, #tpu.memory_space<vmem_shared>>)
          } else {
          }
          %add3A_411 = arith.constant 9 : i32
          %add3A_412 = arith.addi %add3A_368, %add3A_411 : i32
          %dma_start3A_413 = arith.constant 0 : i32
          %dma_start3A_414 = arith.constant 0 : i32
          %dma_start3A_415 = tpu.memref_slice %arg7[%rem3A_406, %dma_start3A_413, %dma_start3A_414] : memref<10x128x16xf32, #tpu.memory_space<vmem>> -> memref<1x128x16xf32, #tpu.memory_space<vmem>>
          %dma_start3A_416 = tpu.memref_squeeze %dma_start3A_415 : memref<1x128x16xf32, #tpu.memory_space<vmem>> -> memref<128x16xf32, #tpu.memory_space<vmem>>
          %dma_start3A_417 = arith.constant 0 : i32
          %dma_start3A_418 = tpu.memref_slice %arg5[%add3A_412, %dma_start3A_417] : memref<20x128xi32, #tpu.memory_space<vmem>> -> memref<1x128xi32, #tpu.memory_space<vmem>>
          %dma_start3A_419 = tpu.memref_squeeze %dma_start3A_418 : memref<1x128xi32, #tpu.memory_space<vmem>> -> memref<128xi32, #tpu.memory_space<vmem>>
          %dma_start3A_420 = arith.constant 0 : i32
          %dma_start3A_421 = arith.constant 0 : i32
          %dma_start3A_422 = tpu.memref_slice %arg2[%arg0, %dma_start3A_420, %dma_start3A_421] : memref<2x100096x16xf32, #tpu.memory_space<hbm>> -> memref<1x100096x16xf32, #tpu.memory_space<hbm>>
          %dma_start3A_423 = tpu.memref_squeeze %dma_start3A_422 : memref<1x100096x16xf32, #tpu.memory_space<hbm>> -> memref<100096x16xf32, #tpu.memory_space<hbm>>
          %dma_start3A_424 = arith.constant 0 : i32
          %dma_start3A_425 = arith.constant 0 : i32
          %dma_start3A_426 = tpu.memref_slice %dma_start3A_423[%dma_start3A_424, %dma_start3A_425] : memref<100096x16xf32, #tpu.memory_space<hbm>> -> memref<100096x16xf32, #tpu.memory_space<hbm>>
          %dma_start3A_427 = tpu.memref_slice %arg10[%rem3A_406] : memref<10x!tpu.dma_semaphore, #tpu.memory_space<semaphore_mem>> -> memref<1x!tpu.dma_semaphore, #tpu.memory_space<semaphore_mem>>
          %dma_start3A_428 = tpu.memref_squeeze %dma_start3A_427 : memref<1x!tpu.dma_semaphore, #tpu.memory_space<semaphore_mem>> -> memref<!tpu.dma_semaphore, #tpu.memory_space<semaphore_mem>>
          tpu.enqueue_indirect_dma source(%dma_start3A_426 : memref<100096x16xf32, #tpu.memory_space<hbm>>) target(%dma_start3A_416 : memref<128x16xf32, #tpu.memory_space<vmem>>) offsets(%dma_start3A_419 : memref<128xi32, #tpu.memory_space<vmem>>) semaphore(%dma_start3A_428 : memref<!tpu.dma_semaphore, #tpu.memory_space<semaphore_mem>>)
        } else {
        }
      }
      %scan3A_214 = arith.constant 20 : i32
      %dma_wait3A = arith.constant 0 : i32
      %dma_wait3A_215 = arith.constant 0 : i32
      %dma_wait3A_216 = arith.constant 0 : i32
      %dma_wait3A_217 = arith.constant 0 : i32
      %dma_wait3A_218 = arith.constant 0 : i32
      %dma_wait3A_219 = tpu.memref_slice %arg7[%dma_wait3A, %dma_wait3A_217, %dma_wait3A_218] : memref<10x128x16xf32, #tpu.memory_space<vmem>> -> memref<1x128x16xf32, #tpu.memory_space<vmem>>
      %dma_wait3A_220 = tpu.memref_squeeze %dma_wait3A_219 : memref<1x128x16xf32, #tpu.memory_space<vmem>> -> memref<128x16xf32, #tpu.memory_space<vmem>>
      %dma_wait3A_221 = arith.constant 0 : i32
      %dma_wait3A_222 = tpu.memref_slice %arg6[%dma_wait3A_215, %dma_wait3A_221] : memref<20x128xi32, #tpu.memory_space<vmem>> -> memref<1x128xi32, #tpu.memory_space<vmem>>
      %dma_wait3A_223 = tpu.memref_squeeze %dma_wait3A_222 : memref<1x128xi32, #tpu.memory_space<vmem>> -> memref<128xi32, #tpu.memory_space<vmem>>
      %dma_wait3A_224 = arith.constant 0 : i32
      %dma_wait3A_225 = arith.constant 0 : i32
      %dma_wait3A_226 = tpu.memref_slice %arg9[%dma_wait3A_224, %dma_wait3A_225] : memref<100096x16xf32, #tpu.memory_space<vmem_shared>> -> memref<100096x16xf32, #tpu.memory_space<vmem_shared>>
      %dma_wait3A_227 = tpu.memref_slice %arg11[%dma_wait3A_216] : memref<10x!tpu.dma_semaphore, #tpu.memory_space<semaphore_mem>> -> memref<1x!tpu.dma_semaphore, #tpu.memory_space<semaphore_mem>>
      %dma_wait3A_228 = tpu.memref_squeeze %dma_wait3A_227 : memref<1x!tpu.dma_semaphore, #tpu.memory_space<semaphore_mem>> -> memref<!tpu.dma_semaphore, #tpu.memory_space<semaphore_mem>>
      tpu.wait_indirect_dma semaphore(%dma_wait3A_228 : memref<!tpu.dma_semaphore, #tpu.memory_space<semaphore_mem>>) src(%dma_wait3A_220 : memref<128x16xf32, #tpu.memory_space<vmem>>) dst(%dma_wait3A_226 : memref<100096x16xf32, #tpu.memory_space<vmem_shared>>)
      %dma_wait3A_229 = arith.constant 1 : i32
      %dma_wait3A_230 = arith.constant 0 : i32
      %dma_wait3A_231 = arith.constant 1 : i32
      %dma_wait3A_232 = arith.constant 0 : i32
      %dma_wait3A_233 = arith.constant 0 : i32
      %dma_wait3A_234 = tpu.memref_slice %arg7[%dma_wait3A_229, %dma_wait3A_232, %dma_wait3A_233] : memref<10x128x16xf32, #tpu.memory_space<vmem>> -> memref<1x128x16xf32, #tpu.memory_space<vmem>>
      %dma_wait3A_235 = tpu.memref_squeeze %dma_wait3A_234 : memref<1x128x16xf32, #tpu.memory_space<vmem>> -> memref<128x16xf32, #tpu.memory_space<vmem>>
      %dma_wait3A_236 = arith.constant 0 : i32
      %dma_wait3A_237 = tpu.memref_slice %arg6[%dma_wait3A_230, %dma_wait3A_236] : memref<20x128xi32, #tpu.memory_space<vmem>> -> memref<1x128xi32, #tpu.memory_space<vmem>>
      %dma_wait3A_238 = tpu.memref_squeeze %dma_wait3A_237 : memref<1x128xi32, #tpu.memory_space<vmem>> -> memref<128xi32, #tpu.memory_space<vmem>>
      %dma_wait3A_239 = arith.constant 0 : i32
      %dma_wait3A_240 = arith.constant 0 : i32
      %dma_wait3A_241 = tpu.memref_slice %arg9[%dma_wait3A_239, %dma_wait3A_240] : memref<100096x16xf32, #tpu.memory_space<vmem_shared>> -> memref<100096x16xf32, #tpu.memory_space<vmem_shared>>
      %dma_wait3A_242 = tpu.memref_slice %arg11[%dma_wait3A_231] : memref<10x!tpu.dma_semaphore, #tpu.memory_space<semaphore_mem>> -> memref<1x!tpu.dma_semaphore, #tpu.memory_space<semaphore_mem>>
      %dma_wait3A_243 = tpu.memref_squeeze %dma_wait3A_242 : memref<1x!tpu.dma_semaphore, #tpu.memory_space<semaphore_mem>> -> memref<!tpu.dma_semaphore, #tpu.memory_space<semaphore_mem>>
      tpu.wait_indirect_dma semaphore(%dma_wait3A_243 : memref<!tpu.dma_semaphore, #tpu.memory_space<semaphore_mem>>) src(%dma_wait3A_235 : memref<128x16xf32, #tpu.memory_space<vmem>>) dst(%dma_wait3A_241 : memref<100096x16xf32, #tpu.memory_space<vmem_shared>>)
      %dma_wait3A_244 = arith.constant 2 : i32
      %dma_wait3A_245 = arith.constant 0 : i32
      %dma_wait3A_246 = arith.constant 2 : i32
      %dma_wait3A_247 = arith.constant 0 : i32
      %dma_wait3A_248 = arith.constant 0 : i32
      %dma_wait3A_249 = tpu.memref_slice %arg7[%dma_wait3A_244, %dma_wait3A_247, %dma_wait3A_248] : memref<10x128x16xf32, #tpu.memory_space<vmem>> -> memref<1x128x16xf32, #tpu.memory_space<vmem>>
      %dma_wait3A_250 = tpu.memref_squeeze %dma_wait3A_249 : memref<1x128x16xf32, #tpu.memory_space<vmem>> -> memref<128x16xf32, #tpu.memory_space<vmem>>
      %dma_wait3A_251 = arith.constant 0 : i32
      %dma_wait3A_252 = tpu.memref_slice %arg6[%dma_wait3A_245, %dma_wait3A_251] : memref<20x128xi32, #tpu.memory_space<vmem>> -> memref<1x128xi32, #tpu.memory_space<vmem>>
      %dma_wait3A_253 = tpu.memref_squeeze %dma_wait3A_252 : memref<1x128xi32, #tpu.memory_space<vmem>> -> memref<128xi32, #tpu.memory_space<vmem>>
      %dma_wait3A_254 = arith.constant 0 : i32
      %dma_wait3A_255 = arith.constant 0 : i32
      %dma_wait3A_256 = tpu.memref_slice %arg9[%dma_wait3A_254, %dma_wait3A_255] : memref<100096x16xf32, #tpu.memory_space<vmem_shared>> -> memref<100096x16xf32, #tpu.memory_space<vmem_shared>>
      %dma_wait3A_257 = tpu.memref_slice %arg11[%dma_wait3A_246] : memref<10x!tpu.dma_semaphore, #tpu.memory_space<semaphore_mem>> -> memref<1x!tpu.dma_semaphore, #tpu.memory_space<semaphore_mem>>
      %dma_wait3A_258 = tpu.memref_squeeze %dma_wait3A_257 : memref<1x!tpu.dma_semaphore, #tpu.memory_space<semaphore_mem>> -> memref<!tpu.dma_semaphore, #tpu.memory_space<semaphore_mem>>
      tpu.wait_indirect_dma semaphore(%dma_wait3A_258 : memref<!tpu.dma_semaphore, #tpu.memory_space<semaphore_mem>>) src(%dma_wait3A_250 : memref<128x16xf32, #tpu.memory_space<vmem>>) dst(%dma_wait3A_256 : memref<100096x16xf32, #tpu.memory_space<vmem_shared>>)
      %dma_wait3A_259 = arith.constant 3 : i32
      %dma_wait3A_260 = arith.constant 0 : i32
      %dma_wait3A_261 = arith.constant 3 : i32
      %dma_wait3A_262 = arith.constant 0 : i32
      %dma_wait3A_263 = arith.constant 0 : i32
      %dma_wait3A_264 = tpu.memref_slice %arg7[%dma_wait3A_259, %dma_wait3A_262, %dma_wait3A_263] : memref<10x128x16xf32, #tpu.memory_space<vmem>> -> memref<1x128x16xf32, #tpu.memory_space<vmem>>
      %dma_wait3A_265 = tpu.memref_squeeze %dma_wait3A_264 : memref<1x128x16xf32, #tpu.memory_space<vmem>> -> memref<128x16xf32, #tpu.memory_space<vmem>>
      %dma_wait3A_266 = arith.constant 0 : i32
      %dma_wait3A_267 = tpu.memref_slice %arg6[%dma_wait3A_260, %dma_wait3A_266] : memref<20x128xi32, #tpu.memory_space<vmem>> -> memref<1x128xi32, #tpu.memory_space<vmem>>
      %dma_wait3A_268 = tpu.memref_squeeze %dma_wait3A_267 : memref<1x128xi32, #tpu.memory_space<vmem>> -> memref<128xi32, #tpu.memory_space<vmem>>
      %dma_wait3A_269 = arith.constant 0 : i32
      %dma_wait3A_270 = arith.constant 0 : i32
      %dma_wait3A_271 = tpu.memref_slice %arg9[%dma_wait3A_269, %dma_wait3A_270] : memref<100096x16xf32, #tpu.memory_space<vmem_shared>> -> memref<100096x16xf32, #tpu.memory_space<vmem_shared>>
      %dma_wait3A_272 = tpu.memref_slice %arg11[%dma_wait3A_261] : memref<10x!tpu.dma_semaphore, #tpu.memory_space<semaphore_mem>> -> memref<1x!tpu.dma_semaphore, #tpu.memory_space<semaphore_mem>>
      %dma_wait3A_273 = tpu.memref_squeeze %dma_wait3A_272 : memref<1x!tpu.dma_semaphore, #tpu.memory_space<semaphore_mem>> -> memref<!tpu.dma_semaphore, #tpu.memory_space<semaphore_mem>>
      tpu.wait_indirect_dma semaphore(%dma_wait3A_273 : memref<!tpu.dma_semaphore, #tpu.memory_space<semaphore_mem>>) src(%dma_wait3A_265 : memref<128x16xf32, #tpu.memory_space<vmem>>) dst(%dma_wait3A_271 : memref<100096x16xf32, #tpu.memory_space<vmem_shared>>)
      %dma_wait3A_274 = arith.constant 4 : i32
      %dma_wait3A_275 = arith.constant 0 : i32
      %dma_wait3A_276 = arith.constant 4 : i32
      %dma_wait3A_277 = arith.constant 0 : i32
      %dma_wait3A_278 = arith.constant 0 : i32
      %dma_wait3A_279 = tpu.memref_slice %arg7[%dma_wait3A_274, %dma_wait3A_277, %dma_wait3A_278] : memref<10x128x16xf32, #tpu.memory_space<vmem>> -> memref<1x128x16xf32, #tpu.memory_space<vmem>>
      %dma_wait3A_280 = tpu.memref_squeeze %dma_wait3A_279 : memref<1x128x16xf32, #tpu.memory_space<vmem>> -> memref<128x16xf32, #tpu.memory_space<vmem>>
      %dma_wait3A_281 = arith.constant 0 : i32
      %dma_wait3A_282 = tpu.memref_slice %arg6[%dma_wait3A_275, %dma_wait3A_281] : memref<20x128xi32, #tpu.memory_space<vmem>> -> memref<1x128xi32, #tpu.memory_space<vmem>>
      %dma_wait3A_283 = tpu.memref_squeeze %dma_wait3A_282 : memref<1x128xi32, #tpu.memory_space<vmem>> -> memref<128xi32, #tpu.memory_space<vmem>>
      %dma_wait3A_284 = arith.constant 0 : i32
      %dma_wait3A_285 = arith.constant 0 : i32
      %dma_wait3A_286 = tpu.memref_slice %arg9[%dma_wait3A_284, %dma_wait3A_285] : memref<100096x16xf32, #tpu.memory_space<vmem_shared>> -> memref<100096x16xf32, #tpu.memory_space<vmem_shared>>
      %dma_wait3A_287 = tpu.memref_slice %arg11[%dma_wait3A_276] : memref<10x!tpu.dma_semaphore, #tpu.memory_space<semaphore_mem>> -> memref<1x!tpu.dma_semaphore, #tpu.memory_space<semaphore_mem>>
      %dma_wait3A_288 = tpu.memref_squeeze %dma_wait3A_287 : memref<1x!tpu.dma_semaphore, #tpu.memory_space<semaphore_mem>> -> memref<!tpu.dma_semaphore, #tpu.memory_space<semaphore_mem>>
      tpu.wait_indirect_dma semaphore(%dma_wait3A_288 : memref<!tpu.dma_semaphore, #tpu.memory_space<semaphore_mem>>) src(%dma_wait3A_280 : memref<128x16xf32, #tpu.memory_space<vmem>>) dst(%dma_wait3A_286 : memref<100096x16xf32, #tpu.memory_space<vmem_shared>>)
      %dma_wait3A_289 = arith.constant 5 : i32
      %dma_wait3A_290 = arith.constant 0 : i32
      %dma_wait3A_291 = arith.constant 5 : i32
      %dma_wait3A_292 = arith.constant 0 : i32
      %dma_wait3A_293 = arith.constant 0 : i32
      %dma_wait3A_294 = tpu.memref_slice %arg7[%dma_wait3A_289, %dma_wait3A_292, %dma_wait3A_293] : memref<10x128x16xf32, #tpu.memory_space<vmem>> -> memref<1x128x16xf32, #tpu.memory_space<vmem>>
      %dma_wait3A_295 = tpu.memref_squeeze %dma_wait3A_294 : memref<1x128x16xf32, #tpu.memory_space<vmem>> -> memref<128x16xf32, #tpu.memory_space<vmem>>
      %dma_wait3A_296 = arith.constant 0 : i32
      %dma_wait3A_297 = tpu.memref_slice %arg6[%dma_wait3A_290, %dma_wait3A_296] : memref<20x128xi32, #tpu.memory_space<vmem>> -> memref<1x128xi32, #tpu.memory_space<vmem>>
      %dma_wait3A_298 = tpu.memref_squeeze %dma_wait3A_297 : memref<1x128xi32, #tpu.memory_space<vmem>> -> memref<128xi32, #tpu.memory_space<vmem>>
      %dma_wait3A_299 = arith.constant 0 : i32
      %dma_wait3A_300 = arith.constant 0 : i32
      %dma_wait3A_301 = tpu.memref_slice %arg9[%dma_wait3A_299, %dma_wait3A_300] : memref<100096x16xf32, #tpu.memory_space<vmem_shared>> -> memref<100096x16xf32, #tpu.memory_space<vmem_shared>>
      %dma_wait3A_302 = tpu.memref_slice %arg11[%dma_wait3A_291] : memref<10x!tpu.dma_semaphore, #tpu.memory_space<semaphore_mem>> -> memref<1x!tpu.dma_semaphore, #tpu.memory_space<semaphore_mem>>
      %dma_wait3A_303 = tpu.memref_squeeze %dma_wait3A_302 : memref<1x!tpu.dma_semaphore, #tpu.memory_space<semaphore_mem>> -> memref<!tpu.dma_semaphore, #tpu.memory_space<semaphore_mem>>
      tpu.wait_indirect_dma semaphore(%dma_wait3A_303 : memref<!tpu.dma_semaphore, #tpu.memory_space<semaphore_mem>>) src(%dma_wait3A_295 : memref<128x16xf32, #tpu.memory_space<vmem>>) dst(%dma_wait3A_301 : memref<100096x16xf32, #tpu.memory_space<vmem_shared>>)
      %dma_wait3A_304 = arith.constant 6 : i32
      %dma_wait3A_305 = arith.constant 0 : i32
      %dma_wait3A_306 = arith.constant 6 : i32
      %dma_wait3A_307 = arith.constant 0 : i32
      %dma_wait3A_308 = arith.constant 0 : i32
      %dma_wait3A_309 = tpu.memref_slice %arg7[%dma_wait3A_304, %dma_wait3A_307, %dma_wait3A_308] : memref<10x128x16xf32, #tpu.memory_space<vmem>> -> memref<1x128x16xf32, #tpu.memory_space<vmem>>
      %dma_wait3A_310 = tpu.memref_squeeze %dma_wait3A_309 : memref<1x128x16xf32, #tpu.memory_space<vmem>> -> memref<128x16xf32, #tpu.memory_space<vmem>>
      %dma_wait3A_311 = arith.constant 0 : i32
      %dma_wait3A_312 = tpu.memref_slice %arg6[%dma_wait3A_305, %dma_wait3A_311] : memref<20x128xi32, #tpu.memory_space<vmem>> -> memref<1x128xi32, #tpu.memory_space<vmem>>
      %dma_wait3A_313 = tpu.memref_squeeze %dma_wait3A_312 : memref<1x128xi32, #tpu.memory_space<vmem>> -> memref<128xi32, #tpu.memory_space<vmem>>
      %dma_wait3A_314 = arith.constant 0 : i32
      %dma_wait3A_315 = arith.constant 0 : i32
      %dma_wait3A_316 = tpu.memref_slice %arg9[%dma_wait3A_314, %dma_wait3A_315] : memref<100096x16xf32, #tpu.memory_space<vmem_shared>> -> memref<100096x16xf32, #tpu.memory_space<vmem_shared>>
      %dma_wait3A_317 = tpu.memref_slice %arg11[%dma_wait3A_306] : memref<10x!tpu.dma_semaphore, #tpu.memory_space<semaphore_mem>> -> memref<1x!tpu.dma_semaphore, #tpu.memory_space<semaphore_mem>>
      %dma_wait3A_318 = tpu.memref_squeeze %dma_wait3A_317 : memref<1x!tpu.dma_semaphore, #tpu.memory_space<semaphore_mem>> -> memref<!tpu.dma_semaphore, #tpu.memory_space<semaphore_mem>>
      tpu.wait_indirect_dma semaphore(%dma_wait3A_318 : memref<!tpu.dma_semaphore, #tpu.memory_space<semaphore_mem>>) src(%dma_wait3A_310 : memref<128x16xf32, #tpu.memory_space<vmem>>) dst(%dma_wait3A_316 : memref<100096x16xf32, #tpu.memory_space<vmem_shared>>)
      %dma_wait3A_319 = arith.constant 7 : i32
      %dma_wait3A_320 = arith.constant 0 : i32
      %dma_wait3A_321 = arith.constant 7 : i32
      %dma_wait3A_322 = arith.constant 0 : i32
      %dma_wait3A_323 = arith.constant 0 : i32
      %dma_wait3A_324 = tpu.memref_slice %arg7[%dma_wait3A_319, %dma_wait3A_322, %dma_wait3A_323] : memref<10x128x16xf32, #tpu.memory_space<vmem>> -> memref<1x128x16xf32, #tpu.memory_space<vmem>>
      %dma_wait3A_325 = tpu.memref_squeeze %dma_wait3A_324 : memref<1x128x16xf32, #tpu.memory_space<vmem>> -> memref<128x16xf32, #tpu.memory_space<vmem>>
      %dma_wait3A_326 = arith.constant 0 : i32
      %dma_wait3A_327 = tpu.memref_slice %arg6[%dma_wait3A_320, %dma_wait3A_326] : memref<20x128xi32, #tpu.memory_space<vmem>> -> memref<1x128xi32, #tpu.memory_space<vmem>>
      %dma_wait3A_328 = tpu.memref_squeeze %dma_wait3A_327 : memref<1x128xi32, #tpu.memory_space<vmem>> -> memref<128xi32, #tpu.memory_space<vmem>>
      %dma_wait3A_329 = arith.constant 0 : i32
      %dma_wait3A_330 = arith.constant 0 : i32
      %dma_wait3A_331 = tpu.memref_slice %arg9[%dma_wait3A_329, %dma_wait3A_330] : memref<100096x16xf32, #tpu.memory_space<vmem_shared>> -> memref<100096x16xf32, #tpu.memory_space<vmem_shared>>
      %dma_wait3A_332 = tpu.memref_slice %arg11[%dma_wait3A_321] : memref<10x!tpu.dma_semaphore, #tpu.memory_space<semaphore_mem>> -> memref<1x!tpu.dma_semaphore, #tpu.memory_space<semaphore_mem>>
      %dma_wait3A_333 = tpu.memref_squeeze %dma_wait3A_332 : memref<1x!tpu.dma_semaphore, #tpu.memory_space<semaphore_mem>> -> memref<!tpu.dma_semaphore, #tpu.memory_space<semaphore_mem>>
      tpu.wait_indirect_dma semaphore(%dma_wait3A_333 : memref<!tpu.dma_semaphore, #tpu.memory_space<semaphore_mem>>) src(%dma_wait3A_325 : memref<128x16xf32, #tpu.memory_space<vmem>>) dst(%dma_wait3A_331 : memref<100096x16xf32, #tpu.memory_space<vmem_shared>>)
      %dma_wait3A_334 = arith.constant 8 : i32
      %dma_wait3A_335 = arith.constant 0 : i32
      %dma_wait3A_336 = arith.constant 8 : i32
      %dma_wait3A_337 = arith.constant 0 : i32
      %dma_wait3A_338 = arith.constant 0 : i32
      %dma_wait3A_339 = tpu.memref_slice %arg7[%dma_wait3A_334, %dma_wait3A_337, %dma_wait3A_338] : memref<10x128x16xf32, #tpu.memory_space<vmem>> -> memref<1x128x16xf32, #tpu.memory_space<vmem>>
      %dma_wait3A_340 = tpu.memref_squeeze %dma_wait3A_339 : memref<1x128x16xf32, #tpu.memory_space<vmem>> -> memref<128x16xf32, #tpu.memory_space<vmem>>
      %dma_wait3A_341 = arith.constant 0 : i32
      %dma_wait3A_342 = tpu.memref_slice %arg6[%dma_wait3A_335, %dma_wait3A_341] : memref<20x128xi32, #tpu.memory_space<vmem>> -> memref<1x128xi32, #tpu.memory_space<vmem>>
      %dma_wait3A_343 = tpu.memref_squeeze %dma_wait3A_342 : memref<1x128xi32, #tpu.memory_space<vmem>> -> memref<128xi32, #tpu.memory_space<vmem>>
      %dma_wait3A_344 = arith.constant 0 : i32
      %dma_wait3A_345 = arith.constant 0 : i32
      %dma_wait3A_346 = tpu.memref_slice %arg9[%dma_wait3A_344, %dma_wait3A_345] : memref<100096x16xf32, #tpu.memory_space<vmem_shared>> -> memref<100096x16xf32, #tpu.memory_space<vmem_shared>>
      %dma_wait3A_347 = tpu.memref_slice %arg11[%dma_wait3A_336] : memref<10x!tpu.dma_semaphore, #tpu.memory_space<semaphore_mem>> -> memref<1x!tpu.dma_semaphore, #tpu.memory_space<semaphore_mem>>
      %dma_wait3A_348 = tpu.memref_squeeze %dma_wait3A_347 : memref<1x!tpu.dma_semaphore, #tpu.memory_space<semaphore_mem>> -> memref<!tpu.dma_semaphore, #tpu.memory_space<semaphore_mem>>
      tpu.wait_indirect_dma semaphore(%dma_wait3A_348 : memref<!tpu.dma_semaphore, #tpu.memory_space<semaphore_mem>>) src(%dma_wait3A_340 : memref<128x16xf32, #tpu.memory_space<vmem>>) dst(%dma_wait3A_346 : memref<100096x16xf32, #tpu.memory_space<vmem_shared>>)
      %dma_wait3A_349 = arith.constant 9 : i32
      %dma_wait3A_350 = arith.constant 0 : i32
      %dma_wait3A_351 = arith.constant 9 : i32
      %dma_wait3A_352 = arith.constant 0 : i32
      %dma_wait3A_353 = arith.constant 0 : i32
      %dma_wait3A_354 = tpu.memref_slice %arg7[%dma_wait3A_349, %dma_wait3A_352, %dma_wait3A_353] : memref<10x128x16xf32, #tpu.memory_space<vmem>> -> memref<1x128x16xf32, #tpu.memory_space<vmem>>
      %dma_wait3A_355 = tpu.memref_squeeze %dma_wait3A_354 : memref<1x128x16xf32, #tpu.memory_space<vmem>> -> memref<128x16xf32, #tpu.memory_space<vmem>>
      %dma_wait3A_356 = arith.constant 0 : i32
      %dma_wait3A_357 = tpu.memref_slice %arg6[%dma_wait3A_350, %dma_wait3A_356] : memref<20x128xi32, #tpu.memory_space<vmem>> -> memref<1x128xi32, #tpu.memory_space<vmem>>
      %dma_wait3A_358 = tpu.memref_squeeze %dma_wait3A_357 : memref<1x128xi32, #tpu.memory_space<vmem>> -> memref<128xi32, #tpu.memory_space<vmem>>
      %dma_wait3A_359 = arith.constant 0 : i32
      %dma_wait3A_360 = arith.constant 0 : i32
      %dma_wait3A_361 = tpu.memref_slice %arg9[%dma_wait3A_359, %dma_wait3A_360] : memref<100096x16xf32, #tpu.memory_space<vmem_shared>> -> memref<100096x16xf32, #tpu.memory_space<vmem_shared>>
      %dma_wait3A_362 = tpu.memref_slice %arg11[%dma_wait3A_351] : memref<10x!tpu.dma_semaphore, #tpu.memory_space<semaphore_mem>> -> memref<1x!tpu.dma_semaphore, #tpu.memory_space<semaphore_mem>>
      %dma_wait3A_363 = tpu.memref_squeeze %dma_wait3A_362 : memref<1x!tpu.dma_semaphore, #tpu.memory_space<semaphore_mem>> -> memref<!tpu.dma_semaphore, #tpu.memory_space<semaphore_mem>>
      tpu.wait_indirect_dma semaphore(%dma_wait3A_363 : memref<!tpu.dma_semaphore, #tpu.memory_space<semaphore_mem>>) src(%dma_wait3A_355 : memref<128x16xf32, #tpu.memory_space<vmem>>) dst(%dma_wait3A_361 : memref<100096x16xf32, #tpu.memory_space<vmem_shared>>)
    }
    %while3A_30 = arith.constant 1 : i32
    scf.for %while3A_36 = %while3A_28 to %while3A_24 step %while3A_30  : i32 {
      %mul3A_37 = arith.muli %while3A_36, %while3A : i32
      %add3A_38 = arith.addi %add3A, %mul3A_37 : i32
      %run_scoped3A = arith.constant 0 : i32
      "tpu.region"() ({
        %run_scoped3A_364 = tpu.sem_alloc : memref<!tpu.dma_semaphore, #tpu.memory_space<semaphore_mem>>
        %dma_start3A_365 = arith.constant 0 : i32
        %dma_start3A_366 = arith.constant 0 : i32
        %dma_start3A_367 = tpu.memref_slice %arg3[%run_scoped3A, %add3A_38, %dma_start3A_365, %dma_start3A_366] : memref<2x625x20x128xi32, #tpu.memory_space<hbm>> -> memref<1x1x20x128xi32, #tpu.memory_space<hbm>>
        %dma_start3A_368 = tpu.memref_squeeze %dma_start3A_367 : memref<1x1x20x128xi32, #tpu.memory_space<hbm>> -> memref<20x128xi32, #tpu.memory_space<hbm>>
        %dma_start3A_369 = arith.constant 0 : i32
        %dma_start3A_370 = arith.constant 0 : i32
        %dma_start3A_371 = tpu.memref_slice %arg3[%run_scoped3A, %add3A_38, %dma_start3A_369, %dma_start3A_370] : memref<2x625x20x128xi32, #tpu.memory_space<hbm>> -> memref<1x1x20x128xi32, #tpu.memory_space<hbm>>
        %dma_start3A_372 = tpu.memref_squeeze %dma_start3A_371 : memref<1x1x20x128xi32, #tpu.memory_space<hbm>> -> memref<20x128xi32, #tpu.memory_space<hbm>>
        tpu.enqueue_dma source(%dma_start3A_372 : memref<20x128xi32, #tpu.memory_space<hbm>>) target(%arg5 : memref<20x128xi32, #tpu.memory_space<vmem>>) target_semaphore(%run_scoped3A_364 : memref<!tpu.dma_semaphore, #tpu.memory_space<semaphore_mem>>)
        %dma_wait3A_373 = arith.constant 0 : i32
        %dma_wait3A_374 = arith.constant 0 : i32
        %dma_wait3A_375 = tpu.memref_slice %arg3[%run_scoped3A, %add3A_38, %dma_wait3A_373, %dma_wait3A_374] : memref<2x625x20x128xi32, #tpu.memory_space<hbm>> -> memref<1x1x20x128xi32, #tpu.memory_space<hbm>>
        %dma_wait3A_376 = tpu.memref_squeeze %dma_wait3A_375 : memref<1x1x20x128xi32, #tpu.memory_space<hbm>> -> memref<20x128xi32, #tpu.memory_space<hbm>>
        %dma_wait3A_377 = arith.constant 0 : i32
        %dma_wait3A_378 = arith.constant 0 : i32
        %dma_wait3A_379 = tpu.memref_slice %arg3[%run_scoped3A, %add3A_38, %dma_wait3A_377, %dma_wait3A_378] : memref<2x625x20x128xi32, #tpu.memory_space<hbm>> -> memref<1x1x20x128xi32, #tpu.memory_space<hbm>>
        %dma_wait3A_380 = tpu.memref_squeeze %dma_wait3A_379 : memref<1x1x20x128xi32, #tpu.memory_space<hbm>> -> memref<20x128xi32, #tpu.memory_space<hbm>>
        tpu.wait_dma2 semaphore(%run_scoped3A_364 : memref<!tpu.dma_semaphore, #tpu.memory_space<semaphore_mem>>) src(%dma_wait3A_380 : memref<20x128xi32, #tpu.memory_space<hbm>>) dst(%arg5 : memref<20x128xi32, #tpu.memory_space<vmem>>)
        tpu.yield
      }) : () -> ()
      %run_scoped3A_39 = arith.constant 1 : i32
      "tpu.region"() ({
        %run_scoped3A_364 = tpu.sem_alloc : memref<!tpu.dma_semaphore, #tpu.memory_space<semaphore_mem>>
        %dma_start3A_365 = arith.constant 0 : i32
        %dma_start3A_366 = arith.constant 0 : i32
        %dma_start3A_367 = tpu.memref_slice %arg3[%run_scoped3A_39, %add3A_38, %dma_start3A_365, %dma_start3A_366] : memref<2x625x20x128xi32, #tpu.memory_space<hbm>> -> memref<1x1x20x128xi32, #tpu.memory_space<hbm>>
        %dma_start3A_368 = tpu.memref_squeeze %dma_start3A_367 : memref<1x1x20x128xi32, #tpu.memory_space<hbm>> -> memref<20x128xi32, #tpu.memory_space<hbm>>
        %dma_start3A_369 = arith.constant 0 : i32
        %dma_start3A_370 = arith.constant 0 : i32
        %dma_start3A_371 = tpu.memref_slice %arg3[%run_scoped3A_39, %add3A_38, %dma_start3A_369, %dma_start3A_370] : memref<2x625x20x128xi32, #tpu.memory_space<hbm>> -> memref<1x1x20x128xi32, #tpu.memory_space<hbm>>
        %dma_start3A_372 = tpu.memref_squeeze %dma_start3A_371 : memref<1x1x20x128xi32, #tpu.memory_space<hbm>> -> memref<20x128xi32, #tpu.memory_space<hbm>>
        tpu.enqueue_dma source(%dma_start3A_372 : memref<20x128xi32, #tpu.memory_space<hbm>>) target(%arg6 : memref<20x128xi32, #tpu.memory_space<vmem>>) target_semaphore(%run_scoped3A_364 : memref<!tpu.dma_semaphore, #tpu.memory_space<semaphore_mem>>)
        %dma_wait3A_373 = arith.constant 0 : i32
        %dma_wait3A_374 = arith.constant 0 : i32
        %dma_wait3A_375 = tpu.memref_slice %arg3[%run_scoped3A_39, %add3A_38, %dma_wait3A_373, %dma_wait3A_374] : memref<2x625x20x128xi32, #tpu.memory_space<hbm>> -> memref<1x1x20x128xi32, #tpu.memory_space<hbm>>
        %dma_wait3A_376 = tpu.memref_squeeze %dma_wait3A_375 : memref<1x1x20x128xi32, #tpu.memory_space<hbm>> -> memref<20x128xi32, #tpu.memory_space<hbm>>
        %dma_wait3A_377 = arith.constant 0 : i32
        %dma_wait3A_378 = arith.constant 0 : i32
        %dma_wait3A_379 = tpu.memref_slice %arg3[%run_scoped3A_39, %add3A_38, %dma_wait3A_377, %dma_wait3A_378] : memref<2x625x20x128xi32, #tpu.memory_space<hbm>> -> memref<1x1x20x128xi32, #tpu.memory_space<hbm>>
        %dma_wait3A_380 = tpu.memref_squeeze %dma_wait3A_379 : memref<1x1x20x128xi32, #tpu.memory_space<hbm>> -> memref<20x128xi32, #tpu.memory_space<hbm>>
        tpu.wait_dma2 semaphore(%run_scoped3A_364 : memref<!tpu.dma_semaphore, #tpu.memory_space<semaphore_mem>>) src(%dma_wait3A_380 : memref<20x128xi32, #tpu.memory_space<hbm>>) dst(%arg6 : memref<20x128xi32, #tpu.memory_space<vmem>>)
        tpu.yield
      }) : () -> ()
      %dma_start3A = arith.constant 0 : i32
      %dma_start3A_40 = arith.constant 0 : i32
      %dma_start3A_41 = arith.constant 0 : i32
      %dma_start3A_42 = arith.constant 0 : i32
      %dma_start3A_43 = arith.constant 0 : i32
      %dma_start3A_44 = tpu.memref_slice %arg7[%dma_start3A_40, %dma_start3A_42, %dma_start3A_43] : memref<10x128x16xf32, #tpu.memory_space<vmem>> -> memref<1x128x16xf32, #tpu.memory_space<vmem>>
      %dma_start3A_45 = tpu.memref_squeeze %dma_start3A_44 : memref<1x128x16xf32, #tpu.memory_space<vmem>> -> memref<128x16xf32, #tpu.memory_space<vmem>>
      %dma_start3A_46 = arith.constant 0 : i32
      %dma_start3A_47 = tpu.memref_slice %arg5[%dma_start3A, %dma_start3A_46] : memref<20x128xi32, #tpu.memory_space<vmem>> -> memref<1x128xi32, #tpu.memory_space<vmem>>
      %dma_start3A_48 = tpu.memref_squeeze %dma_start3A_47 : memref<1x128xi32, #tpu.memory_space<vmem>> -> memref<128xi32, #tpu.memory_space<vmem>>
      %dma_start3A_49 = arith.constant 0 : i32
      %dma_start3A_50 = arith.constant 0 : i32
      %dma_start3A_51 = tpu.memref_slice %arg2[%arg0, %dma_start3A_49, %dma_start3A_50] : memref<2x100096x16xf32, #tpu.memory_space<hbm>> -> memref<1x100096x16xf32, #tpu.memory_space<hbm>>
      %dma_start3A_52 = tpu.memref_squeeze %dma_start3A_51 : memref<1x100096x16xf32, #tpu.memory_space<hbm>> -> memref<100096x16xf32, #tpu.memory_space<hbm>>
      %dma_start3A_53 = arith.constant 0 : i32
      %dma_start3A_54 = arith.constant 0 : i32
      %dma_start3A_55 = tpu.memref_slice %dma_start3A_52[%dma_start3A_53, %dma_start3A_54] : memref<100096x16xf32, #tpu.memory_space<hbm>> -> memref<100096x16xf32, #tpu.memory_space<hbm>>
      %dma_start3A_56 = tpu.memref_slice %arg10[%dma_start3A_41] : memref<10x!tpu.dma_semaphore, #tpu.memory_space<semaphore_mem>> -> memref<1x!tpu.dma_semaphore, #tpu.memory_space<semaphore_mem>>
      %dma_start3A_57 = tpu.memref_squeeze %dma_start3A_56 : memref<1x!tpu.dma_semaphore, #tpu.memory_space<semaphore_mem>> -> memref<!tpu.dma_semaphore, #tpu.memory_space<semaphore_mem>>
      tpu.enqueue_indirect_dma source(%dma_start3A_55 : memref<100096x16xf32, #tpu.memory_space<hbm>>) target(%dma_start3A_45 : memref<128x16xf32, #tpu.memory_space<vmem>>) offsets(%dma_start3A_48 : memref<128xi32, #tpu.memory_space<vmem>>) semaphore(%dma_start3A_57 : memref<!tpu.dma_semaphore, #tpu.memory_space<semaphore_mem>>)
      %dma_start3A_58 = arith.constant 1 : i32
      %dma_start3A_59 = arith.constant 1 : i32
      %dma_start3A_60 = arith.constant 1 : i32
      %dma_start3A_61 = arith.constant 0 : i32
      %dma_start3A_62 = arith.constant 0 : i32
      %dma_start3A_63 = tpu.memref_slice %arg7[%dma_start3A_59, %dma_start3A_61, %dma_start3A_62] : memref<10x128x16xf32, #tpu.memory_space<vmem>> -> memref<1x128x16xf32, #tpu.memory_space<vmem>>
      %dma_start3A_64 = tpu.memref_squeeze %dma_start3A_63 : memref<1x128x16xf32, #tpu.memory_space<vmem>> -> memref<128x16xf32, #tpu.memory_space<vmem>>
      %dma_start3A_65 = arith.constant 0 : i32
      %dma_start3A_66 = tpu.memref_slice %arg5[%dma_start3A_58, %dma_start3A_65] : memref<20x128xi32, #tpu.memory_space<vmem>> -> memref<1x128xi32, #tpu.memory_space<vmem>>
      %dma_start3A_67 = tpu.memref_squeeze %dma_start3A_66 : memref<1x128xi32, #tpu.memory_space<vmem>> -> memref<128xi32, #tpu.memory_space<vmem>>
      %dma_start3A_68 = arith.constant 0 : i32
      %dma_start3A_69 = arith.constant 0 : i32
      %dma_start3A_70 = tpu.memref_slice %arg2[%arg0, %dma_start3A_68, %dma_start3A_69] : memref<2x100096x16xf32, #tpu.memory_space<hbm>> -> memref<1x100096x16xf32, #tpu.memory_space<hbm>>
      %dma_start3A_71 = tpu.memref_squeeze %dma_start3A_70 : memref<1x100096x16xf32, #tpu.memory_space<hbm>> -> memref<100096x16xf32, #tpu.memory_space<hbm>>
      %dma_start3A_72 = arith.constant 0 : i32
      %dma_start3A_73 = arith.constant 0 : i32
      %dma_start3A_74 = tpu.memref_slice %dma_start3A_71[%dma_start3A_72, %dma_start3A_73] : memref<100096x16xf32, #tpu.memory_space<hbm>> -> memref<100096x16xf32, #tpu.memory_space<hbm>>
      %dma_start3A_75 = tpu.memref_slice %arg10[%dma_start3A_60] : memref<10x!tpu.dma_semaphore, #tpu.memory_space<semaphore_mem>> -> memref<1x!tpu.dma_semaphore, #tpu.memory_space<semaphore_mem>>
      %dma_start3A_76 = tpu.memref_squeeze %dma_start3A_75 : memref<1x!tpu.dma_semaphore, #tpu.memory_space<semaphore_mem>> -> memref<!tpu.dma_semaphore, #tpu.memory_space<semaphore_mem>>
      tpu.enqueue_indirect_dma source(%dma_start3A_74 : memref<100096x16xf32, #tpu.memory_space<hbm>>) target(%dma_start3A_64 : memref<128x16xf32, #tpu.memory_space<vmem>>) offsets(%dma_start3A_67 : memref<128xi32, #tpu.memory_space<vmem>>) semaphore(%dma_start3A_76 : memref<!tpu.dma_semaphore, #tpu.memory_space<semaphore_mem>>)
      %dma_start3A_77 = arith.constant 2 : i32
      %dma_start3A_78 = arith.constant 2 : i32
      %dma_start3A_79 = arith.constant 2 : i32
      %dma_start3A_80 = arith.constant 0 : i32
      %dma_start3A_81 = arith.constant 0 : i32
      %dma_start3A_82 = tpu.memref_slice %arg7[%dma_start3A_78, %dma_start3A_80, %dma_start3A_81] : memref<10x128x16xf32, #tpu.memory_space<vmem>> -> memref<1x128x16xf32, #tpu.memory_space<vmem>>
      %dma_start3A_83 = tpu.memref_squeeze %dma_start3A_82 : memref<1x128x16xf32, #tpu.memory_space<vmem>> -> memref<128x16xf32, #tpu.memory_space<vmem>>
      %dma_start3A_84 = arith.constant 0 : i32
      %dma_start3A_85 = tpu.memref_slice %arg5[%dma_start3A_77, %dma_start3A_84] : memref<20x128xi32, #tpu.memory_space<vmem>> -> memref<1x128xi32, #tpu.memory_space<vmem>>
      %dma_start3A_86 = tpu.memref_squeeze %dma_start3A_85 : memref<1x128xi32, #tpu.memory_space<vmem>> -> memref<128xi32, #tpu.memory_space<vmem>>
      %dma_start3A_87 = arith.constant 0 : i32
      %dma_start3A_88 = arith.constant 0 : i32
      %dma_start3A_89 = tpu.memref_slice %arg2[%arg0, %dma_start3A_87, %dma_start3A_88] : memref<2x100096x16xf32, #tpu.memory_space<hbm>> -> memref<1x100096x16xf32, #tpu.memory_space<hbm>>
      %dma_start3A_90 = tpu.memref_squeeze %dma_start3A_89 : memref<1x100096x16xf32, #tpu.memory_space<hbm>> -> memref<100096x16xf32, #tpu.memory_space<hbm>>
      %dma_start3A_91 = arith.constant 0 : i32
      %dma_start3A_92 = arith.constant 0 : i32
      %dma_start3A_93 = tpu.memref_slice %dma_start3A_90[%dma_start3A_91, %dma_start3A_92] : memref<100096x16xf32, #tpu.memory_space<hbm>> -> memref<100096x16xf32, #tpu.memory_space<hbm>>
      %dma_start3A_94 = tpu.memref_slice %arg10[%dma_start3A_79] : memref<10x!tpu.dma_semaphore, #tpu.memory_space<semaphore_mem>> -> memref<1x!tpu.dma_semaphore, #tpu.memory_space<semaphore_mem>>
      %dma_start3A_95 = tpu.memref_squeeze %dma_start3A_94 : memref<1x!tpu.dma_semaphore, #tpu.memory_space<semaphore_mem>> -> memref<!tpu.dma_semaphore, #tpu.memory_space<semaphore_mem>>
      tpu.enqueue_indirect_dma source(%dma_start3A_93 : memref<100096x16xf32, #tpu.memory_space<hbm>>) target(%dma_start3A_83 : memref<128x16xf32, #tpu.memory_space<vmem>>) offsets(%dma_start3A_86 : memref<128xi32, #tpu.memory_space<vmem>>) semaphore(%dma_start3A_95 : memref<!tpu.dma_semaphore, #tpu.memory_space<semaphore_mem>>)
      %dma_start3A_96 = arith.constant 3 : i32
      %dma_start3A_97 = arith.constant 3 : i32
      %dma_start3A_98 = arith.constant 3 : i32
      %dma_start3A_99 = arith.constant 0 : i32
      %dma_start3A_100 = arith.constant 0 : i32
      %dma_start3A_101 = tpu.memref_slice %arg7[%dma_start3A_97, %dma_start3A_99, %dma_start3A_100] : memref<10x128x16xf32, #tpu.memory_space<vmem>> -> memref<1x128x16xf32, #tpu.memory_space<vmem>>
      %dma_start3A_102 = tpu.memref_squeeze %dma_start3A_101 : memref<1x128x16xf32, #tpu.memory_space<vmem>> -> memref<128x16xf32, #tpu.memory_space<vmem>>
      %dma_start3A_103 = arith.constant 0 : i32
      %dma_start3A_104 = tpu.memref_slice %arg5[%dma_start3A_96, %dma_start3A_103] : memref<20x128xi32, #tpu.memory_space<vmem>> -> memref<1x128xi32, #tpu.memory_space<vmem>>
      %dma_start3A_105 = tpu.memref_squeeze %dma_start3A_104 : memref<1x128xi32, #tpu.memory_space<vmem>> -> memref<128xi32, #tpu.memory_space<vmem>>
      %dma_start3A_106 = arith.constant 0 : i32
      %dma_start3A_107 = arith.constant 0 : i32
      %dma_start3A_108 = tpu.memref_slice %arg2[%arg0, %dma_start3A_106, %dma_start3A_107] : memref<2x100096x16xf32, #tpu.memory_space<hbm>> -> memref<1x100096x16xf32, #tpu.memory_space<hbm>>
      %dma_start3A_109 = tpu.memref_squeeze %dma_start3A_108 : memref<1x100096x16xf32, #tpu.memory_space<hbm>> -> memref<100096x16xf32, #tpu.memory_space<hbm>>
      %dma_start3A_110 = arith.constant 0 : i32
      %dma_start3A_111 = arith.constant 0 : i32
      %dma_start3A_112 = tpu.memref_slice %dma_start3A_109[%dma_start3A_110, %dma_start3A_111] : memref<100096x16xf32, #tpu.memory_space<hbm>> -> memref<100096x16xf32, #tpu.memory_space<hbm>>
      %dma_start3A_113 = tpu.memref_slice %arg10[%dma_start3A_98] : memref<10x!tpu.dma_semaphore, #tpu.memory_space<semaphore_mem>> -> memref<1x!tpu.dma_semaphore, #tpu.memory_space<semaphore_mem>>
      %dma_start3A_114 = tpu.memref_squeeze %dma_start3A_113 : memref<1x!tpu.dma_semaphore, #tpu.memory_space<semaphore_mem>> -> memref<!tpu.dma_semaphore, #tpu.memory_space<semaphore_mem>>
      tpu.enqueue_indirect_dma source(%dma_start3A_112 : memref<100096x16xf32, #tpu.memory_space<hbm>>) target(%dma_start3A_102 : memref<128x16xf32, #tpu.memory_space<vmem>>) offsets(%dma_start3A_105 : memref<128xi32, #tpu.memory_space<vmem>>) semaphore(%dma_start3A_114 : memref<!tpu.dma_semaphore, #tpu.memory_space<semaphore_mem>>)
      %dma_start3A_115 = arith.constant 4 : i32
      %dma_start3A_116 = arith.constant 4 : i32
      %dma_start3A_117 = arith.constant 4 : i32
      %dma_start3A_118 = arith.constant 0 : i32
      %dma_start3A_119 = arith.constant 0 : i32
      %dma_start3A_120 = tpu.memref_slice %arg7[%dma_start3A_116, %dma_start3A_118, %dma_start3A_119] : memref<10x128x16xf32, #tpu.memory_space<vmem>> -> memref<1x128x16xf32, #tpu.memory_space<vmem>>
      %dma_start3A_121 = tpu.memref_squeeze %dma_start3A_120 : memref<1x128x16xf32, #tpu.memory_space<vmem>> -> memref<128x16xf32, #tpu.memory_space<vmem>>
      %dma_start3A_122 = arith.constant 0 : i32
      %dma_start3A_123 = tpu.memref_slice %arg5[%dma_start3A_115, %dma_start3A_122] : memref<20x128xi32, #tpu.memory_space<vmem>> -> memref<1x128xi32, #tpu.memory_space<vmem>>
      %dma_start3A_124 = tpu.memref_squeeze %dma_start3A_123 : memref<1x128xi32, #tpu.memory_space<vmem>> -> memref<128xi32, #tpu.memory_space<vmem>>
      %dma_start3A_125 = arith.constant 0 : i32
      %dma_start3A_126 = arith.constant 0 : i32
      %dma_start3A_127 = tpu.memref_slice %arg2[%arg0, %dma_start3A_125, %dma_start3A_126] : memref<2x100096x16xf32, #tpu.memory_space<hbm>> -> memref<1x100096x16xf32, #tpu.memory_space<hbm>>
      %dma_start3A_128 = tpu.memref_squeeze %dma_start3A_127 : memref<1x100096x16xf32, #tpu.memory_space<hbm>> -> memref<100096x16xf32, #tpu.memory_space<hbm>>
      %dma_start3A_129 = arith.constant 0 : i32
      %dma_start3A_130 = arith.constant 0 : i32
      %dma_start3A_131 = tpu.memref_slice %dma_start3A_128[%dma_start3A_129, %dma_start3A_130] : memref<100096x16xf32, #tpu.memory_space<hbm>> -> memref<100096x16xf32, #tpu.memory_space<hbm>>
      %dma_start3A_132 = tpu.memref_slice %arg10[%dma_start3A_117] : memref<10x!tpu.dma_semaphore, #tpu.memory_space<semaphore_mem>> -> memref<1x!tpu.dma_semaphore, #tpu.memory_space<semaphore_mem>>
      %dma_start3A_133 = tpu.memref_squeeze %dma_start3A_132 : memref<1x!tpu.dma_semaphore, #tpu.memory_space<semaphore_mem>> -> memref<!tpu.dma_semaphore, #tpu.memory_space<semaphore_mem>>
      tpu.enqueue_indirect_dma source(%dma_start3A_131 : memref<100096x16xf32, #tpu.memory_space<hbm>>) target(%dma_start3A_121 : memref<128x16xf32, #tpu.memory_space<vmem>>) offsets(%dma_start3A_124 : memref<128xi32, #tpu.memory_space<vmem>>) semaphore(%dma_start3A_133 : memref<!tpu.dma_semaphore, #tpu.memory_space<semaphore_mem>>)
      %dma_start3A_134 = arith.constant 5 : i32
      %dma_start3A_135 = arith.constant 5 : i32
      %dma_start3A_136 = arith.constant 5 : i32
      %dma_start3A_137 = arith.constant 0 : i32
      %dma_start3A_138 = arith.constant 0 : i32
      %dma_start3A_139 = tpu.memref_slice %arg7[%dma_start3A_135, %dma_start3A_137, %dma_start3A_138] : memref<10x128x16xf32, #tpu.memory_space<vmem>> -> memref<1x128x16xf32, #tpu.memory_space<vmem>>
      %dma_start3A_140 = tpu.memref_squeeze %dma_start3A_139 : memref<1x128x16xf32, #tpu.memory_space<vmem>> -> memref<128x16xf32, #tpu.memory_space<vmem>>
      %dma_start3A_141 = arith.constant 0 : i32
      %dma_start3A_142 = tpu.memref_slice %arg5[%dma_start3A_134, %dma_start3A_141] : memref<20x128xi32, #tpu.memory_space<vmem>> -> memref<1x128xi32, #tpu.memory_space<vmem>>
      %dma_start3A_143 = tpu.memref_squeeze %dma_start3A_142 : memref<1x128xi32, #tpu.memory_space<vmem>> -> memref<128xi32, #tpu.memory_space<vmem>>
      %dma_start3A_144 = arith.constant 0 : i32
      %dma_start3A_145 = arith.constant 0 : i32
      %dma_start3A_146 = tpu.memref_slice %arg2[%arg0, %dma_start3A_144, %dma_start3A_145] : memref<2x100096x16xf32, #tpu.memory_space<hbm>> -> memref<1x100096x16xf32, #tpu.memory_space<hbm>>
      %dma_start3A_147 = tpu.memref_squeeze %dma_start3A_146 : memref<1x100096x16xf32, #tpu.memory_space<hbm>> -> memref<100096x16xf32, #tpu.memory_space<hbm>>
      %dma_start3A_148 = arith.constant 0 : i32
      %dma_start3A_149 = arith.constant 0 : i32
      %dma_start3A_150 = tpu.memref_slice %dma_start3A_147[%dma_start3A_148, %dma_start3A_149] : memref<100096x16xf32, #tpu.memory_space<hbm>> -> memref<100096x16xf32, #tpu.memory_space<hbm>>
      %dma_start3A_151 = tpu.memref_slice %arg10[%dma_start3A_136] : memref<10x!tpu.dma_semaphore, #tpu.memory_space<semaphore_mem>> -> memref<1x!tpu.dma_semaphore, #tpu.memory_space<semaphore_mem>>
      %dma_start3A_152 = tpu.memref_squeeze %dma_start3A_151 : memref<1x!tpu.dma_semaphore, #tpu.memory_space<semaphore_mem>> -> memref<!tpu.dma_semaphore, #tpu.memory_space<semaphore_mem>>
      tpu.enqueue_indirect_dma source(%dma_start3A_150 : memref<100096x16xf32, #tpu.memory_space<hbm>>) target(%dma_start3A_140 : memref<128x16xf32, #tpu.memory_space<vmem>>) offsets(%dma_start3A_143 : memref<128xi32, #tpu.memory_space<vmem>>) semaphore(%dma_start3A_152 : memref<!tpu.dma_semaphore, #tpu.memory_space<semaphore_mem>>)
      %dma_start3A_153 = arith.constant 6 : i32
      %dma_start3A_154 = arith.constant 6 : i32
      %dma_start3A_155 = arith.constant 6 : i32
      %dma_start3A_156 = arith.constant 0 : i32
      %dma_start3A_157 = arith.constant 0 : i32
      %dma_start3A_158 = tpu.memref_slice %arg7[%dma_start3A_154, %dma_start3A_156, %dma_start3A_157] : memref<10x128x16xf32, #tpu.memory_space<vmem>> -> memref<1x128x16xf32, #tpu.memory_space<vmem>>
      %dma_start3A_159 = tpu.memref_squeeze %dma_start3A_158 : memref<1x128x16xf32, #tpu.memory_space<vmem>> -> memref<128x16xf32, #tpu.memory_space<vmem>>
      %dma_start3A_160 = arith.constant 0 : i32
      %dma_start3A_161 = tpu.memref_slice %arg5[%dma_start3A_153, %dma_start3A_160] : memref<20x128xi32, #tpu.memory_space<vmem>> -> memref<1x128xi32, #tpu.memory_space<vmem>>
      %dma_start3A_162 = tpu.memref_squeeze %dma_start3A_161 : memref<1x128xi32, #tpu.memory_space<vmem>> -> memref<128xi32, #tpu.memory_space<vmem>>
      %dma_start3A_163 = arith.constant 0 : i32
      %dma_start3A_164 = arith.constant 0 : i32
      %dma_start3A_165 = tpu.memref_slice %arg2[%arg0, %dma_start3A_163, %dma_start3A_164] : memref<2x100096x16xf32, #tpu.memory_space<hbm>> -> memref<1x100096x16xf32, #tpu.memory_space<hbm>>
      %dma_start3A_166 = tpu.memref_squeeze %dma_start3A_165 : memref<1x100096x16xf32, #tpu.memory_space<hbm>> -> memref<100096x16xf32, #tpu.memory_space<hbm>>
      %dma_start3A_167 = arith.constant 0 : i32
      %dma_start3A_168 = arith.constant 0 : i32
      %dma_start3A_169 = tpu.memref_slice %dma_start3A_166[%dma_start3A_167, %dma_start3A_168] : memref<100096x16xf32, #tpu.memory_space<hbm>> -> memref<100096x16xf32, #tpu.memory_space<hbm>>
      %dma_start3A_170 = tpu.memref_slice %arg10[%dma_start3A_155] : memref<10x!tpu.dma_semaphore, #tpu.memory_space<semaphore_mem>> -> memref<1x!tpu.dma_semaphore, #tpu.memory_space<semaphore_mem>>
      %dma_start3A_171 = tpu.memref_squeeze %dma_start3A_170 : memref<1x!tpu.dma_semaphore, #tpu.memory_space<semaphore_mem>> -> memref<!tpu.dma_semaphore, #tpu.memory_space<semaphore_mem>>
      tpu.enqueue_indirect_dma source(%dma_start3A_169 : memref<100096x16xf32, #tpu.memory_space<hbm>>) target(%dma_start3A_159 : memref<128x16xf32, #tpu.memory_space<vmem>>) offsets(%dma_start3A_162 : memref<128xi32, #tpu.memory_space<vmem>>) semaphore(%dma_start3A_171 : memref<!tpu.dma_semaphore, #tpu.memory_space<semaphore_mem>>)
      %dma_start3A_172 = arith.constant 7 : i32
      %dma_start3A_173 = arith.constant 7 : i32
      %dma_start3A_174 = arith.constant 7 : i32
      %dma_start3A_175 = arith.constant 0 : i32
      %dma_start3A_176 = arith.constant 0 : i32
      %dma_start3A_177 = tpu.memref_slice %arg7[%dma_start3A_173, %dma_start3A_175, %dma_start3A_176] : memref<10x128x16xf32, #tpu.memory_space<vmem>> -> memref<1x128x16xf32, #tpu.memory_space<vmem>>
      %dma_start3A_178 = tpu.memref_squeeze %dma_start3A_177 : memref<1x128x16xf32, #tpu.memory_space<vmem>> -> memref<128x16xf32, #tpu.memory_space<vmem>>
      %dma_start3A_179 = arith.constant 0 : i32
      %dma_start3A_180 = tpu.memref_slice %arg5[%dma_start3A_172, %dma_start3A_179] : memref<20x128xi32, #tpu.memory_space<vmem>> -> memref<1x128xi32, #tpu.memory_space<vmem>>
      %dma_start3A_181 = tpu.memref_squeeze %dma_start3A_180 : memref<1x128xi32, #tpu.memory_space<vmem>> -> memref<128xi32, #tpu.memory_space<vmem>>
      %dma_start3A_182 = arith.constant 0 : i32
      %dma_start3A_183 = arith.constant 0 : i32
      %dma_start3A_184 = tpu.memref_slice %arg2[%arg0, %dma_start3A_182, %dma_start3A_183] : memref<2x100096x16xf32, #tpu.memory_space<hbm>> -> memref<1x100096x16xf32, #tpu.memory_space<hbm>>
      %dma_start3A_185 = tpu.memref_squeeze %dma_start3A_184 : memref<1x100096x16xf32, #tpu.memory_space<hbm>> -> memref<100096x16xf32, #tpu.memory_space<hbm>>
      %dma_start3A_186 = arith.constant 0 : i32
      %dma_start3A_187 = arith.constant 0 : i32
      %dma_start3A_188 = tpu.memref_slice %dma_start3A_185[%dma_start3A_186, %dma_start3A_187] : memref<100096x16xf32, #tpu.memory_space<hbm>> -> memref<100096x16xf32, #tpu.memory_space<hbm>>
      %dma_start3A_189 = tpu.memref_slice %arg10[%dma_start3A_174] : memref<10x!tpu.dma_semaphore, #tpu.memory_space<semaphore_mem>> -> memref<1x!tpu.dma_semaphore, #tpu.memory_space<semaphore_mem>>
      %dma_start3A_190 = tpu.memref_squeeze %dma_start3A_189 : memref<1x!tpu.dma_semaphore, #tpu.memory_space<semaphore_mem>> -> memref<!tpu.dma_semaphore, #tpu.memory_space<semaphore_mem>>
      tpu.enqueue_indirect_dma source(%dma_start3A_188 : memref<100096x16xf32, #tpu.memory_space<hbm>>) target(%dma_start3A_178 : memref<128x16xf32, #tpu.memory_space<vmem>>) offsets(%dma_start3A_181 : memref<128xi32, #tpu.memory_space<vmem>>) semaphore(%dma_start3A_190 : memref<!tpu.dma_semaphore, #tpu.memory_space<semaphore_mem>>)
      %dma_start3A_191 = arith.constant 8 : i32
      %dma_start3A_192 = arith.constant 8 : i32
      %dma_start3A_193 = arith.constant 8 : i32
      %dma_start3A_194 = arith.constant 0 : i32
      %dma_start3A_195 = arith.constant 0 : i32
      %dma_start3A_196 = tpu.memref_slice %arg7[%dma_start3A_192, %dma_start3A_194, %dma_start3A_195] : memref<10x128x16xf32, #tpu.memory_space<vmem>> -> memref<1x128x16xf32, #tpu.memory_space<vmem>>
      %dma_start3A_197 = tpu.memref_squeeze %dma_start3A_196 : memref<1x128x16xf32, #tpu.memory_space<vmem>> -> memref<128x16xf32, #tpu.memory_space<vmem>>
      %dma_start3A_198 = arith.constant 0 : i32
      %dma_start3A_199 = tpu.memref_slice %arg5[%dma_start3A_191, %dma_start3A_198] : memref<20x128xi32, #tpu.memory_space<vmem>> -> memref<1x128xi32, #tpu.memory_space<vmem>>
      %dma_start3A_200 = tpu.memref_squeeze %dma_start3A_199 : memref<1x128xi32, #tpu.memory_space<vmem>> -> memref<128xi32, #tpu.memory_space<vmem>>
      %dma_start3A_201 = arith.constant 0 : i32
      %dma_start3A_202 = arith.constant 0 : i32
      %dma_start3A_203 = tpu.memref_slice %arg2[%arg0, %dma_start3A_201, %dma_start3A_202] : memref<2x100096x16xf32, #tpu.memory_space<hbm>> -> memref<1x100096x16xf32, #tpu.memory_space<hbm>>
      %dma_start3A_204 = tpu.memref_squeeze %dma_start3A_203 : memref<1x100096x16xf32, #tpu.memory_space<hbm>> -> memref<100096x16xf32, #tpu.memory_space<hbm>>
      %dma_start3A_205 = arith.constant 0 : i32
      %dma_start3A_206 = arith.constant 0 : i32
      %dma_start3A_207 = tpu.memref_slice %dma_start3A_204[%dma_start3A_205, %dma_start3A_206] : memref<100096x16xf32, #tpu.memory_space<hbm>> -> memref<100096x16xf32, #tpu.memory_space<hbm>>
      %dma_start3A_208 = tpu.memref_slice %arg10[%dma_start3A_193] : memref<10x!tpu.dma_semaphore, #tpu.memory_space<semaphore_mem>> -> memref<1x!tpu.dma_semaphore, #tpu.memory_space<semaphore_mem>>
      %dma_start3A_209 = tpu.memref_squeeze %dma_start3A_208 : memref<1x!tpu.dma_semaphore, #tpu.memory_space<semaphore_mem>> -> memref<!tpu.dma_semaphore, #tpu.memory_space<semaphore_mem>>
      tpu.enqueue_indirect_dma source(%dma_start3A_207 : memref<100096x16xf32, #tpu.memory_space<hbm>>) target(%dma_start3A_197 : memref<128x16xf32, #tpu.memory_space<vmem>>) offsets(%dma_start3A_200 : memref<128xi32, #tpu.memory_space<vmem>>) semaphore(%dma_start3A_209 : memref<!tpu.dma_semaphore, #tpu.memory_space<semaphore_mem>>)
      %scan3A_210 = arith.constant 0 : i32
      %scan3A_211 = arith.constant 20 : i32
      %scan3A_212 = arith.addi %scan3A_210, %scan3A_211 : i32
      %scan3A_213 = arith.constant 1 : i32
      scf.for %scan3A_364 = %scan3A_210 to %scan3A_212 step %scan3A_213  : i32 {
        %mul3A_365 = arith.constant 1 : i32
        %mul3A_366 = arith.muli %scan3A_364, %mul3A_365 : i32
        %add3A_367 = arith.constant 0 : i32
        %add3A_368 = arith.addi %add3A_367, %mul3A_366 : i32
        %rem3A = arith.constant 10 : i32
        %rem3A_369 = arith.remsi %add3A_368, %rem3A : i32
        %dma_wait3A_370 = arith.constant 0 : i32
        %dma_wait3A_371 = arith.constant 0 : i32
        %dma_wait3A_372 = tpu.memref_slice %arg7[%rem3A_369, %dma_wait3A_370, %dma_wait3A_371] : memref<10x128x16xf32, #tpu.memory_space<vmem>> -> memref<1x128x16xf32, #tpu.memory_space<vmem>>
        %dma_wait3A_373 = tpu.memref_squeeze %dma_wait3A_372 : memref<1x128x16xf32, #tpu.memory_space<vmem>> -> memref<128x16xf32, #tpu.memory_space<vmem>>
        %dma_wait3A_374 = arith.constant 0 : i32
        %dma_wait3A_375 = tpu.memref_slice %arg5[%add3A_368, %dma_wait3A_374] : memref<20x128xi32, #tpu.memory_space<vmem>> -> memref<1x128xi32, #tpu.memory_space<vmem>>
        %dma_wait3A_376 = tpu.memref_squeeze %dma_wait3A_375 : memref<1x128xi32, #tpu.memory_space<vmem>> -> memref<128xi32, #tpu.memory_space<vmem>>
        %dma_wait3A_377 = arith.constant 0 : i32
        %dma_wait3A_378 = arith.constant 0 : i32
        %dma_wait3A_379 = tpu.memref_slice %arg2[%arg0, %dma_wait3A_377, %dma_wait3A_378] : memref<2x100096x16xf32, #tpu.memory_space<hbm>> -> memref<1x100096x16xf32, #tpu.memory_space<hbm>>
        %dma_wait3A_380 = tpu.memref_squeeze %dma_wait3A_379 : memref<1x100096x16xf32, #tpu.memory_space<hbm>> -> memref<100096x16xf32, #tpu.memory_space<hbm>>
        %dma_wait3A_381 = arith.constant 0 : i32
        %dma_wait3A_382 = arith.constant 0 : i32
        %dma_wait3A_383 = tpu.memref_slice %dma_wait3A_380[%dma_wait3A_381, %dma_wait3A_382] : memref<100096x16xf32, #tpu.memory_space<hbm>> -> memref<100096x16xf32, #tpu.memory_space<hbm>>
        %dma_wait3A_384 = tpu.memref_slice %arg10[%rem3A_369] : memref<10x!tpu.dma_semaphore, #tpu.memory_space<semaphore_mem>> -> memref<1x!tpu.dma_semaphore, #tpu.memory_space<semaphore_mem>>
        %dma_wait3A_385 = tpu.memref_squeeze %dma_wait3A_384 : memref<1x!tpu.dma_semaphore, #tpu.memory_space<semaphore_mem>> -> memref<!tpu.dma_semaphore, #tpu.memory_space<semaphore_mem>>
        tpu.wait_indirect_dma semaphore(%dma_wait3A_385 : memref<!tpu.dma_semaphore, #tpu.memory_space<semaphore_mem>>) src(%dma_wait3A_383 : memref<100096x16xf32, #tpu.memory_space<hbm>>) dst(%dma_wait3A_373 : memref<128x16xf32, #tpu.memory_space<vmem>>)
        %dma_start3A_386 = arith.constant 0 : i32
        %dma_start3A_387 = arith.constant 0 : i32
        %dma_start3A_388 = tpu.memref_slice %arg7[%rem3A_369, %dma_start3A_386, %dma_start3A_387] : memref<10x128x16xf32, #tpu.memory_space<vmem>> -> memref<1x128x16xf32, #tpu.memory_space<vmem>>
        %dma_start3A_389 = tpu.memref_squeeze %dma_start3A_388 : memref<1x128x16xf32, #tpu.memory_space<vmem>> -> memref<128x16xf32, #tpu.memory_space<vmem>>
        %dma_start3A_390 = arith.constant 0 : i32
        %dma_start3A_391 = tpu.memref_slice %arg6[%add3A_368, %dma_start3A_390] : memref<20x128xi32, #tpu.memory_space<vmem>> -> memref<1x128xi32, #tpu.memory_space<vmem>>
        %dma_start3A_392 = tpu.memref_squeeze %dma_start3A_391 : memref<1x128xi32, #tpu.memory_space<vmem>> -> memref<128xi32, #tpu.memory_space<vmem>>
        %dma_start3A_393 = arith.constant 0 : i32
        %dma_start3A_394 = arith.constant 0 : i32
        %dma_start3A_395 = tpu.memref_slice %arg9[%dma_start3A_393, %dma_start3A_394] : memref<100096x16xf32, #tpu.memory_space<vmem_shared>> -> memref<100096x16xf32, #tpu.memory_space<vmem_shared>>
        %dma_start3A_396 = tpu.memref_slice %arg11[%rem3A_369] : memref<10x!tpu.dma_semaphore, #tpu.memory_space<semaphore_mem>> -> memref<1x!tpu.dma_semaphore, #tpu.memory_space<semaphore_mem>>
        %dma_start3A_397 = tpu.memref_squeeze %dma_start3A_396 : memref<1x!tpu.dma_semaphore, #tpu.memory_space<semaphore_mem>> -> memref<!tpu.dma_semaphore, #tpu.memory_space<semaphore_mem>>
        tpu.enqueue_indirect_dma source(%dma_start3A_389 : memref<128x16xf32, #tpu.memory_space<vmem>>) target(%dma_start3A_395 : memref<100096x16xf32, #tpu.memory_space<vmem_shared>>) offsets(%dma_start3A_392 : memref<128xi32, #tpu.memory_space<vmem>>) semaphore(%dma_start3A_397 : memref<!tpu.dma_semaphore, #tpu.memory_space<semaphore_mem>>) {add = true}
        %add3A_398 = arith.constant 9 : i32
        %add3A_399 = arith.addi %add3A_368, %add3A_398 : i32
        %lt3A_400 = arith.constant 20 : i32
        %lt3A_401 = arith.cmpi slt, %add3A_399, %lt3A_400 : i32
        %convert_element_type3A = arith.extui %lt3A_401 : i1 to i32
        %cond3A = arith.constant 0 : i32
        %cond3A_402 = arith.cmpi ne, %convert_element_type3A, %cond3A : i32
        scf.if %cond3A_402 {
          %add3A_403 = arith.constant 9 : i32
          %add3A_404 = arith.addi %add3A_368, %add3A_403 : i32
          %rem3A_405 = arith.constant 10 : i32
          %rem3A_406 = arith.remsi %add3A_404, %rem3A_405 : i32
          %ge3A = arith.constant 1 : i32
          %ge3A_407 = arith.cmpi sge, %add3A_368, %ge3A : i32
          %convert_element_type3A_408 = arith.extui %ge3A_407 : i1 to i32
          %cond3A_409 = arith.constant 0 : i32
          %cond3A_410 = arith.cmpi ne, %convert_element_type3A_408, %cond3A_409 : i32
          scf.if %cond3A_410 {
            %dma_wait3A_429 = arith.constant 0 : i32
            %dma_wait3A_430 = arith.constant 0 : i32
            %dma_wait3A_431 = tpu.memref_slice %arg7[%rem3A_406, %dma_wait3A_429, %dma_wait3A_430] : memref<10x128x16xf32, #tpu.memory_space<vmem>> -> memref<1x128x16xf32, #tpu.memory_space<vmem>>
            %dma_wait3A_432 = tpu.memref_squeeze %dma_wait3A_431 : memref<1x128x16xf32, #tpu.memory_space<vmem>> -> memref<128x16xf32, #tpu.memory_space<vmem>>
            %dma_wait3A_433 = arith.constant 0 : i32
            %dma_wait3A_434 = tpu.memref_slice %arg6[%add3A_368, %dma_wait3A_433] : memref<20x128xi32, #tpu.memory_space<vmem>> -> memref<1x128xi32, #tpu.memory_space<vmem>>
            %dma_wait3A_435 = tpu.memref_squeeze %dma_wait3A_434 : memref<1x128xi32, #tpu.memory_space<vmem>> -> memref<128xi32, #tpu.memory_space<vmem>>
            %dma_wait3A_436 = arith.constant 0 : i32
            %dma_wait3A_437 = arith.constant 0 : i32
            %dma_wait3A_438 = tpu.memref_slice %arg9[%dma_wait3A_436, %dma_wait3A_437] : memref<100096x16xf32, #tpu.memory_space<vmem_shared>> -> memref<100096x16xf32, #tpu.memory_space<vmem_shared>>
            %dma_wait3A_439 = tpu.memref_slice %arg11[%rem3A_406] : memref<10x!tpu.dma_semaphore, #tpu.memory_space<semaphore_mem>> -> memref<1x!tpu.dma_semaphore, #tpu.memory_space<semaphore_mem>>
            %dma_wait3A_440 = tpu.memref_squeeze %dma_wait3A_439 : memref<1x!tpu.dma_semaphore, #tpu.memory_space<semaphore_mem>> -> memref<!tpu.dma_semaphore, #tpu.memory_space<semaphore_mem>>
            tpu.wait_indirect_dma semaphore(%dma_wait3A_440 : memref<!tpu.dma_semaphore, #tpu.memory_space<semaphore_mem>>) src(%dma_wait3A_432 : memref<128x16xf32, #tpu.memory_space<vmem>>) dst(%dma_wait3A_438 : memref<100096x16xf32, #tpu.memory_space<vmem_shared>>)
          } else {
          }
          %add3A_411 = arith.constant 9 : i32
          %add3A_412 = arith.addi %add3A_368, %add3A_411 : i32
          %dma_start3A_413 = arith.constant 0 : i32
          %dma_start3A_414 = arith.constant 0 : i32
          %dma_start3A_415 = tpu.memref_slice %arg7[%rem3A_406, %dma_start3A_413, %dma_start3A_414] : memref<10x128x16xf32, #tpu.memory_space<vmem>> -> memref<1x128x16xf32, #tpu.memory_space<vmem>>
          %dma_start3A_416 = tpu.memref_squeeze %dma_start3A_415 : memref<1x128x16xf32, #tpu.memory_space<vmem>> -> memref<128x16xf32, #tpu.memory_space<vmem>>
          %dma_start3A_417 = arith.constant 0 : i32
          %dma_start3A_418 = tpu.memref_slice %arg5[%add3A_412, %dma_start3A_417] : memref<20x128xi32, #tpu.memory_space<vmem>> -> memref<1x128xi32, #tpu.memory_space<vmem>>
          %dma_start3A_419 = tpu.memref_squeeze %dma_start3A_418 : memref<1x128xi32, #tpu.memory_space<vmem>> -> memref<128xi32, #tpu.memory_space<vmem>>
          %dma_start3A_420 = arith.constant 0 : i32
          %dma_start3A_421 = arith.constant 0 : i32
          %dma_start3A_422 = tpu.memref_slice %arg2[%arg0, %dma_start3A_420, %dma_start3A_421] : memref<2x100096x16xf32, #tpu.memory_space<hbm>> -> memref<1x100096x16xf32, #tpu.memory_space<hbm>>
          %dma_start3A_423 = tpu.memref_squeeze %dma_start3A_422 : memref<1x100096x16xf32, #tpu.memory_space<hbm>> -> memref<100096x16xf32, #tpu.memory_space<hbm>>
          %dma_start3A_424 = arith.constant 0 : i32
          %dma_start3A_425 = arith.constant 0 : i32
          %dma_start3A_426 = tpu.memref_slice %dma_start3A_423[%dma_start3A_424, %dma_start3A_425] : memref<100096x16xf32, #tpu.memory_space<hbm>> -> memref<100096x16xf32, #tpu.memory_space<hbm>>
          %dma_start3A_427 = tpu.memref_slice %arg10[%rem3A_406] : memref<10x!tpu.dma_semaphore, #tpu.memory_space<semaphore_mem>> -> memref<1x!tpu.dma_semaphore, #tpu.memory_space<semaphore_mem>>
          %dma_start3A_428 = tpu.memref_squeeze %dma_start3A_427 : memref<1x!tpu.dma_semaphore, #tpu.memory_space<semaphore_mem>> -> memref<!tpu.dma_semaphore, #tpu.memory_space<semaphore_mem>>
          tpu.enqueue_indirect_dma source(%dma_start3A_426 : memref<100096x16xf32, #tpu.memory_space<hbm>>) target(%dma_start3A_416 : memref<128x16xf32, #tpu.memory_space<vmem>>) offsets(%dma_start3A_419 : memref<128xi32, #tpu.memory_space<vmem>>) semaphore(%dma_start3A_428 : memref<!tpu.dma_semaphore, #tpu.memory_space<semaphore_mem>>)
        } else {
        }
      }
      %scan3A_214 = arith.constant 20 : i32
      %dma_wait3A = arith.constant 0 : i32
      %dma_wait3A_215 = arith.constant 0 : i32
      %dma_wait3A_216 = arith.constant 0 : i32
      %dma_wait3A_217 = arith.constant 0 : i32
      %dma_wait3A_218 = arith.constant 0 : i32
      %dma_wait3A_219 = tpu.memref_slice %arg7[%dma_wait3A, %dma_wait3A_217, %dma_wait3A_218] : memref<10x128x16xf32, #tpu.memory_space<vmem>> -> memref<1x128x16xf32, #tpu.memory_space<vmem>>
      %dma_wait3A_220 = tpu.memref_squeeze %dma_wait3A_219 : memref<1x128x16xf32, #tpu.memory_space<vmem>> -> memref<128x16xf32, #tpu.memory_space<vmem>>
      %dma_wait3A_221 = arith.constant 0 : i32
      %dma_wait3A_222 = tpu.memref_slice %arg6[%dma_wait3A_215, %dma_wait3A_221] : memref<20x128xi32, #tpu.memory_space<vmem>> -> memref<1x128xi32, #tpu.memory_space<vmem>>
      %dma_wait3A_223 = tpu.memref_squeeze %dma_wait3A_222 : memref<1x128xi32, #tpu.memory_space<vmem>> -> memref<128xi32, #tpu.memory_space<vmem>>
      %dma_wait3A_224 = arith.constant 0 : i32
      %dma_wait3A_225 = arith.constant 0 : i32
      %dma_wait3A_226 = tpu.memref_slice %arg9[%dma_wait3A_224, %dma_wait3A_225] : memref<100096x16xf32, #tpu.memory_space<vmem_shared>> -> memref<100096x16xf32, #tpu.memory_space<vmem_shared>>
      %dma_wait3A_227 = tpu.memref_slice %arg11[%dma_wait3A_216] : memref<10x!tpu.dma_semaphore, #tpu.memory_space<semaphore_mem>> -> memref<1x!tpu.dma_semaphore, #tpu.memory_space<semaphore_mem>>
      %dma_wait3A_228 = tpu.memref_squeeze %dma_wait3A_227 : memref<1x!tpu.dma_semaphore, #tpu.memory_space<semaphore_mem>> -> memref<!tpu.dma_semaphore, #tpu.memory_space<semaphore_mem>>
      tpu.wait_indirect_dma semaphore(%dma_wait3A_228 : memref<!tpu.dma_semaphore, #tpu.memory_space<semaphore_mem>>) src(%dma_wait3A_220 : memref<128x16xf32, #tpu.memory_space<vmem>>) dst(%dma_wait3A_226 : memref<100096x16xf32, #tpu.memory_space<vmem_shared>>)
      %dma_wait3A_229 = arith.constant 1 : i32
      %dma_wait3A_230 = arith.constant 0 : i32
      %dma_wait3A_231 = arith.constant 1 : i32
      %dma_wait3A_232 = arith.constant 0 : i32
      %dma_wait3A_233 = arith.constant 0 : i32
      %dma_wait3A_234 = tpu.memref_slice %arg7[%dma_wait3A_229, %dma_wait3A_232, %dma_wait3A_233] : memref<10x128x16xf32, #tpu.memory_space<vmem>> -> memref<1x128x16xf32, #tpu.memory_space<vmem>>
      %dma_wait3A_235 = tpu.memref_squeeze %dma_wait3A_234 : memref<1x128x16xf32, #tpu.memory_space<vmem>> -> memref<128x16xf32, #tpu.memory_space<vmem>>
      %dma_wait3A_236 = arith.constant 0 : i32
      %dma_wait3A_237 = tpu.memref_slice %arg6[%dma_wait3A_230, %dma_wait3A_236] : memref<20x128xi32, #tpu.memory_space<vmem>> -> memref<1x128xi32, #tpu.memory_space<vmem>>
      %dma_wait3A_238 = tpu.memref_squeeze %dma_wait3A_237 : memref<1x128xi32, #tpu.memory_space<vmem>> -> memref<128xi32, #tpu.memory_space<vmem>>
      %dma_wait3A_239 = arith.constant 0 : i32
      %dma_wait3A_240 = arith.constant 0 : i32
      %dma_wait3A_241 = tpu.memref_slice %arg9[%dma_wait3A_239, %dma_wait3A_240] : memref<100096x16xf32, #tpu.memory_space<vmem_shared>> -> memref<100096x16xf32, #tpu.memory_space<vmem_shared>>
      %dma_wait3A_242 = tpu.memref_slice %arg11[%dma_wait3A_231] : memref<10x!tpu.dma_semaphore, #tpu.memory_space<semaphore_mem>> -> memref<1x!tpu.dma_semaphore, #tpu.memory_space<semaphore_mem>>
      %dma_wait3A_243 = tpu.memref_squeeze %dma_wait3A_242 : memref<1x!tpu.dma_semaphore, #tpu.memory_space<semaphore_mem>> -> memref<!tpu.dma_semaphore, #tpu.memory_space<semaphore_mem>>
      tpu.wait_indirect_dma semaphore(%dma_wait3A_243 : memref<!tpu.dma_semaphore, #tpu.memory_space<semaphore_mem>>) src(%dma_wait3A_235 : memref<128x16xf32, #tpu.memory_space<vmem>>) dst(%dma_wait3A_241 : memref<100096x16xf32, #tpu.memory_space<vmem_shared>>)
      %dma_wait3A_244 = arith.constant 2 : i32
      %dma_wait3A_245 = arith.constant 0 : i32
      %dma_wait3A_246 = arith.constant 2 : i32
      %dma_wait3A_247 = arith.constant 0 : i32
      %dma_wait3A_248 = arith.constant 0 : i32
      %dma_wait3A_249 = tpu.memref_slice %arg7[%dma_wait3A_244, %dma_wait3A_247, %dma_wait3A_248] : memref<10x128x16xf32, #tpu.memory_space<vmem>> -> memref<1x128x16xf32, #tpu.memory_space<vmem>>
      %dma_wait3A_250 = tpu.memref_squeeze %dma_wait3A_249 : memref<1x128x16xf32, #tpu.memory_space<vmem>> -> memref<128x16xf32, #tpu.memory_space<vmem>>
      %dma_wait3A_251 = arith.constant 0 : i32
      %dma_wait3A_252 = tpu.memref_slice %arg6[%dma_wait3A_245, %dma_wait3A_251] : memref<20x128xi32, #tpu.memory_space<vmem>> -> memref<1x128xi32, #tpu.memory_space<vmem>>
      %dma_wait3A_253 = tpu.memref_squeeze %dma_wait3A_252 : memref<1x128xi32, #tpu.memory_space<vmem>> -> memref<128xi32, #tpu.memory_space<vmem>>
      %dma_wait3A_254 = arith.constant 0 : i32
      %dma_wait3A_255 = arith.constant 0 : i32
      %dma_wait3A_256 = tpu.memref_slice %arg9[%dma_wait3A_254, %dma_wait3A_255] : memref<100096x16xf32, #tpu.memory_space<vmem_shared>> -> memref<100096x16xf32, #tpu.memory_space<vmem_shared>>
      %dma_wait3A_257 = tpu.memref_slice %arg11[%dma_wait3A_246] : memref<10x!tpu.dma_semaphore, #tpu.memory_space<semaphore_mem>> -> memref<1x!tpu.dma_semaphore, #tpu.memory_space<semaphore_mem>>
      %dma_wait3A_258 = tpu.memref_squeeze %dma_wait3A_257 : memref<1x!tpu.dma_semaphore, #tpu.memory_space<semaphore_mem>> -> memref<!tpu.dma_semaphore, #tpu.memory_space<semaphore_mem>>
      tpu.wait_indirect_dma semaphore(%dma_wait3A_258 : memref<!tpu.dma_semaphore, #tpu.memory_space<semaphore_mem>>) src(%dma_wait3A_250 : memref<128x16xf32, #tpu.memory_space<vmem>>) dst(%dma_wait3A_256 : memref<100096x16xf32, #tpu.memory_space<vmem_shared>>)
      %dma_wait3A_259 = arith.constant 3 : i32
      %dma_wait3A_260 = arith.constant 0 : i32
      %dma_wait3A_261 = arith.constant 3 : i32
      %dma_wait3A_262 = arith.constant 0 : i32
      %dma_wait3A_263 = arith.constant 0 : i32
      %dma_wait3A_264 = tpu.memref_slice %arg7[%dma_wait3A_259, %dma_wait3A_262, %dma_wait3A_263] : memref<10x128x16xf32, #tpu.memory_space<vmem>> -> memref<1x128x16xf32, #tpu.memory_space<vmem>>
      %dma_wait3A_265 = tpu.memref_squeeze %dma_wait3A_264 : memref<1x128x16xf32, #tpu.memory_space<vmem>> -> memref<128x16xf32, #tpu.memory_space<vmem>>
      %dma_wait3A_266 = arith.constant 0 : i32
      %dma_wait3A_267 = tpu.memref_slice %arg6[%dma_wait3A_260, %dma_wait3A_266] : memref<20x128xi32, #tpu.memory_space<vmem>> -> memref<1x128xi32, #tpu.memory_space<vmem>>
      %dma_wait3A_268 = tpu.memref_squeeze %dma_wait3A_267 : memref<1x128xi32, #tpu.memory_space<vmem>> -> memref<128xi32, #tpu.memory_space<vmem>>
      %dma_wait3A_269 = arith.constant 0 : i32
      %dma_wait3A_270 = arith.constant 0 : i32
      %dma_wait3A_271 = tpu.memref_slice %arg9[%dma_wait3A_269, %dma_wait3A_270] : memref<100096x16xf32, #tpu.memory_space<vmem_shared>> -> memref<100096x16xf32, #tpu.memory_space<vmem_shared>>
      %dma_wait3A_272 = tpu.memref_slice %arg11[%dma_wait3A_261] : memref<10x!tpu.dma_semaphore, #tpu.memory_space<semaphore_mem>> -> memref<1x!tpu.dma_semaphore, #tpu.memory_space<semaphore_mem>>
      %dma_wait3A_273 = tpu.memref_squeeze %dma_wait3A_272 : memref<1x!tpu.dma_semaphore, #tpu.memory_space<semaphore_mem>> -> memref<!tpu.dma_semaphore, #tpu.memory_space<semaphore_mem>>
      tpu.wait_indirect_dma semaphore(%dma_wait3A_273 : memref<!tpu.dma_semaphore, #tpu.memory_space<semaphore_mem>>) src(%dma_wait3A_265 : memref<128x16xf32, #tpu.memory_space<vmem>>) dst(%dma_wait3A_271 : memref<100096x16xf32, #tpu.memory_space<vmem_shared>>)
      %dma_wait3A_274 = arith.constant 4 : i32
      %dma_wait3A_275 = arith.constant 0 : i32
      %dma_wait3A_276 = arith.constant 4 : i32
      %dma_wait3A_277 = arith.constant 0 : i32
      %dma_wait3A_278 = arith.constant 0 : i32
      %dma_wait3A_279 = tpu.memref_slice %arg7[%dma_wait3A_274, %dma_wait3A_277, %dma_wait3A_278] : memref<10x128x16xf32, #tpu.memory_space<vmem>> -> memref<1x128x16xf32, #tpu.memory_space<vmem>>
      %dma_wait3A_280 = tpu.memref_squeeze %dma_wait3A_279 : memref<1x128x16xf32, #tpu.memory_space<vmem>> -> memref<128x16xf32, #tpu.memory_space<vmem>>
      %dma_wait3A_281 = arith.constant 0 : i32
      %dma_wait3A_282 = tpu.memref_slice %arg6[%dma_wait3A_275, %dma_wait3A_281] : memref<20x128xi32, #tpu.memory_space<vmem>> -> memref<1x128xi32, #tpu.memory_space<vmem>>
      %dma_wait3A_283 = tpu.memref_squeeze %dma_wait3A_282 : memref<1x128xi32, #tpu.memory_space<vmem>> -> memref<128xi32, #tpu.memory_space<vmem>>
      %dma_wait3A_284 = arith.constant 0 : i32
      %dma_wait3A_285 = arith.constant 0 : i32
      %dma_wait3A_286 = tpu.memref_slice %arg9[%dma_wait3A_284, %dma_wait3A_285] : memref<100096x16xf32, #tpu.memory_space<vmem_shared>> -> memref<100096x16xf32, #tpu.memory_space<vmem_shared>>
      %dma_wait3A_287 = tpu.memref_slice %arg11[%dma_wait3A_276] : memref<10x!tpu.dma_semaphore, #tpu.memory_space<semaphore_mem>> -> memref<1x!tpu.dma_semaphore, #tpu.memory_space<semaphore_mem>>
      %dma_wait3A_288 = tpu.memref_squeeze %dma_wait3A_287 : memref<1x!tpu.dma_semaphore, #tpu.memory_space<semaphore_mem>> -> memref<!tpu.dma_semaphore, #tpu.memory_space<semaphore_mem>>
      tpu.wait_indirect_dma semaphore(%dma_wait3A_288 : memref<!tpu.dma_semaphore, #tpu.memory_space<semaphore_mem>>) src(%dma_wait3A_280 : memref<128x16xf32, #tpu.memory_space<vmem>>) dst(%dma_wait3A_286 : memref<100096x16xf32, #tpu.memory_space<vmem_shared>>)
      %dma_wait3A_289 = arith.constant 5 : i32
      %dma_wait3A_290 = arith.constant 0 : i32
      %dma_wait3A_291 = arith.constant 5 : i32
      %dma_wait3A_292 = arith.constant 0 : i32
      %dma_wait3A_293 = arith.constant 0 : i32
      %dma_wait3A_294 = tpu.memref_slice %arg7[%dma_wait3A_289, %dma_wait3A_292, %dma_wait3A_293] : memref<10x128x16xf32, #tpu.memory_space<vmem>> -> memref<1x128x16xf32, #tpu.memory_space<vmem>>
      %dma_wait3A_295 = tpu.memref_squeeze %dma_wait3A_294 : memref<1x128x16xf32, #tpu.memory_space<vmem>> -> memref<128x16xf32, #tpu.memory_space<vmem>>
      %dma_wait3A_296 = arith.constant 0 : i32
      %dma_wait3A_297 = tpu.memref_slice %arg6[%dma_wait3A_290, %dma_wait3A_296] : memref<20x128xi32, #tpu.memory_space<vmem>> -> memref<1x128xi32, #tpu.memory_space<vmem>>
      %dma_wait3A_298 = tpu.memref_squeeze %dma_wait3A_297 : memref<1x128xi32, #tpu.memory_space<vmem>> -> memref<128xi32, #tpu.memory_space<vmem>>
      %dma_wait3A_299 = arith.constant 0 : i32
      %dma_wait3A_300 = arith.constant 0 : i32
      %dma_wait3A_301 = tpu.memref_slice %arg9[%dma_wait3A_299, %dma_wait3A_300] : memref<100096x16xf32, #tpu.memory_space<vmem_shared>> -> memref<100096x16xf32, #tpu.memory_space<vmem_shared>>
      %dma_wait3A_302 = tpu.memref_slice %arg11[%dma_wait3A_291] : memref<10x!tpu.dma_semaphore, #tpu.memory_space<semaphore_mem>> -> memref<1x!tpu.dma_semaphore, #tpu.memory_space<semaphore_mem>>
      %dma_wait3A_303 = tpu.memref_squeeze %dma_wait3A_302 : memref<1x!tpu.dma_semaphore, #tpu.memory_space<semaphore_mem>> -> memref<!tpu.dma_semaphore, #tpu.memory_space<semaphore_mem>>
      tpu.wait_indirect_dma semaphore(%dma_wait3A_303 : memref<!tpu.dma_semaphore, #tpu.memory_space<semaphore_mem>>) src(%dma_wait3A_295 : memref<128x16xf32, #tpu.memory_space<vmem>>) dst(%dma_wait3A_301 : memref<100096x16xf32, #tpu.memory_space<vmem_shared>>)
      %dma_wait3A_304 = arith.constant 6 : i32
      %dma_wait3A_305 = arith.constant 0 : i32
      %dma_wait3A_306 = arith.constant 6 : i32
      %dma_wait3A_307 = arith.constant 0 : i32
      %dma_wait3A_308 = arith.constant 0 : i32
      %dma_wait3A_309 = tpu.memref_slice %arg7[%dma_wait3A_304, %dma_wait3A_307, %dma_wait3A_308] : memref<10x128x16xf32, #tpu.memory_space<vmem>> -> memref<1x128x16xf32, #tpu.memory_space<vmem>>
      %dma_wait3A_310 = tpu.memref_squeeze %dma_wait3A_309 : memref<1x128x16xf32, #tpu.memory_space<vmem>> -> memref<128x16xf32, #tpu.memory_space<vmem>>
      %dma_wait3A_311 = arith.constant 0 : i32
      %dma_wait3A_312 = tpu.memref_slice %arg6[%dma_wait3A_305, %dma_wait3A_311] : memref<20x128xi32, #tpu.memory_space<vmem>> -> memref<1x128xi32, #tpu.memory_space<vmem>>
      %dma_wait3A_313 = tpu.memref_squeeze %dma_wait3A_312 : memref<1x128xi32, #tpu.memory_space<vmem>> -> memref<128xi32, #tpu.memory_space<vmem>>
      %dma_wait3A_314 = arith.constant 0 : i32
      %dma_wait3A_315 = arith.constant 0 : i32
      %dma_wait3A_316 = tpu.memref_slice %arg9[%dma_wait3A_314, %dma_wait3A_315] : memref<100096x16xf32, #tpu.memory_space<vmem_shared>> -> memref<100096x16xf32, #tpu.memory_space<vmem_shared>>
      %dma_wait3A_317 = tpu.memref_slice %arg11[%dma_wait3A_306] : memref<10x!tpu.dma_semaphore, #tpu.memory_space<semaphore_mem>> -> memref<1x!tpu.dma_semaphore, #tpu.memory_space<semaphore_mem>>
      %dma_wait3A_318 = tpu.memref_squeeze %dma_wait3A_317 : memref<1x!tpu.dma_semaphore, #tpu.memory_space<semaphore_mem>> -> memref<!tpu.dma_semaphore, #tpu.memory_space<semaphore_mem>>
      tpu.wait_indirect_dma semaphore(%dma_wait3A_318 : memref<!tpu.dma_semaphore, #tpu.memory_space<semaphore_mem>>) src(%dma_wait3A_310 : memref<128x16xf32, #tpu.memory_space<vmem>>) dst(%dma_wait3A_316 : memref<100096x16xf32, #tpu.memory_space<vmem_shared>>)
      %dma_wait3A_319 = arith.constant 7 : i32
      %dma_wait3A_320 = arith.constant 0 : i32
      %dma_wait3A_321 = arith.constant 7 : i32
      %dma_wait3A_322 = arith.constant 0 : i32
      %dma_wait3A_323 = arith.constant 0 : i32
      %dma_wait3A_324 = tpu.memref_slice %arg7[%dma_wait3A_319, %dma_wait3A_322, %dma_wait3A_323] : memref<10x128x16xf32, #tpu.memory_space<vmem>> -> memref<1x128x16xf32, #tpu.memory_space<vmem>>
      %dma_wait3A_325 = tpu.memref_squeeze %dma_wait3A_324 : memref<1x128x16xf32, #tpu.memory_space<vmem>> -> memref<128x16xf32, #tpu.memory_space<vmem>>
      %dma_wait3A_326 = arith.constant 0 : i32
      %dma_wait3A_327 = tpu.memref_slice %arg6[%dma_wait3A_320, %dma_wait3A_326] : memref<20x128xi32, #tpu.memory_space<vmem>> -> memref<1x128xi32, #tpu.memory_space<vmem>>
      %dma_wait3A_328 = tpu.memref_squeeze %dma_wait3A_327 : memref<1x128xi32, #tpu.memory_space<vmem>> -> memref<128xi32, #tpu.memory_space<vmem>>
      %dma_wait3A_329 = arith.constant 0 : i32
      %dma_wait3A_330 = arith.constant 0 : i32
      %dma_wait3A_331 = tpu.memref_slice %arg9[%dma_wait3A_329, %dma_wait3A_330] : memref<100096x16xf32, #tpu.memory_space<vmem_shared>> -> memref<100096x16xf32, #tpu.memory_space<vmem_shared>>
      %dma_wait3A_332 = tpu.memref_slice %arg11[%dma_wait3A_321] : memref<10x!tpu.dma_semaphore, #tpu.memory_space<semaphore_mem>> -> memref<1x!tpu.dma_semaphore, #tpu.memory_space<semaphore_mem>>
      %dma_wait3A_333 = tpu.memref_squeeze %dma_wait3A_332 : memref<1x!tpu.dma_semaphore, #tpu.memory_space<semaphore_mem>> -> memref<!tpu.dma_semaphore, #tpu.memory_space<semaphore_mem>>
      tpu.wait_indirect_dma semaphore(%dma_wait3A_333 : memref<!tpu.dma_semaphore, #tpu.memory_space<semaphore_mem>>) src(%dma_wait3A_325 : memref<128x16xf32, #tpu.memory_space<vmem>>) dst(%dma_wait3A_331 : memref<100096x16xf32, #tpu.memory_space<vmem_shared>>)
      %dma_wait3A_334 = arith.constant 8 : i32
      %dma_wait3A_335 = arith.constant 0 : i32
      %dma_wait3A_336 = arith.constant 8 : i32
      %dma_wait3A_337 = arith.constant 0 : i32
      %dma_wait3A_338 = arith.constant 0 : i32
      %dma_wait3A_339 = tpu.memref_slice %arg7[%dma_wait3A_334, %dma_wait3A_337, %dma_wait3A_338] : memref<10x128x16xf32, #tpu.memory_space<vmem>> -> memref<1x128x16xf32, #tpu.memory_space<vmem>>
      %dma_wait3A_340 = tpu.memref_squeeze %dma_wait3A_339 : memref<1x128x16xf32, #tpu.memory_space<vmem>> -> memref<128x16xf32, #tpu.memory_space<vmem>>
      %dma_wait3A_341 = arith.constant 0 : i32
      %dma_wait3A_342 = tpu.memref_slice %arg6[%dma_wait3A_335, %dma_wait3A_341] : memref<20x128xi32, #tpu.memory_space<vmem>> -> memref<1x128xi32, #tpu.memory_space<vmem>>
      %dma_wait3A_343 = tpu.memref_squeeze %dma_wait3A_342 : memref<1x128xi32, #tpu.memory_space<vmem>> -> memref<128xi32, #tpu.memory_space<vmem>>
      %dma_wait3A_344 = arith.constant 0 : i32
      %dma_wait3A_345 = arith.constant 0 : i32
      %dma_wait3A_346 = tpu.memref_slice %arg9[%dma_wait3A_344, %dma_wait3A_345] : memref<100096x16xf32, #tpu.memory_space<vmem_shared>> -> memref<100096x16xf32, #tpu.memory_space<vmem_shared>>
      %dma_wait3A_347 = tpu.memref_slice %arg11[%dma_wait3A_336] : memref<10x!tpu.dma_semaphore, #tpu.memory_space<semaphore_mem>> -> memref<1x!tpu.dma_semaphore, #tpu.memory_space<semaphore_mem>>
      %dma_wait3A_348 = tpu.memref_squeeze %dma_wait3A_347 : memref<1x!tpu.dma_semaphore, #tpu.memory_space<semaphore_mem>> -> memref<!tpu.dma_semaphore, #tpu.memory_space<semaphore_mem>>
      tpu.wait_indirect_dma semaphore(%dma_wait3A_348 : memref<!tpu.dma_semaphore, #tpu.memory_space<semaphore_mem>>) src(%dma_wait3A_340 : memref<128x16xf32, #tpu.memory_space<vmem>>) dst(%dma_wait3A_346 : memref<100096x16xf32, #tpu.memory_space<vmem_shared>>)
      %dma_wait3A_349 = arith.constant 9 : i32
      %dma_wait3A_350 = arith.constant 0 : i32
      %dma_wait3A_351 = arith.constant 9 : i32
      %dma_wait3A_352 = arith.constant 0 : i32
      %dma_wait3A_353 = arith.constant 0 : i32
      %dma_wait3A_354 = tpu.memref_slice %arg7[%dma_wait3A_349, %dma_wait3A_352, %dma_wait3A_353] : memref<10x128x16xf32, #tpu.memory_space<vmem>> -> memref<1x128x16xf32, #tpu.memory_space<vmem>>
      %dma_wait3A_355 = tpu.memref_squeeze %dma_wait3A_354 : memref<1x128x16xf32, #tpu.memory_space<vmem>> -> memref<128x16xf32, #tpu.memory_space<vmem>>
      %dma_wait3A_356 = arith.constant 0 : i32
      %dma_wait3A_357 = tpu.memref_slice %arg6[%dma_wait3A_350, %dma_wait3A_356] : memref<20x128xi32, #tpu.memory_space<vmem>> -> memref<1x128xi32, #tpu.memory_space<vmem>>
      %dma_wait3A_358 = tpu.memref_squeeze %dma_wait3A_357 : memref<1x128xi32, #tpu.memory_space<vmem>> -> memref<128xi32, #tpu.memory_space<vmem>>
      %dma_wait3A_359 = arith.constant 0 : i32
      %dma_wait3A_360 = arith.constant 0 : i32
      %dma_wait3A_361 = tpu.memref_slice %arg9[%dma_wait3A_359, %dma_wait3A_360] : memref<100096x16xf32, #tpu.memory_space<vmem_shared>> -> memref<100096x16xf32, #tpu.memory_space<vmem_shared>>
      %dma_wait3A_362 = tpu.memref_slice %arg11[%dma_wait3A_351] : memref<10x!tpu.dma_semaphore, #tpu.memory_space<semaphore_mem>> -> memref<1x!tpu.dma_semaphore, #tpu.memory_space<semaphore_mem>>
      %dma_wait3A_363 = tpu.memref_squeeze %dma_wait3A_362 : memref<1x!tpu.dma_semaphore, #tpu.memory_space<semaphore_mem>> -> memref<!tpu.dma_semaphore, #tpu.memory_space<semaphore_mem>>
      tpu.wait_indirect_dma semaphore(%dma_wait3A_363 : memref<!tpu.dma_semaphore, #tpu.memory_space<semaphore_mem>>) src(%dma_wait3A_355 : memref<128x16xf32, #tpu.memory_space<vmem>>) dst(%dma_wait3A_361 : memref<100096x16xf32, #tpu.memory_space<vmem_shared>>)
    }
    %barrier3A_31 = arith.constant 0 : index
    tpu.barrier barrier_id(%barrier3A_31)
    %mul3A_32 = arith.constant 6256 : i32
    %mul3A_33 = arith.muli %arg1, %mul3A_32 : i32
    %mul3A_34 = arith.constant 6256 : i32
    %mul3A_35 = arith.muli %arg1, %mul3A_34 : i32
    "tpu.region"() ({
      %run_scoped3A = tpu.sem_alloc : memref<!tpu.dma_semaphore, #tpu.memory_space<semaphore_mem>>
      %dma_start3A = arith.constant 0 : i32
      %dma_start3A_36 = tpu.memref_slice %arg4[%arg0, %mul3A_35, %dma_start3A] : memref<2x100096x16xf32, #tpu.memory_space<hbm>> -> memref<1x6256x16xf32, #tpu.memory_space<hbm>>
      %dma_start3A_37 = tpu.memref_squeeze %dma_start3A_36 : memref<1x6256x16xf32, #tpu.memory_space<hbm>> -> memref<6256x16xf32, #tpu.memory_space<hbm>>
      %dma_start3A_38 = arith.constant 0 : i32
      %dma_start3A_39 = tpu.memref_slice %arg9[%mul3A_33, %dma_start3A_38] : memref<100096x16xf32, #tpu.memory_space<vmem_shared>> -> memref<6256x16xf32, #tpu.memory_space<vmem_shared>>
      tpu.enqueue_dma source(%dma_start3A_39 : memref<6256x16xf32, #tpu.memory_space<vmem_shared>>) target(%dma_start3A_37 : memref<6256x16xf32, #tpu.memory_space<hbm>>) target_semaphore(%run_scoped3A : memref<!tpu.dma_semaphore, #tpu.memory_space<semaphore_mem>>)
      %dma_wait3A = arith.constant 0 : i32
      %dma_wait3A_40 = tpu.memref_slice %arg4[%arg0, %mul3A_35, %dma_wait3A] : memref<2x100096x16xf32, #tpu.memory_space<hbm>> -> memref<1x6256x16xf32, #tpu.memory_space<hbm>>
      %dma_wait3A_41 = tpu.memref_squeeze %dma_wait3A_40 : memref<1x6256x16xf32, #tpu.memory_space<hbm>> -> memref<6256x16xf32, #tpu.memory_space<hbm>>
      %dma_wait3A_42 = arith.constant 0 : i32
      %dma_wait3A_43 = tpu.memref_slice %arg9[%mul3A_33, %dma_wait3A_42] : memref<100096x16xf32, #tpu.memory_space<vmem_shared>> -> memref<6256x16xf32, #tpu.memory_space<vmem_shared>>
      tpu.wait_dma2 semaphore(%run_scoped3A : memref<!tpu.dma_semaphore, #tpu.memory_space<semaphore_mem>>) src(%dma_wait3A_43 : memref<6256x16xf32, #tpu.memory_space<vmem_shared>>) dst(%dma_wait3A_41 : memref<6256x16xf32, #tpu.memory_space<hbm>>)
      tpu.yield
    }) : () -> ()
    return
  }
}

#map = affine_map<(d0, d1) -> (0, 0)>
#map1 = affine_map<(d0, d1) -> (0, 0, 0, 0)>
#map2 = affine_map<(d0, d1) -> (0, 0, 0)>
module attributes {stable_mosaic.version = 14 : i64} {
  func.func @pass_k(%arg0: i32, %arg1: i32, %arg2: memref<100096x16xf32, #tpu.memory_space<hbm>>, %arg3: memref<2x625x20x128xi32, #tpu.memory_space<hbm>>, %arg4: memref<2x100096x16xf32, #tpu.memory_space<hbm>>, %arg5: memref<20x128xi32, #tpu.memory_space<vmem>>, %arg6: memref<20x128xi32, #tpu.memory_space<vmem>>, %arg7: memref<10x128x16xf32, #tpu.memory_space<vmem>>, %arg8: memref<136x16xf32, #tpu.memory_space<vmem>>, %arg9: memref<100096x16xf32, #tpu.memory_space<vmem_shared>>, %arg10: memref<10x!tpu.dma_semaphore, #tpu.memory_space<semaphore_mem>>, %arg11: memref<10x!tpu.dma_semaphore, #tpu.memory_space<semaphore_mem>>) attributes {dimension_semantics = [#tpu.dimension_semantics<core_parallel>, #tpu.dimension_semantics<subcore_parallel>], iteration_bounds = array<i64: 2, 16>, scalar_prefetch = 0 : i64, scratch_operands = 7 : i64, tpu.core_type = #tpu.core_type<sc_vector_subcore>, window_params = [{transform_indices = #map}, {transform_indices = #map1}, {transform_indices = #map2}]} {
    %broadcast_in_dim3A = arith.constant 0.000000e+00 : f32
    %broadcast_in_dim3A_0 = vector.broadcast %broadcast_in_dim3A : f32 to vector<16xf32>
    %scan3A = arith.constant 0 : i32
    %scan3A_1 = arith.constant 136 : i32
    %scan3A_2 = arith.addi %scan3A, %scan3A_1 : i32
    %scan3A_3 = arith.constant 1 : i32
    scf.for %scan3A_39 = %scan3A to %scan3A_2 step %scan3A_3  : i32 {
      %mul3A_40 = arith.constant 1 : i32
      %mul3A_41 = arith.muli %scan3A_39, %mul3A_40 : i32
      %add3A_42 = arith.constant 0 : i32
      %add3A_43 = arith.addi %add3A_42, %mul3A_41 : i32
      %swap3A = arith.index_cast %add3A_43 : i32 to index
      %swap3A_44 = arith.constant 0 : index
      %swap3A_45 = tpu.vector_load %arg8[%swap3A, %swap3A_44] {strides = array<i32>} : memref<136x16xf32, #tpu.memory_space<vmem>>, vector<1x16xf32>,
      %swap3A_46 = vector.shape_cast %swap3A_45 : vector<1x16xf32> to vector<16xf32>
      %swap3A_47 = vector.shape_cast %broadcast_in_dim3A_0 : vector<16xf32> to vector<1x16xf32>
      tpu.vector_store %arg8[%swap3A, %swap3A_44], %swap3A_47 {strides = array<i32>} : memref<136x16xf32, #tpu.memory_space<vmem>>, vector<1x16xf32>,
    }
    %scan3A_4 = arith.constant 136 : i32
    %scan3A_5 = arith.constant 0 : i32
    %scan3A_6 = arith.constant 46 : i32
    %scan3A_7 = arith.addi %scan3A_5, %scan3A_6 : i32
    %scan3A_8 = arith.constant 1 : i32
    scf.for %scan3A_39 = %scan3A_5 to %scan3A_7 step %scan3A_8  : i32 {
      %mul3A_40 = arith.constant 1 : i32
      %mul3A_41 = arith.muli %scan3A_39, %mul3A_40 : i32
      %add3A_42 = arith.constant 0 : i32
      %add3A_43 = arith.addi %add3A_42, %mul3A_41 : i32
      %mul3A_44 = arith.constant 6256 : i32
      %mul3A_45 = arith.muli %arg1, %mul3A_44 : i32
      %mul3A_46 = arith.constant 136 : i32
      %mul3A_47 = arith.muli %add3A_43, %mul3A_46 : i32
      %add3A_48 = arith.addi %mul3A_45, %mul3A_47 : i32
      "tpu.region"() ({
        %run_scoped3A = tpu.sem_alloc : memref<!tpu.dma_semaphore, #tpu.memory_space<semaphore_mem>>
        %dma_start3A = arith.constant 0 : i32
        %dma_start3A_49 = tpu.memref_slice %arg9[%add3A_48, %dma_start3A] : memref<100096x16xf32, #tpu.memory_space<vmem_shared>> -> memref<136x16xf32, #tpu.memory_space<vmem_shared>>
        %dma_start3A_50 = arith.constant 0 : i32
        %dma_start3A_51 = tpu.memref_slice %arg9[%add3A_48, %dma_start3A_50] : memref<100096x16xf32, #tpu.memory_space<vmem_shared>> -> memref<136x16xf32, #tpu.memory_space<vmem_shared>>
        tpu.enqueue_dma source(%arg8 : memref<136x16xf32, #tpu.memory_space<vmem>>) target(%dma_start3A_51 : memref<136x16xf32, #tpu.memory_space<vmem_shared>>) target_semaphore(%run_scoped3A : memref<!tpu.dma_semaphore, #tpu.memory_space<semaphore_mem>>)
        %dma_wait3A = arith.constant 0 : i32
        %dma_wait3A_52 = tpu.memref_slice %arg9[%add3A_48, %dma_wait3A] : memref<100096x16xf32, #tpu.memory_space<vmem_shared>> -> memref<136x16xf32, #tpu.memory_space<vmem_shared>>
        %dma_wait3A_53 = arith.constant 0 : i32
        %dma_wait3A_54 = tpu.memref_slice %arg9[%add3A_48, %dma_wait3A_53] : memref<100096x16xf32, #tpu.memory_space<vmem_shared>> -> memref<136x16xf32, #tpu.memory_space<vmem_shared>>
        tpu.wait_dma2 semaphore(%run_scoped3A : memref<!tpu.dma_semaphore, #tpu.memory_space<semaphore_mem>>) src(%arg8 : memref<136x16xf32, #tpu.memory_space<vmem>>) dst(%dma_wait3A_54 : memref<136x16xf32, #tpu.memory_space<vmem_shared>>)
        tpu.yield
      }) : () -> ()
    }
    %scan3A_9 = arith.constant 46 : i32
    %barrier3A = arith.constant 0 : index
    tpu.barrier barrier_id(%barrier3A)
    %mul3A = arith.constant 2 : i32
    %mul3A_10 = arith.muli %arg1, %mul3A : i32
    %add3A = arith.addi %mul3A_10, %arg0 : i32
    %mul3A_11 = arith.constant 19 : i32
    %mul3A_12 = arith.muli %add3A, %mul3A_11 : i32
    %min3A = arith.constant 17 : i32
    %min3A_13 = arith.minsi %add3A, %min3A : i32
    %add3A_14 = arith.addi %mul3A_12, %min3A_13 : i32
    %lt3A = arith.constant 17 : i32
    %lt3A_15 = arith.cmpi slt, %add3A, %lt3A : i32
    %jit3A = arith.constant 1 : i32
    %jit3A_16 = arith.constant 0 : i32
    %select_n3A = arith.select %lt3A_15, %jit3A, %jit3A_16 : i32
    %add3A_17 = arith.constant 19 : i32
    %add3A_18 = arith.addi %add3A_17, %select_n3A : i32
    %add3A_19 = arith.addi %add3A_14, %add3A_18 : i32
    %sub3A = arith.subi %add3A_19, %add3A_14 : i32
    %sub3A_20 = arith.constant 1 : i32
    %sub3A_21 = arith.constant 1 : i32
    %sub3A_22 = arith.subi %sub3A_20, %sub3A_21 : i32
    %add3A_23 = arith.addi %sub3A, %sub3A_22 : i32
    %div3A = arith.constant 1 : i32
    %div3A_24 = arith.divsi %add3A_23, %div3A : i32
    %while3A = arith.constant 1 : i32
    %while3A_25 = arith.constant 0 : i32
    %while3A_26 = arith.subi %div3A_24, %while3A_25 : i32
    %while3A_27 = arith.addi %while3A_25, %while3A_26 : i32
    %while3A_28 = arith.constant 1 : i32
    %while3A_29 = arith.divsi %while3A_26, %while3A_28 : i32
    %while3A_30 = arith.muli %while3A_29, %while3A_28 : i32
    %while3A_31 = arith.addi %while3A_25, %while3A_30 : i32
    %while3A_32 = arith.constant 1 : i32
    scf.for %while3A_39 = %while3A_25 to %while3A_31 step %while3A_32  : i32 {
      %mul3A_40 = arith.muli %while3A_39, %while3A : i32
      %add3A_41 = arith.addi %add3A_14, %mul3A_40 : i32
      %run_scoped3A = arith.constant 0 : i32
      "tpu.region"() ({
        %run_scoped3A_331 = tpu.sem_alloc : memref<!tpu.dma_semaphore, #tpu.memory_space<semaphore_mem>>
        %dma_start3A_332 = arith.constant 0 : i32
        %dma_start3A_333 = arith.constant 0 : i32
        %dma_start3A_334 = tpu.memref_slice %arg3[%run_scoped3A, %add3A_41, %dma_start3A_332, %dma_start3A_333] : memref<2x625x20x128xi32, #tpu.memory_space<hbm>> -> memref<1x1x20x128xi32, #tpu.memory_space<hbm>>
        %dma_start3A_335 = tpu.memref_squeeze %dma_start3A_334 : memref<1x1x20x128xi32, #tpu.memory_space<hbm>> -> memref<20x128xi32, #tpu.memory_space<hbm>>
        %dma_start3A_336 = arith.constant 0 : i32
        %dma_start3A_337 = arith.constant 0 : i32
        %dma_start3A_338 = tpu.memref_slice %arg3[%run_scoped3A, %add3A_41, %dma_start3A_336, %dma_start3A_337] : memref<2x625x20x128xi32, #tpu.memory_space<hbm>> -> memref<1x1x20x128xi32, #tpu.memory_space<hbm>>
        %dma_start3A_339 = tpu.memref_squeeze %dma_start3A_338 : memref<1x1x20x128xi32, #tpu.memory_space<hbm>> -> memref<20x128xi32, #tpu.memory_space<hbm>>
        tpu.enqueue_dma source(%dma_start3A_339 : memref<20x128xi32, #tpu.memory_space<hbm>>) target(%arg5 : memref<20x128xi32, #tpu.memory_space<vmem>>) target_semaphore(%run_scoped3A_331 : memref<!tpu.dma_semaphore, #tpu.memory_space<semaphore_mem>>)
        %dma_wait3A_340 = arith.constant 0 : i32
        %dma_wait3A_341 = arith.constant 0 : i32
        %dma_wait3A_342 = tpu.memref_slice %arg3[%run_scoped3A, %add3A_41, %dma_wait3A_340, %dma_wait3A_341] : memref<2x625x20x128xi32, #tpu.memory_space<hbm>> -> memref<1x1x20x128xi32, #tpu.memory_space<hbm>>
        %dma_wait3A_343 = tpu.memref_squeeze %dma_wait3A_342 : memref<1x1x20x128xi32, #tpu.memory_space<hbm>> -> memref<20x128xi32, #tpu.memory_space<hbm>>
        %dma_wait3A_344 = arith.constant 0 : i32
        %dma_wait3A_345 = arith.constant 0 : i32
        %dma_wait3A_346 = tpu.memref_slice %arg3[%run_scoped3A, %add3A_41, %dma_wait3A_344, %dma_wait3A_345] : memref<2x625x20x128xi32, #tpu.memory_space<hbm>> -> memref<1x1x20x128xi32, #tpu.memory_space<hbm>>
        %dma_wait3A_347 = tpu.memref_squeeze %dma_wait3A_346 : memref<1x1x20x128xi32, #tpu.memory_space<hbm>> -> memref<20x128xi32, #tpu.memory_space<hbm>>
        tpu.wait_dma2 semaphore(%run_scoped3A_331 : memref<!tpu.dma_semaphore, #tpu.memory_space<semaphore_mem>>) src(%dma_wait3A_347 : memref<20x128xi32, #tpu.memory_space<hbm>>) dst(%arg5 : memref<20x128xi32, #tpu.memory_space<vmem>>)
        tpu.yield
      }) : () -> ()
      %run_scoped3A_42 = arith.constant 1 : i32
      "tpu.region"() ({
        %run_scoped3A_331 = tpu.sem_alloc : memref<!tpu.dma_semaphore, #tpu.memory_space<semaphore_mem>>
        %dma_start3A_332 = arith.constant 0 : i32
        %dma_start3A_333 = arith.constant 0 : i32
        %dma_start3A_334 = tpu.memref_slice %arg3[%run_scoped3A_42, %add3A_41, %dma_start3A_332, %dma_start3A_333] : memref<2x625x20x128xi32, #tpu.memory_space<hbm>> -> memref<1x1x20x128xi32, #tpu.memory_space<hbm>>
        %dma_start3A_335 = tpu.memref_squeeze %dma_start3A_334 : memref<1x1x20x128xi32, #tpu.memory_space<hbm>> -> memref<20x128xi32, #tpu.memory_space<hbm>>
        %dma_start3A_336 = arith.constant 0 : i32
        %dma_start3A_337 = arith.constant 0 : i32
        %dma_start3A_338 = tpu.memref_slice %arg3[%run_scoped3A_42, %add3A_41, %dma_start3A_336, %dma_start3A_337] : memref<2x625x20x128xi32, #tpu.memory_space<hbm>> -> memref<1x1x20x128xi32, #tpu.memory_space<hbm>>
        %dma_start3A_339 = tpu.memref_squeeze %dma_start3A_338 : memref<1x1x20x128xi32, #tpu.memory_space<hbm>> -> memref<20x128xi32, #tpu.memory_space<hbm>>
        tpu.enqueue_dma source(%dma_start3A_339 : memref<20x128xi32, #tpu.memory_space<hbm>>) target(%arg6 : memref<20x128xi32, #tpu.memory_space<vmem>>) target_semaphore(%run_scoped3A_331 : memref<!tpu.dma_semaphore, #tpu.memory_space<semaphore_mem>>)
        %dma_wait3A_340 = arith.constant 0 : i32
        %dma_wait3A_341 = arith.constant 0 : i32
        %dma_wait3A_342 = tpu.memref_slice %arg3[%run_scoped3A_42, %add3A_41, %dma_wait3A_340, %dma_wait3A_341] : memref<2x625x20x128xi32, #tpu.memory_space<hbm>> -> memref<1x1x20x128xi32, #tpu.memory_space<hbm>>
        %dma_wait3A_343 = tpu.memref_squeeze %dma_wait3A_342 : memref<1x1x20x128xi32, #tpu.memory_space<hbm>> -> memref<20x128xi32, #tpu.memory_space<hbm>>
        %dma_wait3A_344 = arith.constant 0 : i32
        %dma_wait3A_345 = arith.constant 0 : i32
        %dma_wait3A_346 = tpu.memref_slice %arg3[%run_scoped3A_42, %add3A_41, %dma_wait3A_344, %dma_wait3A_345] : memref<2x625x20x128xi32, #tpu.memory_space<hbm>> -> memref<1x1x20x128xi32, #tpu.memory_space<hbm>>
        %dma_wait3A_347 = tpu.memref_squeeze %dma_wait3A_346 : memref<1x1x20x128xi32, #tpu.memory_space<hbm>> -> memref<20x128xi32, #tpu.memory_space<hbm>>
        tpu.wait_dma2 semaphore(%run_scoped3A_331 : memref<!tpu.dma_semaphore, #tpu.memory_space<semaphore_mem>>) src(%dma_wait3A_347 : memref<20x128xi32, #tpu.memory_space<hbm>>) dst(%arg6 : memref<20x128xi32, #tpu.memory_space<vmem>>)
        tpu.yield
      }) : () -> ()
      %dma_start3A = arith.constant 0 : i32
      %dma_start3A_43 = arith.constant 0 : i32
      %dma_start3A_44 = arith.constant 0 : i32
      %dma_start3A_45 = arith.constant 0 : i32
      %dma_start3A_46 = arith.constant 0 : i32
      %dma_start3A_47 = tpu.memref_slice %arg7[%dma_start3A_43, %dma_start3A_45, %dma_start3A_46] : memref<10x128x16xf32, #tpu.memory_space<vmem>> -> memref<1x128x16xf32, #tpu.memory_space<vmem>>
      %dma_start3A_48 = tpu.memref_squeeze %dma_start3A_47 : memref<1x128x16xf32, #tpu.memory_space<vmem>> -> memref<128x16xf32, #tpu.memory_space<vmem>>
      %dma_start3A_49 = arith.constant 0 : i32
      %dma_start3A_50 = tpu.memref_slice %arg5[%dma_start3A, %dma_start3A_49] : memref<20x128xi32, #tpu.memory_space<vmem>> -> memref<1x128xi32, #tpu.memory_space<vmem>>
      %dma_start3A_51 = tpu.memref_squeeze %dma_start3A_50 : memref<1x128xi32, #tpu.memory_space<vmem>> -> memref<128xi32, #tpu.memory_space<vmem>>
      %dma_start3A_52 = arith.constant 0 : i32
      %dma_start3A_53 = arith.constant 0 : i32
      %dma_start3A_54 = tpu.memref_slice %arg2[%dma_start3A_52, %dma_start3A_53] : memref<100096x16xf32, #tpu.memory_space<hbm>> -> memref<100096x16xf32, #tpu.memory_space<hbm>>
      %dma_start3A_55 = tpu.memref_slice %arg10[%dma_start3A_44] : memref<10x!tpu.dma_semaphore, #tpu.memory_space<semaphore_mem>> -> memref<1x!tpu.dma_semaphore, #tpu.memory_space<semaphore_mem>>
      %dma_start3A_56 = tpu.memref_squeeze %dma_start3A_55 : memref<1x!tpu.dma_semaphore, #tpu.memory_space<semaphore_mem>> -> memref<!tpu.dma_semaphore, #tpu.memory_space<semaphore_mem>>
      tpu.enqueue_indirect_dma source(%dma_start3A_54 : memref<100096x16xf32, #tpu.memory_space<hbm>>) target(%dma_start3A_48 : memref<128x16xf32, #tpu.memory_space<vmem>>) offsets(%dma_start3A_51 : memref<128xi32, #tpu.memory_space<vmem>>) semaphore(%dma_start3A_56 : memref<!tpu.dma_semaphore, #tpu.memory_space<semaphore_mem>>)
      %dma_start3A_57 = arith.constant 1 : i32
      %dma_start3A_58 = arith.constant 1 : i32
      %dma_start3A_59 = arith.constant 1 : i32
      %dma_start3A_60 = arith.constant 0 : i32
      %dma_start3A_61 = arith.constant 0 : i32
      %dma_start3A_62 = tpu.memref_slice %arg7[%dma_start3A_58, %dma_start3A_60, %dma_start3A_61] : memref<10x128x16xf32, #tpu.memory_space<vmem>> -> memref<1x128x16xf32, #tpu.memory_space<vmem>>
      %dma_start3A_63 = tpu.memref_squeeze %dma_start3A_62 : memref<1x128x16xf32, #tpu.memory_space<vmem>> -> memref<128x16xf32, #tpu.memory_space<vmem>>
      %dma_start3A_64 = arith.constant 0 : i32
      %dma_start3A_65 = tpu.memref_slice %arg5[%dma_start3A_57, %dma_start3A_64] : memref<20x128xi32, #tpu.memory_space<vmem>> -> memref<1x128xi32, #tpu.memory_space<vmem>>
      %dma_start3A_66 = tpu.memref_squeeze %dma_start3A_65 : memref<1x128xi32, #tpu.memory_space<vmem>> -> memref<128xi32, #tpu.memory_space<vmem>>
      %dma_start3A_67 = arith.constant 0 : i32
      %dma_start3A_68 = arith.constant 0 : i32
      %dma_start3A_69 = tpu.memref_slice %arg2[%dma_start3A_67, %dma_start3A_68] : memref<100096x16xf32, #tpu.memory_space<hbm>> -> memref<100096x16xf32, #tpu.memory_space<hbm>>
      %dma_start3A_70 = tpu.memref_slice %arg10[%dma_start3A_59] : memref<10x!tpu.dma_semaphore, #tpu.memory_space<semaphore_mem>> -> memref<1x!tpu.dma_semaphore, #tpu.memory_space<semaphore_mem>>
      %dma_start3A_71 = tpu.memref_squeeze %dma_start3A_70 : memref<1x!tpu.dma_semaphore, #tpu.memory_space<semaphore_mem>> -> memref<!tpu.dma_semaphore, #tpu.memory_space<semaphore_mem>>
      tpu.enqueue_indirect_dma source(%dma_start3A_69 : memref<100096x16xf32, #tpu.memory_space<hbm>>) target(%dma_start3A_63 : memref<128x16xf32, #tpu.memory_space<vmem>>) offsets(%dma_start3A_66 : memref<128xi32, #tpu.memory_space<vmem>>) semaphore(%dma_start3A_71 : memref<!tpu.dma_semaphore, #tpu.memory_space<semaphore_mem>>)
      %dma_start3A_72 = arith.constant 2 : i32
      %dma_start3A_73 = arith.constant 2 : i32
      %dma_start3A_74 = arith.constant 2 : i32
      %dma_start3A_75 = arith.constant 0 : i32
      %dma_start3A_76 = arith.constant 0 : i32
      %dma_start3A_77 = tpu.memref_slice %arg7[%dma_start3A_73, %dma_start3A_75, %dma_start3A_76] : memref<10x128x16xf32, #tpu.memory_space<vmem>> -> memref<1x128x16xf32, #tpu.memory_space<vmem>>
      %dma_start3A_78 = tpu.memref_squeeze %dma_start3A_77 : memref<1x128x16xf32, #tpu.memory_space<vmem>> -> memref<128x16xf32, #tpu.memory_space<vmem>>
      %dma_start3A_79 = arith.constant 0 : i32
      %dma_start3A_80 = tpu.memref_slice %arg5[%dma_start3A_72, %dma_start3A_79] : memref<20x128xi32, #tpu.memory_space<vmem>> -> memref<1x128xi32, #tpu.memory_space<vmem>>
      %dma_start3A_81 = tpu.memref_squeeze %dma_start3A_80 : memref<1x128xi32, #tpu.memory_space<vmem>> -> memref<128xi32, #tpu.memory_space<vmem>>
      %dma_start3A_82 = arith.constant 0 : i32
      %dma_start3A_83 = arith.constant 0 : i32
      %dma_start3A_84 = tpu.memref_slice %arg2[%dma_start3A_82, %dma_start3A_83] : memref<100096x16xf32, #tpu.memory_space<hbm>> -> memref<100096x16xf32, #tpu.memory_space<hbm>>
      %dma_start3A_85 = tpu.memref_slice %arg10[%dma_start3A_74] : memref<10x!tpu.dma_semaphore, #tpu.memory_space<semaphore_mem>> -> memref<1x!tpu.dma_semaphore, #tpu.memory_space<semaphore_mem>>
      %dma_start3A_86 = tpu.memref_squeeze %dma_start3A_85 : memref<1x!tpu.dma_semaphore, #tpu.memory_space<semaphore_mem>> -> memref<!tpu.dma_semaphore, #tpu.memory_space<semaphore_mem>>
      tpu.enqueue_indirect_dma source(%dma_start3A_84 : memref<100096x16xf32, #tpu.memory_space<hbm>>) target(%dma_start3A_78 : memref<128x16xf32, #tpu.memory_space<vmem>>) offsets(%dma_start3A_81 : memref<128xi32, #tpu.memory_space<vmem>>) semaphore(%dma_start3A_86 : memref<!tpu.dma_semaphore, #tpu.memory_space<semaphore_mem>>)
      %dma_start3A_87 = arith.constant 3 : i32
      %dma_start3A_88 = arith.constant 3 : i32
      %dma_start3A_89 = arith.constant 3 : i32
      %dma_start3A_90 = arith.constant 0 : i32
      %dma_start3A_91 = arith.constant 0 : i32
      %dma_start3A_92 = tpu.memref_slice %arg7[%dma_start3A_88, %dma_start3A_90, %dma_start3A_91] : memref<10x128x16xf32, #tpu.memory_space<vmem>> -> memref<1x128x16xf32, #tpu.memory_space<vmem>>
      %dma_start3A_93 = tpu.memref_squeeze %dma_start3A_92 : memref<1x128x16xf32, #tpu.memory_space<vmem>> -> memref<128x16xf32, #tpu.memory_space<vmem>>
      %dma_start3A_94 = arith.constant 0 : i32
      %dma_start3A_95 = tpu.memref_slice %arg5[%dma_start3A_87, %dma_start3A_94] : memref<20x128xi32, #tpu.memory_space<vmem>> -> memref<1x128xi32, #tpu.memory_space<vmem>>
      %dma_start3A_96 = tpu.memref_squeeze %dma_start3A_95 : memref<1x128xi32, #tpu.memory_space<vmem>> -> memref<128xi32, #tpu.memory_space<vmem>>
      %dma_start3A_97 = arith.constant 0 : i32
      %dma_start3A_98 = arith.constant 0 : i32
      %dma_start3A_99 = tpu.memref_slice %arg2[%dma_start3A_97, %dma_start3A_98] : memref<100096x16xf32, #tpu.memory_space<hbm>> -> memref<100096x16xf32, #tpu.memory_space<hbm>>
      %dma_start3A_100 = tpu.memref_slice %arg10[%dma_start3A_89] : memref<10x!tpu.dma_semaphore, #tpu.memory_space<semaphore_mem>> -> memref<1x!tpu.dma_semaphore, #tpu.memory_space<semaphore_mem>>
      %dma_start3A_101 = tpu.memref_squeeze %dma_start3A_100 : memref<1x!tpu.dma_semaphore, #tpu.memory_space<semaphore_mem>> -> memref<!tpu.dma_semaphore, #tpu.memory_space<semaphore_mem>>
      tpu.enqueue_indirect_dma source(%dma_start3A_99 : memref<100096x16xf32, #tpu.memory_space<hbm>>) target(%dma_start3A_93 : memref<128x16xf32, #tpu.memory_space<vmem>>) offsets(%dma_start3A_96 : memref<128xi32, #tpu.memory_space<vmem>>) semaphore(%dma_start3A_101 : memref<!tpu.dma_semaphore, #tpu.memory_space<semaphore_mem>>)
      %dma_start3A_102 = arith.constant 4 : i32
      %dma_start3A_103 = arith.constant 4 : i32
      %dma_start3A_104 = arith.constant 4 : i32
      %dma_start3A_105 = arith.constant 0 : i32
      %dma_start3A_106 = arith.constant 0 : i32
      %dma_start3A_107 = tpu.memref_slice %arg7[%dma_start3A_103, %dma_start3A_105, %dma_start3A_106] : memref<10x128x16xf32, #tpu.memory_space<vmem>> -> memref<1x128x16xf32, #tpu.memory_space<vmem>>
      %dma_start3A_108 = tpu.memref_squeeze %dma_start3A_107 : memref<1x128x16xf32, #tpu.memory_space<vmem>> -> memref<128x16xf32, #tpu.memory_space<vmem>>
      %dma_start3A_109 = arith.constant 0 : i32
      %dma_start3A_110 = tpu.memref_slice %arg5[%dma_start3A_102, %dma_start3A_109] : memref<20x128xi32, #tpu.memory_space<vmem>> -> memref<1x128xi32, #tpu.memory_space<vmem>>
      %dma_start3A_111 = tpu.memref_squeeze %dma_start3A_110 : memref<1x128xi32, #tpu.memory_space<vmem>> -> memref<128xi32, #tpu.memory_space<vmem>>
      %dma_start3A_112 = arith.constant 0 : i32
      %dma_start3A_113 = arith.constant 0 : i32
      %dma_start3A_114 = tpu.memref_slice %arg2[%dma_start3A_112, %dma_start3A_113] : memref<100096x16xf32, #tpu.memory_space<hbm>> -> memref<100096x16xf32, #tpu.memory_space<hbm>>
      %dma_start3A_115 = tpu.memref_slice %arg10[%dma_start3A_104] : memref<10x!tpu.dma_semaphore, #tpu.memory_space<semaphore_mem>> -> memref<1x!tpu.dma_semaphore, #tpu.memory_space<semaphore_mem>>
      %dma_start3A_116 = tpu.memref_squeeze %dma_start3A_115 : memref<1x!tpu.dma_semaphore, #tpu.memory_space<semaphore_mem>> -> memref<!tpu.dma_semaphore, #tpu.memory_space<semaphore_mem>>
      tpu.enqueue_indirect_dma source(%dma_start3A_114 : memref<100096x16xf32, #tpu.memory_space<hbm>>) target(%dma_start3A_108 : memref<128x16xf32, #tpu.memory_space<vmem>>) offsets(%dma_start3A_111 : memref<128xi32, #tpu.memory_space<vmem>>) semaphore(%dma_start3A_116 : memref<!tpu.dma_semaphore, #tpu.memory_space<semaphore_mem>>)
      %dma_start3A_117 = arith.constant 5 : i32
      %dma_start3A_118 = arith.constant 5 : i32
      %dma_start3A_119 = arith.constant 5 : i32
      %dma_start3A_120 = arith.constant 0 : i32
      %dma_start3A_121 = arith.constant 0 : i32
      %dma_start3A_122 = tpu.memref_slice %arg7[%dma_start3A_118, %dma_start3A_120, %dma_start3A_121] : memref<10x128x16xf32, #tpu.memory_space<vmem>> -> memref<1x128x16xf32, #tpu.memory_space<vmem>>
      %dma_start3A_123 = tpu.memref_squeeze %dma_start3A_122 : memref<1x128x16xf32, #tpu.memory_space<vmem>> -> memref<128x16xf32, #tpu.memory_space<vmem>>
      %dma_start3A_124 = arith.constant 0 : i32
      %dma_start3A_125 = tpu.memref_slice %arg5[%dma_start3A_117, %dma_start3A_124] : memref<20x128xi32, #tpu.memory_space<vmem>> -> memref<1x128xi32, #tpu.memory_space<vmem>>
      %dma_start3A_126 = tpu.memref_squeeze %dma_start3A_125 : memref<1x128xi32, #tpu.memory_space<vmem>> -> memref<128xi32, #tpu.memory_space<vmem>>
      %dma_start3A_127 = arith.constant 0 : i32
      %dma_start3A_128 = arith.constant 0 : i32
      %dma_start3A_129 = tpu.memref_slice %arg2[%dma_start3A_127, %dma_start3A_128] : memref<100096x16xf32, #tpu.memory_space<hbm>> -> memref<100096x16xf32, #tpu.memory_space<hbm>>
      %dma_start3A_130 = tpu.memref_slice %arg10[%dma_start3A_119] : memref<10x!tpu.dma_semaphore, #tpu.memory_space<semaphore_mem>> -> memref<1x!tpu.dma_semaphore, #tpu.memory_space<semaphore_mem>>
      %dma_start3A_131 = tpu.memref_squeeze %dma_start3A_130 : memref<1x!tpu.dma_semaphore, #tpu.memory_space<semaphore_mem>> -> memref<!tpu.dma_semaphore, #tpu.memory_space<semaphore_mem>>
      tpu.enqueue_indirect_dma source(%dma_start3A_129 : memref<100096x16xf32, #tpu.memory_space<hbm>>) target(%dma_start3A_123 : memref<128x16xf32, #tpu.memory_space<vmem>>) offsets(%dma_start3A_126 : memref<128xi32, #tpu.memory_space<vmem>>) semaphore(%dma_start3A_131 : memref<!tpu.dma_semaphore, #tpu.memory_space<semaphore_mem>>)
      %dma_start3A_132 = arith.constant 6 : i32
      %dma_start3A_133 = arith.constant 6 : i32
      %dma_start3A_134 = arith.constant 6 : i32
      %dma_start3A_135 = arith.constant 0 : i32
      %dma_start3A_136 = arith.constant 0 : i32
      %dma_start3A_137 = tpu.memref_slice %arg7[%dma_start3A_133, %dma_start3A_135, %dma_start3A_136] : memref<10x128x16xf32, #tpu.memory_space<vmem>> -> memref<1x128x16xf32, #tpu.memory_space<vmem>>
      %dma_start3A_138 = tpu.memref_squeeze %dma_start3A_137 : memref<1x128x16xf32, #tpu.memory_space<vmem>> -> memref<128x16xf32, #tpu.memory_space<vmem>>
      %dma_start3A_139 = arith.constant 0 : i32
      %dma_start3A_140 = tpu.memref_slice %arg5[%dma_start3A_132, %dma_start3A_139] : memref<20x128xi32, #tpu.memory_space<vmem>> -> memref<1x128xi32, #tpu.memory_space<vmem>>
      %dma_start3A_141 = tpu.memref_squeeze %dma_start3A_140 : memref<1x128xi32, #tpu.memory_space<vmem>> -> memref<128xi32, #tpu.memory_space<vmem>>
      %dma_start3A_142 = arith.constant 0 : i32
      %dma_start3A_143 = arith.constant 0 : i32
      %dma_start3A_144 = tpu.memref_slice %arg2[%dma_start3A_142, %dma_start3A_143] : memref<100096x16xf32, #tpu.memory_space<hbm>> -> memref<100096x16xf32, #tpu.memory_space<hbm>>
      %dma_start3A_145 = tpu.memref_slice %arg10[%dma_start3A_134] : memref<10x!tpu.dma_semaphore, #tpu.memory_space<semaphore_mem>> -> memref<1x!tpu.dma_semaphore, #tpu.memory_space<semaphore_mem>>
      %dma_start3A_146 = tpu.memref_squeeze %dma_start3A_145 : memref<1x!tpu.dma_semaphore, #tpu.memory_space<semaphore_mem>> -> memref<!tpu.dma_semaphore, #tpu.memory_space<semaphore_mem>>
      tpu.enqueue_indirect_dma source(%dma_start3A_144 : memref<100096x16xf32, #tpu.memory_space<hbm>>) target(%dma_start3A_138 : memref<128x16xf32, #tpu.memory_space<vmem>>) offsets(%dma_start3A_141 : memref<128xi32, #tpu.memory_space<vmem>>) semaphore(%dma_start3A_146 : memref<!tpu.dma_semaphore, #tpu.memory_space<semaphore_mem>>)
      %dma_start3A_147 = arith.constant 7 : i32
      %dma_start3A_148 = arith.constant 7 : i32
      %dma_start3A_149 = arith.constant 7 : i32
      %dma_start3A_150 = arith.constant 0 : i32
      %dma_start3A_151 = arith.constant 0 : i32
      %dma_start3A_152 = tpu.memref_slice %arg7[%dma_start3A_148, %dma_start3A_150, %dma_start3A_151] : memref<10x128x16xf32, #tpu.memory_space<vmem>> -> memref<1x128x16xf32, #tpu.memory_space<vmem>>
      %dma_start3A_153 = tpu.memref_squeeze %dma_start3A_152 : memref<1x128x16xf32, #tpu.memory_space<vmem>> -> memref<128x16xf32, #tpu.memory_space<vmem>>
      %dma_start3A_154 = arith.constant 0 : i32
      %dma_start3A_155 = tpu.memref_slice %arg5[%dma_start3A_147, %dma_start3A_154] : memref<20x128xi32, #tpu.memory_space<vmem>> -> memref<1x128xi32, #tpu.memory_space<vmem>>
      %dma_start3A_156 = tpu.memref_squeeze %dma_start3A_155 : memref<1x128xi32, #tpu.memory_space<vmem>> -> memref<128xi32, #tpu.memory_space<vmem>>
      %dma_start3A_157 = arith.constant 0 : i32
      %dma_start3A_158 = arith.constant 0 : i32
      %dma_start3A_159 = tpu.memref_slice %arg2[%dma_start3A_157, %dma_start3A_158] : memref<100096x16xf32, #tpu.memory_space<hbm>> -> memref<100096x16xf32, #tpu.memory_space<hbm>>
      %dma_start3A_160 = tpu.memref_slice %arg10[%dma_start3A_149] : memref<10x!tpu.dma_semaphore, #tpu.memory_space<semaphore_mem>> -> memref<1x!tpu.dma_semaphore, #tpu.memory_space<semaphore_mem>>
      %dma_start3A_161 = tpu.memref_squeeze %dma_start3A_160 : memref<1x!tpu.dma_semaphore, #tpu.memory_space<semaphore_mem>> -> memref<!tpu.dma_semaphore, #tpu.memory_space<semaphore_mem>>
      tpu.enqueue_indirect_dma source(%dma_start3A_159 : memref<100096x16xf32, #tpu.memory_space<hbm>>) target(%dma_start3A_153 : memref<128x16xf32, #tpu.memory_space<vmem>>) offsets(%dma_start3A_156 : memref<128xi32, #tpu.memory_space<vmem>>) semaphore(%dma_start3A_161 : memref<!tpu.dma_semaphore, #tpu.memory_space<semaphore_mem>>)
      %dma_start3A_162 = arith.constant 8 : i32
      %dma_start3A_163 = arith.constant 8 : i32
      %dma_start3A_164 = arith.constant 8 : i32
      %dma_start3A_165 = arith.constant 0 : i32
      %dma_start3A_166 = arith.constant 0 : i32
      %dma_start3A_167 = tpu.memref_slice %arg7[%dma_start3A_163, %dma_start3A_165, %dma_start3A_166] : memref<10x128x16xf32, #tpu.memory_space<vmem>> -> memref<1x128x16xf32, #tpu.memory_space<vmem>>
      %dma_start3A_168 = tpu.memref_squeeze %dma_start3A_167 : memref<1x128x16xf32, #tpu.memory_space<vmem>> -> memref<128x16xf32, #tpu.memory_space<vmem>>
      %dma_start3A_169 = arith.constant 0 : i32
      %dma_start3A_170 = tpu.memref_slice %arg5[%dma_start3A_162, %dma_start3A_169] : memref<20x128xi32, #tpu.memory_space<vmem>> -> memref<1x128xi32, #tpu.memory_space<vmem>>
      %dma_start3A_171 = tpu.memref_squeeze %dma_start3A_170 : memref<1x128xi32, #tpu.memory_space<vmem>> -> memref<128xi32, #tpu.memory_space<vmem>>
      %dma_start3A_172 = arith.constant 0 : i32
      %dma_start3A_173 = arith.constant 0 : i32
      %dma_start3A_174 = tpu.memref_slice %arg2[%dma_start3A_172, %dma_start3A_173] : memref<100096x16xf32, #tpu.memory_space<hbm>> -> memref<100096x16xf32, #tpu.memory_space<hbm>>
      %dma_start3A_175 = tpu.memref_slice %arg10[%dma_start3A_164] : memref<10x!tpu.dma_semaphore, #tpu.memory_space<semaphore_mem>> -> memref<1x!tpu.dma_semaphore, #tpu.memory_space<semaphore_mem>>
      %dma_start3A_176 = tpu.memref_squeeze %dma_start3A_175 : memref<1x!tpu.dma_semaphore, #tpu.memory_space<semaphore_mem>> -> memref<!tpu.dma_semaphore, #tpu.memory_space<semaphore_mem>>
      tpu.enqueue_indirect_dma source(%dma_start3A_174 : memref<100096x16xf32, #tpu.memory_space<hbm>>) target(%dma_start3A_168 : memref<128x16xf32, #tpu.memory_space<vmem>>) offsets(%dma_start3A_171 : memref<128xi32, #tpu.memory_space<vmem>>) semaphore(%dma_start3A_176 : memref<!tpu.dma_semaphore, #tpu.memory_space<semaphore_mem>>)
      %scan3A_177 = arith.constant 0 : i32
      %scan3A_178 = arith.constant 20 : i32
      %scan3A_179 = arith.addi %scan3A_177, %scan3A_178 : i32
      %scan3A_180 = arith.constant 1 : i32
      scf.for %scan3A_331 = %scan3A_177 to %scan3A_179 step %scan3A_180  : i32 {
        %mul3A_332 = arith.constant 1 : i32
        %mul3A_333 = arith.muli %scan3A_331, %mul3A_332 : i32
        %add3A_334 = arith.constant 0 : i32
        %add3A_335 = arith.addi %add3A_334, %mul3A_333 : i32
        %rem3A = arith.constant 10 : i32
        %rem3A_336 = arith.remsi %add3A_335, %rem3A : i32
        %dma_wait3A_337 = arith.constant 0 : i32
        %dma_wait3A_338 = arith.constant 0 : i32
        %dma_wait3A_339 = tpu.memref_slice %arg7[%rem3A_336, %dma_wait3A_337, %dma_wait3A_338] : memref<10x128x16xf32, #tpu.memory_space<vmem>> -> memref<1x128x16xf32, #tpu.memory_space<vmem>>
        %dma_wait3A_340 = tpu.memref_squeeze %dma_wait3A_339 : memref<1x128x16xf32, #tpu.memory_space<vmem>> -> memref<128x16xf32, #tpu.memory_space<vmem>>
        %dma_wait3A_341 = arith.constant 0 : i32
        %dma_wait3A_342 = tpu.memref_slice %arg5[%add3A_335, %dma_wait3A_341] : memref<20x128xi32, #tpu.memory_space<vmem>> -> memref<1x128xi32, #tpu.memory_space<vmem>>
        %dma_wait3A_343 = tpu.memref_squeeze %dma_wait3A_342 : memref<1x128xi32, #tpu.memory_space<vmem>> -> memref<128xi32, #tpu.memory_space<vmem>>
        %dma_wait3A_344 = arith.constant 0 : i32
        %dma_wait3A_345 = arith.constant 0 : i32
        %dma_wait3A_346 = tpu.memref_slice %arg2[%dma_wait3A_344, %dma_wait3A_345] : memref<100096x16xf32, #tpu.memory_space<hbm>> -> memref<100096x16xf32, #tpu.memory_space<hbm>>
        %dma_wait3A_347 = tpu.memref_slice %arg10[%rem3A_336] : memref<10x!tpu.dma_semaphore, #tpu.memory_space<semaphore_mem>> -> memref<1x!tpu.dma_semaphore, #tpu.memory_space<semaphore_mem>>
        %dma_wait3A_348 = tpu.memref_squeeze %dma_wait3A_347 : memref<1x!tpu.dma_semaphore, #tpu.memory_space<semaphore_mem>> -> memref<!tpu.dma_semaphore, #tpu.memory_space<semaphore_mem>>
        tpu.wait_indirect_dma semaphore(%dma_wait3A_348 : memref<!tpu.dma_semaphore, #tpu.memory_space<semaphore_mem>>) src(%dma_wait3A_346 : memref<100096x16xf32, #tpu.memory_space<hbm>>) dst(%dma_wait3A_340 : memref<128x16xf32, #tpu.memory_space<vmem>>)
        %dma_start3A_349 = arith.constant 0 : i32
        %dma_start3A_350 = arith.constant 0 : i32
        %dma_start3A_351 = tpu.memref_slice %arg7[%rem3A_336, %dma_start3A_349, %dma_start3A_350] : memref<10x128x16xf32, #tpu.memory_space<vmem>> -> memref<1x128x16xf32, #tpu.memory_space<vmem>>
        %dma_start3A_352 = tpu.memref_squeeze %dma_start3A_351 : memref<1x128x16xf32, #tpu.memory_space<vmem>> -> memref<128x16xf32, #tpu.memory_space<vmem>>
        %dma_start3A_353 = arith.constant 0 : i32
        %dma_start3A_354 = tpu.memref_slice %arg6[%add3A_335, %dma_start3A_353] : memref<20x128xi32, #tpu.memory_space<vmem>> -> memref<1x128xi32, #tpu.memory_space<vmem>>
        %dma_start3A_355 = tpu.memref_squeeze %dma_start3A_354 : memref<1x128xi32, #tpu.memory_space<vmem>> -> memref<128xi32, #tpu.memory_space<vmem>>
        %dma_start3A_356 = arith.constant 0 : i32
        %dma_start3A_357 = arith.constant 0 : i32
        %dma_start3A_358 = tpu.memref_slice %arg9[%dma_start3A_356, %dma_start3A_357] : memref<100096x16xf32, #tpu.memory_space<vmem_shared>> -> memref<100096x16xf32, #tpu.memory_space<vmem_shared>>
        %dma_start3A_359 = tpu.memref_slice %arg11[%rem3A_336] : memref<10x!tpu.dma_semaphore, #tpu.memory_space<semaphore_mem>> -> memref<1x!tpu.dma_semaphore, #tpu.memory_space<semaphore_mem>>
        %dma_start3A_360 = tpu.memref_squeeze %dma_start3A_359 : memref<1x!tpu.dma_semaphore, #tpu.memory_space<semaphore_mem>> -> memref<!tpu.dma_semaphore, #tpu.memory_space<semaphore_mem>>
        tpu.enqueue_indirect_dma source(%dma_start3A_352 : memref<128x16xf32, #tpu.memory_space<vmem>>) target(%dma_start3A_358 : memref<100096x16xf32, #tpu.memory_space<vmem_shared>>) offsets(%dma_start3A_355 : memref<128xi32, #tpu.memory_space<vmem>>) semaphore(%dma_start3A_360 : memref<!tpu.dma_semaphore, #tpu.memory_space<semaphore_mem>>) {add = true}
        %add3A_361 = arith.constant 9 : i32
        %add3A_362 = arith.addi %add3A_335, %add3A_361 : i32
        %lt3A_363 = arith.constant 20 : i32
        %lt3A_364 = arith.cmpi slt, %add3A_362, %lt3A_363 : i32
        %convert_element_type3A = arith.extui %lt3A_364 : i1 to i32
        %cond3A = arith.constant 0 : i32
        %cond3A_365 = arith.cmpi ne, %convert_element_type3A, %cond3A : i32
        scf.if %cond3A_365 {
          %add3A_366 = arith.constant 9 : i32
          %add3A_367 = arith.addi %add3A_335, %add3A_366 : i32
          %rem3A_368 = arith.constant 10 : i32
          %rem3A_369 = arith.remsi %add3A_367, %rem3A_368 : i32
          %ge3A = arith.constant 1 : i32
          %ge3A_370 = arith.cmpi sge, %add3A_335, %ge3A : i32
          %convert_element_type3A_371 = arith.extui %ge3A_370 : i1 to i32
          %cond3A_372 = arith.constant 0 : i32
          %cond3A_373 = arith.cmpi ne, %convert_element_type3A_371, %cond3A_372 : i32
          scf.if %cond3A_373 {
            %dma_wait3A_388 = arith.constant 0 : i32
            %dma_wait3A_389 = arith.constant 0 : i32
            %dma_wait3A_390 = tpu.memref_slice %arg7[%rem3A_369, %dma_wait3A_388, %dma_wait3A_389] : memref<10x128x16xf32, #tpu.memory_space<vmem>> -> memref<1x128x16xf32, #tpu.memory_space<vmem>>
            %dma_wait3A_391 = tpu.memref_squeeze %dma_wait3A_390 : memref<1x128x16xf32, #tpu.memory_space<vmem>> -> memref<128x16xf32, #tpu.memory_space<vmem>>
            %dma_wait3A_392 = arith.constant 0 : i32
            %dma_wait3A_393 = tpu.memref_slice %arg6[%add3A_335, %dma_wait3A_392] : memref<20x128xi32, #tpu.memory_space<vmem>> -> memref<1x128xi32, #tpu.memory_space<vmem>>
            %dma_wait3A_394 = tpu.memref_squeeze %dma_wait3A_393 : memref<1x128xi32, #tpu.memory_space<vmem>> -> memref<128xi32, #tpu.memory_space<vmem>>
            %dma_wait3A_395 = arith.constant 0 : i32
            %dma_wait3A_396 = arith.constant 0 : i32
            %dma_wait3A_397 = tpu.memref_slice %arg9[%dma_wait3A_395, %dma_wait3A_396] : memref<100096x16xf32, #tpu.memory_space<vmem_shared>> -> memref<100096x16xf32, #tpu.memory_space<vmem_shared>>
            %dma_wait3A_398 = tpu.memref_slice %arg11[%rem3A_369] : memref<10x!tpu.dma_semaphore, #tpu.memory_space<semaphore_mem>> -> memref<1x!tpu.dma_semaphore, #tpu.memory_space<semaphore_mem>>
            %dma_wait3A_399 = tpu.memref_squeeze %dma_wait3A_398 : memref<1x!tpu.dma_semaphore, #tpu.memory_space<semaphore_mem>> -> memref<!tpu.dma_semaphore, #tpu.memory_space<semaphore_mem>>
            tpu.wait_indirect_dma semaphore(%dma_wait3A_399 : memref<!tpu.dma_semaphore, #tpu.memory_space<semaphore_mem>>) src(%dma_wait3A_391 : memref<128x16xf32, #tpu.memory_space<vmem>>) dst(%dma_wait3A_397 : memref<100096x16xf32, #tpu.memory_space<vmem_shared>>)
          } else {
          }
          %add3A_374 = arith.constant 9 : i32
          %add3A_375 = arith.addi %add3A_335, %add3A_374 : i32
          %dma_start3A_376 = arith.constant 0 : i32
          %dma_start3A_377 = arith.constant 0 : i32
          %dma_start3A_378 = tpu.memref_slice %arg7[%rem3A_369, %dma_start3A_376, %dma_start3A_377] : memref<10x128x16xf32, #tpu.memory_space<vmem>> -> memref<1x128x16xf32, #tpu.memory_space<vmem>>
          %dma_start3A_379 = tpu.memref_squeeze %dma_start3A_378 : memref<1x128x16xf32, #tpu.memory_space<vmem>> -> memref<128x16xf32, #tpu.memory_space<vmem>>
          %dma_start3A_380 = arith.constant 0 : i32
          %dma_start3A_381 = tpu.memref_slice %arg5[%add3A_375, %dma_start3A_380] : memref<20x128xi32, #tpu.memory_space<vmem>> -> memref<1x128xi32, #tpu.memory_space<vmem>>
          %dma_start3A_382 = tpu.memref_squeeze %dma_start3A_381 : memref<1x128xi32, #tpu.memory_space<vmem>> -> memref<128xi32, #tpu.memory_space<vmem>>
          %dma_start3A_383 = arith.constant 0 : i32
          %dma_start3A_384 = arith.constant 0 : i32
          %dma_start3A_385 = tpu.memref_slice %arg2[%dma_start3A_383, %dma_start3A_384] : memref<100096x16xf32, #tpu.memory_space<hbm>> -> memref<100096x16xf32, #tpu.memory_space<hbm>>
          %dma_start3A_386 = tpu.memref_slice %arg10[%rem3A_369] : memref<10x!tpu.dma_semaphore, #tpu.memory_space<semaphore_mem>> -> memref<1x!tpu.dma_semaphore, #tpu.memory_space<semaphore_mem>>
          %dma_start3A_387 = tpu.memref_squeeze %dma_start3A_386 : memref<1x!tpu.dma_semaphore, #tpu.memory_space<semaphore_mem>> -> memref<!tpu.dma_semaphore, #tpu.memory_space<semaphore_mem>>
          tpu.enqueue_indirect_dma source(%dma_start3A_385 : memref<100096x16xf32, #tpu.memory_space<hbm>>) target(%dma_start3A_379 : memref<128x16xf32, #tpu.memory_space<vmem>>) offsets(%dma_start3A_382 : memref<128xi32, #tpu.memory_space<vmem>>) semaphore(%dma_start3A_387 : memref<!tpu.dma_semaphore, #tpu.memory_space<semaphore_mem>>)
        } else {
        }
      }
      %scan3A_181 = arith.constant 20 : i32
      %dma_wait3A = arith.constant 0 : i32
      %dma_wait3A_182 = arith.constant 0 : i32
      %dma_wait3A_183 = arith.constant 0 : i32
      %dma_wait3A_184 = arith.constant 0 : i32
      %dma_wait3A_185 = arith.constant 0 : i32
      %dma_wait3A_186 = tpu.memref_slice %arg7[%dma_wait3A, %dma_wait3A_184, %dma_wait3A_185] : memref<10x128x16xf32, #tpu.memory_space<vmem>> -> memref<1x128x16xf32, #tpu.memory_space<vmem>>
      %dma_wait3A_187 = tpu.memref_squeeze %dma_wait3A_186 : memref<1x128x16xf32, #tpu.memory_space<vmem>> -> memref<128x16xf32, #tpu.memory_space<vmem>>
      %dma_wait3A_188 = arith.constant 0 : i32
      %dma_wait3A_189 = tpu.memref_slice %arg6[%dma_wait3A_182, %dma_wait3A_188] : memref<20x128xi32, #tpu.memory_space<vmem>> -> memref<1x128xi32, #tpu.memory_space<vmem>>
      %dma_wait3A_190 = tpu.memref_squeeze %dma_wait3A_189 : memref<1x128xi32, #tpu.memory_space<vmem>> -> memref<128xi32, #tpu.memory_space<vmem>>
      %dma_wait3A_191 = arith.constant 0 : i32
      %dma_wait3A_192 = arith.constant 0 : i32
      %dma_wait3A_193 = tpu.memref_slice %arg9[%dma_wait3A_191, %dma_wait3A_192] : memref<100096x16xf32, #tpu.memory_space<vmem_shared>> -> memref<100096x16xf32, #tpu.memory_space<vmem_shared>>
      %dma_wait3A_194 = tpu.memref_slice %arg11[%dma_wait3A_183] : memref<10x!tpu.dma_semaphore, #tpu.memory_space<semaphore_mem>> -> memref<1x!tpu.dma_semaphore, #tpu.memory_space<semaphore_mem>>
      %dma_wait3A_195 = tpu.memref_squeeze %dma_wait3A_194 : memref<1x!tpu.dma_semaphore, #tpu.memory_space<semaphore_mem>> -> memref<!tpu.dma_semaphore, #tpu.memory_space<semaphore_mem>>
      tpu.wait_indirect_dma semaphore(%dma_wait3A_195 : memref<!tpu.dma_semaphore, #tpu.memory_space<semaphore_mem>>) src(%dma_wait3A_187 : memref<128x16xf32, #tpu.memory_space<vmem>>) dst(%dma_wait3A_193 : memref<100096x16xf32, #tpu.memory_space<vmem_shared>>)
      %dma_wait3A_196 = arith.constant 1 : i32
      %dma_wait3A_197 = arith.constant 0 : i32
      %dma_wait3A_198 = arith.constant 1 : i32
      %dma_wait3A_199 = arith.constant 0 : i32
      %dma_wait3A_200 = arith.constant 0 : i32
      %dma_wait3A_201 = tpu.memref_slice %arg7[%dma_wait3A_196, %dma_wait3A_199, %dma_wait3A_200] : memref<10x128x16xf32, #tpu.memory_space<vmem>> -> memref<1x128x16xf32, #tpu.memory_space<vmem>>
      %dma_wait3A_202 = tpu.memref_squeeze %dma_wait3A_201 : memref<1x128x16xf32, #tpu.memory_space<vmem>> -> memref<128x16xf32, #tpu.memory_space<vmem>>
      %dma_wait3A_203 = arith.constant 0 : i32
      %dma_wait3A_204 = tpu.memref_slice %arg6[%dma_wait3A_197, %dma_wait3A_203] : memref<20x128xi32, #tpu.memory_space<vmem>> -> memref<1x128xi32, #tpu.memory_space<vmem>>
      %dma_wait3A_205 = tpu.memref_squeeze %dma_wait3A_204 : memref<1x128xi32, #tpu.memory_space<vmem>> -> memref<128xi32, #tpu.memory_space<vmem>>
      %dma_wait3A_206 = arith.constant 0 : i32
      %dma_wait3A_207 = arith.constant 0 : i32
      %dma_wait3A_208 = tpu.memref_slice %arg9[%dma_wait3A_206, %dma_wait3A_207] : memref<100096x16xf32, #tpu.memory_space<vmem_shared>> -> memref<100096x16xf32, #tpu.memory_space<vmem_shared>>
      %dma_wait3A_209 = tpu.memref_slice %arg11[%dma_wait3A_198] : memref<10x!tpu.dma_semaphore, #tpu.memory_space<semaphore_mem>> -> memref<1x!tpu.dma_semaphore, #tpu.memory_space<semaphore_mem>>
      %dma_wait3A_210 = tpu.memref_squeeze %dma_wait3A_209 : memref<1x!tpu.dma_semaphore, #tpu.memory_space<semaphore_mem>> -> memref<!tpu.dma_semaphore, #tpu.memory_space<semaphore_mem>>
      tpu.wait_indirect_dma semaphore(%dma_wait3A_210 : memref<!tpu.dma_semaphore, #tpu.memory_space<semaphore_mem>>) src(%dma_wait3A_202 : memref<128x16xf32, #tpu.memory_space<vmem>>) dst(%dma_wait3A_208 : memref<100096x16xf32, #tpu.memory_space<vmem_shared>>)
      %dma_wait3A_211 = arith.constant 2 : i32
      %dma_wait3A_212 = arith.constant 0 : i32
      %dma_wait3A_213 = arith.constant 2 : i32
      %dma_wait3A_214 = arith.constant 0 : i32
      %dma_wait3A_215 = arith.constant 0 : i32
      %dma_wait3A_216 = tpu.memref_slice %arg7[%dma_wait3A_211, %dma_wait3A_214, %dma_wait3A_215] : memref<10x128x16xf32, #tpu.memory_space<vmem>> -> memref<1x128x16xf32, #tpu.memory_space<vmem>>
      %dma_wait3A_217 = tpu.memref_squeeze %dma_wait3A_216 : memref<1x128x16xf32, #tpu.memory_space<vmem>> -> memref<128x16xf32, #tpu.memory_space<vmem>>
      %dma_wait3A_218 = arith.constant 0 : i32
      %dma_wait3A_219 = tpu.memref_slice %arg6[%dma_wait3A_212, %dma_wait3A_218] : memref<20x128xi32, #tpu.memory_space<vmem>> -> memref<1x128xi32, #tpu.memory_space<vmem>>
      %dma_wait3A_220 = tpu.memref_squeeze %dma_wait3A_219 : memref<1x128xi32, #tpu.memory_space<vmem>> -> memref<128xi32, #tpu.memory_space<vmem>>
      %dma_wait3A_221 = arith.constant 0 : i32
      %dma_wait3A_222 = arith.constant 0 : i32
      %dma_wait3A_223 = tpu.memref_slice %arg9[%dma_wait3A_221, %dma_wait3A_222] : memref<100096x16xf32, #tpu.memory_space<vmem_shared>> -> memref<100096x16xf32, #tpu.memory_space<vmem_shared>>
      %dma_wait3A_224 = tpu.memref_slice %arg11[%dma_wait3A_213] : memref<10x!tpu.dma_semaphore, #tpu.memory_space<semaphore_mem>> -> memref<1x!tpu.dma_semaphore, #tpu.memory_space<semaphore_mem>>
      %dma_wait3A_225 = tpu.memref_squeeze %dma_wait3A_224 : memref<1x!tpu.dma_semaphore, #tpu.memory_space<semaphore_mem>> -> memref<!tpu.dma_semaphore, #tpu.memory_space<semaphore_mem>>
      tpu.wait_indirect_dma semaphore(%dma_wait3A_225 : memref<!tpu.dma_semaphore, #tpu.memory_space<semaphore_mem>>) src(%dma_wait3A_217 : memref<128x16xf32, #tpu.memory_space<vmem>>) dst(%dma_wait3A_223 : memref<100096x16xf32, #tpu.memory_space<vmem_shared>>)
      %dma_wait3A_226 = arith.constant 3 : i32
      %dma_wait3A_227 = arith.constant 0 : i32
      %dma_wait3A_228 = arith.constant 3 : i32
      %dma_wait3A_229 = arith.constant 0 : i32
      %dma_wait3A_230 = arith.constant 0 : i32
      %dma_wait3A_231 = tpu.memref_slice %arg7[%dma_wait3A_226, %dma_wait3A_229, %dma_wait3A_230] : memref<10x128x16xf32, #tpu.memory_space<vmem>> -> memref<1x128x16xf32, #tpu.memory_space<vmem>>
      %dma_wait3A_232 = tpu.memref_squeeze %dma_wait3A_231 : memref<1x128x16xf32, #tpu.memory_space<vmem>> -> memref<128x16xf32, #tpu.memory_space<vmem>>
      %dma_wait3A_233 = arith.constant 0 : i32
      %dma_wait3A_234 = tpu.memref_slice %arg6[%dma_wait3A_227, %dma_wait3A_233] : memref<20x128xi32, #tpu.memory_space<vmem>> -> memref<1x128xi32, #tpu.memory_space<vmem>>
      %dma_wait3A_235 = tpu.memref_squeeze %dma_wait3A_234 : memref<1x128xi32, #tpu.memory_space<vmem>> -> memref<128xi32, #tpu.memory_space<vmem>>
      %dma_wait3A_236 = arith.constant 0 : i32
      %dma_wait3A_237 = arith.constant 0 : i32
      %dma_wait3A_238 = tpu.memref_slice %arg9[%dma_wait3A_236, %dma_wait3A_237] : memref<100096x16xf32, #tpu.memory_space<vmem_shared>> -> memref<100096x16xf32, #tpu.memory_space<vmem_shared>>
      %dma_wait3A_239 = tpu.memref_slice %arg11[%dma_wait3A_228] : memref<10x!tpu.dma_semaphore, #tpu.memory_space<semaphore_mem>> -> memref<1x!tpu.dma_semaphore, #tpu.memory_space<semaphore_mem>>
      %dma_wait3A_240 = tpu.memref_squeeze %dma_wait3A_239 : memref<1x!tpu.dma_semaphore, #tpu.memory_space<semaphore_mem>> -> memref<!tpu.dma_semaphore, #tpu.memory_space<semaphore_mem>>
      tpu.wait_indirect_dma semaphore(%dma_wait3A_240 : memref<!tpu.dma_semaphore, #tpu.memory_space<semaphore_mem>>) src(%dma_wait3A_232 : memref<128x16xf32, #tpu.memory_space<vmem>>) dst(%dma_wait3A_238 : memref<100096x16xf32, #tpu.memory_space<vmem_shared>>)
      %dma_wait3A_241 = arith.constant 4 : i32
      %dma_wait3A_242 = arith.constant 0 : i32
      %dma_wait3A_243 = arith.constant 4 : i32
      %dma_wait3A_244 = arith.constant 0 : i32
      %dma_wait3A_245 = arith.constant 0 : i32
      %dma_wait3A_246 = tpu.memref_slice %arg7[%dma_wait3A_241, %dma_wait3A_244, %dma_wait3A_245] : memref<10x128x16xf32, #tpu.memory_space<vmem>> -> memref<1x128x16xf32, #tpu.memory_space<vmem>>
      %dma_wait3A_247 = tpu.memref_squeeze %dma_wait3A_246 : memref<1x128x16xf32, #tpu.memory_space<vmem>> -> memref<128x16xf32, #tpu.memory_space<vmem>>
      %dma_wait3A_248 = arith.constant 0 : i32
      %dma_wait3A_249 = tpu.memref_slice %arg6[%dma_wait3A_242, %dma_wait3A_248] : memref<20x128xi32, #tpu.memory_space<vmem>> -> memref<1x128xi32, #tpu.memory_space<vmem>>
      %dma_wait3A_250 = tpu.memref_squeeze %dma_wait3A_249 : memref<1x128xi32, #tpu.memory_space<vmem>> -> memref<128xi32, #tpu.memory_space<vmem>>
      %dma_wait3A_251 = arith.constant 0 : i32
      %dma_wait3A_252 = arith.constant 0 : i32
      %dma_wait3A_253 = tpu.memref_slice %arg9[%dma_wait3A_251, %dma_wait3A_252] : memref<100096x16xf32, #tpu.memory_space<vmem_shared>> -> memref<100096x16xf32, #tpu.memory_space<vmem_shared>>
      %dma_wait3A_254 = tpu.memref_slice %arg11[%dma_wait3A_243] : memref<10x!tpu.dma_semaphore, #tpu.memory_space<semaphore_mem>> -> memref<1x!tpu.dma_semaphore, #tpu.memory_space<semaphore_mem>>
      %dma_wait3A_255 = tpu.memref_squeeze %dma_wait3A_254 : memref<1x!tpu.dma_semaphore, #tpu.memory_space<semaphore_mem>> -> memref<!tpu.dma_semaphore, #tpu.memory_space<semaphore_mem>>
      tpu.wait_indirect_dma semaphore(%dma_wait3A_255 : memref<!tpu.dma_semaphore, #tpu.memory_space<semaphore_mem>>) src(%dma_wait3A_247 : memref<128x16xf32, #tpu.memory_space<vmem>>) dst(%dma_wait3A_253 : memref<100096x16xf32, #tpu.memory_space<vmem_shared>>)
      %dma_wait3A_256 = arith.constant 5 : i32
      %dma_wait3A_257 = arith.constant 0 : i32
      %dma_wait3A_258 = arith.constant 5 : i32
      %dma_wait3A_259 = arith.constant 0 : i32
      %dma_wait3A_260 = arith.constant 0 : i32
      %dma_wait3A_261 = tpu.memref_slice %arg7[%dma_wait3A_256, %dma_wait3A_259, %dma_wait3A_260] : memref<10x128x16xf32, #tpu.memory_space<vmem>> -> memref<1x128x16xf32, #tpu.memory_space<vmem>>
      %dma_wait3A_262 = tpu.memref_squeeze %dma_wait3A_261 : memref<1x128x16xf32, #tpu.memory_space<vmem>> -> memref<128x16xf32, #tpu.memory_space<vmem>>
      %dma_wait3A_263 = arith.constant 0 : i32
      %dma_wait3A_264 = tpu.memref_slice %arg6[%dma_wait3A_257, %dma_wait3A_263] : memref<20x128xi32, #tpu.memory_space<vmem>> -> memref<1x128xi32, #tpu.memory_space<vmem>>
      %dma_wait3A_265 = tpu.memref_squeeze %dma_wait3A_264 : memref<1x128xi32, #tpu.memory_space<vmem>> -> memref<128xi32, #tpu.memory_space<vmem>>
      %dma_wait3A_266 = arith.constant 0 : i32
      %dma_wait3A_267 = arith.constant 0 : i32
      %dma_wait3A_268 = tpu.memref_slice %arg9[%dma_wait3A_266, %dma_wait3A_267] : memref<100096x16xf32, #tpu.memory_space<vmem_shared>> -> memref<100096x16xf32, #tpu.memory_space<vmem_shared>>
      %dma_wait3A_269 = tpu.memref_slice %arg11[%dma_wait3A_258] : memref<10x!tpu.dma_semaphore, #tpu.memory_space<semaphore_mem>> -> memref<1x!tpu.dma_semaphore, #tpu.memory_space<semaphore_mem>>
      %dma_wait3A_270 = tpu.memref_squeeze %dma_wait3A_269 : memref<1x!tpu.dma_semaphore, #tpu.memory_space<semaphore_mem>> -> memref<!tpu.dma_semaphore, #tpu.memory_space<semaphore_mem>>
      tpu.wait_indirect_dma semaphore(%dma_wait3A_270 : memref<!tpu.dma_semaphore, #tpu.memory_space<semaphore_mem>>) src(%dma_wait3A_262 : memref<128x16xf32, #tpu.memory_space<vmem>>) dst(%dma_wait3A_268 : memref<100096x16xf32, #tpu.memory_space<vmem_shared>>)
      %dma_wait3A_271 = arith.constant 6 : i32
      %dma_wait3A_272 = arith.constant 0 : i32
      %dma_wait3A_273 = arith.constant 6 : i32
      %dma_wait3A_274 = arith.constant 0 : i32
      %dma_wait3A_275 = arith.constant 0 : i32
      %dma_wait3A_276 = tpu.memref_slice %arg7[%dma_wait3A_271, %dma_wait3A_274, %dma_wait3A_275] : memref<10x128x16xf32, #tpu.memory_space<vmem>> -> memref<1x128x16xf32, #tpu.memory_space<vmem>>
      %dma_wait3A_277 = tpu.memref_squeeze %dma_wait3A_276 : memref<1x128x16xf32, #tpu.memory_space<vmem>> -> memref<128x16xf32, #tpu.memory_space<vmem>>
      %dma_wait3A_278 = arith.constant 0 : i32
      %dma_wait3A_279 = tpu.memref_slice %arg6[%dma_wait3A_272, %dma_wait3A_278] : memref<20x128xi32, #tpu.memory_space<vmem>> -> memref<1x128xi32, #tpu.memory_space<vmem>>
      %dma_wait3A_280 = tpu.memref_squeeze %dma_wait3A_279 : memref<1x128xi32, #tpu.memory_space<vmem>> -> memref<128xi32, #tpu.memory_space<vmem>>
      %dma_wait3A_281 = arith.constant 0 : i32
      %dma_wait3A_282 = arith.constant 0 : i32
      %dma_wait3A_283 = tpu.memref_slice %arg9[%dma_wait3A_281, %dma_wait3A_282] : memref<100096x16xf32, #tpu.memory_space<vmem_shared>> -> memref<100096x16xf32, #tpu.memory_space<vmem_shared>>
      %dma_wait3A_284 = tpu.memref_slice %arg11[%dma_wait3A_273] : memref<10x!tpu.dma_semaphore, #tpu.memory_space<semaphore_mem>> -> memref<1x!tpu.dma_semaphore, #tpu.memory_space<semaphore_mem>>
      %dma_wait3A_285 = tpu.memref_squeeze %dma_wait3A_284 : memref<1x!tpu.dma_semaphore, #tpu.memory_space<semaphore_mem>> -> memref<!tpu.dma_semaphore, #tpu.memory_space<semaphore_mem>>
      tpu.wait_indirect_dma semaphore(%dma_wait3A_285 : memref<!tpu.dma_semaphore, #tpu.memory_space<semaphore_mem>>) src(%dma_wait3A_277 : memref<128x16xf32, #tpu.memory_space<vmem>>) dst(%dma_wait3A_283 : memref<100096x16xf32, #tpu.memory_space<vmem_shared>>)
      %dma_wait3A_286 = arith.constant 7 : i32
      %dma_wait3A_287 = arith.constant 0 : i32
      %dma_wait3A_288 = arith.constant 7 : i32
      %dma_wait3A_289 = arith.constant 0 : i32
      %dma_wait3A_290 = arith.constant 0 : i32
      %dma_wait3A_291 = tpu.memref_slice %arg7[%dma_wait3A_286, %dma_wait3A_289, %dma_wait3A_290] : memref<10x128x16xf32, #tpu.memory_space<vmem>> -> memref<1x128x16xf32, #tpu.memory_space<vmem>>
      %dma_wait3A_292 = tpu.memref_squeeze %dma_wait3A_291 : memref<1x128x16xf32, #tpu.memory_space<vmem>> -> memref<128x16xf32, #tpu.memory_space<vmem>>
      %dma_wait3A_293 = arith.constant 0 : i32
      %dma_wait3A_294 = tpu.memref_slice %arg6[%dma_wait3A_287, %dma_wait3A_293] : memref<20x128xi32, #tpu.memory_space<vmem>> -> memref<1x128xi32, #tpu.memory_space<vmem>>
      %dma_wait3A_295 = tpu.memref_squeeze %dma_wait3A_294 : memref<1x128xi32, #tpu.memory_space<vmem>> -> memref<128xi32, #tpu.memory_space<vmem>>
      %dma_wait3A_296 = arith.constant 0 : i32
      %dma_wait3A_297 = arith.constant 0 : i32
      %dma_wait3A_298 = tpu.memref_slice %arg9[%dma_wait3A_296, %dma_wait3A_297] : memref<100096x16xf32, #tpu.memory_space<vmem_shared>> -> memref<100096x16xf32, #tpu.memory_space<vmem_shared>>
      %dma_wait3A_299 = tpu.memref_slice %arg11[%dma_wait3A_288] : memref<10x!tpu.dma_semaphore, #tpu.memory_space<semaphore_mem>> -> memref<1x!tpu.dma_semaphore, #tpu.memory_space<semaphore_mem>>
      %dma_wait3A_300 = tpu.memref_squeeze %dma_wait3A_299 : memref<1x!tpu.dma_semaphore, #tpu.memory_space<semaphore_mem>> -> memref<!tpu.dma_semaphore, #tpu.memory_space<semaphore_mem>>
      tpu.wait_indirect_dma semaphore(%dma_wait3A_300 : memref<!tpu.dma_semaphore, #tpu.memory_space<semaphore_mem>>) src(%dma_wait3A_292 : memref<128x16xf32, #tpu.memory_space<vmem>>) dst(%dma_wait3A_298 : memref<100096x16xf32, #tpu.memory_space<vmem_shared>>)
      %dma_wait3A_301 = arith.constant 8 : i32
      %dma_wait3A_302 = arith.constant 0 : i32
      %dma_wait3A_303 = arith.constant 8 : i32
      %dma_wait3A_304 = arith.constant 0 : i32
      %dma_wait3A_305 = arith.constant 0 : i32
      %dma_wait3A_306 = tpu.memref_slice %arg7[%dma_wait3A_301, %dma_wait3A_304, %dma_wait3A_305] : memref<10x128x16xf32, #tpu.memory_space<vmem>> -> memref<1x128x16xf32, #tpu.memory_space<vmem>>
      %dma_wait3A_307 = tpu.memref_squeeze %dma_wait3A_306 : memref<1x128x16xf32, #tpu.memory_space<vmem>> -> memref<128x16xf32, #tpu.memory_space<vmem>>
      %dma_wait3A_308 = arith.constant 0 : i32
      %dma_wait3A_309 = tpu.memref_slice %arg6[%dma_wait3A_302, %dma_wait3A_308] : memref<20x128xi32, #tpu.memory_space<vmem>> -> memref<1x128xi32, #tpu.memory_space<vmem>>
      %dma_wait3A_310 = tpu.memref_squeeze %dma_wait3A_309 : memref<1x128xi32, #tpu.memory_space<vmem>> -> memref<128xi32, #tpu.memory_space<vmem>>
      %dma_wait3A_311 = arith.constant 0 : i32
      %dma_wait3A_312 = arith.constant 0 : i32
      %dma_wait3A_313 = tpu.memref_slice %arg9[%dma_wait3A_311, %dma_wait3A_312] : memref<100096x16xf32, #tpu.memory_space<vmem_shared>> -> memref<100096x16xf32, #tpu.memory_space<vmem_shared>>
      %dma_wait3A_314 = tpu.memref_slice %arg11[%dma_wait3A_303] : memref<10x!tpu.dma_semaphore, #tpu.memory_space<semaphore_mem>> -> memref<1x!tpu.dma_semaphore, #tpu.memory_space<semaphore_mem>>
      %dma_wait3A_315 = tpu.memref_squeeze %dma_wait3A_314 : memref<1x!tpu.dma_semaphore, #tpu.memory_space<semaphore_mem>> -> memref<!tpu.dma_semaphore, #tpu.memory_space<semaphore_mem>>
      tpu.wait_indirect_dma semaphore(%dma_wait3A_315 : memref<!tpu.dma_semaphore, #tpu.memory_space<semaphore_mem>>) src(%dma_wait3A_307 : memref<128x16xf32, #tpu.memory_space<vmem>>) dst(%dma_wait3A_313 : memref<100096x16xf32, #tpu.memory_space<vmem_shared>>)
      %dma_wait3A_316 = arith.constant 9 : i32
      %dma_wait3A_317 = arith.constant 0 : i32
      %dma_wait3A_318 = arith.constant 9 : i32
      %dma_wait3A_319 = arith.constant 0 : i32
      %dma_wait3A_320 = arith.constant 0 : i32
      %dma_wait3A_321 = tpu.memref_slice %arg7[%dma_wait3A_316, %dma_wait3A_319, %dma_wait3A_320] : memref<10x128x16xf32, #tpu.memory_space<vmem>> -> memref<1x128x16xf32, #tpu.memory_space<vmem>>
      %dma_wait3A_322 = tpu.memref_squeeze %dma_wait3A_321 : memref<1x128x16xf32, #tpu.memory_space<vmem>> -> memref<128x16xf32, #tpu.memory_space<vmem>>
      %dma_wait3A_323 = arith.constant 0 : i32
      %dma_wait3A_324 = tpu.memref_slice %arg6[%dma_wait3A_317, %dma_wait3A_323] : memref<20x128xi32, #tpu.memory_space<vmem>> -> memref<1x128xi32, #tpu.memory_space<vmem>>
      %dma_wait3A_325 = tpu.memref_squeeze %dma_wait3A_324 : memref<1x128xi32, #tpu.memory_space<vmem>> -> memref<128xi32, #tpu.memory_space<vmem>>
      %dma_wait3A_326 = arith.constant 0 : i32
      %dma_wait3A_327 = arith.constant 0 : i32
      %dma_wait3A_328 = tpu.memref_slice %arg9[%dma_wait3A_326, %dma_wait3A_327] : memref<100096x16xf32, #tpu.memory_space<vmem_shared>> -> memref<100096x16xf32, #tpu.memory_space<vmem_shared>>
      %dma_wait3A_329 = tpu.memref_slice %arg11[%dma_wait3A_318] : memref<10x!tpu.dma_semaphore, #tpu.memory_space<semaphore_mem>> -> memref<1x!tpu.dma_semaphore, #tpu.memory_space<semaphore_mem>>
      %dma_wait3A_330 = tpu.memref_squeeze %dma_wait3A_329 : memref<1x!tpu.dma_semaphore, #tpu.memory_space<semaphore_mem>> -> memref<!tpu.dma_semaphore, #tpu.memory_space<semaphore_mem>>
      tpu.wait_indirect_dma semaphore(%dma_wait3A_330 : memref<!tpu.dma_semaphore, #tpu.memory_space<semaphore_mem>>) src(%dma_wait3A_322 : memref<128x16xf32, #tpu.memory_space<vmem>>) dst(%dma_wait3A_328 : memref<100096x16xf32, #tpu.memory_space<vmem_shared>>)
    }
    %while3A_33 = arith.constant 1 : i32
    scf.for %while3A_39 = %while3A_31 to %while3A_27 step %while3A_33  : i32 {
      %mul3A_40 = arith.muli %while3A_39, %while3A : i32
      %add3A_41 = arith.addi %add3A_14, %mul3A_40 : i32
      %run_scoped3A = arith.constant 0 : i32
      "tpu.region"() ({
        %run_scoped3A_331 = tpu.sem_alloc : memref<!tpu.dma_semaphore, #tpu.memory_space<semaphore_mem>>
        %dma_start3A_332 = arith.constant 0 : i32
        %dma_start3A_333 = arith.constant 0 : i32
        %dma_start3A_334 = tpu.memref_slice %arg3[%run_scoped3A, %add3A_41, %dma_start3A_332, %dma_start3A_333] : memref<2x625x20x128xi32, #tpu.memory_space<hbm>> -> memref<1x1x20x128xi32, #tpu.memory_space<hbm>>
        %dma_start3A_335 = tpu.memref_squeeze %dma_start3A_334 : memref<1x1x20x128xi32, #tpu.memory_space<hbm>> -> memref<20x128xi32, #tpu.memory_space<hbm>>
        %dma_start3A_336 = arith.constant 0 : i32
        %dma_start3A_337 = arith.constant 0 : i32
        %dma_start3A_338 = tpu.memref_slice %arg3[%run_scoped3A, %add3A_41, %dma_start3A_336, %dma_start3A_337] : memref<2x625x20x128xi32, #tpu.memory_space<hbm>> -> memref<1x1x20x128xi32, #tpu.memory_space<hbm>>
        %dma_start3A_339 = tpu.memref_squeeze %dma_start3A_338 : memref<1x1x20x128xi32, #tpu.memory_space<hbm>> -> memref<20x128xi32, #tpu.memory_space<hbm>>
        tpu.enqueue_dma source(%dma_start3A_339 : memref<20x128xi32, #tpu.memory_space<hbm>>) target(%arg5 : memref<20x128xi32, #tpu.memory_space<vmem>>) target_semaphore(%run_scoped3A_331 : memref<!tpu.dma_semaphore, #tpu.memory_space<semaphore_mem>>)
        %dma_wait3A_340 = arith.constant 0 : i32
        %dma_wait3A_341 = arith.constant 0 : i32
        %dma_wait3A_342 = tpu.memref_slice %arg3[%run_scoped3A, %add3A_41, %dma_wait3A_340, %dma_wait3A_341] : memref<2x625x20x128xi32, #tpu.memory_space<hbm>> -> memref<1x1x20x128xi32, #tpu.memory_space<hbm>>
        %dma_wait3A_343 = tpu.memref_squeeze %dma_wait3A_342 : memref<1x1x20x128xi32, #tpu.memory_space<hbm>> -> memref<20x128xi32, #tpu.memory_space<hbm>>
        %dma_wait3A_344 = arith.constant 0 : i32
        %dma_wait3A_345 = arith.constant 0 : i32
        %dma_wait3A_346 = tpu.memref_slice %arg3[%run_scoped3A, %add3A_41, %dma_wait3A_344, %dma_wait3A_345] : memref<2x625x20x128xi32, #tpu.memory_space<hbm>> -> memref<1x1x20x128xi32, #tpu.memory_space<hbm>>
        %dma_wait3A_347 = tpu.memref_squeeze %dma_wait3A_346 : memref<1x1x20x128xi32, #tpu.memory_space<hbm>> -> memref<20x128xi32, #tpu.memory_space<hbm>>
        tpu.wait_dma2 semaphore(%run_scoped3A_331 : memref<!tpu.dma_semaphore, #tpu.memory_space<semaphore_mem>>) src(%dma_wait3A_347 : memref<20x128xi32, #tpu.memory_space<hbm>>) dst(%arg5 : memref<20x128xi32, #tpu.memory_space<vmem>>)
        tpu.yield
      }) : () -> ()
      %run_scoped3A_42 = arith.constant 1 : i32
      "tpu.region"() ({
        %run_scoped3A_331 = tpu.sem_alloc : memref<!tpu.dma_semaphore, #tpu.memory_space<semaphore_mem>>
        %dma_start3A_332 = arith.constant 0 : i32
        %dma_start3A_333 = arith.constant 0 : i32
        %dma_start3A_334 = tpu.memref_slice %arg3[%run_scoped3A_42, %add3A_41, %dma_start3A_332, %dma_start3A_333] : memref<2x625x20x128xi32, #tpu.memory_space<hbm>> -> memref<1x1x20x128xi32, #tpu.memory_space<hbm>>
        %dma_start3A_335 = tpu.memref_squeeze %dma_start3A_334 : memref<1x1x20x128xi32, #tpu.memory_space<hbm>> -> memref<20x128xi32, #tpu.memory_space<hbm>>
        %dma_start3A_336 = arith.constant 0 : i32
        %dma_start3A_337 = arith.constant 0 : i32
        %dma_start3A_338 = tpu.memref_slice %arg3[%run_scoped3A_42, %add3A_41, %dma_start3A_336, %dma_start3A_337] : memref<2x625x20x128xi32, #tpu.memory_space<hbm>> -> memref<1x1x20x128xi32, #tpu.memory_space<hbm>>
        %dma_start3A_339 = tpu.memref_squeeze %dma_start3A_338 : memref<1x1x20x128xi32, #tpu.memory_space<hbm>> -> memref<20x128xi32, #tpu.memory_space<hbm>>
        tpu.enqueue_dma source(%dma_start3A_339 : memref<20x128xi32, #tpu.memory_space<hbm>>) target(%arg6 : memref<20x128xi32, #tpu.memory_space<vmem>>) target_semaphore(%run_scoped3A_331 : memref<!tpu.dma_semaphore, #tpu.memory_space<semaphore_mem>>)
        %dma_wait3A_340 = arith.constant 0 : i32
        %dma_wait3A_341 = arith.constant 0 : i32
        %dma_wait3A_342 = tpu.memref_slice %arg3[%run_scoped3A_42, %add3A_41, %dma_wait3A_340, %dma_wait3A_341] : memref<2x625x20x128xi32, #tpu.memory_space<hbm>> -> memref<1x1x20x128xi32, #tpu.memory_space<hbm>>
        %dma_wait3A_343 = tpu.memref_squeeze %dma_wait3A_342 : memref<1x1x20x128xi32, #tpu.memory_space<hbm>> -> memref<20x128xi32, #tpu.memory_space<hbm>>
        %dma_wait3A_344 = arith.constant 0 : i32
        %dma_wait3A_345 = arith.constant 0 : i32
        %dma_wait3A_346 = tpu.memref_slice %arg3[%run_scoped3A_42, %add3A_41, %dma_wait3A_344, %dma_wait3A_345] : memref<2x625x20x128xi32, #tpu.memory_space<hbm>> -> memref<1x1x20x128xi32, #tpu.memory_space<hbm>>
        %dma_wait3A_347 = tpu.memref_squeeze %dma_wait3A_346 : memref<1x1x20x128xi32, #tpu.memory_space<hbm>> -> memref<20x128xi32, #tpu.memory_space<hbm>>
        tpu.wait_dma2 semaphore(%run_scoped3A_331 : memref<!tpu.dma_semaphore, #tpu.memory_space<semaphore_mem>>) src(%dma_wait3A_347 : memref<20x128xi32, #tpu.memory_space<hbm>>) dst(%arg6 : memref<20x128xi32, #tpu.memory_space<vmem>>)
        tpu.yield
      }) : () -> ()
      %dma_start3A = arith.constant 0 : i32
      %dma_start3A_43 = arith.constant 0 : i32
      %dma_start3A_44 = arith.constant 0 : i32
      %dma_start3A_45 = arith.constant 0 : i32
      %dma_start3A_46 = arith.constant 0 : i32
      %dma_start3A_47 = tpu.memref_slice %arg7[%dma_start3A_43, %dma_start3A_45, %dma_start3A_46] : memref<10x128x16xf32, #tpu.memory_space<vmem>> -> memref<1x128x16xf32, #tpu.memory_space<vmem>>
      %dma_start3A_48 = tpu.memref_squeeze %dma_start3A_47 : memref<1x128x16xf32, #tpu.memory_space<vmem>> -> memref<128x16xf32, #tpu.memory_space<vmem>>
      %dma_start3A_49 = arith.constant 0 : i32
      %dma_start3A_50 = tpu.memref_slice %arg5[%dma_start3A, %dma_start3A_49] : memref<20x128xi32, #tpu.memory_space<vmem>> -> memref<1x128xi32, #tpu.memory_space<vmem>>
      %dma_start3A_51 = tpu.memref_squeeze %dma_start3A_50 : memref<1x128xi32, #tpu.memory_space<vmem>> -> memref<128xi32, #tpu.memory_space<vmem>>
      %dma_start3A_52 = arith.constant 0 : i32
      %dma_start3A_53 = arith.constant 0 : i32
      %dma_start3A_54 = tpu.memref_slice %arg2[%dma_start3A_52, %dma_start3A_53] : memref<100096x16xf32, #tpu.memory_space<hbm>> -> memref<100096x16xf32, #tpu.memory_space<hbm>>
      %dma_start3A_55 = tpu.memref_slice %arg10[%dma_start3A_44] : memref<10x!tpu.dma_semaphore, #tpu.memory_space<semaphore_mem>> -> memref<1x!tpu.dma_semaphore, #tpu.memory_space<semaphore_mem>>
      %dma_start3A_56 = tpu.memref_squeeze %dma_start3A_55 : memref<1x!tpu.dma_semaphore, #tpu.memory_space<semaphore_mem>> -> memref<!tpu.dma_semaphore, #tpu.memory_space<semaphore_mem>>
      tpu.enqueue_indirect_dma source(%dma_start3A_54 : memref<100096x16xf32, #tpu.memory_space<hbm>>) target(%dma_start3A_48 : memref<128x16xf32, #tpu.memory_space<vmem>>) offsets(%dma_start3A_51 : memref<128xi32, #tpu.memory_space<vmem>>) semaphore(%dma_start3A_56 : memref<!tpu.dma_semaphore, #tpu.memory_space<semaphore_mem>>)
      %dma_start3A_57 = arith.constant 1 : i32
      %dma_start3A_58 = arith.constant 1 : i32
      %dma_start3A_59 = arith.constant 1 : i32
      %dma_start3A_60 = arith.constant 0 : i32
      %dma_start3A_61 = arith.constant 0 : i32
      %dma_start3A_62 = tpu.memref_slice %arg7[%dma_start3A_58, %dma_start3A_60, %dma_start3A_61] : memref<10x128x16xf32, #tpu.memory_space<vmem>> -> memref<1x128x16xf32, #tpu.memory_space<vmem>>
      %dma_start3A_63 = tpu.memref_squeeze %dma_start3A_62 : memref<1x128x16xf32, #tpu.memory_space<vmem>> -> memref<128x16xf32, #tpu.memory_space<vmem>>
      %dma_start3A_64 = arith.constant 0 : i32
      %dma_start3A_65 = tpu.memref_slice %arg5[%dma_start3A_57, %dma_start3A_64] : memref<20x128xi32, #tpu.memory_space<vmem>> -> memref<1x128xi32, #tpu.memory_space<vmem>>
      %dma_start3A_66 = tpu.memref_squeeze %dma_start3A_65 : memref<1x128xi32, #tpu.memory_space<vmem>> -> memref<128xi32, #tpu.memory_space<vmem>>
      %dma_start3A_67 = arith.constant 0 : i32
      %dma_start3A_68 = arith.constant 0 : i32
      %dma_start3A_69 = tpu.memref_slice %arg2[%dma_start3A_67, %dma_start3A_68] : memref<100096x16xf32, #tpu.memory_space<hbm>> -> memref<100096x16xf32, #tpu.memory_space<hbm>>
      %dma_start3A_70 = tpu.memref_slice %arg10[%dma_start3A_59] : memref<10x!tpu.dma_semaphore, #tpu.memory_space<semaphore_mem>> -> memref<1x!tpu.dma_semaphore, #tpu.memory_space<semaphore_mem>>
      %dma_start3A_71 = tpu.memref_squeeze %dma_start3A_70 : memref<1x!tpu.dma_semaphore, #tpu.memory_space<semaphore_mem>> -> memref<!tpu.dma_semaphore, #tpu.memory_space<semaphore_mem>>
      tpu.enqueue_indirect_dma source(%dma_start3A_69 : memref<100096x16xf32, #tpu.memory_space<hbm>>) target(%dma_start3A_63 : memref<128x16xf32, #tpu.memory_space<vmem>>) offsets(%dma_start3A_66 : memref<128xi32, #tpu.memory_space<vmem>>) semaphore(%dma_start3A_71 : memref<!tpu.dma_semaphore, #tpu.memory_space<semaphore_mem>>)
      %dma_start3A_72 = arith.constant 2 : i32
      %dma_start3A_73 = arith.constant 2 : i32
      %dma_start3A_74 = arith.constant 2 : i32
      %dma_start3A_75 = arith.constant 0 : i32
      %dma_start3A_76 = arith.constant 0 : i32
      %dma_start3A_77 = tpu.memref_slice %arg7[%dma_start3A_73, %dma_start3A_75, %dma_start3A_76] : memref<10x128x16xf32, #tpu.memory_space<vmem>> -> memref<1x128x16xf32, #tpu.memory_space<vmem>>
      %dma_start3A_78 = tpu.memref_squeeze %dma_start3A_77 : memref<1x128x16xf32, #tpu.memory_space<vmem>> -> memref<128x16xf32, #tpu.memory_space<vmem>>
      %dma_start3A_79 = arith.constant 0 : i32
      %dma_start3A_80 = tpu.memref_slice %arg5[%dma_start3A_72, %dma_start3A_79] : memref<20x128xi32, #tpu.memory_space<vmem>> -> memref<1x128xi32, #tpu.memory_space<vmem>>
      %dma_start3A_81 = tpu.memref_squeeze %dma_start3A_80 : memref<1x128xi32, #tpu.memory_space<vmem>> -> memref<128xi32, #tpu.memory_space<vmem>>
      %dma_start3A_82 = arith.constant 0 : i32
      %dma_start3A_83 = arith.constant 0 : i32
      %dma_start3A_84 = tpu.memref_slice %arg2[%dma_start3A_82, %dma_start3A_83] : memref<100096x16xf32, #tpu.memory_space<hbm>> -> memref<100096x16xf32, #tpu.memory_space<hbm>>
      %dma_start3A_85 = tpu.memref_slice %arg10[%dma_start3A_74] : memref<10x!tpu.dma_semaphore, #tpu.memory_space<semaphore_mem>> -> memref<1x!tpu.dma_semaphore, #tpu.memory_space<semaphore_mem>>
      %dma_start3A_86 = tpu.memref_squeeze %dma_start3A_85 : memref<1x!tpu.dma_semaphore, #tpu.memory_space<semaphore_mem>> -> memref<!tpu.dma_semaphore, #tpu.memory_space<semaphore_mem>>
      tpu.enqueue_indirect_dma source(%dma_start3A_84 : memref<100096x16xf32, #tpu.memory_space<hbm>>) target(%dma_start3A_78 : memref<128x16xf32, #tpu.memory_space<vmem>>) offsets(%dma_start3A_81 : memref<128xi32, #tpu.memory_space<vmem>>) semaphore(%dma_start3A_86 : memref<!tpu.dma_semaphore, #tpu.memory_space<semaphore_mem>>)
      %dma_start3A_87 = arith.constant 3 : i32
      %dma_start3A_88 = arith.constant 3 : i32
      %dma_start3A_89 = arith.constant 3 : i32
      %dma_start3A_90 = arith.constant 0 : i32
      %dma_start3A_91 = arith.constant 0 : i32
      %dma_start3A_92 = tpu.memref_slice %arg7[%dma_start3A_88, %dma_start3A_90, %dma_start3A_91] : memref<10x128x16xf32, #tpu.memory_space<vmem>> -> memref<1x128x16xf32, #tpu.memory_space<vmem>>
      %dma_start3A_93 = tpu.memref_squeeze %dma_start3A_92 : memref<1x128x16xf32, #tpu.memory_space<vmem>> -> memref<128x16xf32, #tpu.memory_space<vmem>>
      %dma_start3A_94 = arith.constant 0 : i32
      %dma_start3A_95 = tpu.memref_slice %arg5[%dma_start3A_87, %dma_start3A_94] : memref<20x128xi32, #tpu.memory_space<vmem>> -> memref<1x128xi32, #tpu.memory_space<vmem>>
      %dma_start3A_96 = tpu.memref_squeeze %dma_start3A_95 : memref<1x128xi32, #tpu.memory_space<vmem>> -> memref<128xi32, #tpu.memory_space<vmem>>
      %dma_start3A_97 = arith.constant 0 : i32
      %dma_start3A_98 = arith.constant 0 : i32
      %dma_start3A_99 = tpu.memref_slice %arg2[%dma_start3A_97, %dma_start3A_98] : memref<100096x16xf32, #tpu.memory_space<hbm>> -> memref<100096x16xf32, #tpu.memory_space<hbm>>
      %dma_start3A_100 = tpu.memref_slice %arg10[%dma_start3A_89] : memref<10x!tpu.dma_semaphore, #tpu.memory_space<semaphore_mem>> -> memref<1x!tpu.dma_semaphore, #tpu.memory_space<semaphore_mem>>
      %dma_start3A_101 = tpu.memref_squeeze %dma_start3A_100 : memref<1x!tpu.dma_semaphore, #tpu.memory_space<semaphore_mem>> -> memref<!tpu.dma_semaphore, #tpu.memory_space<semaphore_mem>>
      tpu.enqueue_indirect_dma source(%dma_start3A_99 : memref<100096x16xf32, #tpu.memory_space<hbm>>) target(%dma_start3A_93 : memref<128x16xf32, #tpu.memory_space<vmem>>) offsets(%dma_start3A_96 : memref<128xi32, #tpu.memory_space<vmem>>) semaphore(%dma_start3A_101 : memref<!tpu.dma_semaphore, #tpu.memory_space<semaphore_mem>>)
      %dma_start3A_102 = arith.constant 4 : i32
      %dma_start3A_103 = arith.constant 4 : i32
      %dma_start3A_104 = arith.constant 4 : i32
      %dma_start3A_105 = arith.constant 0 : i32
      %dma_start3A_106 = arith.constant 0 : i32
      %dma_start3A_107 = tpu.memref_slice %arg7[%dma_start3A_103, %dma_start3A_105, %dma_start3A_106] : memref<10x128x16xf32, #tpu.memory_space<vmem>> -> memref<1x128x16xf32, #tpu.memory_space<vmem>>
      %dma_start3A_108 = tpu.memref_squeeze %dma_start3A_107 : memref<1x128x16xf32, #tpu.memory_space<vmem>> -> memref<128x16xf32, #tpu.memory_space<vmem>>
      %dma_start3A_109 = arith.constant 0 : i32
      %dma_start3A_110 = tpu.memref_slice %arg5[%dma_start3A_102, %dma_start3A_109] : memref<20x128xi32, #tpu.memory_space<vmem>> -> memref<1x128xi32, #tpu.memory_space<vmem>>
      %dma_start3A_111 = tpu.memref_squeeze %dma_start3A_110 : memref<1x128xi32, #tpu.memory_space<vmem>> -> memref<128xi32, #tpu.memory_space<vmem>>
      %dma_start3A_112 = arith.constant 0 : i32
      %dma_start3A_113 = arith.constant 0 : i32
      %dma_start3A_114 = tpu.memref_slice %arg2[%dma_start3A_112, %dma_start3A_113] : memref<100096x16xf32, #tpu.memory_space<hbm>> -> memref<100096x16xf32, #tpu.memory_space<hbm>>
      %dma_start3A_115 = tpu.memref_slice %arg10[%dma_start3A_104] : memref<10x!tpu.dma_semaphore, #tpu.memory_space<semaphore_mem>> -> memref<1x!tpu.dma_semaphore, #tpu.memory_space<semaphore_mem>>
      %dma_start3A_116 = tpu.memref_squeeze %dma_start3A_115 : memref<1x!tpu.dma_semaphore, #tpu.memory_space<semaphore_mem>> -> memref<!tpu.dma_semaphore, #tpu.memory_space<semaphore_mem>>
      tpu.enqueue_indirect_dma source(%dma_start3A_114 : memref<100096x16xf32, #tpu.memory_space<hbm>>) target(%dma_start3A_108 : memref<128x16xf32, #tpu.memory_space<vmem>>) offsets(%dma_start3A_111 : memref<128xi32, #tpu.memory_space<vmem>>) semaphore(%dma_start3A_116 : memref<!tpu.dma_semaphore, #tpu.memory_space<semaphore_mem>>)
      %dma_start3A_117 = arith.constant 5 : i32
      %dma_start3A_118 = arith.constant 5 : i32
      %dma_start3A_119 = arith.constant 5 : i32
      %dma_start3A_120 = arith.constant 0 : i32
      %dma_start3A_121 = arith.constant 0 : i32
      %dma_start3A_122 = tpu.memref_slice %arg7[%dma_start3A_118, %dma_start3A_120, %dma_start3A_121] : memref<10x128x16xf32, #tpu.memory_space<vmem>> -> memref<1x128x16xf32, #tpu.memory_space<vmem>>
      %dma_start3A_123 = tpu.memref_squeeze %dma_start3A_122 : memref<1x128x16xf32, #tpu.memory_space<vmem>> -> memref<128x16xf32, #tpu.memory_space<vmem>>
      %dma_start3A_124 = arith.constant 0 : i32
      %dma_start3A_125 = tpu.memref_slice %arg5[%dma_start3A_117, %dma_start3A_124] : memref<20x128xi32, #tpu.memory_space<vmem>> -> memref<1x128xi32, #tpu.memory_space<vmem>>
      %dma_start3A_126 = tpu.memref_squeeze %dma_start3A_125 : memref<1x128xi32, #tpu.memory_space<vmem>> -> memref<128xi32, #tpu.memory_space<vmem>>
      %dma_start3A_127 = arith.constant 0 : i32
      %dma_start3A_128 = arith.constant 0 : i32
      %dma_start3A_129 = tpu.memref_slice %arg2[%dma_start3A_127, %dma_start3A_128] : memref<100096x16xf32, #tpu.memory_space<hbm>> -> memref<100096x16xf32, #tpu.memory_space<hbm>>
      %dma_start3A_130 = tpu.memref_slice %arg10[%dma_start3A_119] : memref<10x!tpu.dma_semaphore, #tpu.memory_space<semaphore_mem>> -> memref<1x!tpu.dma_semaphore, #tpu.memory_space<semaphore_mem>>
      %dma_start3A_131 = tpu.memref_squeeze %dma_start3A_130 : memref<1x!tpu.dma_semaphore, #tpu.memory_space<semaphore_mem>> -> memref<!tpu.dma_semaphore, #tpu.memory_space<semaphore_mem>>
      tpu.enqueue_indirect_dma source(%dma_start3A_129 : memref<100096x16xf32, #tpu.memory_space<hbm>>) target(%dma_start3A_123 : memref<128x16xf32, #tpu.memory_space<vmem>>) offsets(%dma_start3A_126 : memref<128xi32, #tpu.memory_space<vmem>>) semaphore(%dma_start3A_131 : memref<!tpu.dma_semaphore, #tpu.memory_space<semaphore_mem>>)
      %dma_start3A_132 = arith.constant 6 : i32
      %dma_start3A_133 = arith.constant 6 : i32
      %dma_start3A_134 = arith.constant 6 : i32
      %dma_start3A_135 = arith.constant 0 : i32
      %dma_start3A_136 = arith.constant 0 : i32
      %dma_start3A_137 = tpu.memref_slice %arg7[%dma_start3A_133, %dma_start3A_135, %dma_start3A_136] : memref<10x128x16xf32, #tpu.memory_space<vmem>> -> memref<1x128x16xf32, #tpu.memory_space<vmem>>
      %dma_start3A_138 = tpu.memref_squeeze %dma_start3A_137 : memref<1x128x16xf32, #tpu.memory_space<vmem>> -> memref<128x16xf32, #tpu.memory_space<vmem>>
      %dma_start3A_139 = arith.constant 0 : i32
      %dma_start3A_140 = tpu.memref_slice %arg5[%dma_start3A_132, %dma_start3A_139] : memref<20x128xi32, #tpu.memory_space<vmem>> -> memref<1x128xi32, #tpu.memory_space<vmem>>
      %dma_start3A_141 = tpu.memref_squeeze %dma_start3A_140 : memref<1x128xi32, #tpu.memory_space<vmem>> -> memref<128xi32, #tpu.memory_space<vmem>>
      %dma_start3A_142 = arith.constant 0 : i32
      %dma_start3A_143 = arith.constant 0 : i32
      %dma_start3A_144 = tpu.memref_slice %arg2[%dma_start3A_142, %dma_start3A_143] : memref<100096x16xf32, #tpu.memory_space<hbm>> -> memref<100096x16xf32, #tpu.memory_space<hbm>>
      %dma_start3A_145 = tpu.memref_slice %arg10[%dma_start3A_134] : memref<10x!tpu.dma_semaphore, #tpu.memory_space<semaphore_mem>> -> memref<1x!tpu.dma_semaphore, #tpu.memory_space<semaphore_mem>>
      %dma_start3A_146 = tpu.memref_squeeze %dma_start3A_145 : memref<1x!tpu.dma_semaphore, #tpu.memory_space<semaphore_mem>> -> memref<!tpu.dma_semaphore, #tpu.memory_space<semaphore_mem>>
      tpu.enqueue_indirect_dma source(%dma_start3A_144 : memref<100096x16xf32, #tpu.memory_space<hbm>>) target(%dma_start3A_138 : memref<128x16xf32, #tpu.memory_space<vmem>>) offsets(%dma_start3A_141 : memref<128xi32, #tpu.memory_space<vmem>>) semaphore(%dma_start3A_146 : memref<!tpu.dma_semaphore, #tpu.memory_space<semaphore_mem>>)
      %dma_start3A_147 = arith.constant 7 : i32
      %dma_start3A_148 = arith.constant 7 : i32
      %dma_start3A_149 = arith.constant 7 : i32
      %dma_start3A_150 = arith.constant 0 : i32
      %dma_start3A_151 = arith.constant 0 : i32
      %dma_start3A_152 = tpu.memref_slice %arg7[%dma_start3A_148, %dma_start3A_150, %dma_start3A_151] : memref<10x128x16xf32, #tpu.memory_space<vmem>> -> memref<1x128x16xf32, #tpu.memory_space<vmem>>
      %dma_start3A_153 = tpu.memref_squeeze %dma_start3A_152 : memref<1x128x16xf32, #tpu.memory_space<vmem>> -> memref<128x16xf32, #tpu.memory_space<vmem>>
      %dma_start3A_154 = arith.constant 0 : i32
      %dma_start3A_155 = tpu.memref_slice %arg5[%dma_start3A_147, %dma_start3A_154] : memref<20x128xi32, #tpu.memory_space<vmem>> -> memref<1x128xi32, #tpu.memory_space<vmem>>
      %dma_start3A_156 = tpu.memref_squeeze %dma_start3A_155 : memref<1x128xi32, #tpu.memory_space<vmem>> -> memref<128xi32, #tpu.memory_space<vmem>>
      %dma_start3A_157 = arith.constant 0 : i32
      %dma_start3A_158 = arith.constant 0 : i32
      %dma_start3A_159 = tpu.memref_slice %arg2[%dma_start3A_157, %dma_start3A_158] : memref<100096x16xf32, #tpu.memory_space<hbm>> -> memref<100096x16xf32, #tpu.memory_space<hbm>>
      %dma_start3A_160 = tpu.memref_slice %arg10[%dma_start3A_149] : memref<10x!tpu.dma_semaphore, #tpu.memory_space<semaphore_mem>> -> memref<1x!tpu.dma_semaphore, #tpu.memory_space<semaphore_mem>>
      %dma_start3A_161 = tpu.memref_squeeze %dma_start3A_160 : memref<1x!tpu.dma_semaphore, #tpu.memory_space<semaphore_mem>> -> memref<!tpu.dma_semaphore, #tpu.memory_space<semaphore_mem>>
      tpu.enqueue_indirect_dma source(%dma_start3A_159 : memref<100096x16xf32, #tpu.memory_space<hbm>>) target(%dma_start3A_153 : memref<128x16xf32, #tpu.memory_space<vmem>>) offsets(%dma_start3A_156 : memref<128xi32, #tpu.memory_space<vmem>>) semaphore(%dma_start3A_161 : memref<!tpu.dma_semaphore, #tpu.memory_space<semaphore_mem>>)
      %dma_start3A_162 = arith.constant 8 : i32
      %dma_start3A_163 = arith.constant 8 : i32
      %dma_start3A_164 = arith.constant 8 : i32
      %dma_start3A_165 = arith.constant 0 : i32
      %dma_start3A_166 = arith.constant 0 : i32
      %dma_start3A_167 = tpu.memref_slice %arg7[%dma_start3A_163, %dma_start3A_165, %dma_start3A_166] : memref<10x128x16xf32, #tpu.memory_space<vmem>> -> memref<1x128x16xf32, #tpu.memory_space<vmem>>
      %dma_start3A_168 = tpu.memref_squeeze %dma_start3A_167 : memref<1x128x16xf32, #tpu.memory_space<vmem>> -> memref<128x16xf32, #tpu.memory_space<vmem>>
      %dma_start3A_169 = arith.constant 0 : i32
      %dma_start3A_170 = tpu.memref_slice %arg5[%dma_start3A_162, %dma_start3A_169] : memref<20x128xi32, #tpu.memory_space<vmem>> -> memref<1x128xi32, #tpu.memory_space<vmem>>
      %dma_start3A_171 = tpu.memref_squeeze %dma_start3A_170 : memref<1x128xi32, #tpu.memory_space<vmem>> -> memref<128xi32, #tpu.memory_space<vmem>>
      %dma_start3A_172 = arith.constant 0 : i32
      %dma_start3A_173 = arith.constant 0 : i32
      %dma_start3A_174 = tpu.memref_slice %arg2[%dma_start3A_172, %dma_start3A_173] : memref<100096x16xf32, #tpu.memory_space<hbm>> -> memref<100096x16xf32, #tpu.memory_space<hbm>>
      %dma_start3A_175 = tpu.memref_slice %arg10[%dma_start3A_164] : memref<10x!tpu.dma_semaphore, #tpu.memory_space<semaphore_mem>> -> memref<1x!tpu.dma_semaphore, #tpu.memory_space<semaphore_mem>>
      %dma_start3A_176 = tpu.memref_squeeze %dma_start3A_175 : memref<1x!tpu.dma_semaphore, #tpu.memory_space<semaphore_mem>> -> memref<!tpu.dma_semaphore, #tpu.memory_space<semaphore_mem>>
      tpu.enqueue_indirect_dma source(%dma_start3A_174 : memref<100096x16xf32, #tpu.memory_space<hbm>>) target(%dma_start3A_168 : memref<128x16xf32, #tpu.memory_space<vmem>>) offsets(%dma_start3A_171 : memref<128xi32, #tpu.memory_space<vmem>>) semaphore(%dma_start3A_176 : memref<!tpu.dma_semaphore, #tpu.memory_space<semaphore_mem>>)
      %scan3A_177 = arith.constant 0 : i32
      %scan3A_178 = arith.constant 20 : i32
      %scan3A_179 = arith.addi %scan3A_177, %scan3A_178 : i32
      %scan3A_180 = arith.constant 1 : i32
      scf.for %scan3A_331 = %scan3A_177 to %scan3A_179 step %scan3A_180  : i32 {
        %mul3A_332 = arith.constant 1 : i32
        %mul3A_333 = arith.muli %scan3A_331, %mul3A_332 : i32
        %add3A_334 = arith.constant 0 : i32
        %add3A_335 = arith.addi %add3A_334, %mul3A_333 : i32
        %rem3A = arith.constant 10 : i32
        %rem3A_336 = arith.remsi %add3A_335, %rem3A : i32
        %dma_wait3A_337 = arith.constant 0 : i32
        %dma_wait3A_338 = arith.constant 0 : i32
        %dma_wait3A_339 = tpu.memref_slice %arg7[%rem3A_336, %dma_wait3A_337, %dma_wait3A_338] : memref<10x128x16xf32, #tpu.memory_space<vmem>> -> memref<1x128x16xf32, #tpu.memory_space<vmem>>
        %dma_wait3A_340 = tpu.memref_squeeze %dma_wait3A_339 : memref<1x128x16xf32, #tpu.memory_space<vmem>> -> memref<128x16xf32, #tpu.memory_space<vmem>>
        %dma_wait3A_341 = arith.constant 0 : i32
        %dma_wait3A_342 = tpu.memref_slice %arg5[%add3A_335, %dma_wait3A_341] : memref<20x128xi32, #tpu.memory_space<vmem>> -> memref<1x128xi32, #tpu.memory_space<vmem>>
        %dma_wait3A_343 = tpu.memref_squeeze %dma_wait3A_342 : memref<1x128xi32, #tpu.memory_space<vmem>> -> memref<128xi32, #tpu.memory_space<vmem>>
        %dma_wait3A_344 = arith.constant 0 : i32
        %dma_wait3A_345 = arith.constant 0 : i32
        %dma_wait3A_346 = tpu.memref_slice %arg2[%dma_wait3A_344, %dma_wait3A_345] : memref<100096x16xf32, #tpu.memory_space<hbm>> -> memref<100096x16xf32, #tpu.memory_space<hbm>>
        %dma_wait3A_347 = tpu.memref_slice %arg10[%rem3A_336] : memref<10x!tpu.dma_semaphore, #tpu.memory_space<semaphore_mem>> -> memref<1x!tpu.dma_semaphore, #tpu.memory_space<semaphore_mem>>
        %dma_wait3A_348 = tpu.memref_squeeze %dma_wait3A_347 : memref<1x!tpu.dma_semaphore, #tpu.memory_space<semaphore_mem>> -> memref<!tpu.dma_semaphore, #tpu.memory_space<semaphore_mem>>
        tpu.wait_indirect_dma semaphore(%dma_wait3A_348 : memref<!tpu.dma_semaphore, #tpu.memory_space<semaphore_mem>>) src(%dma_wait3A_346 : memref<100096x16xf32, #tpu.memory_space<hbm>>) dst(%dma_wait3A_340 : memref<128x16xf32, #tpu.memory_space<vmem>>)
        %dma_start3A_349 = arith.constant 0 : i32
        %dma_start3A_350 = arith.constant 0 : i32
        %dma_start3A_351 = tpu.memref_slice %arg7[%rem3A_336, %dma_start3A_349, %dma_start3A_350] : memref<10x128x16xf32, #tpu.memory_space<vmem>> -> memref<1x128x16xf32, #tpu.memory_space<vmem>>
        %dma_start3A_352 = tpu.memref_squeeze %dma_start3A_351 : memref<1x128x16xf32, #tpu.memory_space<vmem>> -> memref<128x16xf32, #tpu.memory_space<vmem>>
        %dma_start3A_353 = arith.constant 0 : i32
        %dma_start3A_354 = tpu.memref_slice %arg6[%add3A_335, %dma_start3A_353] : memref<20x128xi32, #tpu.memory_space<vmem>> -> memref<1x128xi32, #tpu.memory_space<vmem>>
        %dma_start3A_355 = tpu.memref_squeeze %dma_start3A_354 : memref<1x128xi32, #tpu.memory_space<vmem>> -> memref<128xi32, #tpu.memory_space<vmem>>
        %dma_start3A_356 = arith.constant 0 : i32
        %dma_start3A_357 = arith.constant 0 : i32
        %dma_start3A_358 = tpu.memref_slice %arg9[%dma_start3A_356, %dma_start3A_357] : memref<100096x16xf32, #tpu.memory_space<vmem_shared>> -> memref<100096x16xf32, #tpu.memory_space<vmem_shared>>
        %dma_start3A_359 = tpu.memref_slice %arg11[%rem3A_336] : memref<10x!tpu.dma_semaphore, #tpu.memory_space<semaphore_mem>> -> memref<1x!tpu.dma_semaphore, #tpu.memory_space<semaphore_mem>>
        %dma_start3A_360 = tpu.memref_squeeze %dma_start3A_359 : memref<1x!tpu.dma_semaphore, #tpu.memory_space<semaphore_mem>> -> memref<!tpu.dma_semaphore, #tpu.memory_space<semaphore_mem>>
        tpu.enqueue_indirect_dma source(%dma_start3A_352 : memref<128x16xf32, #tpu.memory_space<vmem>>) target(%dma_start3A_358 : memref<100096x16xf32, #tpu.memory_space<vmem_shared>>) offsets(%dma_start3A_355 : memref<128xi32, #tpu.memory_space<vmem>>) semaphore(%dma_start3A_360 : memref<!tpu.dma_semaphore, #tpu.memory_space<semaphore_mem>>) {add = true}
        %add3A_361 = arith.constant 9 : i32
        %add3A_362 = arith.addi %add3A_335, %add3A_361 : i32
        %lt3A_363 = arith.constant 20 : i32
        %lt3A_364 = arith.cmpi slt, %add3A_362, %lt3A_363 : i32
        %convert_element_type3A = arith.extui %lt3A_364 : i1 to i32
        %cond3A = arith.constant 0 : i32
        %cond3A_365 = arith.cmpi ne, %convert_element_type3A, %cond3A : i32
        scf.if %cond3A_365 {
          %add3A_366 = arith.constant 9 : i32
          %add3A_367 = arith.addi %add3A_335, %add3A_366 : i32
          %rem3A_368 = arith.constant 10 : i32
          %rem3A_369 = arith.remsi %add3A_367, %rem3A_368 : i32
          %ge3A = arith.constant 1 : i32
          %ge3A_370 = arith.cmpi sge, %add3A_335, %ge3A : i32
          %convert_element_type3A_371 = arith.extui %ge3A_370 : i1 to i32
          %cond3A_372 = arith.constant 0 : i32
          %cond3A_373 = arith.cmpi ne, %convert_element_type3A_371, %cond3A_372 : i32
          scf.if %cond3A_373 {
            %dma_wait3A_388 = arith.constant 0 : i32
            %dma_wait3A_389 = arith.constant 0 : i32
            %dma_wait3A_390 = tpu.memref_slice %arg7[%rem3A_369, %dma_wait3A_388, %dma_wait3A_389] : memref<10x128x16xf32, #tpu.memory_space<vmem>> -> memref<1x128x16xf32, #tpu.memory_space<vmem>>
            %dma_wait3A_391 = tpu.memref_squeeze %dma_wait3A_390 : memref<1x128x16xf32, #tpu.memory_space<vmem>> -> memref<128x16xf32, #tpu.memory_space<vmem>>
            %dma_wait3A_392 = arith.constant 0 : i32
            %dma_wait3A_393 = tpu.memref_slice %arg6[%add3A_335, %dma_wait3A_392] : memref<20x128xi32, #tpu.memory_space<vmem>> -> memref<1x128xi32, #tpu.memory_space<vmem>>
            %dma_wait3A_394 = tpu.memref_squeeze %dma_wait3A_393 : memref<1x128xi32, #tpu.memory_space<vmem>> -> memref<128xi32, #tpu.memory_space<vmem>>
            %dma_wait3A_395 = arith.constant 0 : i32
            %dma_wait3A_396 = arith.constant 0 : i32
            %dma_wait3A_397 = tpu.memref_slice %arg9[%dma_wait3A_395, %dma_wait3A_396] : memref<100096x16xf32, #tpu.memory_space<vmem_shared>> -> memref<100096x16xf32, #tpu.memory_space<vmem_shared>>
            %dma_wait3A_398 = tpu.memref_slice %arg11[%rem3A_369] : memref<10x!tpu.dma_semaphore, #tpu.memory_space<semaphore_mem>> -> memref<1x!tpu.dma_semaphore, #tpu.memory_space<semaphore_mem>>
            %dma_wait3A_399 = tpu.memref_squeeze %dma_wait3A_398 : memref<1x!tpu.dma_semaphore, #tpu.memory_space<semaphore_mem>> -> memref<!tpu.dma_semaphore, #tpu.memory_space<semaphore_mem>>
            tpu.wait_indirect_dma semaphore(%dma_wait3A_399 : memref<!tpu.dma_semaphore, #tpu.memory_space<semaphore_mem>>) src(%dma_wait3A_391 : memref<128x16xf32, #tpu.memory_space<vmem>>) dst(%dma_wait3A_397 : memref<100096x16xf32, #tpu.memory_space<vmem_shared>>)
          } else {
          }
          %add3A_374 = arith.constant 9 : i32
          %add3A_375 = arith.addi %add3A_335, %add3A_374 : i32
          %dma_start3A_376 = arith.constant 0 : i32
          %dma_start3A_377 = arith.constant 0 : i32
          %dma_start3A_378 = tpu.memref_slice %arg7[%rem3A_369, %dma_start3A_376, %dma_start3A_377] : memref<10x128x16xf32, #tpu.memory_space<vmem>> -> memref<1x128x16xf32, #tpu.memory_space<vmem>>
          %dma_start3A_379 = tpu.memref_squeeze %dma_start3A_378 : memref<1x128x16xf32, #tpu.memory_space<vmem>> -> memref<128x16xf32, #tpu.memory_space<vmem>>
          %dma_start3A_380 = arith.constant 0 : i32
          %dma_start3A_381 = tpu.memref_slice %arg5[%add3A_375, %dma_start3A_380] : memref<20x128xi32, #tpu.memory_space<vmem>> -> memref<1x128xi32, #tpu.memory_space<vmem>>
          %dma_start3A_382 = tpu.memref_squeeze %dma_start3A_381 : memref<1x128xi32, #tpu.memory_space<vmem>> -> memref<128xi32, #tpu.memory_space<vmem>>
          %dma_start3A_383 = arith.constant 0 : i32
          %dma_start3A_384 = arith.constant 0 : i32
          %dma_start3A_385 = tpu.memref_slice %arg2[%dma_start3A_383, %dma_start3A_384] : memref<100096x16xf32, #tpu.memory_space<hbm>> -> memref<100096x16xf32, #tpu.memory_space<hbm>>
          %dma_start3A_386 = tpu.memref_slice %arg10[%rem3A_369] : memref<10x!tpu.dma_semaphore, #tpu.memory_space<semaphore_mem>> -> memref<1x!tpu.dma_semaphore, #tpu.memory_space<semaphore_mem>>
          %dma_start3A_387 = tpu.memref_squeeze %dma_start3A_386 : memref<1x!tpu.dma_semaphore, #tpu.memory_space<semaphore_mem>> -> memref<!tpu.dma_semaphore, #tpu.memory_space<semaphore_mem>>
          tpu.enqueue_indirect_dma source(%dma_start3A_385 : memref<100096x16xf32, #tpu.memory_space<hbm>>) target(%dma_start3A_379 : memref<128x16xf32, #tpu.memory_space<vmem>>) offsets(%dma_start3A_382 : memref<128xi32, #tpu.memory_space<vmem>>) semaphore(%dma_start3A_387 : memref<!tpu.dma_semaphore, #tpu.memory_space<semaphore_mem>>)
        } else {
        }
      }
      %scan3A_181 = arith.constant 20 : i32
      %dma_wait3A = arith.constant 0 : i32
      %dma_wait3A_182 = arith.constant 0 : i32
      %dma_wait3A_183 = arith.constant 0 : i32
      %dma_wait3A_184 = arith.constant 0 : i32
      %dma_wait3A_185 = arith.constant 0 : i32
      %dma_wait3A_186 = tpu.memref_slice %arg7[%dma_wait3A, %dma_wait3A_184, %dma_wait3A_185] : memref<10x128x16xf32, #tpu.memory_space<vmem>> -> memref<1x128x16xf32, #tpu.memory_space<vmem>>
      %dma_wait3A_187 = tpu.memref_squeeze %dma_wait3A_186 : memref<1x128x16xf32, #tpu.memory_space<vmem>> -> memref<128x16xf32, #tpu.memory_space<vmem>>
      %dma_wait3A_188 = arith.constant 0 : i32
      %dma_wait3A_189 = tpu.memref_slice %arg6[%dma_wait3A_182, %dma_wait3A_188] : memref<20x128xi32, #tpu.memory_space<vmem>> -> memref<1x128xi32, #tpu.memory_space<vmem>>
      %dma_wait3A_190 = tpu.memref_squeeze %dma_wait3A_189 : memref<1x128xi32, #tpu.memory_space<vmem>> -> memref<128xi32, #tpu.memory_space<vmem>>
      %dma_wait3A_191 = arith.constant 0 : i32
      %dma_wait3A_192 = arith.constant 0 : i32
      %dma_wait3A_193 = tpu.memref_slice %arg9[%dma_wait3A_191, %dma_wait3A_192] : memref<100096x16xf32, #tpu.memory_space<vmem_shared>> -> memref<100096x16xf32, #tpu.memory_space<vmem_shared>>
      %dma_wait3A_194 = tpu.memref_slice %arg11[%dma_wait3A_183] : memref<10x!tpu.dma_semaphore, #tpu.memory_space<semaphore_mem>> -> memref<1x!tpu.dma_semaphore, #tpu.memory_space<semaphore_mem>>
      %dma_wait3A_195 = tpu.memref_squeeze %dma_wait3A_194 : memref<1x!tpu.dma_semaphore, #tpu.memory_space<semaphore_mem>> -> memref<!tpu.dma_semaphore, #tpu.memory_space<semaphore_mem>>
      tpu.wait_indirect_dma semaphore(%dma_wait3A_195 : memref<!tpu.dma_semaphore, #tpu.memory_space<semaphore_mem>>) src(%dma_wait3A_187 : memref<128x16xf32, #tpu.memory_space<vmem>>) dst(%dma_wait3A_193 : memref<100096x16xf32, #tpu.memory_space<vmem_shared>>)
      %dma_wait3A_196 = arith.constant 1 : i32
      %dma_wait3A_197 = arith.constant 0 : i32
      %dma_wait3A_198 = arith.constant 1 : i32
      %dma_wait3A_199 = arith.constant 0 : i32
      %dma_wait3A_200 = arith.constant 0 : i32
      %dma_wait3A_201 = tpu.memref_slice %arg7[%dma_wait3A_196, %dma_wait3A_199, %dma_wait3A_200] : memref<10x128x16xf32, #tpu.memory_space<vmem>> -> memref<1x128x16xf32, #tpu.memory_space<vmem>>
      %dma_wait3A_202 = tpu.memref_squeeze %dma_wait3A_201 : memref<1x128x16xf32, #tpu.memory_space<vmem>> -> memref<128x16xf32, #tpu.memory_space<vmem>>
      %dma_wait3A_203 = arith.constant 0 : i32
      %dma_wait3A_204 = tpu.memref_slice %arg6[%dma_wait3A_197, %dma_wait3A_203] : memref<20x128xi32, #tpu.memory_space<vmem>> -> memref<1x128xi32, #tpu.memory_space<vmem>>
      %dma_wait3A_205 = tpu.memref_squeeze %dma_wait3A_204 : memref<1x128xi32, #tpu.memory_space<vmem>> -> memref<128xi32, #tpu.memory_space<vmem>>
      %dma_wait3A_206 = arith.constant 0 : i32
      %dma_wait3A_207 = arith.constant 0 : i32
      %dma_wait3A_208 = tpu.memref_slice %arg9[%dma_wait3A_206, %dma_wait3A_207] : memref<100096x16xf32, #tpu.memory_space<vmem_shared>> -> memref<100096x16xf32, #tpu.memory_space<vmem_shared>>
      %dma_wait3A_209 = tpu.memref_slice %arg11[%dma_wait3A_198] : memref<10x!tpu.dma_semaphore, #tpu.memory_space<semaphore_mem>> -> memref<1x!tpu.dma_semaphore, #tpu.memory_space<semaphore_mem>>
      %dma_wait3A_210 = tpu.memref_squeeze %dma_wait3A_209 : memref<1x!tpu.dma_semaphore, #tpu.memory_space<semaphore_mem>> -> memref<!tpu.dma_semaphore, #tpu.memory_space<semaphore_mem>>
      tpu.wait_indirect_dma semaphore(%dma_wait3A_210 : memref<!tpu.dma_semaphore, #tpu.memory_space<semaphore_mem>>) src(%dma_wait3A_202 : memref<128x16xf32, #tpu.memory_space<vmem>>) dst(%dma_wait3A_208 : memref<100096x16xf32, #tpu.memory_space<vmem_shared>>)
      %dma_wait3A_211 = arith.constant 2 : i32
      %dma_wait3A_212 = arith.constant 0 : i32
      %dma_wait3A_213 = arith.constant 2 : i32
      %dma_wait3A_214 = arith.constant 0 : i32
      %dma_wait3A_215 = arith.constant 0 : i32
      %dma_wait3A_216 = tpu.memref_slice %arg7[%dma_wait3A_211, %dma_wait3A_214, %dma_wait3A_215] : memref<10x128x16xf32, #tpu.memory_space<vmem>> -> memref<1x128x16xf32, #tpu.memory_space<vmem>>
      %dma_wait3A_217 = tpu.memref_squeeze %dma_wait3A_216 : memref<1x128x16xf32, #tpu.memory_space<vmem>> -> memref<128x16xf32, #tpu.memory_space<vmem>>
      %dma_wait3A_218 = arith.constant 0 : i32
      %dma_wait3A_219 = tpu.memref_slice %arg6[%dma_wait3A_212, %dma_wait3A_218] : memref<20x128xi32, #tpu.memory_space<vmem>> -> memref<1x128xi32, #tpu.memory_space<vmem>>
      %dma_wait3A_220 = tpu.memref_squeeze %dma_wait3A_219 : memref<1x128xi32, #tpu.memory_space<vmem>> -> memref<128xi32, #tpu.memory_space<vmem>>
      %dma_wait3A_221 = arith.constant 0 : i32
      %dma_wait3A_222 = arith.constant 0 : i32
      %dma_wait3A_223 = tpu.memref_slice %arg9[%dma_wait3A_221, %dma_wait3A_222] : memref<100096x16xf32, #tpu.memory_space<vmem_shared>> -> memref<100096x16xf32, #tpu.memory_space<vmem_shared>>
      %dma_wait3A_224 = tpu.memref_slice %arg11[%dma_wait3A_213] : memref<10x!tpu.dma_semaphore, #tpu.memory_space<semaphore_mem>> -> memref<1x!tpu.dma_semaphore, #tpu.memory_space<semaphore_mem>>
      %dma_wait3A_225 = tpu.memref_squeeze %dma_wait3A_224 : memref<1x!tpu.dma_semaphore, #tpu.memory_space<semaphore_mem>> -> memref<!tpu.dma_semaphore, #tpu.memory_space<semaphore_mem>>
      tpu.wait_indirect_dma semaphore(%dma_wait3A_225 : memref<!tpu.dma_semaphore, #tpu.memory_space<semaphore_mem>>) src(%dma_wait3A_217 : memref<128x16xf32, #tpu.memory_space<vmem>>) dst(%dma_wait3A_223 : memref<100096x16xf32, #tpu.memory_space<vmem_shared>>)
      %dma_wait3A_226 = arith.constant 3 : i32
      %dma_wait3A_227 = arith.constant 0 : i32
      %dma_wait3A_228 = arith.constant 3 : i32
      %dma_wait3A_229 = arith.constant 0 : i32
      %dma_wait3A_230 = arith.constant 0 : i32
      %dma_wait3A_231 = tpu.memref_slice %arg7[%dma_wait3A_226, %dma_wait3A_229, %dma_wait3A_230] : memref<10x128x16xf32, #tpu.memory_space<vmem>> -> memref<1x128x16xf32, #tpu.memory_space<vmem>>
      %dma_wait3A_232 = tpu.memref_squeeze %dma_wait3A_231 : memref<1x128x16xf32, #tpu.memory_space<vmem>> -> memref<128x16xf32, #tpu.memory_space<vmem>>
      %dma_wait3A_233 = arith.constant 0 : i32
      %dma_wait3A_234 = tpu.memref_slice %arg6[%dma_wait3A_227, %dma_wait3A_233] : memref<20x128xi32, #tpu.memory_space<vmem>> -> memref<1x128xi32, #tpu.memory_space<vmem>>
      %dma_wait3A_235 = tpu.memref_squeeze %dma_wait3A_234 : memref<1x128xi32, #tpu.memory_space<vmem>> -> memref<128xi32, #tpu.memory_space<vmem>>
      %dma_wait3A_236 = arith.constant 0 : i32
      %dma_wait3A_237 = arith.constant 0 : i32
      %dma_wait3A_238 = tpu.memref_slice %arg9[%dma_wait3A_236, %dma_wait3A_237] : memref<100096x16xf32, #tpu.memory_space<vmem_shared>> -> memref<100096x16xf32, #tpu.memory_space<vmem_shared>>
      %dma_wait3A_239 = tpu.memref_slice %arg11[%dma_wait3A_228] : memref<10x!tpu.dma_semaphore, #tpu.memory_space<semaphore_mem>> -> memref<1x!tpu.dma_semaphore, #tpu.memory_space<semaphore_mem>>
      %dma_wait3A_240 = tpu.memref_squeeze %dma_wait3A_239 : memref<1x!tpu.dma_semaphore, #tpu.memory_space<semaphore_mem>> -> memref<!tpu.dma_semaphore, #tpu.memory_space<semaphore_mem>>
      tpu.wait_indirect_dma semaphore(%dma_wait3A_240 : memref<!tpu.dma_semaphore, #tpu.memory_space<semaphore_mem>>) src(%dma_wait3A_232 : memref<128x16xf32, #tpu.memory_space<vmem>>) dst(%dma_wait3A_238 : memref<100096x16xf32, #tpu.memory_space<vmem_shared>>)
      %dma_wait3A_241 = arith.constant 4 : i32
      %dma_wait3A_242 = arith.constant 0 : i32
      %dma_wait3A_243 = arith.constant 4 : i32
      %dma_wait3A_244 = arith.constant 0 : i32
      %dma_wait3A_245 = arith.constant 0 : i32
      %dma_wait3A_246 = tpu.memref_slice %arg7[%dma_wait3A_241, %dma_wait3A_244, %dma_wait3A_245] : memref<10x128x16xf32, #tpu.memory_space<vmem>> -> memref<1x128x16xf32, #tpu.memory_space<vmem>>
      %dma_wait3A_247 = tpu.memref_squeeze %dma_wait3A_246 : memref<1x128x16xf32, #tpu.memory_space<vmem>> -> memref<128x16xf32, #tpu.memory_space<vmem>>
      %dma_wait3A_248 = arith.constant 0 : i32
      %dma_wait3A_249 = tpu.memref_slice %arg6[%dma_wait3A_242, %dma_wait3A_248] : memref<20x128xi32, #tpu.memory_space<vmem>> -> memref<1x128xi32, #tpu.memory_space<vmem>>
      %dma_wait3A_250 = tpu.memref_squeeze %dma_wait3A_249 : memref<1x128xi32, #tpu.memory_space<vmem>> -> memref<128xi32, #tpu.memory_space<vmem>>
      %dma_wait3A_251 = arith.constant 0 : i32
      %dma_wait3A_252 = arith.constant 0 : i32
      %dma_wait3A_253 = tpu.memref_slice %arg9[%dma_wait3A_251, %dma_wait3A_252] : memref<100096x16xf32, #tpu.memory_space<vmem_shared>> -> memref<100096x16xf32, #tpu.memory_space<vmem_shared>>
      %dma_wait3A_254 = tpu.memref_slice %arg11[%dma_wait3A_243] : memref<10x!tpu.dma_semaphore, #tpu.memory_space<semaphore_mem>> -> memref<1x!tpu.dma_semaphore, #tpu.memory_space<semaphore_mem>>
      %dma_wait3A_255 = tpu.memref_squeeze %dma_wait3A_254 : memref<1x!tpu.dma_semaphore, #tpu.memory_space<semaphore_mem>> -> memref<!tpu.dma_semaphore, #tpu.memory_space<semaphore_mem>>
      tpu.wait_indirect_dma semaphore(%dma_wait3A_255 : memref<!tpu.dma_semaphore, #tpu.memory_space<semaphore_mem>>) src(%dma_wait3A_247 : memref<128x16xf32, #tpu.memory_space<vmem>>) dst(%dma_wait3A_253 : memref<100096x16xf32, #tpu.memory_space<vmem_shared>>)
      %dma_wait3A_256 = arith.constant 5 : i32
      %dma_wait3A_257 = arith.constant 0 : i32
      %dma_wait3A_258 = arith.constant 5 : i32
      %dma_wait3A_259 = arith.constant 0 : i32
      %dma_wait3A_260 = arith.constant 0 : i32
      %dma_wait3A_261 = tpu.memref_slice %arg7[%dma_wait3A_256, %dma_wait3A_259, %dma_wait3A_260] : memref<10x128x16xf32, #tpu.memory_space<vmem>> -> memref<1x128x16xf32, #tpu.memory_space<vmem>>
      %dma_wait3A_262 = tpu.memref_squeeze %dma_wait3A_261 : memref<1x128x16xf32, #tpu.memory_space<vmem>> -> memref<128x16xf32, #tpu.memory_space<vmem>>
      %dma_wait3A_263 = arith.constant 0 : i32
      %dma_wait3A_264 = tpu.memref_slice %arg6[%dma_wait3A_257, %dma_wait3A_263] : memref<20x128xi32, #tpu.memory_space<vmem>> -> memref<1x128xi32, #tpu.memory_space<vmem>>
      %dma_wait3A_265 = tpu.memref_squeeze %dma_wait3A_264 : memref<1x128xi32, #tpu.memory_space<vmem>> -> memref<128xi32, #tpu.memory_space<vmem>>
      %dma_wait3A_266 = arith.constant 0 : i32
      %dma_wait3A_267 = arith.constant 0 : i32
      %dma_wait3A_268 = tpu.memref_slice %arg9[%dma_wait3A_266, %dma_wait3A_267] : memref<100096x16xf32, #tpu.memory_space<vmem_shared>> -> memref<100096x16xf32, #tpu.memory_space<vmem_shared>>
      %dma_wait3A_269 = tpu.memref_slice %arg11[%dma_wait3A_258] : memref<10x!tpu.dma_semaphore, #tpu.memory_space<semaphore_mem>> -> memref<1x!tpu.dma_semaphore, #tpu.memory_space<semaphore_mem>>
      %dma_wait3A_270 = tpu.memref_squeeze %dma_wait3A_269 : memref<1x!tpu.dma_semaphore, #tpu.memory_space<semaphore_mem>> -> memref<!tpu.dma_semaphore, #tpu.memory_space<semaphore_mem>>
      tpu.wait_indirect_dma semaphore(%dma_wait3A_270 : memref<!tpu.dma_semaphore, #tpu.memory_space<semaphore_mem>>) src(%dma_wait3A_262 : memref<128x16xf32, #tpu.memory_space<vmem>>) dst(%dma_wait3A_268 : memref<100096x16xf32, #tpu.memory_space<vmem_shared>>)
      %dma_wait3A_271 = arith.constant 6 : i32
      %dma_wait3A_272 = arith.constant 0 : i32
      %dma_wait3A_273 = arith.constant 6 : i32
      %dma_wait3A_274 = arith.constant 0 : i32
      %dma_wait3A_275 = arith.constant 0 : i32
      %dma_wait3A_276 = tpu.memref_slice %arg7[%dma_wait3A_271, %dma_wait3A_274, %dma_wait3A_275] : memref<10x128x16xf32, #tpu.memory_space<vmem>> -> memref<1x128x16xf32, #tpu.memory_space<vmem>>
      %dma_wait3A_277 = tpu.memref_squeeze %dma_wait3A_276 : memref<1x128x16xf32, #tpu.memory_space<vmem>> -> memref<128x16xf32, #tpu.memory_space<vmem>>
      %dma_wait3A_278 = arith.constant 0 : i32
      %dma_wait3A_279 = tpu.memref_slice %arg6[%dma_wait3A_272, %dma_wait3A_278] : memref<20x128xi32, #tpu.memory_space<vmem>> -> memref<1x128xi32, #tpu.memory_space<vmem>>
      %dma_wait3A_280 = tpu.memref_squeeze %dma_wait3A_279 : memref<1x128xi32, #tpu.memory_space<vmem>> -> memref<128xi32, #tpu.memory_space<vmem>>
      %dma_wait3A_281 = arith.constant 0 : i32
      %dma_wait3A_282 = arith.constant 0 : i32
      %dma_wait3A_283 = tpu.memref_slice %arg9[%dma_wait3A_281, %dma_wait3A_282] : memref<100096x16xf32, #tpu.memory_space<vmem_shared>> -> memref<100096x16xf32, #tpu.memory_space<vmem_shared>>
      %dma_wait3A_284 = tpu.memref_slice %arg11[%dma_wait3A_273] : memref<10x!tpu.dma_semaphore, #tpu.memory_space<semaphore_mem>> -> memref<1x!tpu.dma_semaphore, #tpu.memory_space<semaphore_mem>>
      %dma_wait3A_285 = tpu.memref_squeeze %dma_wait3A_284 : memref<1x!tpu.dma_semaphore, #tpu.memory_space<semaphore_mem>> -> memref<!tpu.dma_semaphore, #tpu.memory_space<semaphore_mem>>
      tpu.wait_indirect_dma semaphore(%dma_wait3A_285 : memref<!tpu.dma_semaphore, #tpu.memory_space<semaphore_mem>>) src(%dma_wait3A_277 : memref<128x16xf32, #tpu.memory_space<vmem>>) dst(%dma_wait3A_283 : memref<100096x16xf32, #tpu.memory_space<vmem_shared>>)
      %dma_wait3A_286 = arith.constant 7 : i32
      %dma_wait3A_287 = arith.constant 0 : i32
      %dma_wait3A_288 = arith.constant 7 : i32
      %dma_wait3A_289 = arith.constant 0 : i32
      %dma_wait3A_290 = arith.constant 0 : i32
      %dma_wait3A_291 = tpu.memref_slice %arg7[%dma_wait3A_286, %dma_wait3A_289, %dma_wait3A_290] : memref<10x128x16xf32, #tpu.memory_space<vmem>> -> memref<1x128x16xf32, #tpu.memory_space<vmem>>
      %dma_wait3A_292 = tpu.memref_squeeze %dma_wait3A_291 : memref<1x128x16xf32, #tpu.memory_space<vmem>> -> memref<128x16xf32, #tpu.memory_space<vmem>>
      %dma_wait3A_293 = arith.constant 0 : i32
      %dma_wait3A_294 = tpu.memref_slice %arg6[%dma_wait3A_287, %dma_wait3A_293] : memref<20x128xi32, #tpu.memory_space<vmem>> -> memref<1x128xi32, #tpu.memory_space<vmem>>
      %dma_wait3A_295 = tpu.memref_squeeze %dma_wait3A_294 : memref<1x128xi32, #tpu.memory_space<vmem>> -> memref<128xi32, #tpu.memory_space<vmem>>
      %dma_wait3A_296 = arith.constant 0 : i32
      %dma_wait3A_297 = arith.constant 0 : i32
      %dma_wait3A_298 = tpu.memref_slice %arg9[%dma_wait3A_296, %dma_wait3A_297] : memref<100096x16xf32, #tpu.memory_space<vmem_shared>> -> memref<100096x16xf32, #tpu.memory_space<vmem_shared>>
      %dma_wait3A_299 = tpu.memref_slice %arg11[%dma_wait3A_288] : memref<10x!tpu.dma_semaphore, #tpu.memory_space<semaphore_mem>> -> memref<1x!tpu.dma_semaphore, #tpu.memory_space<semaphore_mem>>
      %dma_wait3A_300 = tpu.memref_squeeze %dma_wait3A_299 : memref<1x!tpu.dma_semaphore, #tpu.memory_space<semaphore_mem>> -> memref<!tpu.dma_semaphore, #tpu.memory_space<semaphore_mem>>
      tpu.wait_indirect_dma semaphore(%dma_wait3A_300 : memref<!tpu.dma_semaphore, #tpu.memory_space<semaphore_mem>>) src(%dma_wait3A_292 : memref<128x16xf32, #tpu.memory_space<vmem>>) dst(%dma_wait3A_298 : memref<100096x16xf32, #tpu.memory_space<vmem_shared>>)
      %dma_wait3A_301 = arith.constant 8 : i32
      %dma_wait3A_302 = arith.constant 0 : i32
      %dma_wait3A_303 = arith.constant 8 : i32
      %dma_wait3A_304 = arith.constant 0 : i32
      %dma_wait3A_305 = arith.constant 0 : i32
      %dma_wait3A_306 = tpu.memref_slice %arg7[%dma_wait3A_301, %dma_wait3A_304, %dma_wait3A_305] : memref<10x128x16xf32, #tpu.memory_space<vmem>> -> memref<1x128x16xf32, #tpu.memory_space<vmem>>
      %dma_wait3A_307 = tpu.memref_squeeze %dma_wait3A_306 : memref<1x128x16xf32, #tpu.memory_space<vmem>> -> memref<128x16xf32, #tpu.memory_space<vmem>>
      %dma_wait3A_308 = arith.constant 0 : i32
      %dma_wait3A_309 = tpu.memref_slice %arg6[%dma_wait3A_302, %dma_wait3A_308] : memref<20x128xi32, #tpu.memory_space<vmem>> -> memref<1x128xi32, #tpu.memory_space<vmem>>
      %dma_wait3A_310 = tpu.memref_squeeze %dma_wait3A_309 : memref<1x128xi32, #tpu.memory_space<vmem>> -> memref<128xi32, #tpu.memory_space<vmem>>
      %dma_wait3A_311 = arith.constant 0 : i32
      %dma_wait3A_312 = arith.constant 0 : i32
      %dma_wait3A_313 = tpu.memref_slice %arg9[%dma_wait3A_311, %dma_wait3A_312] : memref<100096x16xf32, #tpu.memory_space<vmem_shared>> -> memref<100096x16xf32, #tpu.memory_space<vmem_shared>>
      %dma_wait3A_314 = tpu.memref_slice %arg11[%dma_wait3A_303] : memref<10x!tpu.dma_semaphore, #tpu.memory_space<semaphore_mem>> -> memref<1x!tpu.dma_semaphore, #tpu.memory_space<semaphore_mem>>
      %dma_wait3A_315 = tpu.memref_squeeze %dma_wait3A_314 : memref<1x!tpu.dma_semaphore, #tpu.memory_space<semaphore_mem>> -> memref<!tpu.dma_semaphore, #tpu.memory_space<semaphore_mem>>
      tpu.wait_indirect_dma semaphore(%dma_wait3A_315 : memref<!tpu.dma_semaphore, #tpu.memory_space<semaphore_mem>>) src(%dma_wait3A_307 : memref<128x16xf32, #tpu.memory_space<vmem>>) dst(%dma_wait3A_313 : memref<100096x16xf32, #tpu.memory_space<vmem_shared>>)
      %dma_wait3A_316 = arith.constant 9 : i32
      %dma_wait3A_317 = arith.constant 0 : i32
      %dma_wait3A_318 = arith.constant 9 : i32
      %dma_wait3A_319 = arith.constant 0 : i32
      %dma_wait3A_320 = arith.constant 0 : i32
      %dma_wait3A_321 = tpu.memref_slice %arg7[%dma_wait3A_316, %dma_wait3A_319, %dma_wait3A_320] : memref<10x128x16xf32, #tpu.memory_space<vmem>> -> memref<1x128x16xf32, #tpu.memory_space<vmem>>
      %dma_wait3A_322 = tpu.memref_squeeze %dma_wait3A_321 : memref<1x128x16xf32, #tpu.memory_space<vmem>> -> memref<128x16xf32, #tpu.memory_space<vmem>>
      %dma_wait3A_323 = arith.constant 0 : i32
      %dma_wait3A_324 = tpu.memref_slice %arg6[%dma_wait3A_317, %dma_wait3A_323] : memref<20x128xi32, #tpu.memory_space<vmem>> -> memref<1x128xi32, #tpu.memory_space<vmem>>
      %dma_wait3A_325 = tpu.memref_squeeze %dma_wait3A_324 : memref<1x128xi32, #tpu.memory_space<vmem>> -> memref<128xi32, #tpu.memory_space<vmem>>
      %dma_wait3A_326 = arith.constant 0 : i32
      %dma_wait3A_327 = arith.constant 0 : i32
      %dma_wait3A_328 = tpu.memref_slice %arg9[%dma_wait3A_326, %dma_wait3A_327] : memref<100096x16xf32, #tpu.memory_space<vmem_shared>> -> memref<100096x16xf32, #tpu.memory_space<vmem_shared>>
      %dma_wait3A_329 = tpu.memref_slice %arg11[%dma_wait3A_318] : memref<10x!tpu.dma_semaphore, #tpu.memory_space<semaphore_mem>> -> memref<1x!tpu.dma_semaphore, #tpu.memory_space<semaphore_mem>>
      %dma_wait3A_330 = tpu.memref_squeeze %dma_wait3A_329 : memref<1x!tpu.dma_semaphore, #tpu.memory_space<semaphore_mem>> -> memref<!tpu.dma_semaphore, #tpu.memory_space<semaphore_mem>>
      tpu.wait_indirect_dma semaphore(%dma_wait3A_330 : memref<!tpu.dma_semaphore, #tpu.memory_space<semaphore_mem>>) src(%dma_wait3A_322 : memref<128x16xf32, #tpu.memory_space<vmem>>) dst(%dma_wait3A_328 : memref<100096x16xf32, #tpu.memory_space<vmem_shared>>)
    }
    %barrier3A_34 = arith.constant 0 : index
    tpu.barrier barrier_id(%barrier3A_34)
    %mul3A_35 = arith.constant 6256 : i32
    %mul3A_36 = arith.muli %arg1, %mul3A_35 : i32
    %mul3A_37 = arith.constant 6256 : i32
    %mul3A_38 = arith.muli %arg1, %mul3A_37 : i32
    "tpu.region"() ({
      %run_scoped3A = tpu.sem_alloc : memref<!tpu.dma_semaphore, #tpu.memory_space<semaphore_mem>>
      %dma_start3A = arith.constant 0 : i32
      %dma_start3A_39 = tpu.memref_slice %arg4[%arg0, %mul3A_38, %dma_start3A] : memref<2x100096x16xf32, #tpu.memory_space<hbm>> -> memref<1x6256x16xf32, #tpu.memory_space<hbm>>
      %dma_start3A_40 = tpu.memref_squeeze %dma_start3A_39 : memref<1x6256x16xf32, #tpu.memory_space<hbm>> -> memref<6256x16xf32, #tpu.memory_space<hbm>>
      %dma_start3A_41 = arith.constant 0 : i32
      %dma_start3A_42 = tpu.memref_slice %arg9[%mul3A_36, %dma_start3A_41] : memref<100096x16xf32, #tpu.memory_space<vmem_shared>> -> memref<6256x16xf32, #tpu.memory_space<vmem_shared>>
      tpu.enqueue_dma source(%dma_start3A_42 : memref<6256x16xf32, #tpu.memory_space<vmem_shared>>) target(%dma_start3A_40 : memref<6256x16xf32, #tpu.memory_space<hbm>>) target_semaphore(%run_scoped3A : memref<!tpu.dma_semaphore, #tpu.memory_space<semaphore_mem>>)
      %dma_wait3A = arith.constant 0 : i32
      %dma_wait3A_43 = tpu.memref_slice %arg4[%arg0, %mul3A_38, %dma_wait3A] : memref<2x100096x16xf32, #tpu.memory_space<hbm>> -> memref<1x6256x16xf32, #tpu.memory_space<hbm>>
      %dma_wait3A_44 = tpu.memref_squeeze %dma_wait3A_43 : memref<1x6256x16xf32, #tpu.memory_space<hbm>> -> memref<6256x16xf32, #tpu.memory_space<hbm>>
      %dma_wait3A_45 = arith.constant 0 : i32
      %dma_wait3A_46 = tpu.memref_slice %arg9[%mul3A_36, %dma_wait3A_45] : memref<100096x16xf32, #tpu.memory_space<vmem_shared>> -> memref<6256x16xf32, #tpu.memory_space<vmem_shared>>
      tpu.wait_dma2 semaphore(%run_scoped3A : memref<!tpu.dma_semaphore, #tpu.memory_space<semaphore_mem>>) src(%dma_wait3A_46 : memref<6256x16xf32, #tpu.memory_space<vmem_shared>>) dst(%dma_wait3A_44 : memref<6256x16xf32, #tpu.memory_space<hbm>>)
      tpu.yield
    }) : () -> ()
    return
  }
}

module attributes {stable_mosaic.version = 14 : i64} {
  func.func @body(%arg0: i32, %arg1: memref<2x3128x128xf32, #tpu.memory_space<vmem>>, %arg2: memref<3128x128xf32, #tpu.memory_space<vmem>>, %arg3: memref<3128x128xf32, #tpu.memory_space<vmem>>, %arg4: memref<3128x128xf32, #tpu.memory_space<vmem>>) attributes {dimension_semantics = [#tpu.dimension_semantics<arbitrary>], iteration_bounds = array<i64: 4>, scalar_prefetch = 0 : i64, scratch_operands = 0 : i64, tpu.core_type = #tpu.core_type<tc>, window_params = [{transform_indices = @transform_0, window_bounds = array<i64: 2, 3128, 128>}, {transform_indices = @transform_1, window_bounds = array<i64: 3128, 128>}, {transform_indices = @transform_2, window_bounds = array<i64: 3128, 128>}, {transform_indices = @transform_3, window_bounds = array<i64: 3128, 128>}]} {
    %get3A = arith.constant 0 : index
    %get3A_0 = arith.constant 0 : index
    %get3A_1 = arith.constant 0 : index
    %get3A_2 = vector.load %arg1[%get3A, %get3A_0, %get3A_1] : memref<2x3128x128xf32, #tpu.memory_space<vmem>>, vector<1x3128x128xf32>
    %get3A_3 = vector.shape_cast %get3A_2 : vector<1x3128x128xf32> to vector<3128x128xf32>
    %get3A_4 = arith.constant 1 : index
    %get3A_5 = arith.constant 0 : index
    %get3A_6 = arith.constant 0 : index
    %get3A_7 = vector.load %arg1[%get3A_4, %get3A_5, %get3A_6] : memref<2x3128x128xf32, #tpu.memory_space<vmem>>, vector<1x3128x128xf32>
    %get3A_8 = vector.shape_cast %get3A_7 : vector<1x3128x128xf32> to vector<3128x128xf32>
    %add3A = arith.addf %get3A_3, %get3A_8 : vector<3128x128xf32>
    %add3A_9 = arith.constant 1.000000e+00 : f32
    %add3A_10 = vector.broadcast %add3A_9 : f32 to vector<3128x128xf32>
    %add3A_11 = arith.addf %add3A, %add3A_10 : vector<3128x128xf32>
    %rsqrt3A = math.rsqrt %add3A_11 : vector<3128x128xf32>
    %swap3A = arith.constant 0 : index
    %swap3A_12 = arith.constant 0 : index
    %swap3A_13 = vector.load %arg3[%swap3A, %swap3A_12] : memref<3128x128xf32, #tpu.memory_space<vmem>>, vector<3128x128xf32>
    tpu.vector_store %arg3[%swap3A, %swap3A_12], %rsqrt3A {strides = array<i32>} : memref<3128x128xf32, #tpu.memory_space<vmem>>, vector<3128x128xf32>,
    %get3A_14 = arith.constant 0 : index
    %get3A_15 = arith.constant 0 : index
    %get3A_16 = vector.load %arg2[%get3A_14, %get3A_15] : memref<3128x128xf32, #tpu.memory_space<vmem>>, vector<3128x128xf32>
    %mul3A = arith.mulf %rsqrt3A, %get3A_16 : vector<3128x128xf32>
    %swap3A_17 = arith.constant 0 : index
    %swap3A_18 = arith.constant 0 : index
    %swap3A_19 = vector.load %arg4[%swap3A_17, %swap3A_18] : memref<3128x128xf32, #tpu.memory_space<vmem>>, vector<3128x128xf32>
    tpu.vector_store %arg4[%swap3A_17, %swap3A_18], %mul3A {strides = array<i32>} : memref<3128x128xf32, #tpu.memory_space<vmem>>, vector<3128x128xf32>,
    return
  }
  func.func @transform_0(%arg0: i32) -> (i32, i32, i32) {
    %c0_i32 = arith.constant 0 : i32
    %c0_i32_0 = arith.constant 0 : i32
    %c0_i32_1 = arith.constant 0 : i32
    return %c0_i32, %arg0, %c0_i32_0 : i32, i32, i32
  }
  func.func @transform_1(%arg0: i32) -> (i32, i32) {
    %c0_i32 = arith.constant 0 : i32
    %c0_i32_0 = arith.constant 0 : i32
    return %arg0, %c0_i32 : i32, i32
  }
  func.func @transform_2(%arg0: i32) -> (i32, i32) {
    %c0_i32 = arith.constant 0 : i32
    %c0_i32_0 = arith.constant 0 : i32
    return %arg0, %c0_i32 : i32, i32
  }
  func.func @transform_3(%arg0: i32) -> (i32, i32) {
    %c0_i32 = arith.constant 0 : i32
    %c0_i32_0 = arith.constant 0 : i32
    return %arg0, %c0_i32 : i32, i32
  }
}

module attributes {stable_mosaic.version = 14 : i64} {
  func.func @body(%arg0: i32, %arg1: memref<2x3128x128xf32, #tpu.memory_space<vmem>>, %arg2: memref<3128x128xf32, #tpu.memory_space<vmem>>, %arg3: memref<3128x128xf32, #tpu.memory_space<vmem>>, %arg4: memref<128x128xf32, #tpu.memory_space<vmem>>, %arg5: memref<128x128xf32, #tpu.memory_space<vmem>>, %arg6: memref<1x128xf32, #tpu.memory_space<vmem>>, %arg7: memref<1x128xf32, #tpu.memory_space<vmem>>, %arg8: memref<2x3128x128xf32, #tpu.memory_space<vmem>>) attributes {dimension_semantics = [#tpu.dimension_semantics<arbitrary>], iteration_bounds = array<i64: 4>, scalar_prefetch = 0 : i64, scratch_operands = 0 : i64, tpu.core_type = #tpu.core_type<tc>, window_params = [{transform_indices = @transform_0, window_bounds = array<i64: 2, 3128, 128>}, {transform_indices = @transform_1, window_bounds = array<i64: 3128, 128>}, {transform_indices = @transform_2, window_bounds = array<i64: 3128, 128>}, {pipeline_mode = #tpu.pipeline_mode<synchronous>, transform_indices = @transform_3, window_bounds = array<i64: 128, 128>}, {pipeline_mode = #tpu.pipeline_mode<synchronous>, transform_indices = @transform_4, window_bounds = array<i64: 128, 128>}, {pipeline_mode = #tpu.pipeline_mode<synchronous>, transform_indices = @transform_5, window_bounds = array<i64: 1, 128>}, {pipeline_mode = #tpu.pipeline_mode<synchronous>, transform_indices = @transform_6, window_bounds = array<i64: 1, 128>}, {transform_indices = @transform_7, window_bounds = array<i64: 2, 3128, 128>}]} {
    %get3A = arith.constant 0 : index
    %get3A_0 = arith.constant 0 : index
    %get3A_1 = vector.load %arg3[%get3A, %get3A_0] : memref<3128x128xf32, #tpu.memory_space<vmem>>, vector<3128x128xf32>
    %get3A_2 = arith.constant 0 : index
    %get3A_3 = arith.constant 0 : index
    %get3A_4 = arith.constant 0 : index
    %get3A_5 = vector.load %arg1[%get3A_2, %get3A_3, %get3A_4] : memref<2x3128x128xf32, #tpu.memory_space<vmem>>, vector<1x3128x128xf32>
    %get3A_6 = vector.shape_cast %get3A_5 : vector<1x3128x128xf32> to vector<3128x128xf32>
    %get3A_7 = arith.constant 1 : index
    %get3A_8 = arith.constant 0 : index
    %get3A_9 = arith.constant 0 : index
    %get3A_10 = vector.load %arg1[%get3A_7, %get3A_8, %get3A_9] : memref<2x3128x128xf32, #tpu.memory_space<vmem>>, vector<1x3128x128xf32>
    %get3A_11 = vector.shape_cast %get3A_10 : vector<1x3128x128xf32> to vector<3128x128xf32>
    %add3A = arith.addf %get3A_6, %get3A_11 : vector<3128x128xf32>
    %get3A_12 = arith.constant 0 : index
    %get3A_13 = arith.constant 0 : index
    %get3A_14 = vector.load %arg2[%get3A_12, %get3A_13] : memref<3128x128xf32, #tpu.memory_space<vmem>>, vector<3128x128xf32>
    %add3A_15 = arith.addf %add3A, %get3A_14 : vector<3128x128xf32>
    %mul3A = arith.mulf %add3A_15, %get3A_1 : vector<3128x128xf32>
    %get3A_16 = arith.constant 0 : index
    %get3A_17 = arith.constant 0 : index
    %get3A_18 = vector.load %arg4[%get3A_16, %get3A_17] : memref<128x128xf32, #tpu.memory_space<vmem>>, vector<128x128xf32>
    %dot_general3A = arith.constant dense<0.000000e+00> : vector<3128x128xf32>
    %dot_general3A_19 = tpu.matmul %mul3A, %get3A_18, %dot_general3A {dimension_numbers = #tpu.dot_dimension_numbers<[1], [0], [0], [1], [0, 0, 1, 1], [], []>, transpose_lhs_hint = false} : vector<3128x128xf32>, vector<128x128xf32>, vector<3128x128xf32> -> vector<3128x128xf32>
    %get3A_20 = arith.constant 0 : index
    %get3A_21 = arith.constant 0 : index
    %get3A_22 = vector.load %arg6[%get3A_20, %get3A_21] : memref<1x128xf32, #tpu.memory_space<vmem>>, vector<1x128xf32>
    %add3A_23 = vector.broadcast %get3A_22 : vector<1x128xf32> to vector<3128x128xf32>
    %add3A_24 = arith.addf %dot_general3A_19, %add3A_23 : vector<3128x128xf32>
    %max3A = arith.constant 0.000000e+00 : f32
    %max3A_25 = vector.broadcast %max3A : f32 to vector<3128x128xf32>
    %max3A_26 = arith.maximumf %add3A_24, %max3A_25 : vector<3128x128xf32>
    %get3A_27 = arith.constant 0 : index
    %get3A_28 = arith.constant 0 : index
    %get3A_29 = vector.load %arg5[%get3A_27, %get3A_28] : memref<128x128xf32, #tpu.memory_space<vmem>>, vector<128x128xf32>
    %dot_general3A_30 = arith.constant dense<0.000000e+00> : vector<3128x128xf32>
    %dot_general3A_31 = tpu.matmul %mul3A, %get3A_29, %dot_general3A_30 {dimension_numbers = #tpu.dot_dimension_numbers<[1], [0], [0], [1], [0, 0, 1, 1], [], []>, transpose_lhs_hint = false} : vector<3128x128xf32>, vector<128x128xf32>, vector<3128x128xf32> -> vector<3128x128xf32>
    %get3A_32 = arith.constant 0 : index
    %get3A_33 = arith.constant 0 : index
    %get3A_34 = vector.load %arg7[%get3A_32, %get3A_33] : memref<1x128xf32, #tpu.memory_space<vmem>>, vector<1x128xf32>
    %add3A_35 = vector.broadcast %get3A_34 : vector<1x128xf32> to vector<3128x128xf32>
    %add3A_36 = arith.addf %dot_general3A_31, %add3A_35 : vector<3128x128xf32>
    %max3A_37 = arith.constant 0.000000e+00 : f32
    %max3A_38 = vector.broadcast %max3A_37 : f32 to vector<3128x128xf32>
    %max3A_39 = arith.maximumf %add3A_36, %max3A_38 : vector<3128x128xf32>
    %mul3A_40 = arith.mulf %max3A_26, %get3A_1 : vector<3128x128xf32>
    %swap3A = arith.constant 0 : index
    %swap3A_41 = arith.constant 0 : index
    %swap3A_42 = arith.constant 0 : index
    %swap3A_43 = vector.load %arg8[%swap3A, %swap3A_41, %swap3A_42] : memref<2x3128x128xf32, #tpu.memory_space<vmem>>, vector<1x3128x128xf32>
    %swap3A_44 = vector.shape_cast %swap3A_43 : vector<1x3128x128xf32> to vector<3128x128xf32>
    %swap3A_45 = vector.shape_cast %mul3A_40 : vector<3128x128xf32> to vector<1x3128x128xf32>
    tpu.vector_store %arg8[%swap3A, %swap3A_41, %swap3A_42], %swap3A_45 {strides = array<i32>} : memref<2x3128x128xf32, #tpu.memory_space<vmem>>, vector<1x3128x128xf32>,
    %mul3A_46 = arith.mulf %max3A_39, %get3A_1 : vector<3128x128xf32>
    %swap3A_47 = arith.constant 1 : index
    %swap3A_48 = arith.constant 0 : index
    %swap3A_49 = arith.constant 0 : index
    %swap3A_50 = vector.load %arg8[%swap3A_47, %swap3A_48, %swap3A_49] : memref<2x3128x128xf32, #tpu.memory_space<vmem>>, vector<1x3128x128xf32>
    %swap3A_51 = vector.shape_cast %swap3A_50 : vector<1x3128x128xf32> to vector<3128x128xf32>
    %swap3A_52 = vector.shape_cast %mul3A_46 : vector<3128x128xf32> to vector<1x3128x128xf32>
    tpu.vector_store %arg8[%swap3A_47, %swap3A_48, %swap3A_49], %swap3A_52 {strides = array<i32>} : memref<2x3128x128xf32, #tpu.memory_space<vmem>>, vector<1x3128x128xf32>,
    return
  }
  func.func @transform_0(%arg0: i32) -> (i32, i32, i32) {
    %c0_i32 = arith.constant 0 : i32
    %c0_i32_0 = arith.constant 0 : i32
    %c0_i32_1 = arith.constant 0 : i32
    return %c0_i32, %arg0, %c0_i32_0 : i32, i32, i32
  }
  func.func @transform_1(%arg0: i32) -> (i32, i32) {
    %c0_i32 = arith.constant 0 : i32
    %c0_i32_0 = arith.constant 0 : i32
    return %arg0, %c0_i32 : i32, i32
  }
  func.func @transform_2(%arg0: i32) -> (i32, i32) {
    %c0_i32 = arith.constant 0 : i32
    %c0_i32_0 = arith.constant 0 : i32
    return %arg0, %c0_i32 : i32, i32
  }
  func.func @transform_3(%arg0: i32) -> (i32, i32) {
    %c0_i32 = arith.constant 0 : i32
    %c0_i32_0 = arith.constant 0 : i32
    %c0_i32_1 = arith.constant 0 : i32
    return %c0_i32, %c0_i32_0 : i32, i32
  }
  func.func @transform_4(%arg0: i32) -> (i32, i32) {
    %c0_i32 = arith.constant 0 : i32
    %c0_i32_0 = arith.constant 0 : i32
    %c0_i32_1 = arith.constant 0 : i32
    return %c0_i32, %c0_i32_0 : i32, i32
  }
  func.func @transform_5(%arg0: i32) -> (i32, i32) {
    %c0_i32 = arith.constant 0 : i32
    %c0_i32_0 = arith.constant 0 : i32
    %c0_i32_1 = arith.constant 0 : i32
    return %c0_i32, %c0_i32_0 : i32, i32
  }
  func.func @transform_6(%arg0: i32) -> (i32, i32) {
    %c0_i32 = arith.constant 0 : i32
    %c0_i32_0 = arith.constant 0 : i32
    %c0_i32_1 = arith.constant 0 : i32
    return %c0_i32, %c0_i32_0 : i32, i32
  }
  func.func @transform_7(%arg0: i32) -> (i32, i32, i32) {
    %c0_i32 = arith.constant 0 : i32
    %c0_i32_0 = arith.constant 0 : i32
    %c0_i32_1 = arith.constant 0 : i32
    return %c0_i32, %arg0, %c0_i32_0 : i32, i32, i32
  }
}

module attributes {stable_mosaic.version = 14 : i64} {
  func.func @body(%arg0: i32, %arg1: memref<2x3128x128xf32, #tpu.memory_space<vmem>>, %arg2: memref<2x3128x128xf32, #tpu.memory_space<vmem>>, %arg3: memref<3128x128xf32, #tpu.memory_space<vmem>>, %arg4: memref<128x128xf32, #tpu.memory_space<vmem>>, %arg5: memref<128x128xf32, #tpu.memory_space<vmem>>, %arg6: memref<128x128xf32, #tpu.memory_space<vmem>>, %arg7: memref<128x128xf32, #tpu.memory_space<vmem>>, %arg8: memref<128x128xf32, #tpu.memory_space<vmem>>, %arg9: memref<128x128xf32, #tpu.memory_space<vmem>>, %arg10: memref<1x128xf32, #tpu.memory_space<vmem>>, %arg11: memref<1x128xf32, #tpu.memory_space<vmem>>, %arg12: memref<3128x128xf32, #tpu.memory_space<vmem>>) attributes {dimension_semantics = [#tpu.dimension_semantics<arbitrary>], iteration_bounds = array<i64: 4>, scalar_prefetch = 0 : i64, scratch_operands = 0 : i64, tpu.core_type = #tpu.core_type<tc>, window_params = [{transform_indices = @transform_0, window_bounds = array<i64: 2, 3128, 128>}, {transform_indices = @transform_1, window_bounds = array<i64: 2, 3128, 128>}, {transform_indices = @transform_2, window_bounds = array<i64: 3128, 128>}, {pipeline_mode = #tpu.pipeline_mode<synchronous>, transform_indices = @transform_3, window_bounds = array<i64: 128, 128>}, {pipeline_mode = #tpu.pipeline_mode<synchronous>, transform_indices = @transform_4, window_bounds = array<i64: 128, 128>}, {pipeline_mode = #tpu.pipeline_mode<synchronous>, transform_indices = @transform_5, window_bounds = array<i64: 128, 128>}, {pipeline_mode = #tpu.pipeline_mode<synchronous>, transform_indices = @transform_6, window_bounds = array<i64: 128, 128>}, {pipeline_mode = #tpu.pipeline_mode<synchronous>, transform_indices = @transform_7, window_bounds = array<i64: 128, 128>}, {pipeline_mode = #tpu.pipeline_mode<synchronous>, transform_indices = @transform_8, window_bounds = array<i64: 128, 128>}, {pipeline_mode = #tpu.pipeline_mode<synchronous>, transform_indices = @transform_9, window_bounds = array<i64: 1, 128>}, {pipeline_mode = #tpu.pipeline_mode<synchronous>, transform_indices = @transform_10, window_bounds = array<i64: 1, 128>}, {transform_indices = @transform_11, window_bounds = array<i64: 3128, 128>}]} {
    %get3A = arith.constant 0 : index
    %get3A_0 = arith.constant 0 : index
    %get3A_1 = vector.load %arg3[%get3A, %get3A_0] : memref<3128x128xf32, #tpu.memory_space<vmem>>, vector<3128x128xf32>
    %get3A_2 = arith.constant 0 : index
    %get3A_3 = arith.constant 0 : index
    %get3A_4 = arith.constant 0 : index
    %get3A_5 = vector.load %arg1[%get3A_2, %get3A_3, %get3A_4] : memref<2x3128x128xf32, #tpu.memory_space<vmem>>, vector<1x3128x128xf32>
    %get3A_6 = vector.shape_cast %get3A_5 : vector<1x3128x128xf32> to vector<3128x128xf32>
    %get3A_7 = arith.constant 0 : index
    %get3A_8 = arith.constant 0 : index
    %get3A_9 = arith.constant 0 : index
    %get3A_10 = vector.load %arg2[%get3A_7, %get3A_8, %get3A_9] : memref<2x3128x128xf32, #tpu.memory_space<vmem>>, vector<1x3128x128xf32>
    %get3A_11 = vector.shape_cast %get3A_10 : vector<1x3128x128xf32> to vector<3128x128xf32>
    %add3A = arith.addf %get3A_6, %get3A_11 : vector<3128x128xf32>
    %mul3A = arith.mulf %add3A, %get3A_1 : vector<3128x128xf32>
    %get3A_12 = arith.constant 1 : index
    %get3A_13 = arith.constant 0 : index
    %get3A_14 = arith.constant 0 : index
    %get3A_15 = vector.load %arg1[%get3A_12, %get3A_13, %get3A_14] : memref<2x3128x128xf32, #tpu.memory_space<vmem>>, vector<1x3128x128xf32>
    %get3A_16 = vector.shape_cast %get3A_15 : vector<1x3128x128xf32> to vector<3128x128xf32>
    %get3A_17 = arith.constant 1 : index
    %get3A_18 = arith.constant 0 : index
    %get3A_19 = arith.constant 0 : index
    %get3A_20 = vector.load %arg2[%get3A_17, %get3A_18, %get3A_19] : memref<2x3128x128xf32, #tpu.memory_space<vmem>>, vector<1x3128x128xf32>
    %get3A_21 = vector.shape_cast %get3A_20 : vector<1x3128x128xf32> to vector<3128x128xf32>
    %add3A_22 = arith.addf %get3A_16, %get3A_21 : vector<3128x128xf32>
    %mul3A_23 = arith.mulf %add3A_22, %get3A_1 : vector<3128x128xf32>
    %get3A_24 = arith.constant 0 : index
    %get3A_25 = arith.constant 0 : index
    %get3A_26 = vector.load %arg4[%get3A_24, %get3A_25] : memref<128x128xf32, #tpu.memory_space<vmem>>, vector<128x128xf32>
    %dot_general3A = arith.constant dense<0.000000e+00> : vector<3128x128xf32>
    %dot_general3A_27 = tpu.matmul %mul3A, %get3A_26, %dot_general3A {dimension_numbers = #tpu.dot_dimension_numbers<[1], [0], [0], [1], [0, 0, 1, 1], [], []>, transpose_lhs_hint = false} : vector<3128x128xf32>, vector<128x128xf32>, vector<3128x128xf32> -> vector<3128x128xf32>
    %get3A_28 = arith.constant 0 : index
    %get3A_29 = arith.constant 0 : index
    %get3A_30 = vector.load %arg5[%get3A_28, %get3A_29] : memref<128x128xf32, #tpu.memory_space<vmem>>, vector<128x128xf32>
    %dot_general3A_31 = arith.constant dense<0.000000e+00> : vector<3128x128xf32>
    %dot_general3A_32 = tpu.matmul %mul3A_23, %get3A_30, %dot_general3A_31 {dimension_numbers = #tpu.dot_dimension_numbers<[1], [0], [0], [1], [0, 0, 1, 1], [], []>, transpose_lhs_hint = false} : vector<3128x128xf32>, vector<128x128xf32>, vector<3128x128xf32> -> vector<3128x128xf32>
    %add3A_33 = arith.addf %dot_general3A_27, %dot_general3A_32 : vector<3128x128xf32>
    %get3A_34 = arith.constant 0 : index
    %get3A_35 = arith.constant 0 : index
    %get3A_36 = vector.load %arg10[%get3A_34, %get3A_35] : memref<1x128xf32, #tpu.memory_space<vmem>>, vector<1x128xf32>
    %add3A_37 = vector.broadcast %get3A_36 : vector<1x128xf32> to vector<3128x128xf32>
    %add3A_38 = arith.addf %add3A_33, %add3A_37 : vector<3128x128xf32>
    %max3A = arith.constant 0.000000e+00 : f32
    %max3A_39 = vector.broadcast %max3A : f32 to vector<3128x128xf32>
    %max3A_40 = arith.maximumf %add3A_38, %max3A_39 : vector<3128x128xf32>
    %get3A_41 = arith.constant 0 : index
    %get3A_42 = arith.constant 0 : index
    %get3A_43 = vector.load %arg6[%get3A_41, %get3A_42] : memref<128x128xf32, #tpu.memory_space<vmem>>, vector<128x128xf32>
    %dot_general3A_44 = arith.constant dense<0.000000e+00> : vector<3128x128xf32>
    %dot_general3A_45 = tpu.matmul %mul3A, %get3A_43, %dot_general3A_44 {dimension_numbers = #tpu.dot_dimension_numbers<[1], [0], [0], [1], [0, 0, 1, 1], [], []>, transpose_lhs_hint = false} : vector<3128x128xf32>, vector<128x128xf32>, vector<3128x128xf32> -> vector<3128x128xf32>
    %get3A_46 = arith.constant 0 : index
    %get3A_47 = arith.constant 0 : index
    %get3A_48 = vector.load %arg7[%get3A_46, %get3A_47] : memref<128x128xf32, #tpu.memory_space<vmem>>, vector<128x128xf32>
    %dot_general3A_49 = arith.constant dense<0.000000e+00> : vector<3128x128xf32>
    %dot_general3A_50 = tpu.matmul %mul3A_23, %get3A_48, %dot_general3A_49 {dimension_numbers = #tpu.dot_dimension_numbers<[1], [0], [0], [1], [0, 0, 1, 1], [], []>, transpose_lhs_hint = false} : vector<3128x128xf32>, vector<128x128xf32>, vector<3128x128xf32> -> vector<3128x128xf32>
    %add3A_51 = arith.addf %dot_general3A_45, %dot_general3A_50 : vector<3128x128xf32>
    %get3A_52 = arith.constant 0 : index
    %get3A_53 = arith.constant 0 : index
    %get3A_54 = vector.load %arg11[%get3A_52, %get3A_53] : memref<1x128xf32, #tpu.memory_space<vmem>>, vector<1x128xf32>
    %add3A_55 = vector.broadcast %get3A_54 : vector<1x128xf32> to vector<3128x128xf32>
    %add3A_56 = arith.addf %add3A_51, %add3A_55 : vector<3128x128xf32>
    %max3A_57 = arith.constant 0.000000e+00 : f32
    %max3A_58 = vector.broadcast %max3A_57 : f32 to vector<3128x128xf32>
    %max3A_59 = arith.maximumf %add3A_56, %max3A_58 : vector<3128x128xf32>
    %get3A_60 = arith.constant 0 : index
    %get3A_61 = arith.constant 0 : index
    %get3A_62 = vector.load %arg8[%get3A_60, %get3A_61] : memref<128x128xf32, #tpu.memory_space<vmem>>, vector<128x128xf32>
    %dot_general3A_63 = arith.constant dense<0.000000e+00> : vector<3128x128xf32>
    %dot_general3A_64 = tpu.matmul %max3A_40, %get3A_62, %dot_general3A_63 {dimension_numbers = #tpu.dot_dimension_numbers<[1], [0], [0], [1], [0, 0, 1, 1], [], []>, transpose_lhs_hint = false} : vector<3128x128xf32>, vector<128x128xf32>, vector<3128x128xf32> -> vector<3128x128xf32>
    %get3A_65 = arith.constant 0 : index
    %get3A_66 = arith.constant 0 : index
    %get3A_67 = vector.load %arg9[%get3A_65, %get3A_66] : memref<128x128xf32, #tpu.memory_space<vmem>>, vector<128x128xf32>
    %dot_general3A_68 = arith.constant dense<0.000000e+00> : vector<3128x128xf32>
    %dot_general3A_69 = tpu.matmul %max3A_59, %get3A_67, %dot_general3A_68 {dimension_numbers = #tpu.dot_dimension_numbers<[1], [0], [0], [1], [0, 0, 1, 1], [], []>, transpose_lhs_hint = false} : vector<3128x128xf32>, vector<128x128xf32>, vector<3128x128xf32> -> vector<3128x128xf32>
    %add3A_70 = arith.addf %dot_general3A_64, %dot_general3A_69 : vector<3128x128xf32>
    %mul3A_71 = arith.mulf %add3A_70, %get3A_1 : vector<3128x128xf32>
    %swap3A = arith.constant 0 : index
    %swap3A_72 = arith.constant 0 : index
    %swap3A_73 = vector.load %arg12[%swap3A, %swap3A_72] : memref<3128x128xf32, #tpu.memory_space<vmem>>, vector<3128x128xf32>
    tpu.vector_store %arg12[%swap3A, %swap3A_72], %mul3A_71 {strides = array<i32>} : memref<3128x128xf32, #tpu.memory_space<vmem>>, vector<3128x128xf32>,
    return
  }
  func.func @transform_0(%arg0: i32) -> (i32, i32, i32) {
    %c0_i32 = arith.constant 0 : i32
    %c0_i32_0 = arith.constant 0 : i32
    %c0_i32_1 = arith.constant 0 : i32
    return %c0_i32, %arg0, %c0_i32_0 : i32, i32, i32
  }
  func.func @transform_1(%arg0: i32) -> (i32, i32, i32) {
    %c0_i32 = arith.constant 0 : i32
    %c0_i32_0 = arith.constant 0 : i32
    %c0_i32_1 = arith.constant 0 : i32
    return %c0_i32, %arg0, %c0_i32_0 : i32, i32, i32
  }
  func.func @transform_2(%arg0: i32) -> (i32, i32) {
    %c0_i32 = arith.constant 0 : i32
    %c0_i32_0 = arith.constant 0 : i32
    return %arg0, %c0_i32 : i32, i32
  }
  func.func @transform_3(%arg0: i32) -> (i32, i32) {
    %c0_i32 = arith.constant 0 : i32
    %c0_i32_0 = arith.constant 0 : i32
    %c0_i32_1 = arith.constant 0 : i32
    return %c0_i32, %c0_i32_0 : i32, i32
  }
  func.func @transform_4(%arg0: i32) -> (i32, i32) {
    %c0_i32 = arith.constant 0 : i32
    %c0_i32_0 = arith.constant 0 : i32
    %c0_i32_1 = arith.constant 0 : i32
    return %c0_i32, %c0_i32_0 : i32, i32
  }
  func.func @transform_5(%arg0: i32) -> (i32, i32) {
    %c0_i32 = arith.constant 0 : i32
    %c0_i32_0 = arith.constant 0 : i32
    %c0_i32_1 = arith.constant 0 : i32
    return %c0_i32, %c0_i32_0 : i32, i32
  }
  func.func @transform_6(%arg0: i32) -> (i32, i32) {
    %c0_i32 = arith.constant 0 : i32
    %c0_i32_0 = arith.constant 0 : i32
    %c0_i32_1 = arith.constant 0 : i32
    return %c0_i32, %c0_i32_0 : i32, i32
  }
  func.func @transform_7(%arg0: i32) -> (i32, i32) {
    %c0_i32 = arith.constant 0 : i32
    %c0_i32_0 = arith.constant 0 : i32
    %c0_i32_1 = arith.constant 0 : i32
    return %c0_i32, %c0_i32_0 : i32, i32
  }
  func.func @transform_8(%arg0: i32) -> (i32, i32) {
    %c0_i32 = arith.constant 0 : i32
    %c0_i32_0 = arith.constant 0 : i32
    %c0_i32_1 = arith.constant 0 : i32
    return %c0_i32, %c0_i32_0 : i32, i32
  }
  func.func @transform_9(%arg0: i32) -> (i32, i32) {
    %c0_i32 = arith.constant 0 : i32
    %c0_i32_0 = arith.constant 0 : i32
    %c0_i32_1 = arith.constant 0 : i32
    return %c0_i32, %c0_i32_0 : i32, i32
  }
  func.func @transform_10(%arg0: i32) -> (i32, i32) {
    %c0_i32 = arith.constant 0 : i32
    %c0_i32_0 = arith.constant 0 : i32
    %c0_i32_1 = arith.constant 0 : i32
    return %c0_i32, %c0_i32_0 : i32, i32
  }
  func.func @transform_11(%arg0: i32) -> (i32, i32) {
    %c0_i32 = arith.constant 0 : i32
    %c0_i32_0 = arith.constant 0 : i32
    return %arg0, %c0_i32 : i32, i32
  }
}

module attributes {stable_mosaic.version = 14 : i64} {
  func.func @body(%arg0: i32, %arg1: memref<2x3128x128xf32, #tpu.memory_space<vmem>>, %arg2: memref<3128x128xf32, #tpu.memory_space<vmem>>, %arg3: memref<3128x128xf32, #tpu.memory_space<vmem>>, %arg4: memref<1x128xf32, #tpu.memory_space<vmem>>, %arg5: memref<3128x128xf32, #tpu.memory_space<vmem>>) attributes {dimension_semantics = [#tpu.dimension_semantics<arbitrary>], iteration_bounds = array<i64: 4>, scalar_prefetch = 0 : i64, scratch_operands = 0 : i64, tpu.core_type = #tpu.core_type<tc>, window_params = [{transform_indices = @transform_0, window_bounds = array<i64: 2, 3128, 128>}, {transform_indices = @transform_1, window_bounds = array<i64: 3128, 128>}, {transform_indices = @transform_2, window_bounds = array<i64: 3128, 128>}, {pipeline_mode = #tpu.pipeline_mode<synchronous>, transform_indices = @transform_3, window_bounds = array<i64: 1, 128>}, {transform_indices = @transform_4, window_bounds = array<i64: 3128, 128>}]} {
    %get3A = arith.constant 0 : index
    %get3A_0 = arith.constant 0 : index
    %get3A_1 = arith.constant 0 : index
    %get3A_2 = vector.load %arg1[%get3A, %get3A_0, %get3A_1] : memref<2x3128x128xf32, #tpu.memory_space<vmem>>, vector<1x3128x128xf32>
    %get3A_3 = vector.shape_cast %get3A_2 : vector<1x3128x128xf32> to vector<3128x128xf32>
    %get3A_4 = arith.constant 1 : index
    %get3A_5 = arith.constant 0 : index
    %get3A_6 = arith.constant 0 : index
    %get3A_7 = vector.load %arg1[%get3A_4, %get3A_5, %get3A_6] : memref<2x3128x128xf32, #tpu.memory_space<vmem>>, vector<1x3128x128xf32>
    %get3A_8 = vector.shape_cast %get3A_7 : vector<1x3128x128xf32> to vector<3128x128xf32>
    %add3A = arith.addf %get3A_3, %get3A_8 : vector<3128x128xf32>
    %get3A_9 = arith.constant 0 : index
    %get3A_10 = arith.constant 0 : index
    %get3A_11 = vector.load %arg2[%get3A_9, %get3A_10] : memref<3128x128xf32, #tpu.memory_space<vmem>>, vector<3128x128xf32>
    %add3A_12 = arith.addf %add3A, %get3A_11 : vector<3128x128xf32>
    %get3A_13 = arith.constant 0 : index
    %get3A_14 = arith.constant 0 : index
    %get3A_15 = vector.load %arg3[%get3A_13, %get3A_14] : memref<3128x128xf32, #tpu.memory_space<vmem>>, vector<3128x128xf32>
    %mul3A = arith.mulf %add3A_12, %get3A_15 : vector<3128x128xf32>
    %get3A_16 = arith.constant 0 : index
    %get3A_17 = arith.constant 0 : index
    %get3A_18 = vector.load %arg4[%get3A_16, %get3A_17] : memref<1x128xf32, #tpu.memory_space<vmem>>, vector<1x128xf32>
    %add3A_19 = vector.broadcast %get3A_18 : vector<1x128xf32> to vector<3128x128xf32>
    %add3A_20 = arith.addf %mul3A, %add3A_19 : vector<3128x128xf32>
    %swap3A = arith.constant 0 : index
    %swap3A_21 = arith.constant 0 : index
    %swap3A_22 = vector.load %arg5[%swap3A, %swap3A_21] : memref<3128x128xf32, #tpu.memory_space<vmem>>, vector<3128x128xf32>
    tpu.vector_store %arg5[%swap3A, %swap3A_21], %add3A_20 {strides = array<i32>} : memref<3128x128xf32, #tpu.memory_space<vmem>>, vector<3128x128xf32>,
    return
  }
  func.func @transform_0(%arg0: i32) -> (i32, i32, i32) {
    %c0_i32 = arith.constant 0 : i32
    %c0_i32_0 = arith.constant 0 : i32
    %c0_i32_1 = arith.constant 0 : i32
    return %c0_i32, %arg0, %c0_i32_0 : i32, i32, i32
  }
  func.func @transform_1(%arg0: i32) -> (i32, i32) {
    %c0_i32 = arith.constant 0 : i32
    %c0_i32_0 = arith.constant 0 : i32
    return %arg0, %c0_i32 : i32, i32
  }
  func.func @transform_2(%arg0: i32) -> (i32, i32) {
    %c0_i32 = arith.constant 0 : i32
    %c0_i32_0 = arith.constant 0 : i32
    return %arg0, %c0_i32 : i32, i32
  }
  func.func @transform_3(%arg0: i32) -> (i32, i32) {
    %c0_i32 = arith.constant 0 : i32
    %c0_i32_0 = arith.constant 0 : i32
    %c0_i32_1 = arith.constant 0 : i32
    return %c0_i32, %c0_i32_0 : i32, i32
  }
  func.func @transform_4(%arg0: i32) -> (i32, i32) {
    %c0_i32 = arith.constant 0 : i32
    %c0_i32_0 = arith.constant 0 : i32
    return %arg0, %c0_i32 : i32, i32
  }
}

</mosaic_0001>

<sc_bundles>
// kernel: kernel.10.cloned.1.call-start
scs
__scs_entry_jumppad:
0x0: {  	(pc) =	sbr.rel $0x88, $3  }
0x1: {  	(tag) =	ssettag $0x0;
	lr =	simm.s32 $0x1  }
0x2: {  	[smem:$0x3F99] =	sst lr;
	_ =	strace $0xD0000000  }
0x3: {  	_ = 	snop  }
0x4: {  	_ = 	snop  }
0x5: {  	_ = 	snop  }
0x6: {  	_ = 	snop  }
0x7: {  	_ = 	snop  }
__scs_overlays_trampoline_lowered:
0x8: {  	[smem:$0x3FA8] =	sst s0  }
0x9: {  	[smem:$0x3FA9] =	sst s1  }
0xa: {  	[smem:$0x3FAA] =	sst s2  }
0xb: {  	[smem:$0x3FAB] =	sst s3  }
0xc: {  	[smem:$0x3FAC] =	sst s4  }
0xd: {  	[smem:$0x3FAD] =	sst s5  }
0xe: {  	[smem:$0x3FAE] =	sst s6  }
0xf: {  	[smem:$0x3FAF] =	sst s7  }
0x10: {  	[smem:$0x3FB0] =	sst s8  }
0x11: {  	[smem:$0x3FB1] =	sst s9;
	s0 =	simm.s32 @!p0 $0x0  }
0x12: {  	s1 =	sld [smem:$0x3F97];
	s0 =	simm.s32 @p0 $0x1  }
0x13: {  	[smem:$0x3FB2] =	sst s0;
	s0 =	simm.s32 @!p1 $0x0  }
0x14: {  	s2 =	sld [smem:$0x3F96];
	s0 =	simm.s32 @p1 $0x1  }
0x15: {  	[smem:$0x3FB3] =	sst s0;
	s0 =	simm.s32 @!p2 $0x0  }
0x16: {  	s3 =	sld [smem:$0x3FDB];
	s0 =	simm.s32 @p2 $0x1  }
0x17: {  	s4 =	simm.s32 $0x1BF5;
	[smem:$0x3FB5] =	sst s0  }
0x18: {  	s0 =	sld [smem:$0x3F98];
	_ =	swait.ge [sflag:s4], $0x0  }
0x19: {  	s7 =	sld [smem:$0x3F99]  }
0x1a: {  	s8 =	sadd.s32 $0xFFFFE003, lr  }
0x1b: {  	s9 =	sadd.s32 $0xFFFFFEF7, lr;
	s5 =	simm.s32 $0xFFFFFFFF;
	p2 =	slt.u32 s8, $0xFFFFF086  }
0x1c: {  	p1 =	slt.u32 s9, $0xF7A;
	s5 =	simm.s32 @!p2 $0x0  }
0x1d: {  	s5 =	simm.s32 @p1 $0x1;
	p0 =	seq.s32 s7, s2  }
0x1e: {  	s7 =	smul.u32 @!p0 $0xF7A, s2;
	p2 =	seq.s32 @!p0 s5, $0x0  }
0x1f: {  	s9 =	smul.u32 $0xF7A, s1;
	s8 =	simm.s32 @!p0 $0x1BF5;
	p2 =	por !p2, p0  }
0x20: {  	[sflag:s8] =	ssyncset.s32 @!p0 $0xFFFFF086;
	s6 =	sadd.s32 @!p0 s3, s7;
	s7 =	simm.s32 @!p0 $0x108  }
0x21: {  	s3 =	sadd.s32 s3, s9;
	s6 =	sadd.s32 @!p0 $0x88, s6;
	s7 =	simm.s32 @p2 $0x1082  }
0x22: {  	[simem:s7], [sflag:s8] =	dma.local @!p0 [hbm:s6], $0xF7A  }
0x23: {  	s9 =	sor.u32 $0xD0000000, s2;
	s6 =	simm.s32 $0x108;
	_ =	swait.ge @!p0 [sflag:s8], $0x0  }
0x24: {  	s3 =	sadd.s32 $0x88, s3;
	s6 =	simm.s32 @!p1 $0x1082;
	[sflag:s4] =	ssyncset.s32 $0xFFFFF086  }
0x25: {  	[simem:s6], [sflag:s4] =	dma.local [hbm:s3], $0xF7A  }
0x26: {  	[smem:$0x3F99] =	sst s1;
	(tag) =	ssettag s2;
	_ =	strace s9  }
0x27: {  	s1 =	sld [smem:$0x3FA9]  }
0x28: {  	s2 =	sld [smem:$0x3FAA]  }
0x29: {  	s4 =	sld [smem:$0x3FAC]  }
0x2a: {  	p0 =	seq.s32 s5, $0x0;
	s5 =	sld [smem:$0x3FAD]  }
0x2b: {  	s6 =	sld [smem:$0x3FAE]  }
0x2c: {  	s7 =	sld [smem:$0x3FAF]  }
0x2d: {  	s3 =	simm.s32 $0x108;
	s8 =	sld [smem:$0x3FB0]  }
0x2e: {  	s3 =	simm.s32 @!p0 $0x1082;
	s9 =	sld [smem:$0x3FB1]  }
0x2f: {  	lr =	sadd.s32 s0, s3;
	s0 =	sld [smem:$0x3FA8]  }
0x30: {  	s3 =	sld [smem:$0x3FAB]  }
0x31: {  	[smem:$0x3FB4] =	sst s10  }
0x32: {  	s10 =	sld [smem:$0x3FB2];
	_ =	sdelay $0x3  }
0x33: {  	p0 =	seq.s32 s10, $0x1;
	s10 =	sld [smem:$0x3FB4];
	_ =	sdelay $0x3  }
0x34: {  	[smem:$0x3FB4] =	sst s10  }
0x35: {  	s10 =	sld [smem:$0x3FB3];
	_ =	sdelay $0x3  }
0x36: {  	p1 =	seq.s32 s10, $0x1;
	s10 =	sld [smem:$0x3FB4];
	_ =	sdelay $0x3  }
0x37: {  	[smem:$0x3FB4] =	sst s10  }
0x38: {  	s10 =	sld [smem:$0x3FB5]  }
0x39: {  	_ = 	snop;
	(pc) =	sbr.ind lr, $3  }
0x3a: {  	_ = 	snop  }
0x3b: {  	_ = 	snop  }
0x3c: {  	p2 =	seq.s32 s10, $0x1;
	s10 =	sld [smem:$0x3FB4]  }
0x3d: {  	_ =	shalt  }
0x3e: {  	_ =	shalt  }
0x3f: {  	_ =	shalt  }
0x40: {  	_ =	shalt  }
0x41: {  	_ =	shalt  }
0x42: {  	_ =	shalt  }
0x43: {  	_ =	shalt  }
0x44: {  	_ =	shalt  }
0x45: {  	_ =	shalt  }
0x46: {  	_ =	shalt  }
0x47: {  	_ =	shalt  }
0x48: {  	_ =	shalt  }
0x49: {  	_ =	shalt  }
0x4a: {  	_ =	shalt  }
0x4b: {  	_ =	shalt  }
0x4c: {  	_ =	shalt  }
0x4d: {  	_ =	shalt  }
0x4e: {  	_ =	shalt  }
0x4f: {  	_ =	shalt  }
0x50: {  	_ =	shalt  }
0x51: {  	_ =	shalt  }
0x52: {  	_ =	shalt  }
0x53: {  	_ =	shalt  }
0x54: {  	_ =	shalt  }
0x55: {  	_ =	shalt  }
0x56: {  	_ =	shalt  }
0x57: {  	_ =	shalt  }
0x58: {  	_ =	shalt  }
0x59: {  	_ =	shalt  }
0x5a: {  	_ =	shalt  }
0x5b: {  	_ =	shalt  }
0x5c: {  	_ =	shalt  }
0x5d: {  	_ =	shalt  }
0x5e: {  	_ =	shalt  }
0x5f: {  	_ =	shalt  }
0x60: {  	_ =	shalt  }
0x61: {  	_ =	shalt  }
0x62: {  	_ =	shalt  }
0x63: {  	_ =	shalt  }
0x64: {  	_ =	shalt  }
0x65: {  	_ =	shalt  }
0x66: {  	_ =	shalt  }
0x67: {  	_ =	shalt  }
0x68: {  	_ =	shalt  }
0x69: {  	_ =	shalt  }
0x6a: {  	_ =	shalt  }
0x6b: {  	_ =	shalt  }
0x6c: {  	_ =	shalt  }
0x6d: {  	_ =	shalt  }
0x6e: {  	_ =	shalt  }
0x6f: {  	_ =	shalt  }
0x70: {  	_ =	shalt  }
0x71: {  	_ =	shalt  }
0x72: {  	_ =	shalt  }
0x73: {  	_ =	shalt  }
0x74: {  	_ =	shalt  }
0x75: {  	_ =	shalt  }
0x76: {  	_ =	shalt  }
0x77: {  	_ =	shalt  }
0x78: {  	_ =	shalt  }
0x79: {  	_ =	shalt  }
0x7a: {  	_ =	shalt  }
0x7b: {  	_ =	shalt  }
0x7c: {  	_ =	shalt  }
0x7d: {  	_ =	shalt  }
0x7e: {  	_ =	shalt  }
0x7f: {  	_ =	shalt  }
0x80: {  	_ =	shalt  }
0x81: {  	_ =	shalt  }
0x82: {  	_ =	shalt  }
0x83: {  	_ =	shalt  }
0x84: {  	_ =	shalt  }
0x85: {  	_ =	shalt  }
0x86: {  	_ =	shalt  }
0x87: {  	_ =	shalt  }
.Lfunc_end0:
.L_simem_size_0:
called_computation_lowered:
.L_overlay_start_0:
0x88: {  	s2 =	sld [smem:$0x3FD9]  }
0x89: {  	s3 =	sld [smem:$0x3FFE];
	_ =	sdelay $0x1  }
0x8a: {  	s1 =	srdreg.scid  }
0x8b: {  	s0 =	sand.u32 $0x1, s1  }
0x8c: {  	s16 =	sshll.u32 s0, $0xA;
	s2 =	sadd.s32 s3, s2  }
0x8d: {  	s2 =	sadd.s32 s2, s16  }
0x8e: {  	[smem:$0x3FC0] =	sst s2  }
0x8f: {  	_ = 	snop  }
0x90: {  	(tm) =	ssettm $0x1  }
0x91: {  	s17 =	sld [smem:$0x3FFB];
	_ =	sdelay $0x3  }
0x92: {  	_ =	strace s17  }
0x93: {  	s2 =	sld [smem:$0x3FFC];
	_ =	sdelay $0x3  }
0x94: {  	_ =	strace s2  }
0x95: {  	s2 =	sld [smem:$0x3FFD];
	_ =	sdelay $0x3  }
0x96: {  	_ =	strace s2  }
0x97: {  	_ =	strace $0x8FFFFFFF  }
0x98: {  	s18 =	sld [smem:$0x3FDB];
	_ =	sdelay $0x1  }
0x99: {  	s19 =	simm.s32 $_scs_section_size  }
0x9a: {  	s4 =	simm.s32 $_size__tile_overlayer_lowered;
	s5 =	simm.s32 $_tile_overlayer_lowered  }
0x9b: {  	s22 =	simm.s32 $0x1BFF;
	s21 =	sshll.u32 s5, $0x1;
	s2 =	sadd.s32 s19, s18  }
0x9c: {  	s6 =	simm.s32 $0x0;
	s20 =	sshll.u32 s4, $0x1;
	s4 =	sadd.s32 s21, s2  }
0x9d: {  	[timem:s6], [sflag:s22] =	dma.local [hbm:s4], s20  }
0x9e: {  	_ =	swait.ge [sflag:s22], s20  }
0x9f: {  	s3 =	ssub.s32 $0x0, s20;
	[sflag:s22] =	ssyncset.done $0x0  }
0xa0: {  	[sflag:s22] =	ssyncadd.s32 s3;
	_ =	sdelay $0x1  }
0xa1: {  	s23 =	simm.s32 $0x1B8B  }
0xa2: {  	_ =	swait.ge [sflag:s23], $0x1  }
0xa3: {  	[sflag:s23] =	ssyncset.done $0x0  }
0xa4: {  	s25 =	simm.s32 $0x1B8E;
	s24 =	sld [smem:$0x3FFE];
	[sflag:s23] =	ssyncadd.s32 $0xFFFFFFFF  }
0xa5: {  	s26 =	simm.s32 $execute0_lowered;
	[smem:$0x3FD2] =	sst s25  }
0xa6: {  	s4 =	sshll.u32 s26, $0x1;
	_ =	strace $0x80000046;
	[dreg:$0x1] =	wrdreg $0xFFFFFFFF  }
0xa7: {  	s28 =	simm.s32 $_size_execute0_lowered;
	s2 =	sadd.s32 s2, s4;
	[dreg:$0x0] =	wrdreg $0x0  }
0xa8: {  	s4 =	sshll.u32 s28, $0x1;
	[dreg:$0x2] =	wrdreg s2  }
0xa9: {  	[dreg:$0x3] =	wrdreg s4  }
0xaa: {  	[dreg:$0x4] =	wrdreg $0xC0  }
0xab: {  	_ =	task [dreg:s6], $0x5FFFF  }
0xac: {  	[dreg:$0x1] =	wrdreg $0xFFFFFFFF  }
0xad: {  	[dreg:$0x0] =	wrdreg $0x60  }
0xae: {  	[dreg:$0x2] =	wrdreg s24  }
0xaf: {  	[dreg:$0x3] =	wrdreg $0x1A800  }
0xb0: {  	[dreg:$0x4] =	wrdreg $0x9  }
0xb1: {  	_ =	task.clear_ibuf [dreg:s6], $0x5FFFF;
	_ =	strace $0x90000046  }
0xb2: {  	s29 =	simm.s32 $0x9;
	_ =	strace $0x80000048  }
0xb3: {  	_ =	swait.ge [sflag:s29], $0x1  }
0xb4: {  	[sflag:s29] =	ssyncadd.s32 $0xFFFFFFFF  }
0xb5: {  	_ =	strace $0x90000048  }
0xb6: {  	_ =	sfence  }
0xb7: {  	s30 =	sld [smem:$0x0];
	_ =	sdelay $0x2  }
0xb8: {  	s31 =	sshll.u32 s1, $0xD;
	s1 =	sshrl.u32 s1, $0x2  }
0xb9: {  	s3 =	sand.u32 $0x4000, s31;
	s1 =	sadd.s32 s1, s30  }
0xba: {  	s0 =	sor.u32 s3, s0;
	s1 =	sshll.u32 s1, $0x11  }
0xbb: {  	s0 =	sor.u32 s1, s0  }
0xbc: {  	s0 =	sadd.s32 $0x8F2B, s0  }
0xbd: {  	[sflag:s0] =	ssyncadd.remote.s32 $0x1  }
0xbe: {  	_ =	sfence.sel $0xFFFF  }
0xbf: {  	[dreg:$0x0] =	wrdreg $0xFFFFFFFF;
	(pc) =	sbr.abs _section_cstart, $3  }
0xc0: {  	[dreg:$0x1] =	wrdreg $0xFFFFFFFF  }
0xc1: {  	_ =	task.clear_ibuf [dreg:s6], $0x2FFFF;
	_ =	strace $0x9FFFFFFF  }
0xc2: {  	(tm) =	ssettm $0x7FFFFFFF  }
0xc3: {  	_ =	shalt  }
tec
execute0_lowered:
.L_overlay_start_1:
0x0: {  	(tag) =	ssettag $0x1  }
0x1: {  	s0 =	rddreg [dreg:$0x0]  }
0x2: {  	s1 =	rddreg [dreg:$0x1]  }
0x3: {  	s2 =	srdreg.scid;
	s3 =	simm.s32 $0x0;
	s26 =	stileid.u32  }
0x4: {  	s11 =	simm.s32 $0xB;
	s12 =	simm.s32 $0x80;
	s13 =	simm.s32 $0xA00  }
0x5: {  	s14 =	simm.s32 $0x1;
	s15 =	simm.s32 $0x2;
	s16 =	simm.s32 $0x3  }
0x6: {  	s17 =	simm.s32 $0x4;
	s18 =	simm.s32 $0x5;
	s19 =	simm.s32 $0x6  }
0x7: {  	s20 =	simm.s32 $0x7;
	s21 =	simm.s32 $0x8;
	s22 =	simm.s32 $0x9  }
0x8: {  	s23 =	simm.s32 $0xA;
	s5 =	sand.u32 $0x1, s2;
	s8 =	smul.u32 $0x18700, s26  }
0x9: {  	[smem:$0x7FF] =	sst s3;
	s4 =	sadd.s32 $0x3200, s0;
	s10 =	smul.u32 $0x61C00, s26  }
0xa: {  	s7 =	sshll.u32 s26, $0x1;
	s6 =	smul.u32 $0x187000, s5;
	s9 =	ssub.s32 $0x2, s5  }
0xb: {  	_ =	strace $0x80000047;
	s7 =	sor.u32 s5, s7;
	s28 =	sshrl.u32 s9, $0x1  }
0xc: {  	s29 =	smul.u32 $0x13, s7;
	s30 =	smin.u32 s7, $0x11;
	p0 =	slt.u32 s7, $0x11  }
0xd: {  	s31 =	sshrl.u32 s10, $0x2;
	s24 =	sadd.s32 s8, s1;
	s6 =	sadd.s32 s8, s6  }
0xe: {  	s10 =	simm.s32 $0x1200;
	s9 =	ssub.s32 s9, s28;
	s6 =	sshrl.u32 s6, $0x3  }
0xf: {  	s24 =	sshrl.u32 s24, $0x3;
	s5 =	sadd.s32 s30, s29;
	s0 =	sadd.s32 s6, s0  }
0x10: {  	s8 =	smax.u32 s9, $0x1;
	s6 =	simm.s32 $0x14;
	s0 =	sadd.s32 $0x64E00, s0  }
0x11: {  	v0 =	vimm.f32 $1.000000000e+00;
	v1 =	vimm.f32 $0.0e+00;
	s9 =	sadd.s32 s31, s1;
	s6 =	simm.s32 @!p0 $0x13;
	[dreg:$0x3] =	wrdreg s0  }
.LBB2_1:
0x12: {  	s25 =	simm.s32 $0x40;
	s0 =	simm.s32 $0x0  }
.LBB2_2:
0x13: {  	p0 =	sne.s32 s25, $0x1FC0;
	[tilespmem:s0+$0xA00] =	vst v0;
	s0 =	smov.u32 s25;
	s25 =	sadd.s32 $0x40, s25  }
.Ltmp0:
0x14: {  	(pc) =	sbr.rel @p0 .LBB2_2-.Ltmp0, $2  }
0x15: {  	_ =	sdelay $0x2  }
0x16: {  	s0 =	sshra.s32 s0, $0x2  }
0x17: {  	[tilespmem:s0+$0xA00] =	vst v0;
	s25 =	simm.s32 $0x40;
	s0 =	simm.s32 $0x0  }
.LBB2_4:
0x18: {  	p0 =	sne.s32 s25, $0x21C0;
	[tilespmem:s0+$0x1200] =	vst v1;
	s0 =	smov.u32 s25;
	s25 =	sadd.s32 $0x40, s25  }
.Ltmp1:
0x19: {  	(pc) =	sbr.rel @p0 .LBB2_4-.Ltmp1, $2  }
0x1a: {  	_ =	sdelay $0x2  }
0x1b: {  	s0 =	sshra.s32 s0, $0x2  }
0x1c: {  	[tilespmem:s0+$0x1200] =	vst v1;
	s31 =	sadd.s32 $0x0, s9  }
0x1d: {  	[spmem:s31] =	stream.linear.scatter [tilespmem:s10], [sflag:$0xB], $0x880, $0x38;
	[tilespmem:$0x1A180] =	vst v63  }
0x1e: {  	s25 =	simm.s32 $0x2200;
	_ =	swait.ge [sflag:s11], $0x880  }
.LBB2_6:
0x1f: {  	s0 =	sshra.s32 s25, $0x2;
	[sflag:s11] =	ssyncset.done $0x0;
	p0 =	sne.s32 s25, $0x5FA00  }
.Ltmp2:
0x20: {  	s0 =	sadd.s32 s0, s9;
	[sflag:s11] =	ssyncadd.s32 $0xFFFFF780;
	(pc) =	sbr.rel @p0 .LBB2_6-.Ltmp2, $3  }
0x21: {  	[spmem:s0] =	stream.linear.scatter [tilespmem:s10], [sflag:$0xB], $0x880, $0x38;
	[tilespmem:$0x1A180] =	vst v63  }
0x22: {  	s25 =	sadd.s32 $0x2200, s25;
	_ =	sdelay $0x1  }
0x23: {  	_ =	swait.ge [sflag:s11], $0x880  }
0x24: {  	[sflag:s11] =	ssyncset.done $0x0  }
0x25: {  	[sflag:s11] =	ssyncadd.s32 $0xFFFFF780  }
0x26: {  	s25 =	simm.s32 $0x0;
	s26 =	simm.s32 $0x0;
	[bflag:$0x0] =	sbarrier.arrive $0xFFFF  }
.LBB2_8:
0x27: {  	s0 =	sadd.s32 s26, s5  }
0x28: {  	s0 =	smul.u32 $0xA00, s0;
	_ =	sdelay $0x1  }
0x29: {  	s0 =	sshrl.u32 s0, $0x3  }
0x2a: {  	s0 =	sadd.s32 s4, s0  }
0x2b: {  	s0 =	sadd.s32 $0x30D40, s0  }
0x2c: {  	[tilespmem:s25], [sflag:$0xB] =	stream.linear.gather [hbm4b:s0+s25], $0xA00, $0x38;
	[tilespmem:$0x1A180] =	vst v63  }
0x2d: {  	_ =	swait.ge [sflag:s11], $0xA00  }
0x2e: {  	p0 =	por $0x1, $0x1;
	[sflag:s11] =	ssyncset.done $0x0  }
0x2f: {  	s28 =	simm.s32 $0x1;
	s0 =	simm.s32 $0xFFFFFFF7;
	[sflag:s11] =	ssyncadd.s32 $0xFFFFF600  }
0x30: {  	s29 =	simm.s32 $0xFFFFFFF6;
	s31 =	simm.s32 $0x0;
	_ =	swait.ge @!p0 [sflag:s0], $0x800  }
0x31: {  	s30 =	smin.u32 s25, s29;
	s29 =	simm.s32 $0xFFFFFFF8;
	[sflag:s0] =	ssyncset.done @!p0 $0x0  }
0x32: {  	[sflag:s0] =	ssyncadd.s32 @!p0 $0xFFFFF800;
	s0 =	sadd.s32 $0x1, s30;
	s30 =	simm.s32 $0x80  }
.LBB2_9:
0x33: {  	[spmem:s1] =	stream.indirect.scatter.add.f32 [tilespmem:s13], [sflag:s0], $0x10, s31, s12, $0xb8;
	[tilespmem:$0x1A180] =	vst v63  }
0x34: {  	s0 =	smov.u32 s28;
	s28 =	sadd.s32 $0x1, s28  }
0x35: {  	p1 =	sne.s32 s28, $0x14  }
.Ltmp3:
0x36: {  	(pc) =	sbr.rel @p1 .LBB2_9-.Ltmp3, $4  }
0x37: {  	s2 =	smov.u32 s29;
	p0 =	slt.u32 s0, $0xA  }
0x38: {  	s31 =	smov.u32 s30;
	s7 =	sadd.s32 $0xFFFFFFF6, s0;
	_ =	swait.ge @!p0 [sflag:s29], $0x800  }
0x39: {  	s0 =	smin.u32 s0, s7;
	s29 =	sadd.s32 $0x1, s29;
	[sflag:s2] =	ssyncset.done @!p0 $0x0  }
0x3a: {  	s30 =	sadd.s32 $0x80, s30;
	s0 =	sadd.s32 $0x1, s0;
	[sflag:s2] =	ssyncadd.s32 @!p0 $0xFFFFF800  }
0x3b: {  	[spmem:s1] =	stream.indirect.scatter.add.f32 [tilespmem:s13], [sflag:s0], $0x10, s31, s12, $0xb8;
	[tilespmem:$0x1A180] =	vst v63  }
0x3c: {  	_ =	swait.ge [sflag:s14], $0x800  }
0x3d: {  	[sflag:s14] =	ssyncset.done $0x0  }
0x3e: {  	[sflag:s14] =	ssyncadd.s32 $0xFFFFF800  }
0x3f: {  	_ =	swait.ge [sflag:s15], $0x800  }
0x40: {  	[sflag:s15] =	ssyncset.done $0x0  }
0x41: {  	[sflag:s15] =	ssyncadd.s32 $0xFFFFF800  }
0x42: {  	_ =	swait.ge [sflag:s16], $0x800  }
0x43: {  	[sflag:s16] =	ssyncset.done $0x0  }
0x44: {  	[sflag:s16] =	ssyncadd.s32 $0xFFFFF800  }
0x45: {  	_ =	swait.ge [sflag:s17], $0x800  }
0x46: {  	[sflag:s17] =	ssyncset.done $0x0  }
0x47: {  	[sflag:s17] =	ssyncadd.s32 $0xFFFFF800  }
0x48: {  	_ =	swait.ge [sflag:s18], $0x800  }
0x49: {  	[sflag:s18] =	ssyncset.done $0x0  }
0x4a: {  	[sflag:s18] =	ssyncadd.s32 $0xFFFFF800  }
0x4b: {  	_ =	swait.ge [sflag:s19], $0x800  }
0x4c: {  	[sflag:s19] =	ssyncset.done $0x0  }
0x4d: {  	[sflag:s19] =	ssyncadd.s32 $0xFFFFF800  }
0x4e: {  	_ =	swait.ge [sflag:s20], $0x800  }
0x4f: {  	[sflag:s20] =	ssyncset.done $0x0  }
0x50: {  	[sflag:s20] =	ssyncadd.s32 $0xFFFFF800  }
0x51: {  	_ =	swait.ge [sflag:s21], $0x800  }
0x52: {  	[sflag:s21] =	ssyncset.done $0x0  }
0x53: {  	s26 =	sadd.s32 $0x1, s26;
	[sflag:s21] =	ssyncadd.s32 $0xFFFFF800  }
0x54: {  	p0 =	sne.s32 s26, s6;
	_ =	swait.ge [sflag:s22], $0x800  }
.Ltmp4:
0x55: {  	[sflag:s22] =	ssyncset.done $0x0;
	(pc) =	sbr.rel @p0 .LBB2_8-.Ltmp4, $4  }
0x56: {  	[sflag:s22] =	ssyncadd.s32 $0xFFFFF800  }
0x57: {  	_ =	swait.ge [sflag:s23], $0x800  }
0x58: {  	[sflag:s23] =	ssyncset.done $0x0  }
0x59: {  	[sflag:s23] =	ssyncadd.s32 $0xFFFFF800  }
0x5a: {  	s0 =	stileid.u32;
	s3 =	sadd.s32 $0x1, s3  }
0x5b: {  	[bflag:$0x0] =	sbarrier.arrive $0xFFFF;
	s0 =	sshll.u32 s0, $0x6;
	p0 =	sne.s32 s3, s8  }
.Ltmp5:
0x5c: {  	s2 =	rddreg [dreg:$0x3];
	s0 =	sor.u32 $0x1C0B, s0;
	(pc) =	sbr.rel @p0 .LBB2_1-.Ltmp5, $4  }
0x5d: {  	[hbm:s2], [sflag:s0] =	dma.local [spmem:s24], $0x30E0  }
0x5e: {  	_ =	swait.ge [sflag:s11], $0x30E0  }
0x5f: {  	[sflag:s11] =	ssyncset.done $0x0  }
0x60: {  	[sflag:s11] =	ssyncadd.s32 $0xFFFFCF20  }
0x61: {  	_ =	sfence.sel $0x180000  }
0x62: {  	[bflag:$0x0] =	sbarrier.arrive $0xFFFF  }
0x63: {  	_ =	strace $0x90000047  }
0x64: {  	s0 =	stileid.u32;
	[bflag:$0x2] =	sbarrier.arrive $0xFFFF  }
0x65: {  	p0 =	sne.s32 s0, $0x0;
	s0 =	rddreg [dreg:$0x2]  }
0x66: {  	s0 =	sadd.s32 @!p0 $0x100000, s0  }
0x67: {  	[sflag:s0] =	ssyncadd.tile.s32 @!p0 $0x1;
	_ =	shalt  }
.Lfunc_end2:
_tile_overlayer_lowered:
.L_overlay_start_2:
0x68: {  	(tag) =	ssettag $0x2  }
0x69: {  	s0 =	rddreg [dreg:$0x0];
	s2 =	stileid.u32  }
0x6a: {  	s1 =	rddreg [dreg:$0x1];
	p0 =	sne.s32 s2, $0x0  }
0x6b: {  	s3 =	rddreg [dreg:$0x2];
	[bflag:$0x3] =	sbarrier.arrive $0xFFFF;
	s2 =	simm.s32 @!p0 $0x1C0B  }
0x6c: {  	[timem:s3], [sflag:s2] =	dma.local @!p0 [hbm:s0], s1  }
0x6d: {  	s0 =	simm.s32 @!p0 $0xB  }
0x6e: {  	_ =	swait.ge @!p0 [sflag:s0], s1  }
0x6f: {  	s1 =	ssub.s32 @!p0 $0x0, s1;
	[sflag:s0] =	ssyncset.done @!p0 $0x0  }
0x70: {  	[sflag:s0] =	ssyncadd.s32 @!p0 s1  }
0x71: {  	[bflag:$0x3] =	sbarrier.arrive $0xFFFF  }
0x72: {  	_ =	shalt  }

// kernel: kernel.13.cloned.1.call-start
scs
__scs_entry_jumppad:
0x0: {  	(pc) =	sbr.rel $0x88, $3  }
0x1: {  	(tag) =	ssettag $0x0;
	lr =	simm.s32 $0x1  }
0x2: {  	[smem:$0x3F99] =	sst lr;
	_ =	strace $0xD0000000  }
0x3: {  	_ = 	snop  }
0x4: {  	_ = 	snop  }
0x5: {  	_ = 	snop  }
0x6: {  	_ = 	snop  }
0x7: {  	_ = 	snop  }
__scs_overlays_trampoline_lowered:
0x8: {  	[smem:$0x3FA8] =	sst s0  }
0x9: {  	[smem:$0x3FA9] =	sst s1  }
0xa: {  	[smem:$0x3FAA] =	sst s2  }
0xb: {  	[smem:$0x3FAB] =	sst s3  }
0xc: {  	[smem:$0x3FAC] =	sst s4  }
0xd: {  	[smem:$0x3FAD] =	sst s5  }
0xe: {  	[smem:$0x3FAE] =	sst s6  }
0xf: {  	[smem:$0x3FAF] =	sst s7  }
0x10: {  	[smem:$0x3FB0] =	sst s8  }
0x11: {  	[smem:$0x3FB1] =	sst s9;
	s0 =	simm.s32 @!p0 $0x0  }
0x12: {  	s1 =	sld [smem:$0x3F97];
	s0 =	simm.s32 @p0 $0x1  }
0x13: {  	[smem:$0x3FB2] =	sst s0;
	s0 =	simm.s32 @!p1 $0x0  }
0x14: {  	s2 =	sld [smem:$0x3F96];
	s0 =	simm.s32 @p1 $0x1  }
0x15: {  	[smem:$0x3FB3] =	sst s0;
	s0 =	simm.s32 @!p2 $0x0  }
0x16: {  	s3 =	sld [smem:$0x3FDB];
	s0 =	simm.s32 @p2 $0x1  }
0x17: {  	s4 =	simm.s32 $0x1BF5;
	[smem:$0x3FB5] =	sst s0  }
0x18: {  	s0 =	sld [smem:$0x3F98];
	_ =	swait.ge [sflag:s4], $0x0  }
0x19: {  	s7 =	sld [smem:$0x3F99]  }
0x1a: {  	s8 =	sadd.s32 $0xFFFFE003, lr  }
0x1b: {  	s9 =	sadd.s32 $0xFFFFFEF7, lr;
	s5 =	simm.s32 $0xFFFFFFFF;
	p2 =	slt.u32 s8, $0xFFFFF086  }
0x1c: {  	p1 =	slt.u32 s9, $0xF7A;
	s5 =	simm.s32 @!p2 $0x0  }
0x1d: {  	s5 =	simm.s32 @p1 $0x1;
	p0 =	seq.s32 s7, s2  }
0x1e: {  	s7 =	smul.u32 @!p0 $0xF7A, s2;
	p2 =	seq.s32 @!p0 s5, $0x0  }
0x1f: {  	s9 =	smul.u32 $0xF7A, s1;
	s8 =	simm.s32 @!p0 $0x1BF5;
	p2 =	por !p2, p0  }
0x20: {  	[sflag:s8] =	ssyncset.s32 @!p0 $0xFFFFF086;
	s6 =	sadd.s32 @!p0 s3, s7;
	s7 =	simm.s32 @!p0 $0x108  }
0x21: {  	s3 =	sadd.s32 s3, s9;
	s6 =	sadd.s32 @!p0 $0x88, s6;
	s7 =	simm.s32 @p2 $0x1082  }
0x22: {  	[simem:s7], [sflag:s8] =	dma.local @!p0 [hbm:s6], $0xF7A  }
0x23: {  	s9 =	sor.u32 $0xD0000000, s2;
	s6 =	simm.s32 $0x108;
	_ =	swait.ge @!p0 [sflag:s8], $0x0  }
0x24: {  	s3 =	sadd.s32 $0x88, s3;
	s6 =	simm.s32 @!p1 $0x1082;
	[sflag:s4] =	ssyncset.s32 $0xFFFFF086  }
0x25: {  	[simem:s6], [sflag:s4] =	dma.local [hbm:s3], $0xF7A  }
0x26: {  	[smem:$0x3F99] =	sst s1;
	(tag) =	ssettag s2;
	_ =	strace s9  }
0x27: {  	s1 =	sld [smem:$0x3FA9]  }
0x28: {  	s2 =	sld [smem:$0x3FAA]  }
0x29: {  	s4 =	sld [smem:$0x3FAC]  }
0x2a: {  	p0 =	seq.s32 s5, $0x0;
	s5 =	sld [smem:$0x3FAD]  }
0x2b: {  	s6 =	sld [smem:$0x3FAE]  }
0x2c: {  	s7 =	sld [smem:$0x3FAF]  }
0x2d: {  	s3 =	simm.s32 $0x108;
	s8 =	sld [smem:$0x3FB0]  }
0x2e: {  	s3 =	simm.s32 @!p0 $0x1082;
	s9 =	sld [smem:$0x3FB1]  }
0x2f: {  	lr =	sadd.s32 s0, s3;
	s0 =	sld [smem:$0x3FA8]  }
0x30: {  	s3 =	sld [smem:$0x3FAB]  }
0x31: {  	[smem:$0x3FB4] =	sst s10  }
0x32: {  	s10 =	sld [smem:$0x3FB2];
	_ =	sdelay $0x3  }
0x33: {  	p0 =	seq.s32 s10, $0x1;
	s10 =	sld [smem:$0x3FB4];
	_ =	sdelay $0x3  }
0x34: {  	[smem:$0x3FB4] =	sst s10  }
0x35: {  	s10 =	sld [smem:$0x3FB3];
	_ =	sdelay $0x3  }
0x36: {  	p1 =	seq.s32 s10, $0x1;
	s10 =	sld [smem:$0x3FB4];
	_ =	sdelay $0x3  }
0x37: {  	[smem:$0x3FB4] =	sst s10  }
0x38: {  	s10 =	sld [smem:$0x3FB5]  }
0x39: {  	_ = 	snop;
	(pc) =	sbr.ind lr, $3  }
0x3a: {  	_ = 	snop  }
0x3b: {  	_ = 	snop  }
0x3c: {  	p2 =	seq.s32 s10, $0x1;
	s10 =	sld [smem:$0x3FB4]  }
0x3d: {  	_ =	shalt  }
0x3e: {  	_ =	shalt  }
0x3f: {  	_ =	shalt  }
0x40: {  	_ =	shalt  }
0x41: {  	_ =	shalt  }
0x42: {  	_ =	shalt  }
0x43: {  	_ =	shalt  }
0x44: {  	_ =	shalt  }
0x45: {  	_ =	shalt  }
0x46: {  	_ =	shalt  }
0x47: {  	_ =	shalt  }
0x48: {  	_ =	shalt  }
0x49: {  	_ =	shalt  }
0x4a: {  	_ =	shalt  }
0x4b: {  	_ =	shalt  }
0x4c: {  	_ =	shalt  }
0x4d: {  	_ =	shalt  }
0x4e: {  	_ =	shalt  }
0x4f: {  	_ =	shalt  }
0x50: {  	_ =	shalt  }
0x51: {  	_ =	shalt  }
0x52: {  	_ =	shalt  }
0x53: {  	_ =	shalt  }
0x54: {  	_ =	shalt  }
0x55: {  	_ =	shalt  }
0x56: {  	_ =	shalt  }
0x57: {  	_ =	shalt  }
0x58: {  	_ =	shalt  }
0x59: {  	_ =	shalt  }
0x5a: {  	_ =	shalt  }
0x5b: {  	_ =	shalt  }
0x5c: {  	_ =	shalt  }
0x5d: {  	_ =	shalt  }
0x5e: {  	_ =	shalt  }
0x5f: {  	_ =	shalt  }
0x60: {  	_ =	shalt  }
0x61: {  	_ =	shalt  }
0x62: {  	_ =	shalt  }
0x63: {  	_ =	shalt  }
0x64: {  	_ =	shalt  }
0x65: {  	_ =	shalt  }
0x66: {  	_ =	shalt  }
0x67: {  	_ =	shalt  }
0x68: {  	_ =	shalt  }
0x69: {  	_ =	shalt  }
0x6a: {  	_ =	shalt  }
0x6b: {  	_ =	shalt  }
0x6c: {  	_ =	shalt  }
0x6d: {  	_ =	shalt  }
0x6e: {  	_ =	shalt  }
0x6f: {  	_ =	shalt  }
0x70: {  	_ =	shalt  }
0x71: {  	_ =	shalt  }
0x72: {  	_ =	shalt  }
0x73: {  	_ =	shalt  }
0x74: {  	_ =	shalt  }
0x75: {  	_ =	shalt  }
0x76: {  	_ =	shalt  }
0x77: {  	_ =	shalt  }
0x78: {  	_ =	shalt  }
0x79: {  	_ =	shalt  }
0x7a: {  	_ =	shalt  }
0x7b: {  	_ =	shalt  }
0x7c: {  	_ =	shalt  }
0x7d: {  	_ =	shalt  }
0x7e: {  	_ =	shalt  }
0x7f: {  	_ =	shalt  }
0x80: {  	_ =	shalt  }
0x81: {  	_ =	shalt  }
0x82: {  	_ =	shalt  }
0x83: {  	_ =	shalt  }
0x84: {  	_ =	shalt  }
0x85: {  	_ =	shalt  }
0x86: {  	_ =	shalt  }
0x87: {  	_ =	shalt  }
.Lfunc_end0:
.L_simem_size_0:
called_computation.1_lowered:
.L_overlay_start_0:
0x88: {  	s2 =	sld [smem:$0x3FD9]  }
0x89: {  	s3 =	sld [smem:$0x3FFE];
	_ =	sdelay $0x1  }
0x8a: {  	s1 =	srdreg.scid  }
0x8b: {  	s0 =	sand.u32 $0x1, s1  }
0x8c: {  	s16 =	sshll.u32 s0, $0xA;
	s2 =	sadd.s32 s3, s2  }
0x8d: {  	s2 =	sadd.s32 s2, s16  }
0x8e: {  	[smem:$0x3FC0] =	sst s2  }
0x8f: {  	_ = 	snop  }
0x90: {  	(tm) =	ssettm $0x1  }
0x91: {  	s17 =	sld [smem:$0x3FFB];
	_ =	sdelay $0x3  }
0x92: {  	_ =	strace s17  }
0x93: {  	s2 =	sld [smem:$0x3FFC];
	_ =	sdelay $0x3  }
0x94: {  	_ =	strace s2  }
0x95: {  	s2 =	sld [smem:$0x3FFD];
	_ =	sdelay $0x3  }
0x96: {  	_ =	strace s2  }
0x97: {  	_ =	strace $0x8FFFFFFF  }
0x98: {  	s18 =	sld [smem:$0x3FDB];
	_ =	sdelay $0x1  }
0x99: {  	s19 =	simm.s32 $_scs_section_size  }
0x9a: {  	s4 =	simm.s32 $_size__tile_overlayer_lowered;
	s5 =	simm.s32 $_tile_overlayer_lowered  }
0x9b: {  	s22 =	simm.s32 $0x1BFF;
	s21 =	sshll.u32 s5, $0x1;
	s2 =	sadd.s32 s19, s18  }
0x9c: {  	s6 =	simm.s32 $0x0;
	s20 =	sshll.u32 s4, $0x1;
	s4 =	sadd.s32 s21, s2  }
0x9d: {  	[timem:s6], [sflag:s22] =	dma.local [hbm:s4], s20  }
0x9e: {  	_ =	swait.ge [sflag:s22], s20  }
0x9f: {  	s3 =	ssub.s32 $0x0, s20;
	[sflag:s22] =	ssyncset.done $0x0  }
0xa0: {  	[sflag:s22] =	ssyncadd.s32 s3;
	_ =	sdelay $0x1  }
0xa1: {  	s23 =	simm.s32 $0x1B8B  }
0xa2: {  	_ =	swait.ge [sflag:s23], $0x1  }
0xa3: {  	[sflag:s23] =	ssyncset.done $0x0  }
0xa4: {  	s25 =	simm.s32 $0x1B8E;
	s24 =	sld [smem:$0x3FFE];
	[sflag:s23] =	ssyncadd.s32 $0xFFFFFFFF  }
0xa5: {  	s26 =	simm.s32 $execute0_lowered;
	[smem:$0x3FD2] =	sst s25  }
0xa6: {  	s4 =	sshll.u32 s26, $0x1;
	_ =	strace $0x80000049;
	[dreg:$0x1] =	wrdreg $0xFFFFFFFF  }
0xa7: {  	s28 =	simm.s32 $_size_execute0_lowered;
	s2 =	sadd.s32 s2, s4;
	[dreg:$0x0] =	wrdreg $0x0  }
0xa8: {  	s4 =	sshll.u32 s28, $0x1;
	[dreg:$0x2] =	wrdreg s2  }
0xa9: {  	[dreg:$0x3] =	wrdreg s4  }
0xaa: {  	[dreg:$0x4] =	wrdreg $0xC0  }
0xab: {  	_ =	task [dreg:s6], $0x5FFFF  }
0xac: {  	[dreg:$0x1] =	wrdreg $0xFFFFFFFF  }
0xad: {  	[dreg:$0x0] =	wrdreg $0x60  }
0xae: {  	[dreg:$0x2] =	wrdreg s24  }
0xaf: {  	[dreg:$0x3] =	wrdreg $0x6C800  }
0xb0: {  	[dreg:$0x4] =	wrdreg $0x9  }
0xb1: {  	_ =	task.clear_ibuf [dreg:s6], $0x5FFFF;
	_ =	strace $0x90000049  }
0xb2: {  	s29 =	simm.s32 $0x9;
	_ =	strace $0x8000004B  }
0xb3: {  	_ =	swait.ge [sflag:s29], $0x1  }
0xb4: {  	[sflag:s29] =	ssyncadd.s32 $0xFFFFFFFF  }
0xb5: {  	_ =	strace $0x9000004B  }
0xb6: {  	_ =	sfence  }
0xb7: {  	s30 =	sld [smem:$0x0];
	_ =	sdelay $0x2  }
0xb8: {  	s31 =	sshll.u32 s1, $0xD;
	s1 =	sshrl.u32 s1, $0x2  }
0xb9: {  	s3 =	sand.u32 $0x4000, s31;
	s1 =	sadd.s32 s1, s30  }
0xba: {  	s0 =	sor.u32 s3, s0;
	s1 =	sshll.u32 s1, $0x11  }
0xbb: {  	s0 =	sor.u32 s1, s0  }
0xbc: {  	s0 =	sadd.s32 $0x8F2B, s0  }
0xbd: {  	[sflag:s0] =	ssyncadd.remote.s32 $0x1  }
0xbe: {  	_ =	sfence.sel $0xFFFF  }
0xbf: {  	[dreg:$0x0] =	wrdreg $0xFFFFFFFF;
	(pc) =	sbr.abs _section_cstart, $3  }
0xc0: {  	[dreg:$0x1] =	wrdreg $0xFFFFFFFF  }
0xc1: {  	_ =	task.clear_ibuf [dreg:s6], $0x2FFFF;
	_ =	strace $0x9FFFFFFF  }
0xc2: {  	(tm) =	ssettm $0x7FFFFFFF  }
0xc3: {  	_ =	shalt  }
tec
execute0_lowered:
.L_overlay_start_1:
0x0: {  	(tag) =	ssettag $0x1  }
0x1: {  	s0 =	rddreg [dreg:$0x0]  }
0x2: {  	s1 =	rddreg [dreg:$0x1]  }
0x3: {  	s3 =	simm.s32 $0x0;
	s2 =	srdreg.scid;
	s11 =	stileid.u32  }
0x4: {  	s12 =	simm.s32 $0x6400;
	s13 =	simm.s32 $0x15;
	s15 =	simm.s32 $0x80  }
0x5: {  	s25 =	simm.s32 $0xC;
	s16 =	simm.s32 $0xD;
	s17 =	simm.s32 $0xE  }
0x6: {  	s18 =	simm.s32 $0xF;
	s19 =	simm.s32 $0x10;
	s20 =	simm.s32 $0x11  }
0x7: {  	s21 =	simm.s32 $0x12;
	s22 =	simm.s32 $0x13;
	[smem:$0x7FF] =	sst s3  }
0x8: {  	s2 =	sand.u32 $0x1, s2;
	s9 =	smul.u32 $0x18700, s11;
	s6 =	sshll.u32 s11, $0x1  }
0x9: {  	s4 =	sadd.s32 $0x64E00, s0;
	s7 =	sadd.s32 $0x3200, s0;
	s29 =	smul.u32 $0x61C00, s11  }
0xa: {  	s5 =	smul.u32 $0x187000, s2;
	_ =	strace $0x8000004A;
	s26 =	sor.u32 s2, s6  }
0xb: {  	[dreg:$0x3] =	wrdreg s7;
	s2 =	ssub.s32 $0x2, s2;
	s6 =	smul.u32 $0x13, s26  }
0xc: {  	s8 =	sshrl.u32 s2, $0x1;
	s10 =	smin.u32 s26, $0x11;
	p0 =	slt.u32 s26, $0x11  }
0xd: {  	s30 =	sadd.s32 s9, s1;
	s31 =	sshrl.u32 s29, $0x2;
	s5 =	sadd.s32 s9, s5  }
0xe: {  	s2 =	ssub.s32 s2, s8;
	s5 =	sshrl.u32 s5, $0x3;
	s28 =	sadd.s32 s10, s6  }
0xf: {  	s6 =	simm.s32 $0x14;
	s2 =	smax.u32 s2, $0x1;
	[dreg:$0x4] =	wrdreg s28  }
0x10: {  	s0 =	sadd.s32 s5, s0;
	s6 =	simm.s32 @!p0 $0x13;
	[dreg:$0x7] =	wrdreg s2  }
0x11: {  	s8 =	simm.s32 $0x14;
	[dreg:$0x5] =	wrdreg s6;
	s0 =	sadd.s32 $0x95C00, s0  }
0x12: {  	s11 =	sadd.s32 s31, s1;
	[dreg:$0x6] =	wrdreg s0;
	s0 =	sshrl.u32 s30, $0x3  }
0x13: {  	v0 =	vimm.f32 $0.0e+00;
	s10 =	simm.s32 $0xB;
	s2 =	simm.s32 $0x0;
	[dreg:$0x8] =	wrdreg s0  }
.LBB2_1:
0x14: {  	[dreg:$0x9] =	wrdreg s2;
	s0 =	simm.s32 $0x0  }
.LBB2_2:
0x15: {  	p0 =	sne.s32 s0, $0x21C0  }
.Ltmp0:
0x16: {  	_ = 	snop;
	(pc) =	sbr.rel @p0 .LBB2_2-.Ltmp0, $3  }
0x17: {  	_ =	sdelay $0x1  }
0x18: {  	s2 =	sshra.s32 s0, $0x2  }
0x19: {  	s0 =	sadd.s32 $0x40, s0;
	[tilespmem:s2+$0x6400] =	vst v0  }
0x1a: {  	s0 =	sadd.s32 $0x0, s11  }
0x1b: {  	[spmem:s0] =	stream.linear.scatter [tilespmem:s12], [sflag:$0x15], $0x880, $0x38;
	[tilespmem:$0x1F380] =	vst v63  }
0x1c: {  	s0 =	simm.s32 $0x2200;
	_ =	swait.ge [sflag:s13], $0x880  }
.LBB2_4:
0x1d: {  	s2 =	sshra.s32 s0, $0x2;
	[sflag:s13] =	ssyncset.done $0x0;
	p0 =	sne.s32 s0, $0x5FA00  }
.Ltmp1:
0x1e: {  	s2 =	sadd.s32 s2, s11;
	[sflag:s13] =	ssyncadd.s32 $0xFFFFF780;
	(pc) =	sbr.rel @p0 .LBB2_4-.Ltmp1, $3  }
0x1f: {  	[spmem:s2] =	stream.linear.scatter [tilespmem:s12], [sflag:$0x15], $0x880, $0x38;
	[tilespmem:$0x1F380] =	vst v63  }
0x20: {  	s0 =	sadd.s32 $0x2200, s0;
	_ =	sdelay $0x1  }
0x21: {  	_ =	swait.ge [sflag:s13], $0x880  }
0x22: {  	[sflag:s13] =	ssyncset.done $0x0  }
0x23: {  	[sflag:s13] =	ssyncadd.s32 $0xFFFFF780  }
0x24: {  	s23 =	simm.s32 $0x0;
	[bflag:$0x0] =	sbarrier.arrive $0xFFFF  }
.LBB2_6:
0x25: {  	s0 =	rddreg [dreg:$0x4]  }
0x26: {  	s0 =	sadd.s32 s23, s0  }
0x27: {  	s0 =	smul.u32 $0xA00, s0;
	_ =	sdelay $0x1  }
0x28: {  	s2 =	rddreg [dreg:$0x3];
	s0 =	sshrl.u32 s0, $0x3  }
0x29: {  	s0 =	sadd.s32 s2, s0  }
0x2a: {  	[tilespmem:s3], [sflag:$0x15] =	stream.linear.gather [hbm4b:s0+s3], $0xA00, $0x38;
	[tilespmem:$0x1F380] =	vst v63  }
0x2b: {  	_ =	swait.ge [sflag:s13], $0xA00  }
0x2c: {  	[sflag:s13] =	ssyncset.done $0x0  }
0x2d: {  	s2 =	simm.s32 $0xA00;
	s0 =	sadd.s32 $0x30D40, s0;
	[sflag:s13] =	ssyncadd.s32 $0xFFFFF600  }
0x2e: {  	[tilespmem:s2], [sflag:$0x15] =	stream.linear.gather [hbm4b:s0+s3], $0xA00, $0x38;
	[tilespmem:$0x1F380] =	vst v63  }
0x2f: {  	_ =	swait.ge [sflag:s13], $0xA00  }
0x30: {  	[sflag:s13] =	ssyncset.done $0x0  }
0x31: {  	s24 =	simm.s32 $0x1400;
	[sflag:s13] =	ssyncadd.s32 $0xFFFFF600  }
0x32: {  	[tilespmem:s24], [sflag:$0x1] =	stream.indirect.gather [hbm4b:s4+s15], $0x10, s3, s15, $0xb8;
	[tilespmem:$0x1F380] =	vst v63  }
0x33: {  	s14 =	simm.s32 $0x1C00  }
0x34: {  	[tilespmem:s14], [sflag:$0x2] =	stream.indirect.gather [hbm4b:s4+s15], $0x10, s15, s15, $0xb8;
	[tilespmem:$0x1F380] =	vst v63  }
0x35: {  	s26 =	simm.s32 $0x100;
	s5 =	simm.s32 $0x2400  }
0x36: {  	[tilespmem:s5], [sflag:$0x3] =	stream.indirect.gather [hbm4b:s4+s15], $0x10, s26, s15, $0xb8;
	[tilespmem:$0x1F380] =	vst v63  }
0x37: {  	s6 =	simm.s32 $0x2C00;
	s5 =	simm.s32 $0x180  }
0x38: {  	[tilespmem:s6], [sflag:$0x4] =	stream.indirect.gather [hbm4b:s4+s15], $0x10, s5, s15, $0xb8;
	[tilespmem:$0x1F380] =	vst v63  }
0x39: {  	s7 =	simm.s32 $0x200;
	s9 =	simm.s32 $0x3400  }
0x3a: {  	[tilespmem:s9], [sflag:$0x5] =	stream.indirect.gather [hbm4b:s4+s15], $0x10, s7, s15, $0xb8;
	[tilespmem:$0x1F380] =	vst v63  }
0x3b: {  	s14 =	simm.s32 $0x280;
	s26 =	simm.s32 $0x3C00  }
0x3c: {  	[tilespmem:s26], [sflag:$0x6] =	stream.indirect.gather [hbm4b:s4+s15], $0x10, s14, s15, $0xb8;
	[tilespmem:$0x1F380] =	vst v63  }
0x3d: {  	s5 =	simm.s32 $0x300;
	s6 =	simm.s32 $0x4400  }
0x3e: {  	[tilespmem:s6], [sflag:$0x7] =	stream.indirect.gather [hbm4b:s4+s15], $0x10, s5, s15, $0xb8;
	[tilespmem:$0x1F380] =	vst v63  }
0x3f: {  	s7 =	simm.s32 $0x380;
	s9 =	simm.s32 $0x4C00  }
0x40: {  	[tilespmem:s9], [sflag:$0x8] =	stream.indirect.gather [hbm4b:s4+s15], $0x10, s7, s15, $0xb8;
	[tilespmem:$0x1F380] =	vst v63  }
0x41: {  	s14 =	simm.s32 $0x400;
	s26 =	simm.s32 $0x5400  }
0x42: {  	[tilespmem:s26], [sflag:$0x9] =	stream.indirect.gather [hbm4b:s4+s15], $0x10, s14, s15, $0xb8;
	[tilespmem:$0x1F380] =	vst v63  }
0x43: {  	s26 =	simm.s32 $0x1  }
0x44: {  	p0 =	por $0x0, $0x0;
	_ =	swait.ge [sflag:s26], $0x800  }
0x45: {  	s29 =	simm.s32 $0x580;
	s9 =	simm.s32 $0xFFFFFFF7;
	[sflag:s26] =	ssyncset.done $0x0  }
0x46: {  	s30 =	simm.s32 $0xB00;
	s0 =	smin.u32 s26, s9;
	[sflag:s26] =	ssyncadd.s32 $0xFFFFF800  }
0x47: {  	[spmem:s1] =	stream.indirect.scatter.add.f32 [tilespmem:s24], [sflag:$0xB], $0x10, s2, s15, $0xb8;
	[tilespmem:$0x1F380] =	vst v63  }
0x48: {  	s6 =	simm.s32 $0x480;
	s7 =	simm.s32 $0x5C00;
	s14 =	sadd.s32 $0x1, s0  }
0x49: {  	[tilespmem:s7], [sflag:$0xA] =	stream.indirect.gather [hbm4b:s4+s15], $0x10, s6, s15, $0xb8;
	[tilespmem:$0x1F380] =	vst v63  }
0x4a: {  	s9 =	simm.s32 $0xA80;
	s28 =	sshll.u32 s0, $0xB;
	_ =	swait.ge [sflag:s14], $0x800  }
0x4b: {  	s0 =	sadd.s32 $0xB, s0;
	s28 =	sand.u32 $0x3FFFF800, s28;
	[sflag:s14] =	ssyncset.done $0x0  }
0x4c: {  	s2 =	simm.s32 $0xB;
	s28 =	sadd.s32 $0x1400, s28;
	[sflag:s14] =	ssyncadd.s32 $0xFFFFF800  }
0x4d: {  	[spmem:s1] =	stream.indirect.scatter.add.f32 [tilespmem:s28], [sflag:s0], $0x10, s9, s15, $0xb8;
	[tilespmem:$0x1F380] =	vst v63  }
0x4e: {  	s31 =	simm.s32 $0x1C00;
	s5 =	simm.s32 @!p0 $0x80;
	_ =	swait.ge @!p0 [sflag:s2], $0x800  }
0x4f: {  	s0 =	simm.s32 $0x500;
	s28 =	simm.s32 $0x2;
	[sflag:s2] =	ssyncset.done @!p0 $0x0  }
0x50: {  	s9 =	simm.s32 $0x2;
	[sflag:s2] =	ssyncadd.s32 @!p0 $0xFFFFF800;
	s2 =	simm.s32 $0xC  }
.LBB2_7:
0x51: {  	[tilespmem:s24], [sflag:s26] =	stream.indirect.gather @!p0 [hbm4b:s4+s5], $0x10, s0, s5, $0xb8;
	[tilespmem:$0x1F380] =	vst v63  }
0x52: {  	s0 =	sadd.s32 $0xFFFFFFF6, s28;
	s5 =	smov.u32 s28;
	s28 =	sadd.s32 $0x1, s28  }
0x53: {  	s6 =	smin.u32 s5, s0;
	p1 =	sne.s32 s28, $0x14;
	s0 =	smov.u32 s29  }
0x54: {  	s26 =	smov.u32 s9;
	s7 =	sshll.u32 s6, $0xB;
	s14 =	sadd.s32 $0x1, s6  }
0x55: {  	s24 =	smov.u32 s31;
	p0 =	sgt.u32 s5, $0xA;
	_ =	swait.ge [sflag:s14], $0x800  }
0x56: {  	s6 =	sadd.s32 $0xB, s6;
	s5 =	sand.u32 $0x3FFFF800, s7;
	[sflag:s14] =	ssyncset.done $0x0  }
.Ltmp2:
0x57: {  	s5 =	sadd.s32 $0x1400, s5;
	[sflag:s14] =	ssyncadd.s32 $0xFFFFF800;
	(pc) =	sbr.rel @p1 .LBB2_7-.Ltmp2, $4  }
0x58: {  	[spmem:s1] =	stream.indirect.scatter.add.f32 [tilespmem:s5], [sflag:s6], $0x10, s30, s15, $0xb8;
	[tilespmem:$0x1F380] =	vst v63  }
0x59: {  	s29 =	sadd.s32 $0x80, s29;
	s30 =	sadd.s32 $0x80, s30;
	_ =	swait.ge @!p0 [sflag:s2], $0x800  }
0x5a: {  	s9 =	sadd.s32 $0x1, s9;
	s31 =	sadd.s32 $0x800, s31;
	[sflag:s2] =	ssyncset.done @!p0 $0x0  }
0x5b: {  	s5 =	simm.s32 @!p0 $0x80;
	[sflag:s2] =	ssyncadd.s32 @!p0 $0xFFFFF800;
	s2 =	sadd.s32 $0x1, s2  }
0x5c: {  	[tilespmem:s24], [sflag:s26] =	stream.indirect.gather @!p0 [hbm4b:s4+s5], $0x10, s0, s5, $0xb8;
	[tilespmem:$0x1F380] =	vst v63  }
0x5d: {  	_ =	swait.ge [sflag:s10], $0x800  }
0x5e: {  	[sflag:s10] =	ssyncset.done $0x0  }
0x5f: {  	[sflag:s10] =	ssyncadd.s32 $0xFFFFF800  }
0x60: {  	_ =	swait.ge [sflag:s25], $0x800  }
0x61: {  	[sflag:s25] =	ssyncset.done $0x0  }
0x62: {  	[sflag:s25] =	ssyncadd.s32 $0xFFFFF800  }
0x63: {  	_ =	swait.ge [sflag:s16], $0x800  }
0x64: {  	[sflag:s16] =	ssyncset.done $0x0  }
0x65: {  	[sflag:s16] =	ssyncadd.s32 $0xFFFFF800  }
0x66: {  	_ =	swait.ge [sflag:s17], $0x800  }
0x67: {  	[sflag:s17] =	ssyncset.done $0x0  }
0x68: {  	[sflag:s17] =	ssyncadd.s32 $0xFFFFF800  }
0x69: {  	_ =	swait.ge [sflag:s18], $0x800  }
0x6a: {  	[sflag:s18] =	ssyncset.done $0x0  }
0x6b: {  	[sflag:s18] =	ssyncadd.s32 $0xFFFFF800  }
0x6c: {  	_ =	swait.ge [sflag:s19], $0x800  }
0x6d: {  	[sflag:s19] =	ssyncset.done $0x0  }
0x6e: {  	[sflag:s19] =	ssyncadd.s32 $0xFFFFF800  }
0x6f: {  	_ =	swait.ge [sflag:s20], $0x800  }
0x70: {  	[sflag:s20] =	ssyncset.done $0x0  }
0x71: {  	[sflag:s20] =	ssyncadd.s32 $0xFFFFF800  }
0x72: {  	_ =	swait.ge [sflag:s21], $0x800  }
0x73: {  	[sflag:s21] =	ssyncset.done $0x0  }
0x74: {  	[sflag:s21] =	ssyncadd.s32 $0xFFFFF800  }
0x75: {  	_ =	swait.ge [sflag:s22], $0x800  }
0x76: {  	[sflag:s22] =	ssyncset.done $0x0  }
0x77: {  	[sflag:s22] =	ssyncadd.s32 $0xFFFFF800  }
0x78: {  	_ =	swait.ge [sflag:s8], $0x800  }
0x79: {  	s23 =	sadd.s32 $0x1, s23;
	s31 =	rddreg [dreg:$0x5]  }
0x7a: {  	p0 =	sne.s32 s23, s31  }
.Ltmp3:
0x7b: {  	_ = 	snop;
	(pc) =	sbr.rel @p0 .LBB2_6-.Ltmp3, $3  }
0x7c: {  	_ =	sdelay $0x1  }
0x7d: {  	[sflag:s8] =	ssyncset.done $0x0  }
0x7e: {  	[sflag:s8] =	ssyncadd.s32 $0xFFFFF800  }
0x7f: {  	s0 =	stileid.u32;
	[bflag:$0x0] =	sbarrier.arrive $0xFFFF  }
0x80: {  	s0 =	sshll.u32 s0, $0x6;
	s2 =	rddreg [dreg:$0x6]  }
0x81: {  	s5 =	rddreg [dreg:$0x8];
	s0 =	sor.u32 $0x1C15, s0  }
0x82: {  	[hbm:s2], [sflag:s0] =	dma.local [spmem:s5], $0x30E0  }
0x83: {  	_ =	swait.ge [sflag:s13], $0x30E0  }
0x84: {  	s30 =	rddreg [dreg:$0x9]  }
0x85: {  	s31 =	rddreg [dreg:$0x7];
	s2 =	sadd.s32 $0x1, s30  }
0x86: {  	p0 =	sne.s32 s2, s31  }
.Ltmp4:
0x87: {  	_ = 	snop;
	(pc) =	sbr.rel @p0 .LBB2_1-.Ltmp4, $3  }
0x88: {  	_ =	sdelay $0x1  }
0x89: {  	[sflag:s13] =	ssyncset.done $0x0  }
0x8a: {  	[sflag:s13] =	ssyncadd.s32 $0xFFFFCF20  }
0x8b: {  	_ =	sfence.sel $0x180000  }
0x8c: {  	[bflag:$0x0] =	sbarrier.arrive $0xFFFF  }
0x8d: {  	_ =	strace $0x9000004A  }
0x8e: {  	s0 =	stileid.u32;
	[bflag:$0x2] =	sbarrier.arrive $0xFFFF  }
0x8f: {  	p0 =	sne.s32 s0, $0x0;
	s0 =	rddreg [dreg:$0x2]  }
0x90: {  	s0 =	sadd.s32 @!p0 $0x100000, s0  }
0x91: {  	[sflag:s0] =	ssyncadd.tile.s32 @!p0 $0x1;
	_ =	shalt  }
.Lfunc_end2:
_tile_overlayer_lowered:
.L_overlay_start_2:
0x92: {  	(tag) =	ssettag $0x2  }
0x93: {  	s0 =	rddreg [dreg:$0x0];
	s2 =	stileid.u32  }
0x94: {  	s1 =	rddreg [dreg:$0x1];
	p0 =	sne.s32 s2, $0x0  }
0x95: {  	s3 =	rddreg [dreg:$0x2];
	[bflag:$0x3] =	sbarrier.arrive $0xFFFF;
	s2 =	simm.s32 @!p0 $0x1C15  }
0x96: {  	[timem:s3], [sflag:s2] =	dma.local @!p0 [hbm:s0], s1  }
0x97: {  	s0 =	simm.s32 @!p0 $0x15  }
0x98: {  	_ =	swait.ge @!p0 [sflag:s0], s1  }
0x99: {  	s1 =	ssub.s32 @!p0 $0x0, s1;
	[sflag:s0] =	ssyncset.done @!p0 $0x0  }
0x9a: {  	[sflag:s0] =	ssyncadd.s32 @!p0 s1  }
0x9b: {  	[bflag:$0x3] =	sbarrier.arrive $0xFFFF  }
0x9c: {  	_ =	shalt  }

// kernel: kernel.16.cloned.1.call-start
scs
__scs_entry_jumppad:
0x0: {  	(pc) =	sbr.rel $0x88, $3  }
0x1: {  	(tag) =	ssettag $0x0;
	lr =	simm.s32 $0x1  }
0x2: {  	[smem:$0x3F99] =	sst lr;
	_ =	strace $0xD0000000  }
0x3: {  	_ = 	snop  }
0x4: {  	_ = 	snop  }
0x5: {  	_ = 	snop  }
0x6: {  	_ = 	snop  }
0x7: {  	_ = 	snop  }
__scs_overlays_trampoline_lowered:
0x8: {  	[smem:$0x3FA8] =	sst s0  }
0x9: {  	[smem:$0x3FA9] =	sst s1  }
0xa: {  	[smem:$0x3FAA] =	sst s2  }
0xb: {  	[smem:$0x3FAB] =	sst s3  }
0xc: {  	[smem:$0x3FAC] =	sst s4  }
0xd: {  	[smem:$0x3FAD] =	sst s5  }
0xe: {  	[smem:$0x3FAE] =	sst s6  }
0xf: {  	[smem:$0x3FAF] =	sst s7  }
0x10: {  	[smem:$0x3FB0] =	sst s8  }
0x11: {  	[smem:$0x3FB1] =	sst s9;
	s0 =	simm.s32 @!p0 $0x0  }
0x12: {  	s1 =	sld [smem:$0x3F97];
	s0 =	simm.s32 @p0 $0x1  }
0x13: {  	[smem:$0x3FB2] =	sst s0;
	s0 =	simm.s32 @!p1 $0x0  }
0x14: {  	s2 =	sld [smem:$0x3F96];
	s0 =	simm.s32 @p1 $0x1  }
0x15: {  	[smem:$0x3FB3] =	sst s0;
	s0 =	simm.s32 @!p2 $0x0  }
0x16: {  	s3 =	sld [smem:$0x3FDB];
	s0 =	simm.s32 @p2 $0x1  }
0x17: {  	s4 =	simm.s32 $0x1BF5;
	[smem:$0x3FB5] =	sst s0  }
0x18: {  	s0 =	sld [smem:$0x3F98];
	_ =	swait.ge [sflag:s4], $0x0  }
0x19: {  	s7 =	sld [smem:$0x3F99]  }
0x1a: {  	s8 =	sadd.s32 $0xFFFFE003, lr  }
0x1b: {  	s9 =	sadd.s32 $0xFFFFFEF7, lr;
	s5 =	simm.s32 $0xFFFFFFFF;
	p2 =	slt.u32 s8, $0xFFFFF086  }
0x1c: {  	p1 =	slt.u32 s9, $0xF7A;
	s5 =	simm.s32 @!p2 $0x0  }
0x1d: {  	s5 =	simm.s32 @p1 $0x1;
	p0 =	seq.s32 s7, s2  }
0x1e: {  	s7 =	smul.u32 @!p0 $0xF7A, s2;
	p2 =	seq.s32 @!p0 s5, $0x0  }
0x1f: {  	s9 =	smul.u32 $0xF7A, s1;
	s8 =	simm.s32 @!p0 $0x1BF5;
	p2 =	por !p2, p0  }
0x20: {  	[sflag:s8] =	ssyncset.s32 @!p0 $0xFFFFF086;
	s6 =	sadd.s32 @!p0 s3, s7;
	s7 =	simm.s32 @!p0 $0x108  }
0x21: {  	s3 =	sadd.s32 s3, s9;
	s6 =	sadd.s32 @!p0 $0x88, s6;
	s7 =	simm.s32 @p2 $0x1082  }
0x22: {  	[simem:s7], [sflag:s8] =	dma.local @!p0 [hbm:s6], $0xF7A  }
0x23: {  	s9 =	sor.u32 $0xD0000000, s2;
	s6 =	simm.s32 $0x108;
	_ =	swait.ge @!p0 [sflag:s8], $0x0  }
0x24: {  	s3 =	sadd.s32 $0x88, s3;
	s6 =	simm.s32 @!p1 $0x1082;
	[sflag:s4] =	ssyncset.s32 $0xFFFFF086  }
0x25: {  	[simem:s6], [sflag:s4] =	dma.local [hbm:s3], $0xF7A  }
0x26: {  	[smem:$0x3F99] =	sst s1;
	(tag) =	ssettag s2;
	_ =	strace s9  }
0x27: {  	s1 =	sld [smem:$0x3FA9]  }
0x28: {  	s2 =	sld [smem:$0x3FAA]  }
0x29: {  	s4 =	sld [smem:$0x3FAC]  }
0x2a: {  	p0 =	seq.s32 s5, $0x0;
	s5 =	sld [smem:$0x3FAD]  }
0x2b: {  	s6 =	sld [smem:$0x3FAE]  }
0x2c: {  	s7 =	sld [smem:$0x3FAF]  }
0x2d: {  	s3 =	simm.s32 $0x108;
	s8 =	sld [smem:$0x3FB0]  }
0x2e: {  	s3 =	simm.s32 @!p0 $0x1082;
	s9 =	sld [smem:$0x3FB1]  }
0x2f: {  	lr =	sadd.s32 s0, s3;
	s0 =	sld [smem:$0x3FA8]  }
0x30: {  	s3 =	sld [smem:$0x3FAB]  }
0x31: {  	[smem:$0x3FB4] =	sst s10  }
0x32: {  	s10 =	sld [smem:$0x3FB2];
	_ =	sdelay $0x3  }
0x33: {  	p0 =	seq.s32 s10, $0x1;
	s10 =	sld [smem:$0x3FB4];
	_ =	sdelay $0x3  }
0x34: {  	[smem:$0x3FB4] =	sst s10  }
0x35: {  	s10 =	sld [smem:$0x3FB3];
	_ =	sdelay $0x3  }
0x36: {  	p1 =	seq.s32 s10, $0x1;
	s10 =	sld [smem:$0x3FB4];
	_ =	sdelay $0x3  }
0x37: {  	[smem:$0x3FB4] =	sst s10  }
0x38: {  	s10 =	sld [smem:$0x3FB5]  }
0x39: {  	_ = 	snop;
	(pc) =	sbr.ind lr, $3  }
0x3a: {  	_ = 	snop  }
0x3b: {  	_ = 	snop  }
0x3c: {  	p2 =	seq.s32 s10, $0x1;
	s10 =	sld [smem:$0x3FB4]  }
0x3d: {  	_ =	shalt  }
0x3e: {  	_ =	shalt  }
0x3f: {  	_ =	shalt  }
0x40: {  	_ =	shalt  }
0x41: {  	_ =	shalt  }
0x42: {  	_ =	shalt  }
0x43: {  	_ =	shalt  }
0x44: {  	_ =	shalt  }
0x45: {  	_ =	shalt  }
0x46: {  	_ =	shalt  }
0x47: {  	_ =	shalt  }
0x48: {  	_ =	shalt  }
0x49: {  	_ =	shalt  }
0x4a: {  	_ =	shalt  }
0x4b: {  	_ =	shalt  }
0x4c: {  	_ =	shalt  }
0x4d: {  	_ =	shalt  }
0x4e: {  	_ =	shalt  }
0x4f: {  	_ =	shalt  }
0x50: {  	_ =	shalt  }
0x51: {  	_ =	shalt  }
0x52: {  	_ =	shalt  }
0x53: {  	_ =	shalt  }
0x54: {  	_ =	shalt  }
0x55: {  	_ =	shalt  }
0x56: {  	_ =	shalt  }
0x57: {  	_ =	shalt  }
0x58: {  	_ =	shalt  }
0x59: {  	_ =	shalt  }
0x5a: {  	_ =	shalt  }
0x5b: {  	_ =	shalt  }
0x5c: {  	_ =	shalt  }
0x5d: {  	_ =	shalt  }
0x5e: {  	_ =	shalt  }
0x5f: {  	_ =	shalt  }
0x60: {  	_ =	shalt  }
0x61: {  	_ =	shalt  }
0x62: {  	_ =	shalt  }
0x63: {  	_ =	shalt  }
0x64: {  	_ =	shalt  }
0x65: {  	_ =	shalt  }
0x66: {  	_ =	shalt  }
0x67: {  	_ =	shalt  }
0x68: {  	_ =	shalt  }
0x69: {  	_ =	shalt  }
0x6a: {  	_ =	shalt  }
0x6b: {  	_ =	shalt  }
0x6c: {  	_ =	shalt  }
0x6d: {  	_ =	shalt  }
0x6e: {  	_ =	shalt  }
0x6f: {  	_ =	shalt  }
0x70: {  	_ =	shalt  }
0x71: {  	_ =	shalt  }
0x72: {  	_ =	shalt  }
0x73: {  	_ =	shalt  }
0x74: {  	_ =	shalt  }
0x75: {  	_ =	shalt  }
0x76: {  	_ =	shalt  }
0x77: {  	_ =	shalt  }
0x78: {  	_ =	shalt  }
0x79: {  	_ =	shalt  }
0x7a: {  	_ =	shalt  }
0x7b: {  	_ =	shalt  }
0x7c: {  	_ =	shalt  }
0x7d: {  	_ =	shalt  }
0x7e: {  	_ =	shalt  }
0x7f: {  	_ =	shalt  }
0x80: {  	_ =	shalt  }
0x81: {  	_ =	shalt  }
0x82: {  	_ =	shalt  }
0x83: {  	_ =	shalt  }
0x84: {  	_ =	shalt  }
0x85: {  	_ =	shalt  }
0x86: {  	_ =	shalt  }
0x87: {  	_ =	shalt  }
.Lfunc_end0:
.L_simem_size_0:
called_computation.2_lowered:
.L_overlay_start_0:
0x88: {  	s2 =	sld [smem:$0x3FD9]  }
0x89: {  	s3 =	sld [smem:$0x3FFE];
	_ =	sdelay $0x1  }
0x8a: {  	s1 =	srdreg.scid  }
0x8b: {  	s0 =	sand.u32 $0x1, s1  }
0x8c: {  	s16 =	sshll.u32 s0, $0xA;
	s2 =	sadd.s32 s3, s2  }
0x8d: {  	s2 =	sadd.s32 s2, s16  }
0x8e: {  	[smem:$0x3FC0] =	sst s2  }
0x8f: {  	_ = 	snop  }
0x90: {  	(tm) =	ssettm $0x1  }
0x91: {  	s17 =	sld [smem:$0x3FFB];
	_ =	sdelay $0x3  }
0x92: {  	_ =	strace s17  }
0x93: {  	s2 =	sld [smem:$0x3FFC];
	_ =	sdelay $0x3  }
0x94: {  	_ =	strace s2  }
0x95: {  	s2 =	sld [smem:$0x3FFD];
	_ =	sdelay $0x3  }
0x96: {  	_ =	strace s2  }
0x97: {  	_ =	strace $0x8FFFFFFF  }
0x98: {  	s18 =	sld [smem:$0x3FDB];
	_ =	sdelay $0x1  }
0x99: {  	s19 =	simm.s32 $_scs_section_size  }
0x9a: {  	s4 =	simm.s32 $_size__tile_overlayer_lowered;
	s5 =	simm.s32 $_tile_overlayer_lowered  }
0x9b: {  	s22 =	simm.s32 $0x1BFF;
	s21 =	sshll.u32 s5, $0x1;
	s2 =	sadd.s32 s19, s18  }
0x9c: {  	s6 =	simm.s32 $0x0;
	s20 =	sshll.u32 s4, $0x1;
	s4 =	sadd.s32 s21, s2  }
0x9d: {  	[timem:s6], [sflag:s22] =	dma.local [hbm:s4], s20  }
0x9e: {  	_ =	swait.ge [sflag:s22], s20  }
0x9f: {  	s3 =	ssub.s32 $0x0, s20;
	[sflag:s22] =	ssyncset.done $0x0  }
0xa0: {  	[sflag:s22] =	ssyncadd.s32 s3;
	_ =	sdelay $0x1  }
0xa1: {  	s23 =	simm.s32 $0x1B8B  }
0xa2: {  	_ =	swait.ge [sflag:s23], $0x1  }
0xa3: {  	[sflag:s23] =	ssyncset.done $0x0  }
0xa4: {  	s25 =	simm.s32 $0x1B8E;
	s24 =	sld [smem:$0x3FFE];
	[sflag:s23] =	ssyncadd.s32 $0xFFFFFFFF  }
0xa5: {  	s26 =	simm.s32 $execute0_lowered;
	[smem:$0x3FD2] =	sst s25  }
0xa6: {  	s4 =	sshll.u32 s26, $0x1;
	_ =	strace $0x8000004C;
	[dreg:$0x1] =	wrdreg $0xFFFFFFFF  }
0xa7: {  	s28 =	simm.s32 $_size_execute0_lowered;
	s2 =	sadd.s32 s2, s4;
	[dreg:$0x0] =	wrdreg $0x0  }
0xa8: {  	s4 =	sshll.u32 s28, $0x1;
	[dreg:$0x2] =	wrdreg s2  }
0xa9: {  	[dreg:$0x3] =	wrdreg s4  }
0xaa: {  	[dreg:$0x4] =	wrdreg $0xC0  }
0xab: {  	_ =	task [dreg:s6], $0x5FFFF  }
0xac: {  	[dreg:$0x1] =	wrdreg $0xFFFFFFFF  }
0xad: {  	[dreg:$0x0] =	wrdreg $0x60  }
0xae: {  	[dreg:$0x2] =	wrdreg s24  }
0xaf: {  	[dreg:$0x3] =	wrdreg $0x6C800  }
0xb0: {  	[dreg:$0x4] =	wrdreg $0x9  }
0xb1: {  	_ =	task.clear_ibuf [dreg:s6], $0x5FFFF;
	_ =	strace $0x9000004C  }
0xb2: {  	s29 =	simm.s32 $0x9;
	_ =	strace $0x8000004E  }
0xb3: {  	_ =	swait.ge [sflag:s29], $0x1  }
0xb4: {  	[sflag:s29] =	ssyncadd.s32 $0xFFFFFFFF  }
0xb5: {  	_ =	strace $0x9000004E  }
0xb6: {  	_ =	sfence  }
0xb7: {  	s30 =	sld [smem:$0x0];
	_ =	sdelay $0x2  }
0xb8: {  	s31 =	sshll.u32 s1, $0xD;
	s1 =	sshrl.u32 s1, $0x2  }
0xb9: {  	s3 =	sand.u32 $0x4000, s31;
	s1 =	sadd.s32 s1, s30  }
0xba: {  	s0 =	sor.u32 s3, s0;
	s1 =	sshll.u32 s1, $0x11  }
0xbb: {  	s0 =	sor.u32 s1, s0  }
0xbc: {  	s0 =	sadd.s32 $0x8F2B, s0  }
0xbd: {  	[sflag:s0] =	ssyncadd.remote.s32 $0x1  }
0xbe: {  	_ =	sfence.sel $0xFFFF  }
0xbf: {  	[dreg:$0x0] =	wrdreg $0xFFFFFFFF;
	(pc) =	sbr.abs _section_cstart, $3  }
0xc0: {  	[dreg:$0x1] =	wrdreg $0xFFFFFFFF  }
0xc1: {  	_ =	task.clear_ibuf [dreg:s6], $0x2FFFF;
	_ =	strace $0x9FFFFFFF  }
0xc2: {  	(tm) =	ssettm $0x7FFFFFFF  }
0xc3: {  	_ =	shalt  }
tec
execute0_lowered:
.L_overlay_start_1:
0x0: {  	(tag) =	ssettag $0x1  }
0x1: {  	s0 =	srdreg.scid;
	s1 =	rddreg [dreg:$0x0]  }
0x2: {  	s10 =	stileid.u32;
	s2 =	rddreg [dreg:$0x1];
	s3 =	simm.s32 $0x0  }
0x3: {  	s11 =	simm.s32 $0x6400;
	s12 =	simm.s32 $0x15;
	s13 =	simm.s32 $0xA00  }
0x4: {  	s14 =	simm.s32 $0x80;
	s25 =	simm.s32 $0xD;
	s15 =	simm.s32 $0xE  }
0x5: {  	s16 =	simm.s32 $0xF;
	s17 =	simm.s32 $0x10;
	s18 =	simm.s32 $0x11  }
0x6: {  	s19 =	simm.s32 $0x12;
	s20 =	simm.s32 $0x13;
	s8 =	smul.u32 $0x18700, s10  }
0x7: {  	s21 =	simm.s32 $0x14;
	s0 =	sand.u32 $0x1, s0;
	s9 =	smul.u32 $0x27, s10  }
0x8: {  	p0 =	sne.s32 s10, $0x0;
	p1 =	seq.s32 s10, $0x0;
	s10 =	smul.u32 $0x61C00, s10  }
0x9: {  	[smem:$0x7FF] =	sst s3;
	s28 =	sadd.s32 $0x3200, s1;
	s4 =	smul.u32 $0x187000, s0  }
0xa: {  	s5 =	smul.u32 $0x30E00, s0;
	_ =	strace $0x8000004D;
	s0 =	ssub.s32 $0x2, s0  }
0xb: {  	[dreg:$0x3] =	wrdreg s28;
	s6 =	sshrl.u32 s0, $0x1;
	s29 =	sshrl.u32 s10, $0x2  }
0xc: {  	s30 =	sadd.s32 s8, s2;
	s4 =	sadd.s32 s8, s4;
	s7 =	sadd.s32 s5, s1  }
0xd: {  	s5 =	simm.s32 $0x28;
	s0 =	ssub.s32 s0, s6;
	s10 =	sadd.s32 s29, s2  }
0xe: {  	s31 =	sshrl.u32 s30, $0x3;
	s8 =	simm.s32 $0xB;
	s4 =	sshrl.u32 s4, $0x3  }
0xf: {  	s5 =	simm.s32 @!p1 $0x27;
	s0 =	smax.u32 s0, $0x1;
	[dreg:$0x8] =	wrdreg s31  }
0x10: {  	s1 =	sadd.s32 s4, s1;
	s4 =	simm.s32 $0x1;
	[dreg:$0x4] =	wrdreg s5  }
0x11: {  	[dreg:$0x7] =	wrdreg s0;
	s4 =	simm.s32 @!p0 $0x0;
	s1 =	sadd.s32 $0x64E00, s1  }
0x12: {  	s7 =	sadd.s32 $0xF7800, s7;
	s4 =	sadd.s32 s4, s9;
	[dreg:$0x6] =	wrdreg s1  }
0x13: {  	v0 =	vimm.f32 $0.0e+00;
	s9 =	simm.s32 $0xC;
	s1 =	simm.s32 $0x0;
	[dreg:$0x5] =	wrdreg s4  }
.LBB2_1:
0x14: {  	[dreg:$0x9] =	wrdreg s1;
	s0 =	simm.s32 $0x0  }
.LBB2_2:
0x15: {  	p1 =	sne.s32 s0, $0x21C0  }
.Ltmp0:
0x16: {  	_ = 	snop;
	(pc) =	sbr.rel @p1 .LBB2_2-.Ltmp0, $3  }
0x17: {  	_ =	sdelay $0x1  }
0x18: {  	s1 =	sshra.s32 s0, $0x2  }
0x19: {  	s0 =	sadd.s32 $0x40, s0;
	[tilespmem:s1+$0x6400] =	vst v0  }
0x1a: {  	s0 =	sadd.s32 $0x0, s10  }
0x1b: {  	[spmem:s0] =	stream.linear.scatter [tilespmem:s11], [sflag:$0x15], $0x880, $0x38;
	[tilespmem:$0x1F380] =	vst v63  }
0x1c: {  	s0 =	simm.s32 $0x2200;
	_ =	swait.ge [sflag:s12], $0x880  }
.LBB2_4:
0x1d: {  	s1 =	sshra.s32 s0, $0x2;
	[sflag:s12] =	ssyncset.done $0x0;
	p1 =	sne.s32 s0, $0x5FA00  }
.Ltmp1:
0x1e: {  	s1 =	sadd.s32 s1, s10;
	[sflag:s12] =	ssyncadd.s32 $0xFFFFF780;
	(pc) =	sbr.rel @p1 .LBB2_4-.Ltmp1, $3  }
0x1f: {  	[spmem:s1] =	stream.linear.scatter [tilespmem:s11], [sflag:$0x15], $0x880, $0x38;
	[tilespmem:$0x1F380] =	vst v63  }
0x20: {  	s0 =	sadd.s32 $0x2200, s0;
	_ =	sdelay $0x1  }
0x21: {  	_ =	swait.ge [sflag:s12], $0x880  }
0x22: {  	[sflag:s12] =	ssyncset.done $0x0  }
0x23: {  	[sflag:s12] =	ssyncadd.s32 $0xFFFFF780  }
0x24: {  	s22 =	simm.s32 $0x0;
	[bflag:$0x0] =	sbarrier.arrive $0xFFFF  }
.LBB2_6:
0x25: {  	s0 =	rddreg [dreg:$0x5]  }
0x26: {  	s0 =	sadd.s32 s22, s0  }
0x27: {  	s0 =	smul.u32 $0xA00, s0;
	_ =	sdelay $0x1  }
0x28: {  	s1 =	rddreg [dreg:$0x3];
	s0 =	sshrl.u32 s0, $0x3  }
0x29: {  	s0 =	sadd.s32 s1, s0  }
0x2a: {  	[tilespmem:s3], [sflag:$0x15] =	stream.linear.gather [hbm4b:s0+s3], $0xA00, $0x38;
	[tilespmem:$0x1F380] =	vst v63  }
0x2b: {  	_ =	swait.ge [sflag:s12], $0xA00  }
0x2c: {  	[sflag:s12] =	ssyncset.done $0x0  }
0x2d: {  	s0 =	sadd.s32 $0x30D40, s0;
	[sflag:s12] =	ssyncadd.s32 $0xFFFFF600  }
0x2e: {  	[tilespmem:s13], [sflag:$0x15] =	stream.linear.gather [hbm4b:s0+s3], $0xA00, $0x38;
	[tilespmem:$0x1F380] =	vst v63  }
0x2f: {  	_ =	swait.ge [sflag:s12], $0xA00  }
0x30: {  	[sflag:s12] =	ssyncset.done $0x0  }
0x31: {  	s23 =	simm.s32 $0x1400;
	[sflag:s12] =	ssyncadd.s32 $0xFFFFF600  }
0x32: {  	[tilespmem:s23], [sflag:$0x1] =	stream.indirect.gather [hbm4b:s7+s14], $0x10, s3, s14, $0xb8;
	[tilespmem:$0x1F380] =	vst v63  }
0x33: {  	s26 =	simm.s32 $0x1C00  }
0x34: {  	[tilespmem:s26], [sflag:$0x2] =	stream.indirect.gather [hbm4b:s7+s14], $0x10, s14, s14, $0xb8;
	[tilespmem:$0x1F380] =	vst v63  }
0x35: {  	s4 =	simm.s32 $0x2400;
	s1 =	simm.s32 $0x100  }
0x36: {  	[tilespmem:s4], [sflag:$0x3] =	stream.indirect.gather [hbm4b:s7+s14], $0x10, s1, s14, $0xb8;
	[tilespmem:$0x1F380] =	vst v63  }
0x37: {  	s5 =	simm.s32 $0x180;
	s6 =	simm.s32 $0x2C00  }
0x38: {  	[tilespmem:s6], [sflag:$0x4] =	stream.indirect.gather [hbm4b:s7+s14], $0x10, s5, s14, $0xb8;
	[tilespmem:$0x1F380] =	vst v63  }
0x39: {  	s24 =	simm.s32 $0x200;
	s26 =	simm.s32 $0x3400  }
0x3a: {  	[tilespmem:s26], [sflag:$0x5] =	stream.indirect.gather [hbm4b:s7+s14], $0x10, s24, s14, $0xb8;
	[tilespmem:$0x1F380] =	vst v63  }
0x3b: {  	s1 =	simm.s32 $0x280;
	s4 =	simm.s32 $0x3C00  }
0x3c: {  	[tilespmem:s4], [sflag:$0x6] =	stream.indirect.gather [hbm4b:s7+s14], $0x10, s1, s14, $0xb8;
	[tilespmem:$0x1F380] =	vst v63  }
0x3d: {  	s5 =	simm.s32 $0x300;
	s6 =	simm.s32 $0x4400  }
0x3e: {  	[tilespmem:s6], [sflag:$0x7] =	stream.indirect.gather [hbm4b:s7+s14], $0x10, s5, s14, $0xb8;
	[tilespmem:$0x1F380] =	vst v63  }
0x3f: {  	s24 =	simm.s32 $0x380;
	s26 =	simm.s32 $0x4C00  }
0x40: {  	[tilespmem:s26], [sflag:$0x8] =	stream.indirect.gather [hbm4b:s7+s14], $0x10, s24, s14, $0xb8;
	[tilespmem:$0x1F380] =	vst v63  }
0x41: {  	s1 =	simm.s32 $0x400;
	s4 =	simm.s32 $0x5400;
	s24 =	simm.s32 $0x1  }
0x42: {  	[tilespmem:s4], [sflag:$0x9] =	stream.indirect.gather [hbm4b:s7+s14], $0x10, s1, s14, $0xb8;
	[tilespmem:$0x1F380] =	vst v63  }
0x43: {  	p1 =	por $0x0, $0x0;
	_ =	swait.ge [sflag:s24], $0x800  }
0x44: {  	s31 =	simm.s32 $0x500;
	s26 =	simm.s32 $0xFFFFFFF7;
	[sflag:s24] =	ssyncset.done $0x0  }
0x45: {  	s29 =	simm.s32 $0xB00;
	s0 =	smin.u32 s24, s26;
	[sflag:s24] =	ssyncadd.s32 $0xFFFFF800  }
0x46: {  	[spmem:s2] =	stream.indirect.scatter.add.f32 [tilespmem:s23], [sflag:$0xB], $0x10, s13, s14, $0xb8;
	[tilespmem:$0x1F380] =	vst v63  }
0x47: {  	s5 =	simm.s32 $0x480;
	s6 =	simm.s32 $0x5C00;
	s4 =	sadd.s32 $0x1, s0  }
0x48: {  	[tilespmem:s6], [sflag:$0xA] =	stream.indirect.gather [hbm4b:s7+s14], $0x10, s5, s14, $0xb8;
	[tilespmem:$0x1F380] =	vst v63  }
0x49: {  	s26 =	simm.s32 $0xA80;
	s28 =	sshll.u32 s0, $0xB;
	_ =	swait.ge [sflag:s4], $0x800  }
0x4a: {  	s1 =	simm.s32 $0xB;
	s28 =	sand.u32 $0x3FFFF800, s28;
	[sflag:s4] =	ssyncset.done $0x0  }
0x4b: {  	s0 =	sadd.s32 $0xB, s0;
	s28 =	sadd.s32 $0x1400, s28;
	[sflag:s4] =	ssyncadd.s32 $0xFFFFF800  }
0x4c: {  	[spmem:s2] =	stream.indirect.scatter.add.f32 [tilespmem:s28], [sflag:s0], $0x10, s26, s14, $0xb8;
	[tilespmem:$0x1F380] =	vst v63  }
0x4d: {  	s30 =	simm.s32 $0x1C00;
	s4 =	simm.s32 @!p1 $0x80;
	_ =	swait.ge @!p1 [sflag:s1], $0x800  }
0x4e: {  	s26 =	simm.s32 $0x2;
	s28 =	simm.s32 $0x580;
	[sflag:s1] =	ssyncset.done @!p1 $0x0  }
0x4f: {  	s0 =	simm.s32 $0xC;
	[sflag:s1] =	ssyncadd.s32 @!p1 $0xFFFFF800;
	s1 =	simm.s32 $0x2  }
.LBB2_7:
0x50: {  	[tilespmem:s23], [sflag:s24] =	stream.indirect.gather @!p1 [hbm4b:s7+s4], $0x10, s31, s4, $0xb8;
	[tilespmem:$0x1F380] =	vst v63  }
0x51: {  	s4 =	sadd.s32 $0xFFFFFFF6, s26;
	s23 =	smov.u32 s26;
	s26 =	sadd.s32 $0x1, s26  }
0x52: {  	s31 =	smov.u32 s28;
	s4 =	smin.u32 s23, s4;
	p2 =	sne.s32 s26, $0x14  }
0x53: {  	s24 =	smov.u32 s1;
	s5 =	sshll.u32 s4, $0xB;
	s6 =	sadd.s32 $0x1, s4  }
0x54: {  	p1 =	sgt.u32 s23, $0xA;
	s23 =	smov.u32 s30;
	_ =	swait.ge [sflag:s6], $0x800  }
0x55: {  	s4 =	sadd.s32 $0xB, s4;
	s5 =	sand.u32 $0x3FFFF800, s5;
	[sflag:s6] =	ssyncset.done $0x0  }
.Ltmp2:
0x56: {  	s5 =	sadd.s32 $0x1400, s5;
	[sflag:s6] =	ssyncadd.s32 $0xFFFFF800;
	(pc) =	sbr.rel @p2 .LBB2_7-.Ltmp2, $4  }
0x57: {  	[spmem:s2] =	stream.indirect.scatter.add.f32 [tilespmem:s5], [sflag:s4], $0x10, s29, s14, $0xb8;
	[tilespmem:$0x1F380] =	vst v63  }
0x58: {  	s28 =	sadd.s32 $0x80, s28;
	s29 =	sadd.s32 $0x80, s29;
	_ =	swait.ge @!p1 [sflag:s0], $0x800  }
0x59: {  	s1 =	sadd.s32 $0x1, s1;
	s30 =	sadd.s32 $0x800, s30;
	[sflag:s0] =	ssyncset.done @!p1 $0x0  }
0x5a: {  	s4 =	simm.s32 @!p1 $0x80;
	[sflag:s0] =	ssyncadd.s32 @!p1 $0xFFFFF800;
	s0 =	sadd.s32 $0x1, s0  }
0x5b: {  	[tilespmem:s23], [sflag:s24] =	stream.indirect.gather @!p1 [hbm4b:s7+s4], $0x10, s31, s4, $0xb8;
	[tilespmem:$0x1F380] =	vst v63  }
0x5c: {  	_ =	swait.ge [sflag:s8], $0x800  }
0x5d: {  	[sflag:s8] =	ssyncset.done $0x0  }
0x5e: {  	[sflag:s8] =	ssyncadd.s32 $0xFFFFF800  }
0x5f: {  	_ =	swait.ge [sflag:s9], $0x800  }
0x60: {  	[sflag:s9] =	ssyncset.done $0x0  }
0x61: {  	[sflag:s9] =	ssyncadd.s32 $0xFFFFF800  }
0x62: {  	_ =	swait.ge [sflag:s25], $0x800  }
0x63: {  	[sflag:s25] =	ssyncset.done $0x0  }
0x64: {  	[sflag:s25] =	ssyncadd.s32 $0xFFFFF800  }
0x65: {  	_ =	swait.ge [sflag:s15], $0x800  }
0x66: {  	[sflag:s15] =	ssyncset.done $0x0  }
0x67: {  	[sflag:s15] =	ssyncadd.s32 $0xFFFFF800  }
0x68: {  	_ =	swait.ge [sflag:s16], $0x800  }
0x69: {  	[sflag:s16] =	ssyncset.done $0x0  }
0x6a: {  	[sflag:s16] =	ssyncadd.s32 $0xFFFFF800  }
0x6b: {  	_ =	swait.ge [sflag:s17], $0x800  }
0x6c: {  	[sflag:s17] =	ssyncset.done $0x0  }
0x6d: {  	[sflag:s17] =	ssyncadd.s32 $0xFFFFF800  }
0x6e: {  	_ =	swait.ge [sflag:s18], $0x800  }
0x6f: {  	[sflag:s18] =	ssyncset.done $0x0  }
0x70: {  	[sflag:s18] =	ssyncadd.s32 $0xFFFFF800  }
0x71: {  	_ =	swait.ge [sflag:s19], $0x800  }
0x72: {  	[sflag:s19] =	ssyncset.done $0x0  }
0x73: {  	[sflag:s19] =	ssyncadd.s32 $0xFFFFF800  }
0x74: {  	_ =	swait.ge [sflag:s20], $0x800  }
0x75: {  	[sflag:s20] =	ssyncset.done $0x0  }
0x76: {  	[sflag:s20] =	ssyncadd.s32 $0xFFFFF800  }
0x77: {  	_ =	swait.ge [sflag:s21], $0x800  }
0x78: {  	s22 =	sadd.s32 $0x1, s22;
	s0 =	rddreg [dreg:$0x4]  }
0x79: {  	p1 =	sne.s32 s22, s0  }
.Ltmp3:
0x7a: {  	_ = 	snop;
	(pc) =	sbr.rel @p1 .LBB2_6-.Ltmp3, $3  }
0x7b: {  	_ =	sdelay $0x1  }
0x7c: {  	[sflag:s21] =	ssyncset.done $0x0  }
0x7d: {  	[sflag:s21] =	ssyncadd.s32 $0xFFFFF800  }
0x7e: {  	s0 =	stileid.u32;
	[bflag:$0x0] =	sbarrier.arrive $0xFFFF  }
0x7f: {  	s0 =	sshll.u32 s0, $0x6;
	s1 =	rddreg [dreg:$0x6]  }
0x80: {  	s4 =	rddreg [dreg:$0x8];
	s0 =	sor.u32 $0x1C15, s0  }
0x81: {  	[hbm:s1], [sflag:s0] =	dma.local [spmem:s4], $0x30E0  }
0x82: {  	_ =	swait.ge [sflag:s12], $0x30E0  }
0x83: {  	s30 =	rddreg [dreg:$0x9]  }
0x84: {  	s31 =	rddreg [dreg:$0x7];
	s1 =	sadd.s32 $0x1, s30  }
0x85: {  	p1 =	sne.s32 s1, s31  }
.Ltmp4:
0x86: {  	_ = 	snop;
	(pc) =	sbr.rel @p1 .LBB2_1-.Ltmp4, $3  }
0x87: {  	_ =	sdelay $0x1  }
0x88: {  	[sflag:s12] =	ssyncset.done $0x0  }
0x89: {  	[sflag:s12] =	ssyncadd.s32 $0xFFFFCF20  }
0x8a: {  	_ =	sfence.sel $0x180000  }
0x8b: {  	[bflag:$0x0] =	sbarrier.arrive $0xFFFF  }
0x8c: {  	_ =	strace $0x9000004D  }
0x8d: {  	[bflag:$0x2] =	sbarrier.arrive $0xFFFF  }
0x8e: {  	s0 =	rddreg [dreg:$0x2]  }
0x8f: {  	s0 =	sadd.s32 @!p0 $0x100000, s0  }
0x90: {  	[sflag:s0] =	ssyncadd.tile.s32 @!p0 $0x1;
	_ =	shalt  }
.Lfunc_end2:
_tile_overlayer_lowered:
.L_overlay_start_2:
0x91: {  	(tag) =	ssettag $0x2  }
0x92: {  	s0 =	rddreg [dreg:$0x0];
	s2 =	stileid.u32  }
0x93: {  	s1 =	rddreg [dreg:$0x1];
	p0 =	sne.s32 s2, $0x0  }
0x94: {  	s3 =	rddreg [dreg:$0x2];
	[bflag:$0x3] =	sbarrier.arrive $0xFFFF;
	s2 =	simm.s32 @!p0 $0x1C15  }
0x95: {  	[timem:s3], [sflag:s2] =	dma.local @!p0 [hbm:s0], s1  }
0x96: {  	s0 =	simm.s32 @!p0 $0x15  }
0x97: {  	_ =	swait.ge @!p0 [sflag:s0], s1  }
0x98: {  	s1 =	ssub.s32 @!p0 $0x0, s1;
	[sflag:s0] =	ssyncset.done @!p0 $0x0  }
0x99: {  	[sflag:s0] =	ssyncadd.s32 @!p0 s1  }
0x9a: {  	[bflag:$0x3] =	sbarrier.arrive $0xFFFF  }
0x9b: {  	_ =	shalt  }

// kernel: kernel.19.cloned.1.call-start
scs
__scs_entry_jumppad:
0x0: {  	(pc) =	sbr.rel $0x88, $3  }
0x1: {  	(tag) =	ssettag $0x0;
	lr =	simm.s32 $0x1  }
0x2: {  	[smem:$0x3F99] =	sst lr;
	_ =	strace $0xD0000000  }
0x3: {  	_ = 	snop  }
0x4: {  	_ = 	snop  }
0x5: {  	_ = 	snop  }
0x6: {  	_ = 	snop  }
0x7: {  	_ = 	snop  }
__scs_overlays_trampoline_lowered:
0x8: {  	[smem:$0x3FA8] =	sst s0  }
0x9: {  	[smem:$0x3FA9] =	sst s1  }
0xa: {  	[smem:$0x3FAA] =	sst s2  }
0xb: {  	[smem:$0x3FAB] =	sst s3  }
0xc: {  	[smem:$0x3FAC] =	sst s4  }
0xd: {  	[smem:$0x3FAD] =	sst s5  }
0xe: {  	[smem:$0x3FAE] =	sst s6  }
0xf: {  	[smem:$0x3FAF] =	sst s7  }
0x10: {  	[smem:$0x3FB0] =	sst s8  }
0x11: {  	[smem:$0x3FB1] =	sst s9;
	s0 =	simm.s32 @!p0 $0x0  }
0x12: {  	s1 =	sld [smem:$0x3F97];
	s0 =	simm.s32 @p0 $0x1  }
0x13: {  	[smem:$0x3FB2] =	sst s0;
	s0 =	simm.s32 @!p1 $0x0  }
0x14: {  	s2 =	sld [smem:$0x3F96];
	s0 =	simm.s32 @p1 $0x1  }
0x15: {  	[smem:$0x3FB3] =	sst s0;
	s0 =	simm.s32 @!p2 $0x0  }
0x16: {  	s3 =	sld [smem:$0x3FDB];
	s0 =	simm.s32 @p2 $0x1  }
0x17: {  	s4 =	simm.s32 $0x1BF5;
	[smem:$0x3FB5] =	sst s0  }
0x18: {  	s0 =	sld [smem:$0x3F98];
	_ =	swait.ge [sflag:s4], $0x0  }
0x19: {  	s7 =	sld [smem:$0x3F99]  }
0x1a: {  	s8 =	sadd.s32 $0xFFFFE003, lr  }
0x1b: {  	s9 =	sadd.s32 $0xFFFFFEF7, lr;
	s5 =	simm.s32 $0xFFFFFFFF;
	p2 =	slt.u32 s8, $0xFFFFF086  }
0x1c: {  	p1 =	slt.u32 s9, $0xF7A;
	s5 =	simm.s32 @!p2 $0x0  }
0x1d: {  	s5 =	simm.s32 @p1 $0x1;
	p0 =	seq.s32 s7, s2  }
0x1e: {  	s7 =	smul.u32 @!p0 $0xF7A, s2;
	p2 =	seq.s32 @!p0 s5, $0x0  }
0x1f: {  	s9 =	smul.u32 $0xF7A, s1;
	s8 =	simm.s32 @!p0 $0x1BF5;
	p2 =	por !p2, p0  }
0x20: {  	[sflag:s8] =	ssyncset.s32 @!p0 $0xFFFFF086;
	s6 =	sadd.s32 @!p0 s3, s7;
	s7 =	simm.s32 @!p0 $0x108  }
0x21: {  	s3 =	sadd.s32 s3, s9;
	s6 =	sadd.s32 @!p0 $0x88, s6;
	s7 =	simm.s32 @p2 $0x1082  }
0x22: {  	[simem:s7], [sflag:s8] =	dma.local @!p0 [hbm:s6], $0xF7A  }
0x23: {  	s9 =	sor.u32 $0xD0000000, s2;
	s6 =	simm.s32 $0x108;
	_ =	swait.ge @!p0 [sflag:s8], $0x0  }
0x24: {  	s3 =	sadd.s32 $0x88, s3;
	s6 =	simm.s32 @!p1 $0x1082;
	[sflag:s4] =	ssyncset.s32 $0xFFFFF086  }
0x25: {  	[simem:s6], [sflag:s4] =	dma.local [hbm:s3], $0xF7A  }
0x26: {  	[smem:$0x3F99] =	sst s1;
	(tag) =	ssettag s2;
	_ =	strace s9  }
0x27: {  	s1 =	sld [smem:$0x3FA9]  }
0x28: {  	s2 =	sld [smem:$0x3FAA]  }
0x29: {  	s4 =	sld [smem:$0x3FAC]  }
0x2a: {  	p0 =	seq.s32 s5, $0x0;
	s5 =	sld [smem:$0x3FAD]  }
0x2b: {  	s6 =	sld [smem:$0x3FAE]  }
0x2c: {  	s7 =	sld [smem:$0x3FAF]  }
0x2d: {  	s3 =	simm.s32 $0x108;
	s8 =	sld [smem:$0x3FB0]  }
0x2e: {  	s3 =	simm.s32 @!p0 $0x1082;
	s9 =	sld [smem:$0x3FB1]  }
0x2f: {  	lr =	sadd.s32 s0, s3;
	s0 =	sld [smem:$0x3FA8]  }
0x30: {  	s3 =	sld [smem:$0x3FAB]  }
0x31: {  	[smem:$0x3FB4] =	sst s10  }
0x32: {  	s10 =	sld [smem:$0x3FB2];
	_ =	sdelay $0x3  }
0x33: {  	p0 =	seq.s32 s10, $0x1;
	s10 =	sld [smem:$0x3FB4];
	_ =	sdelay $0x3  }
0x34: {  	[smem:$0x3FB4] =	sst s10  }
0x35: {  	s10 =	sld [smem:$0x3FB3];
	_ =	sdelay $0x3  }
0x36: {  	p1 =	seq.s32 s10, $0x1;
	s10 =	sld [smem:$0x3FB4];
	_ =	sdelay $0x3  }
0x37: {  	[smem:$0x3FB4] =	sst s10  }
0x38: {  	s10 =	sld [smem:$0x3FB5]  }
0x39: {  	_ = 	snop;
	(pc) =	sbr.ind lr, $3  }
0x3a: {  	_ = 	snop  }
0x3b: {  	_ = 	snop  }
0x3c: {  	p2 =	seq.s32 s10, $0x1;
	s10 =	sld [smem:$0x3FB4]  }
0x3d: {  	_ =	shalt  }
0x3e: {  	_ =	shalt  }
0x3f: {  	_ =	shalt  }
0x40: {  	_ =	shalt  }
0x41: {  	_ =	shalt  }
0x42: {  	_ =	shalt  }
0x43: {  	_ =	shalt  }
0x44: {  	_ =	shalt  }
0x45: {  	_ =	shalt  }
0x46: {  	_ =	shalt  }
0x47: {  	_ =	shalt  }
0x48: {  	_ =	shalt  }
0x49: {  	_ =	shalt  }
0x4a: {  	_ =	shalt  }
0x4b: {  	_ =	shalt  }
0x4c: {  	_ =	shalt  }
0x4d: {  	_ =	shalt  }
0x4e: {  	_ =	shalt  }
0x4f: {  	_ =	shalt  }
0x50: {  	_ =	shalt  }
0x51: {  	_ =	shalt  }
0x52: {  	_ =	shalt  }
0x53: {  	_ =	shalt  }
0x54: {  	_ =	shalt  }
0x55: {  	_ =	shalt  }
0x56: {  	_ =	shalt  }
0x57: {  	_ =	shalt  }
0x58: {  	_ =	shalt  }
0x59: {  	_ =	shalt  }
0x5a: {  	_ =	shalt  }
0x5b: {  	_ =	shalt  }
0x5c: {  	_ =	shalt  }
0x5d: {  	_ =	shalt  }
0x5e: {  	_ =	shalt  }
0x5f: {  	_ =	shalt  }
0x60: {  	_ =	shalt  }
0x61: {  	_ =	shalt  }
0x62: {  	_ =	shalt  }
0x63: {  	_ =	shalt  }
0x64: {  	_ =	shalt  }
0x65: {  	_ =	shalt  }
0x66: {  	_ =	shalt  }
0x67: {  	_ =	shalt  }
0x68: {  	_ =	shalt  }
0x69: {  	_ =	shalt  }
0x6a: {  	_ =	shalt  }
0x6b: {  	_ =	shalt  }
0x6c: {  	_ =	shalt  }
0x6d: {  	_ =	shalt  }
0x6e: {  	_ =	shalt  }
0x6f: {  	_ =	shalt  }
0x70: {  	_ =	shalt  }
0x71: {  	_ =	shalt  }
0x72: {  	_ =	shalt  }
0x73: {  	_ =	shalt  }
0x74: {  	_ =	shalt  }
0x75: {  	_ =	shalt  }
0x76: {  	_ =	shalt  }
0x77: {  	_ =	shalt  }
0x78: {  	_ =	shalt  }
0x79: {  	_ =	shalt  }
0x7a: {  	_ =	shalt  }
0x7b: {  	_ =	shalt  }
0x7c: {  	_ =	shalt  }
0x7d: {  	_ =	shalt  }
0x7e: {  	_ =	shalt  }
0x7f: {  	_ =	shalt  }
0x80: {  	_ =	shalt  }
0x81: {  	_ =	shalt  }
0x82: {  	_ =	shalt  }
0x83: {  	_ =	shalt  }
0x84: {  	_ =	shalt  }
0x85: {  	_ =	shalt  }
0x86: {  	_ =	shalt  }
0x87: {  	_ =	shalt  }
.Lfunc_end0:
.L_simem_size_0:
called_computation.3_lowered:
.L_overlay_start_0:
0x88: {  	s2 =	sld [smem:$0x3FD9]  }
0x89: {  	s3 =	sld [smem:$0x3FFE];
	_ =	sdelay $0x1  }
0x8a: {  	s1 =	srdreg.scid  }
0x8b: {  	s0 =	sand.u32 $0x1, s1  }
0x8c: {  	s16 =	sshll.u32 s0, $0xA;
	s2 =	sadd.s32 s3, s2  }
0x8d: {  	s2 =	sadd.s32 s2, s16  }
0x8e: {  	[smem:$0x3FC0] =	sst s2  }
0x8f: {  	_ = 	snop  }
0x90: {  	(tm) =	ssettm $0x1  }
0x91: {  	s17 =	sld [smem:$0x3FFB];
	_ =	sdelay $0x3  }
0x92: {  	_ =	strace s17  }
0x93: {  	s2 =	sld [smem:$0x3FFC];
	_ =	sdelay $0x3  }
0x94: {  	_ =	strace s2  }
0x95: {  	s2 =	sld [smem:$0x3FFD];
	_ =	sdelay $0x3  }
0x96: {  	_ =	strace s2  }
0x97: {  	_ =	strace $0x8FFFFFFF  }
0x98: {  	s18 =	sld [smem:$0x3FDB];
	_ =	sdelay $0x1  }
0x99: {  	s19 =	simm.s32 $_scs_section_size  }
0x9a: {  	s4 =	simm.s32 $_size__tile_overlayer_lowered;
	s5 =	simm.s32 $_tile_overlayer_lowered  }
0x9b: {  	s22 =	simm.s32 $0x1BFF;
	s21 =	sshll.u32 s5, $0x1;
	s2 =	sadd.s32 s19, s18  }
0x9c: {  	s6 =	simm.s32 $0x0;
	s20 =	sshll.u32 s4, $0x1;
	s4 =	sadd.s32 s21, s2  }
0x9d: {  	[timem:s6], [sflag:s22] =	dma.local [hbm:s4], s20  }
0x9e: {  	_ =	swait.ge [sflag:s22], s20  }
0x9f: {  	s3 =	ssub.s32 $0x0, s20;
	[sflag:s22] =	ssyncset.done $0x0  }
0xa0: {  	[sflag:s22] =	ssyncadd.s32 s3;
	_ =	sdelay $0x1  }
0xa1: {  	s23 =	simm.s32 $0x1B8B  }
0xa2: {  	_ =	swait.ge [sflag:s23], $0x1  }
0xa3: {  	[sflag:s23] =	ssyncset.done $0x0  }
0xa4: {  	s25 =	simm.s32 $0x1B8E;
	s24 =	sld [smem:$0x3FFE];
	[sflag:s23] =	ssyncadd.s32 $0xFFFFFFFF  }
0xa5: {  	s26 =	simm.s32 $execute0_lowered;
	[smem:$0x3FD2] =	sst s25  }
0xa6: {  	s4 =	sshll.u32 s26, $0x1;
	_ =	strace $0x8000004F;
	[dreg:$0x1] =	wrdreg $0xFFFFFFFF  }
0xa7: {  	s28 =	simm.s32 $_size_execute0_lowered;
	s2 =	sadd.s32 s2, s4;
	[dreg:$0x0] =	wrdreg $0x0  }
0xa8: {  	s4 =	sshll.u32 s28, $0x1;
	[dreg:$0x2] =	wrdreg s2  }
0xa9: {  	[dreg:$0x3] =	wrdreg s4  }
0xaa: {  	[dreg:$0x4] =	wrdreg $0xC0  }
0xab: {  	_ =	task [dreg:s6], $0x5FFFF  }
0xac: {  	[dreg:$0x1] =	wrdreg $0xFFFFFFFF  }
0xad: {  	[dreg:$0x0] =	wrdreg $0x60  }
0xae: {  	[dreg:$0x2] =	wrdreg s24  }
0xaf: {  	[dreg:$0x3] =	wrdreg $0x6C800  }
0xb0: {  	[dreg:$0x4] =	wrdreg $0x9  }
0xb1: {  	_ =	task.clear_ibuf [dreg:s6], $0x5FFFF;
	_ =	strace $0x9000004F  }
0xb2: {  	s29 =	simm.s32 $0x9;
	_ =	strace $0x80000051  }
0xb3: {  	_ =	swait.ge [sflag:s29], $0x1  }
0xb4: {  	[sflag:s29] =	ssyncadd.s32 $0xFFFFFFFF  }
0xb5: {  	_ =	strace $0x90000051  }
0xb6: {  	_ =	sfence  }
0xb7: {  	s30 =	sld [smem:$0x0];
	_ =	sdelay $0x2  }
0xb8: {  	s31 =	sshll.u32 s1, $0xD;
	s1 =	sshrl.u32 s1, $0x2  }
0xb9: {  	s3 =	sand.u32 $0x4000, s31;
	s1 =	sadd.s32 s1, s30  }
0xba: {  	s0 =	sor.u32 s3, s0;
	s1 =	sshll.u32 s1, $0x11  }
0xbb: {  	s0 =	sor.u32 s1, s0  }
0xbc: {  	s0 =	sadd.s32 $0x8F2B, s0  }
0xbd: {  	[sflag:s0] =	ssyncadd.remote.s32 $0x1  }
0xbe: {  	_ =	sfence.sel $0xFFFF  }
0xbf: {  	[dreg:$0x0] =	wrdreg $0xFFFFFFFF;
	(pc) =	sbr.abs _section_cstart, $3  }
0xc0: {  	[dreg:$0x1] =	wrdreg $0xFFFFFFFF  }
0xc1: {  	_ =	task.clear_ibuf [dreg:s6], $0x2FFFF;
	_ =	strace $0x9FFFFFFF  }
0xc2: {  	(tm) =	ssettm $0x7FFFFFFF  }
0xc3: {  	_ =	shalt  }
tec
execute0_lowered:
.L_overlay_start_1:
0x0: {  	(tag) =	ssettag $0x1  }
0x1: {  	s0 =	rddreg [dreg:$0x0]  }
0x2: {  	s1 =	rddreg [dreg:$0x1]  }
0x3: {  	s3 =	simm.s32 $0x0;
	s2 =	srdreg.scid;
	s11 =	stileid.u32  }
0x4: {  	s12 =	simm.s32 $0x6400;
	s13 =	simm.s32 $0x15;
	s15 =	simm.s32 $0x80  }
0x5: {  	s25 =	simm.s32 $0xC;
	s16 =	simm.s32 $0xD;
	s17 =	simm.s32 $0xE  }
0x6: {  	s18 =	simm.s32 $0xF;
	s19 =	simm.s32 $0x10;
	s20 =	simm.s32 $0x11  }
0x7: {  	s21 =	simm.s32 $0x12;
	s22 =	simm.s32 $0x13;
	[smem:$0x7FF] =	sst s3  }
0x8: {  	s2 =	sand.u32 $0x1, s2;
	s9 =	smul.u32 $0x18700, s11;
	s6 =	sshll.u32 s11, $0x1  }
0x9: {  	s4 =	sadd.s32 $0x64E00, s0;
	s7 =	sadd.s32 $0x3200, s0;
	s29 =	smul.u32 $0x61C00, s11  }
0xa: {  	s5 =	smul.u32 $0x187000, s2;
	_ =	strace $0x80000050;
	s26 =	sor.u32 s2, s6  }
0xb: {  	[dreg:$0x3] =	wrdreg s7;
	s2 =	ssub.s32 $0x2, s2;
	s6 =	smul.u32 $0x13, s26  }
0xc: {  	s8 =	sshrl.u32 s2, $0x1;
	s10 =	smin.u32 s26, $0x11;
	p0 =	slt.u32 s26, $0x11  }
0xd: {  	s30 =	sadd.s32 s9, s1;
	s31 =	sshrl.u32 s29, $0x2;
	s5 =	sadd.s32 s9, s5  }
0xe: {  	s2 =	ssub.s32 s2, s8;
	s5 =	sshrl.u32 s5, $0x3;
	s28 =	sadd.s32 s10, s6  }
0xf: {  	s6 =	simm.s32 $0x14;
	s2 =	smax.u32 s2, $0x1;
	[dreg:$0x4] =	wrdreg s28  }
0x10: {  	s0 =	sadd.s32 s5, s0;
	s6 =	simm.s32 @!p0 $0x13;
	[dreg:$0x7] =	wrdreg s2  }
0x11: {  	s8 =	simm.s32 $0x14;
	[dreg:$0x5] =	wrdreg s6;
	s0 =	sadd.s32 $0x95C00, s0  }
0x12: {  	s11 =	sadd.s32 s31, s1;
	[dreg:$0x6] =	wrdreg s0;
	s0 =	sshrl.u32 s30, $0x3  }
0x13: {  	v0 =	vimm.f32 $0.0e+00;
	s10 =	simm.s32 $0xB;
	s2 =	simm.s32 $0x0;
	[dreg:$0x8] =	wrdreg s0  }
.LBB2_1:
0x14: {  	[dreg:$0x9] =	wrdreg s2;
	s0 =	simm.s32 $0x0  }
.LBB2_2:
0x15: {  	p0 =	sne.s32 s0, $0x21C0  }
.Ltmp0:
0x16: {  	_ = 	snop;
	(pc) =	sbr.rel @p0 .LBB2_2-.Ltmp0, $3  }
0x17: {  	_ =	sdelay $0x1  }
0x18: {  	s2 =	sshra.s32 s0, $0x2  }
0x19: {  	s0 =	sadd.s32 $0x40, s0;
	[tilespmem:s2+$0x6400] =	vst v0  }
0x1a: {  	s0 =	sadd.s32 $0x0, s11  }
0x1b: {  	[spmem:s0] =	stream.linear.scatter [tilespmem:s12], [sflag:$0x15], $0x880, $0x38;
	[tilespmem:$0x1F380] =	vst v63  }
0x1c: {  	s0 =	simm.s32 $0x2200;
	_ =	swait.ge [sflag:s13], $0x880  }
.LBB2_4:
0x1d: {  	s2 =	sshra.s32 s0, $0x2;
	[sflag:s13] =	ssyncset.done $0x0;
	p0 =	sne.s32 s0, $0x5FA00  }
.Ltmp1:
0x1e: {  	s2 =	sadd.s32 s2, s11;
	[sflag:s13] =	ssyncadd.s32 $0xFFFFF780;
	(pc) =	sbr.rel @p0 .LBB2_4-.Ltmp1, $3  }
0x1f: {  	[spmem:s2] =	stream.linear.scatter [tilespmem:s12], [sflag:$0x15], $0x880, $0x38;
	[tilespmem:$0x1F380] =	vst v63  }
0x20: {  	s0 =	sadd.s32 $0x2200, s0;
	_ =	sdelay $0x1  }
0x21: {  	_ =	swait.ge [sflag:s13], $0x880  }
0x22: {  	[sflag:s13] =	ssyncset.done $0x0  }
0x23: {  	[sflag:s13] =	ssyncadd.s32 $0xFFFFF780  }
0x24: {  	s23 =	simm.s32 $0x0;
	[bflag:$0x0] =	sbarrier.arrive $0xFFFF  }
.LBB2_6:
0x25: {  	s0 =	rddreg [dreg:$0x4]  }
0x26: {  	s0 =	sadd.s32 s23, s0  }
0x27: {  	s0 =	smul.u32 $0xA00, s0;
	_ =	sdelay $0x1  }
0x28: {  	s2 =	rddreg [dreg:$0x3];
	s0 =	sshrl.u32 s0, $0x3  }
0x29: {  	s0 =	sadd.s32 s2, s0  }
0x2a: {  	[tilespmem:s3], [sflag:$0x15] =	stream.linear.gather [hbm4b:s0+s3], $0xA00, $0x38;
	[tilespmem:$0x1F380] =	vst v63  }
0x2b: {  	_ =	swait.ge [sflag:s13], $0xA00  }
0x2c: {  	[sflag:s13] =	ssyncset.done $0x0  }
0x2d: {  	s2 =	simm.s32 $0xA00;
	s0 =	sadd.s32 $0x30D40, s0;
	[sflag:s13] =	ssyncadd.s32 $0xFFFFF600  }
0x2e: {  	[tilespmem:s2], [sflag:$0x15] =	stream.linear.gather [hbm4b:s0+s3], $0xA00, $0x38;
	[tilespmem:$0x1F380] =	vst v63  }
0x2f: {  	_ =	swait.ge [sflag:s13], $0xA00  }
0x30: {  	[sflag:s13] =	ssyncset.done $0x0  }
0x31: {  	s24 =	simm.s32 $0x1400;
	[sflag:s13] =	ssyncadd.s32 $0xFFFFF600  }
0x32: {  	[tilespmem:s24], [sflag:$0x1] =	stream.indirect.gather [hbm4b:s4+s15], $0x10, s3, s15, $0xb8;
	[tilespmem:$0x1F380] =	vst v63  }
0x33: {  	s14 =	simm.s32 $0x1C00  }
0x34: {  	[tilespmem:s14], [sflag:$0x2] =	stream.indirect.gather [hbm4b:s4+s15], $0x10, s15, s15, $0xb8;
	[tilespmem:$0x1F380] =	vst v63  }
0x35: {  	s26 =	simm.s32 $0x100;
	s5 =	simm.s32 $0x2400  }
0x36: {  	[tilespmem:s5], [sflag:$0x3] =	stream.indirect.gather [hbm4b:s4+s15], $0x10, s26, s15, $0xb8;
	[tilespmem:$0x1F380] =	vst v63  }
0x37: {  	s6 =	simm.s32 $0x2C00;
	s5 =	simm.s32 $0x180  }
0x38: {  	[tilespmem:s6], [sflag:$0x4] =	stream.indirect.gather [hbm4b:s4+s15], $0x10, s5, s15, $0xb8;
	[tilespmem:$0x1F380] =	vst v63  }
0x39: {  	s7 =	simm.s32 $0x200;
	s9 =	simm.s32 $0x3400  }
0x3a: {  	[tilespmem:s9], [sflag:$0x5] =	stream.indirect.gather [hbm4b:s4+s15], $0x10, s7, s15, $0xb8;
	[tilespmem:$0x1F380] =	vst v63  }
0x3b: {  	s14 =	simm.s32 $0x280;
	s26 =	simm.s32 $0x3C00  }
0x3c: {  	[tilespmem:s26], [sflag:$0x6] =	stream.indirect.gather [hbm4b:s4+s15], $0x10, s14, s15, $0xb8;
	[tilespmem:$0x1F380] =	vst v63  }
0x3d: {  	s5 =	simm.s32 $0x300;
	s6 =	simm.s32 $0x4400  }
0x3e: {  	[tilespmem:s6], [sflag:$0x7] =	stream.indirect.gather [hbm4b:s4+s15], $0x10, s5, s15, $0xb8;
	[tilespmem:$0x1F380] =	vst v63  }
0x3f: {  	s7 =	simm.s32 $0x380;
	s9 =	simm.s32 $0x4C00  }
0x40: {  	[tilespmem:s9], [sflag:$0x8] =	stream.indirect.gather [hbm4b:s4+s15], $0x10, s7, s15, $0xb8;
	[tilespmem:$0x1F380] =	vst v63  }
0x41: {  	s14 =	simm.s32 $0x400;
	s26 =	simm.s32 $0x5400  }
0x42: {  	[tilespmem:s26], [sflag:$0x9] =	stream.indirect.gather [hbm4b:s4+s15], $0x10, s14, s15, $0xb8;
	[tilespmem:$0x1F380] =	vst v63  }
0x43: {  	s26 =	simm.s32 $0x1  }
0x44: {  	p0 =	por $0x0, $0x0;
	_ =	swait.ge [sflag:s26], $0x800  }
0x45: {  	s29 =	simm.s32 $0x580;
	s9 =	simm.s32 $0xFFFFFFF7;
	[sflag:s26] =	ssyncset.done $0x0  }
0x46: {  	s30 =	simm.s32 $0xB00;
	s0 =	smin.u32 s26, s9;
	[sflag:s26] =	ssyncadd.s32 $0xFFFFF800  }
0x47: {  	[spmem:s1] =	stream.indirect.scatter.add.f32 [tilespmem:s24], [sflag:$0xB], $0x10, s2, s15, $0xb8;
	[tilespmem:$0x1F380] =	vst v63  }
0x48: {  	s6 =	simm.s32 $0x480;
	s7 =	simm.s32 $0x5C00;
	s14 =	sadd.s32 $0x1, s0  }
0x49: {  	[tilespmem:s7], [sflag:$0xA] =	stream.indirect.gather [hbm4b:s4+s15], $0x10, s6, s15, $0xb8;
	[tilespmem:$0x1F380] =	vst v63  }
0x4a: {  	s9 =	simm.s32 $0xA80;
	s28 =	sshll.u32 s0, $0xB;
	_ =	swait.ge [sflag:s14], $0x800  }
0x4b: {  	s0 =	sadd.s32 $0xB, s0;
	s28 =	sand.u32 $0x3FFFF800, s28;
	[sflag:s14] =	ssyncset.done $0x0  }
0x4c: {  	s2 =	simm.s32 $0xB;
	s28 =	sadd.s32 $0x1400, s28;
	[sflag:s14] =	ssyncadd.s32 $0xFFFFF800  }
0x4d: {  	[spmem:s1] =	stream.indirect.scatter.add.f32 [tilespmem:s28], [sflag:s0], $0x10, s9, s15, $0xb8;
	[tilespmem:$0x1F380] =	vst v63  }
0x4e: {  	s31 =	simm.s32 $0x1C00;
	s5 =	simm.s32 @!p0 $0x80;
	_ =	swait.ge @!p0 [sflag:s2], $0x800  }
0x4f: {  	s0 =	simm.s32 $0x500;
	s28 =	simm.s32 $0x2;
	[sflag:s2] =	ssyncset.done @!p0 $0x0  }
0x50: {  	s9 =	simm.s32 $0x2;
	[sflag:s2] =	ssyncadd.s32 @!p0 $0xFFFFF800;
	s2 =	simm.s32 $0xC  }
.LBB2_7:
0x51: {  	[tilespmem:s24], [sflag:s26] =	stream.indirect.gather @!p0 [hbm4b:s4+s5], $0x10, s0, s5, $0xb8;
	[tilespmem:$0x1F380] =	vst v63  }
0x52: {  	s0 =	sadd.s32 $0xFFFFFFF6, s28;
	s5 =	smov.u32 s28;
	s28 =	sadd.s32 $0x1, s28  }
0x53: {  	s6 =	smin.u32 s5, s0;
	p1 =	sne.s32 s28, $0x14;
	s0 =	smov.u32 s29  }
0x54: {  	s26 =	smov.u32 s9;
	s7 =	sshll.u32 s6, $0xB;
	s14 =	sadd.s32 $0x1, s6  }
0x55: {  	s24 =	smov.u32 s31;
	p0 =	sgt.u32 s5, $0xA;
	_ =	swait.ge [sflag:s14], $0x800  }
0x56: {  	s6 =	sadd.s32 $0xB, s6;
	s5 =	sand.u32 $0x3FFFF800, s7;
	[sflag:s14] =	ssyncset.done $0x0  }
.Ltmp2:
0x57: {  	s5 =	sadd.s32 $0x1400, s5;
	[sflag:s14] =	ssyncadd.s32 $0xFFFFF800;
	(pc) =	sbr.rel @p1 .LBB2_7-.Ltmp2, $4  }
0x58: {  	[spmem:s1] =	stream.indirect.scatter.add.f32 [tilespmem:s5], [sflag:s6], $0x10, s30, s15, $0xb8;
	[tilespmem:$0x1F380] =	vst v63  }
0x59: {  	s29 =	sadd.s32 $0x80, s29;
	s30 =	sadd.s32 $0x80, s30;
	_ =	swait.ge @!p0 [sflag:s2], $0x800  }
0x5a: {  	s9 =	sadd.s32 $0x1, s9;
	s31 =	sadd.s32 $0x800, s31;
	[sflag:s2] =	ssyncset.done @!p0 $0x0  }
0x5b: {  	s5 =	simm.s32 @!p0 $0x80;
	[sflag:s2] =	ssyncadd.s32 @!p0 $0xFFFFF800;
	s2 =	sadd.s32 $0x1, s2  }
0x5c: {  	[tilespmem:s24], [sflag:s26] =	stream.indirect.gather @!p0 [hbm4b:s4+s5], $0x10, s0, s5, $0xb8;
	[tilespmem:$0x1F380] =	vst v63  }
0x5d: {  	_ =	swait.ge [sflag:s10], $0x800  }
0x5e: {  	[sflag:s10] =	ssyncset.done $0x0  }
0x5f: {  	[sflag:s10] =	ssyncadd.s32 $0xFFFFF800  }
0x60: {  	_ =	swait.ge [sflag:s25], $0x800  }
0x61: {  	[sflag:s25] =	ssyncset.done $0x0  }
0x62: {  	[sflag:s25] =	ssyncadd.s32 $0xFFFFF800  }
0x63: {  	_ =	swait.ge [sflag:s16], $0x800  }
0x64: {  	[sflag:s16] =	ssyncset.done $0x0  }
0x65: {  	[sflag:s16] =	ssyncadd.s32 $0xFFFFF800  }
0x66: {  	_ =	swait.ge [sflag:s17], $0x800  }
0x67: {  	[sflag:s17] =	ssyncset.done $0x0  }
0x68: {  	[sflag:s17] =	ssyncadd.s32 $0xFFFFF800  }
0x69: {  	_ =	swait.ge [sflag:s18], $0x800  }
0x6a: {  	[sflag:s18] =	ssyncset.done $0x0  }
0x6b: {  	[sflag:s18] =	ssyncadd.s32 $0xFFFFF800  }
0x6c: {  	_ =	swait.ge [sflag:s19], $0x800  }
0x6d: {  	[sflag:s19] =	ssyncset.done $0x0  }
0x6e: {  	[sflag:s19] =	ssyncadd.s32 $0xFFFFF800  }
0x6f: {  	_ =	swait.ge [sflag:s20], $0x800  }
0x70: {  	[sflag:s20] =	ssyncset.done $0x0  }
0x71: {  	[sflag:s20] =	ssyncadd.s32 $0xFFFFF800  }
0x72: {  	_ =	swait.ge [sflag:s21], $0x800  }
0x73: {  	[sflag:s21] =	ssyncset.done $0x0  }
0x74: {  	[sflag:s21] =	ssyncadd.s32 $0xFFFFF800  }
0x75: {  	_ =	swait.ge [sflag:s22], $0x800  }
0x76: {  	[sflag:s22] =	ssyncset.done $0x0  }
0x77: {  	[sflag:s22] =	ssyncadd.s32 $0xFFFFF800  }
0x78: {  	_ =	swait.ge [sflag:s8], $0x800  }
0x79: {  	s23 =	sadd.s32 $0x1, s23;
	s31 =	rddreg [dreg:$0x5]  }
0x7a: {  	p0 =	sne.s32 s23, s31  }
.Ltmp3:
0x7b: {  	_ = 	snop;
	(pc) =	sbr.rel @p0 .LBB2_6-.Ltmp3, $3  }
0x7c: {  	_ =	sdelay $0x1  }
0x7d: {  	[sflag:s8] =	ssyncset.done $0x0  }
0x7e: {  	[sflag:s8] =	ssyncadd.s32 $0xFFFFF800  }
0x7f: {  	s0 =	stileid.u32;
	[bflag:$0x0] =	sbarrier.arrive $0xFFFF  }
0x80: {  	s0 =	sshll.u32 s0, $0x6;
	s2 =	rddreg [dreg:$0x6]  }
0x81: {  	s5 =	rddreg [dreg:$0x8];
	s0 =	sor.u32 $0x1C15, s0  }
0x82: {  	[hbm:s2], [sflag:s0] =	dma.local [spmem:s5], $0x30E0  }
0x83: {  	_ =	swait.ge [sflag:s13], $0x30E0  }
0x84: {  	s30 =	rddreg [dreg:$0x9]  }
0x85: {  	s31 =	rddreg [dreg:$0x7];
	s2 =	sadd.s32 $0x1, s30  }
0x86: {  	p0 =	sne.s32 s2, s31  }
.Ltmp4:
0x87: {  	_ = 	snop;
	(pc) =	sbr.rel @p0 .LBB2_1-.Ltmp4, $3  }
0x88: {  	_ =	sdelay $0x1  }
0x89: {  	[sflag:s13] =	ssyncset.done $0x0  }
0x8a: {  	[sflag:s13] =	ssyncadd.s32 $0xFFFFCF20  }
0x8b: {  	_ =	sfence.sel $0x180000  }
0x8c: {  	[bflag:$0x0] =	sbarrier.arrive $0xFFFF  }
0x8d: {  	_ =	strace $0x90000050  }
0x8e: {  	s0 =	stileid.u32;
	[bflag:$0x2] =	sbarrier.arrive $0xFFFF  }
0x8f: {  	p0 =	sne.s32 s0, $0x0;
	s0 =	rddreg [dreg:$0x2]  }
0x90: {  	s0 =	sadd.s32 @!p0 $0x100000, s0  }
0x91: {  	[sflag:s0] =	ssyncadd.tile.s32 @!p0 $0x1;
	_ =	shalt  }
.Lfunc_end2:
_tile_overlayer_lowered:
.L_overlay_start_2:
0x92: {  	(tag) =	ssettag $0x2  }
0x93: {  	s0 =	rddreg [dreg:$0x0];
	s2 =	stileid.u32  }
0x94: {  	s1 =	rddreg [dreg:$0x1];
	p0 =	sne.s32 s2, $0x0  }
0x95: {  	s3 =	rddreg [dreg:$0x2];
	[bflag:$0x3] =	sbarrier.arrive $0xFFFF;
	s2 =	simm.s32 @!p0 $0x1C15  }
0x96: {  	[timem:s3], [sflag:s2] =	dma.local @!p0 [hbm:s0], s1  }
0x97: {  	s0 =	simm.s32 @!p0 $0x15  }
0x98: {  	_ =	swait.ge @!p0 [sflag:s0], s1  }
0x99: {  	s1 =	ssub.s32 @!p0 $0x0, s1;
	[sflag:s0] =	ssyncset.done @!p0 $0x0  }
0x9a: {  	[sflag:s0] =	ssyncadd.s32 @!p0 s1  }
0x9b: {  	[bflag:$0x3] =	sbarrier.arrive $0xFFFF  }
0x9c: {  	_ =	shalt  }

</sc_bundles>
